<compile_context>
chip_gen: v7x
topology: tpu7x:2x2x1
jax: 0.10.2.dev20260603
libtpu: 0.0.44.dev20260713+nightly
codegen_flags: <defaults>
</compile_context>

<pallas_src>
import jax
import jax.numpy as jnp
from jax import lax
from jax.experimental import pallas as pl
from jax.experimental.pallas import tpu as pltpu
from jax.experimental.pallas import tpu_sc as plsc

NUM_CORES = 2
NUM_SUBCORES = 16
LANES = 16
NW = NUM_CORES * NUM_SUBCORES

BATCH = 16384
B_PER_W = BATCH // NW
CHUNK = 128
NCHUNK = B_PER_W // CHUNK
D = 16


def _mf_body(u_hbm, i_hbm, utT_hbm, itT_hbm, out_hbm, *scratch):
    idx_u, idx_i = scratch[0], scratch[1]
    ucols = scratch[2:2 + D]
    icols = scratch[2 + D:2 + 2 * D]
    out_v = scratch[2 + 2 * D]
    sem = scratch[3 + 2 * D]

    cid = lax.axis_index("c")
    sid = lax.axis_index("s")
    wid = sid * NUM_CORES + cid
    base = wid * B_PER_W

    pltpu.sync_copy(u_hbm.at[pl.ds(base, B_PER_W)], idx_u)
    pltpu.sync_copy(i_hbm.at[pl.ds(base, B_PER_W)], idx_i)

    for c in range(NCHUNK):
        cbase = c * CHUNK
        copies = []
        for f in range(D):
            copies.append(pltpu.async_copy(
                utT_hbm.at[f].at[idx_u.at[pl.ds(cbase, CHUNK)]],
                ucols[f], sem))
            copies.append(pltpu.async_copy(
                itT_hbm.at[f].at[idx_i.at[pl.ds(cbase, CHUNK)]],
                icols[f], sem))
        for cp in copies:
            cp.wait()

        def block(b, _, cbase=cbase):
            acc = jnp.zeros((LANES,), jnp.float32)
            for f in range(D):
                acc = acc + (ucols[f][pl.ds(b * LANES, LANES)]
                             * icols[f][pl.ds(b * LANES, LANES)])
            pred = 1.0 / (1.0 + jnp.exp(-acc))
            out_v[pl.ds(cbase + b * LANES, LANES)] = pred
            return _

        lax.fori_loop(0, CHUNK // LANES, block, 0)

    pltpu.sync_copy(out_v, out_hbm.at[pl.ds(base, B_PER_W)])


@jax.jit
def _mf(u, i, user_table_t, item_table_t):
    mesh = plsc.VectorSubcoreMesh(core_axis_name="c", subcore_axis_name="s")
    scratch = (
        [pltpu.VMEM((B_PER_W,), jnp.int32) for _ in range(2)]
        + [pltpu.VMEM((CHUNK,), jnp.float32) for _ in range(2 * D)]
        + [pltpu.VMEM((B_PER_W,), jnp.float32), pltpu.SemaphoreType.DMA]
    )
    run = pl.kernel(
        _mf_body,
        out_type=jax.ShapeDtypeStruct((BATCH,), jnp.float32),
        mesh=mesh,
        scratch_types=scratch,
        compiler_params=pltpu.CompilerParams(
            needs_layout_passes=False, use_tc_tiling_on_sc=False),
    )
    return run(u, i, user_table_t, item_table_t)


def kernel(u, i, user_table, item_table):
    return _mf(u.astype(jnp.int32), i.astype(jnp.int32),
               user_table.T, item_table.T)

# --- scband reference (transcript-rebuilt; emitter-appended) ---
"""Pipeline reference for scband-matrix-factor-27848567947601 (READ-ONLY COPY).

The authoritative reference and input builder live on the scoring server;
editing this copy changes nothing except your own understanding.
"""

import jax, jax.numpy as jnp
import numpy as np

NUM_USERS = 1000000
NUM_ITEMS = 1000000
N_FACTORS = 16
BATCH = 16384

def setup_inputs(seed: int = 0) -> dict:
    key = jax.random.key(seed)
    k_u, k_i, k_ut, k_it = jax.random.split(key, 4)
    u = jax.random.randint(k_u, (BATCH,), 0, NUM_USERS, dtype=jnp.int64 if jax.config.read('jax_enable_x64') else jnp.int32)
    i = jax.random.randint(k_i, (BATCH,), 0, NUM_ITEMS, dtype=jnp.int64 if jax.config.read('jax_enable_x64') else jnp.int32)
    user_table = jax.random.normal(k_ut, (NUM_USERS + 1, N_FACTORS), dtype=jnp.float32) * 0.05
    item_table = jax.random.normal(k_it, (NUM_ITEMS + 1, N_FACTORS), dtype=jnp.float32) * 0.05
    return {"u": u, "i": i, "user_table": user_table, "item_table": item_table}

def reference(u, i, user_table, item_table):
    # embedding lookups (gather)
    user_emb = jnp.take(user_table, u, axis=0)
    item_emb = jnp.take(item_table, i, axis=0)
    pred = jnp.sum(user_emb * item_emb, axis=1)
    pred = jax.nn.sigmoid(pred)
    return pred

if __name__ == "__main__":
    import jax
    _d = setup_inputs()
    print(jax.jit(kernel)(*tuple(_d.values())))

</pallas_src>

<mosaic_0001>
#map = affine_map<(d0, d1) -> (0)>
#map1 = affine_map<(d0, d1) -> (0, 0)>
module attributes {stable_mosaic.version = 14 : i64} {
  func.func @_mf_body(%arg0: i32, %arg1: i32, %arg2: memref<16384xi32, #tpu.memory_space<hbm>>, %arg3: memref<16384xi32, #tpu.memory_space<hbm>>, %arg4: memref<16x1000001xf32, #tpu.memory_space<hbm>>, %arg5: memref<16x1000001xf32, #tpu.memory_space<hbm>>, %arg6: memref<16384xf32, #tpu.memory_space<hbm>>, %arg7: memref<512xi32, #tpu.memory_space<vmem>>, %arg8: memref<512xi32, #tpu.memory_space<vmem>>, %arg9: memref<128xf32, #tpu.memory_space<vmem>>, %arg10: memref<128xf32, #tpu.memory_space<vmem>>, %arg11: memref<128xf32, #tpu.memory_space<vmem>>, %arg12: memref<128xf32, #tpu.memory_space<vmem>>, %arg13: memref<128xf32, #tpu.memory_space<vmem>>, %arg14: memref<128xf32, #tpu.memory_space<vmem>>, %arg15: memref<128xf32, #tpu.memory_space<vmem>>, %arg16: memref<128xf32, #tpu.memory_space<vmem>>, %arg17: memref<128xf32, #tpu.memory_space<vmem>>, %arg18: memref<128xf32, #tpu.memory_space<vmem>>, %arg19: memref<128xf32, #tpu.memory_space<vmem>>, %arg20: memref<128xf32, #tpu.memory_space<vmem>>, %arg21: memref<128xf32, #tpu.memory_space<vmem>>, %arg22: memref<128xf32, #tpu.memory_space<vmem>>, %arg23: memref<128xf32, #tpu.memory_space<vmem>>, %arg24: memref<128xf32, #tpu.memory_space<vmem>>, %arg25: memref<128xf32, #tpu.memory_space<vmem>>, %arg26: memref<128xf32, #tpu.memory_space<vmem>>, %arg27: memref<128xf32, #tpu.memory_space<vmem>>, %arg28: memref<128xf32, #tpu.memory_space<vmem>>, %arg29: memref<128xf32, #tpu.memory_space<vmem>>, %arg30: memref<128xf32, #tpu.memory_space<vmem>>, %arg31: memref<128xf32, #tpu.memory_space<vmem>>, %arg32: memref<128xf32, #tpu.memory_space<vmem>>, %arg33: memref<128xf32, #tpu.memory_space<vmem>>, %arg34: memref<128xf32, #tpu.memory_space<vmem>>, %arg35: memref<128xf32, #tpu.memory_space<vmem>>, %arg36: memref<128xf32, #tpu.memory_space<vmem>>, %arg37: memref<128xf32, #tpu.memory_space<vmem>>, %arg38: memref<128xf32, #tpu.memory_space<vmem>>, %arg39: memref<128xf32, #tpu.memory_space<vmem>>, %arg40: memref<128xf32, #tpu.memory_space<vmem>>, %arg41: memref<512xf32, #tpu.memory_space<vmem>>, %arg42: memref<!tpu.dma_semaphore, #tpu.memory_space<semaphore_mem>>) attributes {dimension_semantics = [#tpu.dimension_semantics<core_parallel>, #tpu.dimension_semantics<subcore_parallel>], iteration_bounds = array<i64: 2, 16>, scalar_prefetch = 0 : i64, scratch_operands = 36 : i64, tpu.core_type = #tpu.core_type<sc_vector_subcore>, window_params = [{transform_indices = #map}, {transform_indices = #map}, {transform_indices = #map1}, {transform_indices = #map1}, {transform_indices = #map}]} {
    %mul3A = arith.constant 2 : i32
    %mul3A_0 = arith.muli %arg1, %mul3A : i32
    %add3A = arith.addi %mul3A_0, %arg0 : i32
    %mul3A_1 = arith.constant 512 : i32
    %mul3A_2 = arith.muli %add3A, %mul3A_1 : i32
    "tpu.region"() ({
      %run_scoped3A = tpu.sem_alloc : memref<!tpu.dma_semaphore, #tpu.memory_space<semaphore_mem>>
      %dma_start3A_2072 = tpu.memref_slice %arg2[%mul3A_2] : memref<16384xi32, #tpu.memory_space<hbm>> -> memref<512xi32, #tpu.memory_space<hbm>>
      %dma_start3A_2073 = tpu.memref_slice %arg2[%mul3A_2] : memref<16384xi32, #tpu.memory_space<hbm>> -> memref<512xi32, #tpu.memory_space<hbm>>
      tpu.enqueue_dma source(%dma_start3A_2073 : memref<512xi32, #tpu.memory_space<hbm>>) target(%arg7 : memref<512xi32, #tpu.memory_space<vmem>>) target_semaphore(%run_scoped3A : memref<!tpu.dma_semaphore, #tpu.memory_space<semaphore_mem>>)
      %dma_wait3A_2074 = tpu.memref_slice %arg2[%mul3A_2] : memref<16384xi32, #tpu.memory_space<hbm>> -> memref<512xi32, #tpu.memory_space<hbm>>
      %dma_wait3A_2075 = tpu.memref_slice %arg2[%mul3A_2] : memref<16384xi32, #tpu.memory_space<hbm>> -> memref<512xi32, #tpu.memory_space<hbm>>
      tpu.wait_dma2 semaphore(%run_scoped3A : memref<!tpu.dma_semaphore, #tpu.memory_space<semaphore_mem>>) src(%dma_wait3A_2075 : memref<512xi32, #tpu.memory_space<hbm>>) dst(%arg7 : memref<512xi32, #tpu.memory_space<vmem>>)
      tpu.yield
    }) : () -> ()
    "tpu.region"() ({
      %run_scoped3A = tpu.sem_alloc : memref<!tpu.dma_semaphore, #tpu.memory_space<semaphore_mem>>
      %dma_start3A_2072 = tpu.memref_slice %arg3[%mul3A_2] : memref<16384xi32, #tpu.memory_space<hbm>> -> memref<512xi32, #tpu.memory_space<hbm>>
      %dma_start3A_2073 = tpu.memref_slice %arg3[%mul3A_2] : memref<16384xi32, #tpu.memory_space<hbm>> -> memref<512xi32, #tpu.memory_space<hbm>>
      tpu.enqueue_dma source(%dma_start3A_2073 : memref<512xi32, #tpu.memory_space<hbm>>) target(%arg8 : memref<512xi32, #tpu.memory_space<vmem>>) target_semaphore(%run_scoped3A : memref<!tpu.dma_semaphore, #tpu.memory_space<semaphore_mem>>)
      %dma_wait3A_2074 = tpu.memref_slice %arg3[%mul3A_2] : memref<16384xi32, #tpu.memory_space<hbm>> -> memref<512xi32, #tpu.memory_space<hbm>>
      %dma_wait3A_2075 = tpu.memref_slice %arg3[%mul3A_2] : memref<16384xi32, #tpu.memory_space<hbm>> -> memref<512xi32, #tpu.memory_space<hbm>>
      tpu.wait_dma2 semaphore(%run_scoped3A : memref<!tpu.dma_semaphore, #tpu.memory_space<semaphore_mem>>) src(%dma_wait3A_2075 : memref<512xi32, #tpu.memory_space<hbm>>) dst(%arg8 : memref<512xi32, #tpu.memory_space<vmem>>)
      tpu.yield
    }) : () -> ()
    %dma_start3A = arith.constant 0 : i32
    %dma_start3A_3 = arith.constant 0 : i32
    %dma_start3A_4 = tpu.memref_slice %arg7[%dma_start3A_3] : memref<512xi32, #tpu.memory_space<vmem>> -> memref<128xi32, #tpu.memory_space<vmem>>
    %dma_start3A_5 = arith.constant 0 : i32
    %dma_start3A_6 = tpu.memref_slice %arg4[%dma_start3A, %dma_start3A_5] : memref<16x1000001xf32, #tpu.memory_space<hbm>> -> memref<1x1000001xf32, #tpu.memory_space<hbm>>
    %dma_start3A_7 = tpu.memref_squeeze %dma_start3A_6 : memref<1x1000001xf32, #tpu.memory_space<hbm>> -> memref<1000001xf32, #tpu.memory_space<hbm>>
    %dma_start3A_8 = arith.constant 0 : i32
    %dma_start3A_9 = tpu.memref_slice %dma_start3A_7[%dma_start3A_8] : memref<1000001xf32, #tpu.memory_space<hbm>> -> memref<1000001xf32, #tpu.memory_space<hbm>>
    tpu.enqueue_indirect_dma source(%dma_start3A_9 : memref<1000001xf32, #tpu.memory_space<hbm>>) target(%arg9 : memref<128xf32, #tpu.memory_space<vmem>>) offsets(%dma_start3A_4 : memref<128xi32, #tpu.memory_space<vmem>>) semaphore(%arg42 : memref<!tpu.dma_semaphore, #tpu.memory_space<semaphore_mem>>)
    %dma_start3A_10 = arith.constant 0 : i32
    %dma_start3A_11 = arith.constant 0 : i32
    %dma_start3A_12 = tpu.memref_slice %arg8[%dma_start3A_11] : memref<512xi32, #tpu.memory_space<vmem>> -> memref<128xi32, #tpu.memory_space<vmem>>
    %dma_start3A_13 = arith.constant 0 : i32
    %dma_start3A_14 = tpu.memref_slice %arg5[%dma_start3A_10, %dma_start3A_13] : memref<16x1000001xf32, #tpu.memory_space<hbm>> -> memref<1x1000001xf32, #tpu.memory_space<hbm>>
    %dma_start3A_15 = tpu.memref_squeeze %dma_start3A_14 : memref<1x1000001xf32, #tpu.memory_space<hbm>> -> memref<1000001xf32, #tpu.memory_space<hbm>>
    %dma_start3A_16 = arith.constant 0 : i32
    %dma_start3A_17 = tpu.memref_slice %dma_start3A_15[%dma_start3A_16] : memref<1000001xf32, #tpu.memory_space<hbm>> -> memref<1000001xf32, #tpu.memory_space<hbm>>
    tpu.enqueue_indirect_dma source(%dma_start3A_17 : memref<1000001xf32, #tpu.memory_space<hbm>>) target(%arg25 : memref<128xf32, #tpu.memory_space<vmem>>) offsets(%dma_start3A_12 : memref<128xi32, #tpu.memory_space<vmem>>) semaphore(%arg42 : memref<!tpu.dma_semaphore, #tpu.memory_space<semaphore_mem>>)
    %dma_start3A_18 = arith.constant 1 : i32
    %dma_start3A_19 = arith.constant 0 : i32
    %dma_start3A_20 = tpu.memref_slice %arg7[%dma_start3A_19] : memref<512xi32, #tpu.memory_space<vmem>> -> memref<128xi32, #tpu.memory_space<vmem>>
    %dma_start3A_21 = arith.constant 0 : i32
    %dma_start3A_22 = tpu.memref_slice %arg4[%dma_start3A_18, %dma_start3A_21] : memref<16x1000001xf32, #tpu.memory_space<hbm>> -> memref<1x1000001xf32, #tpu.memory_space<hbm>>
    %dma_start3A_23 = tpu.memref_squeeze %dma_start3A_22 : memref<1x1000001xf32, #tpu.memory_space<hbm>> -> memref<1000001xf32, #tpu.memory_space<hbm>>
    %dma_start3A_24 = arith.constant 0 : i32
    %dma_start3A_25 = tpu.memref_slice %dma_start3A_23[%dma_start3A_24] : memref<1000001xf32, #tpu.memory_space<hbm>> -> memref<1000001xf32, #tpu.memory_space<hbm>>
    tpu.enqueue_indirect_dma source(%dma_start3A_25 : memref<1000001xf32, #tpu.memory_space<hbm>>) target(%arg10 : memref<128xf32, #tpu.memory_space<vmem>>) offsets(%dma_start3A_20 : memref<128xi32, #tpu.memory_space<vmem>>) semaphore(%arg42 : memref<!tpu.dma_semaphore, #tpu.memory_space<semaphore_mem>>)
    %dma_start3A_26 = arith.constant 1 : i32
    %dma_start3A_27 = arith.constant 0 : i32
    %dma_start3A_28 = tpu.memref_slice %arg8[%dma_start3A_27] : memref<512xi32, #tpu.memory_space<vmem>> -> memref<128xi32, #tpu.memory_space<vmem>>
    %dma_start3A_29 = arith.constant 0 : i32
    %dma_start3A_30 = tpu.memref_slice %arg5[%dma_start3A_26, %dma_start3A_29] : memref<16x1000001xf32, #tpu.memory_space<hbm>> -> memref<1x1000001xf32, #tpu.memory_space<hbm>>
    %dma_start3A_31 = tpu.memref_squeeze %dma_start3A_30 : memref<1x1000001xf32, #tpu.memory_space<hbm>> -> memref<1000001xf32, #tpu.memory_space<hbm>>
    %dma_start3A_32 = arith.constant 0 : i32
    %dma_start3A_33 = tpu.memref_slice %dma_start3A_31[%dma_start3A_32] : memref<1000001xf32, #tpu.memory_space<hbm>> -> memref<1000001xf32, #tpu.memory_space<hbm>>
    tpu.enqueue_indirect_dma source(%dma_start3A_33 : memref<1000001xf32, #tpu.memory_space<hbm>>) target(%arg26 : memref<128xf32, #tpu.memory_space<vmem>>) offsets(%dma_start3A_28 : memref<128xi32, #tpu.memory_space<vmem>>) semaphore(%arg42 : memref<!tpu.dma_semaphore, #tpu.memory_space<semaphore_mem>>)
    %dma_start3A_34 = arith.constant 2 : i32
    %dma_start3A_35 = arith.constant 0 : i32
    %dma_start3A_36 = tpu.memref_slice %arg7[%dma_start3A_35] : memref<512xi32, #tpu.memory_space<vmem>> -> memref<128xi32, #tpu.memory_space<vmem>>
    %dma_start3A_37 = arith.constant 0 : i32
    %dma_start3A_38 = tpu.memref_slice %arg4[%dma_start3A_34, %dma_start3A_37] : memref<16x1000001xf32, #tpu.memory_space<hbm>> -> memref<1x1000001xf32, #tpu.memory_space<hbm>>
    %dma_start3A_39 = tpu.memref_squeeze %dma_start3A_38 : memref<1x1000001xf32, #tpu.memory_space<hbm>> -> memref<1000001xf32, #tpu.memory_space<hbm>>
    %dma_start3A_40 = arith.constant 0 : i32
    %dma_start3A_41 = tpu.memref_slice %dma_start3A_39[%dma_start3A_40] : memref<1000001xf32, #tpu.memory_space<hbm>> -> memref<1000001xf32, #tpu.memory_space<hbm>>
    tpu.enqueue_indirect_dma source(%dma_start3A_41 : memref<1000001xf32, #tpu.memory_space<hbm>>) target(%arg11 : memref<128xf32, #tpu.memory_space<vmem>>) offsets(%dma_start3A_36 : memref<128xi32, #tpu.memory_space<vmem>>) semaphore(%arg42 : memref<!tpu.dma_semaphore, #tpu.memory_space<semaphore_mem>>)
    %dma_start3A_42 = arith.constant 2 : i32
    %dma_start3A_43 = arith.constant 0 : i32
    %dma_start3A_44 = tpu.memref_slice %arg8[%dma_start3A_43] : memref<512xi32, #tpu.memory_space<vmem>> -> memref<128xi32, #tpu.memory_space<vmem>>
    %dma_start3A_45 = arith.constant 0 : i32
    %dma_start3A_46 = tpu.memref_slice %arg5[%dma_start3A_42, %dma_start3A_45] : memref<16x1000001xf32, #tpu.memory_space<hbm>> -> memref<1x1000001xf32, #tpu.memory_space<hbm>>
    %dma_start3A_47 = tpu.memref_squeeze %dma_start3A_46 : memref<1x1000001xf32, #tpu.memory_space<hbm>> -> memref<1000001xf32, #tpu.memory_space<hbm>>
    %dma_start3A_48 = arith.constant 0 : i32
    %dma_start3A_49 = tpu.memref_slice %dma_start3A_47[%dma_start3A_48] : memref<1000001xf32, #tpu.memory_space<hbm>> -> memref<1000001xf32, #tpu.memory_space<hbm>>
    tpu.enqueue_indirect_dma source(%dma_start3A_49 : memref<1000001xf32, #tpu.memory_space<hbm>>) target(%arg27 : memref<128xf32, #tpu.memory_space<vmem>>) offsets(%dma_start3A_44 : memref<128xi32, #tpu.memory_space<vmem>>) semaphore(%arg42 : memref<!tpu.dma_semaphore, #tpu.memory_space<semaphore_mem>>)
    %dma_start3A_50 = arith.constant 3 : i32
    %dma_start3A_51 = arith.constant 0 : i32
    %dma_start3A_52 = tpu.memref_slice %arg7[%dma_start3A_51] : memref<512xi32, #tpu.memory_space<vmem>> -> memref<128xi32, #tpu.memory_space<vmem>>
    %dma_start3A_53 = arith.constant 0 : i32
    %dma_start3A_54 = tpu.memref_slice %arg4[%dma_start3A_50, %dma_start3A_53] : memref<16x1000001xf32, #tpu.memory_space<hbm>> -> memref<1x1000001xf32, #tpu.memory_space<hbm>>
    %dma_start3A_55 = tpu.memref_squeeze %dma_start3A_54 : memref<1x1000001xf32, #tpu.memory_space<hbm>> -> memref<1000001xf32, #tpu.memory_space<hbm>>
    %dma_start3A_56 = arith.constant 0 : i32
    %dma_start3A_57 = tpu.memref_slice %dma_start3A_55[%dma_start3A_56] : memref<1000001xf32, #tpu.memory_space<hbm>> -> memref<1000001xf32, #tpu.memory_space<hbm>>
    tpu.enqueue_indirect_dma source(%dma_start3A_57 : memref<1000001xf32, #tpu.memory_space<hbm>>) target(%arg12 : memref<128xf32, #tpu.memory_space<vmem>>) offsets(%dma_start3A_52 : memref<128xi32, #tpu.memory_space<vmem>>) semaphore(%arg42 : memref<!tpu.dma_semaphore, #tpu.memory_space<semaphore_mem>>)
    %dma_start3A_58 = arith.constant 3 : i32
    %dma_start3A_59 = arith.constant 0 : i32
    %dma_start3A_60 = tpu.memref_slice %arg8[%dma_start3A_59] : memref<512xi32, #tpu.memory_space<vmem>> -> memref<128xi32, #tpu.memory_space<vmem>>
    %dma_start3A_61 = arith.constant 0 : i32
    %dma_start3A_62 = tpu.memref_slice %arg5[%dma_start3A_58, %dma_start3A_61] : memref<16x1000001xf32, #tpu.memory_space<hbm>> -> memref<1x1000001xf32, #tpu.memory_space<hbm>>
    %dma_start3A_63 = tpu.memref_squeeze %dma_start3A_62 : memref<1x1000001xf32, #tpu.memory_space<hbm>> -> memref<1000001xf32, #tpu.memory_space<hbm>>
    %dma_start3A_64 = arith.constant 0 : i32
    %dma_start3A_65 = tpu.memref_slice %dma_start3A_63[%dma_start3A_64] : memref<1000001xf32, #tpu.memory_space<hbm>> -> memref<1000001xf32, #tpu.memory_space<hbm>>
    tpu.enqueue_indirect_dma source(%dma_start3A_65 : memref<1000001xf32, #tpu.memory_space<hbm>>) target(%arg28 : memref<128xf32, #tpu.memory_space<vmem>>) offsets(%dma_start3A_60 : memref<128xi32, #tpu.memory_space<vmem>>) semaphore(%arg42 : memref<!tpu.dma_semaphore, #tpu.memory_space<semaphore_mem>>)
    %dma_start3A_66 = arith.constant 4 : i32
    %dma_start3A_67 = arith.constant 0 : i32
    %dma_start3A_68 = tpu.memref_slice %arg7[%dma_start3A_67] : memref<512xi32, #tpu.memory_space<vmem>> -> memref<128xi32, #tpu.memory_space<vmem>>
    %dma_start3A_69 = arith.constant 0 : i32
    %dma_start3A_70 = tpu.memref_slice %arg4[%dma_start3A_66, %dma_start3A_69] : memref<16x1000001xf32, #tpu.memory_space<hbm>> -> memref<1x1000001xf32, #tpu.memory_space<hbm>>
    %dma_start3A_71 = tpu.memref_squeeze %dma_start3A_70 : memref<1x1000001xf32, #tpu.memory_space<hbm>> -> memref<1000001xf32, #tpu.memory_space<hbm>>
    %dma_start3A_72 = arith.constant 0 : i32
    %dma_start3A_73 = tpu.memref_slice %dma_start3A_71[%dma_start3A_72] : memref<1000001xf32, #tpu.memory_space<hbm>> -> memref<1000001xf32, #tpu.memory_space<hbm>>
    tpu.enqueue_indirect_dma source(%dma_start3A_73 : memref<1000001xf32, #tpu.memory_space<hbm>>) target(%arg13 : memref<128xf32, #tpu.memory_space<vmem>>) offsets(%dma_start3A_68 : memref<128xi32, #tpu.memory_space<vmem>>) semaphore(%arg42 : memref<!tpu.dma_semaphore, #tpu.memory_space<semaphore_mem>>)
    %dma_start3A_74 = arith.constant 4 : i32
    %dma_start3A_75 = arith.constant 0 : i32
    %dma_start3A_76 = tpu.memref_slice %arg8[%dma_start3A_75] : memref<512xi32, #tpu.memory_space<vmem>> -> memref<128xi32, #tpu.memory_space<vmem>>
    %dma_start3A_77 = arith.constant 0 : i32
    %dma_start3A_78 = tpu.memref_slice %arg5[%dma_start3A_74, %dma_start3A_77] : memref<16x1000001xf32, #tpu.memory_space<hbm>> -> memref<1x1000001xf32, #tpu.memory_space<hbm>>
    %dma_start3A_79 = tpu.memref_squeeze %dma_start3A_78 : memref<1x1000001xf32, #tpu.memory_space<hbm>> -> memref<1000001xf32, #tpu.memory_space<hbm>>
    %dma_start3A_80 = arith.constant 0 : i32
    %dma_start3A_81 = tpu.memref_slice %dma_start3A_79[%dma_start3A_80] : memref<1000001xf32, #tpu.memory_space<hbm>> -> memref<1000001xf32, #tpu.memory_space<hbm>>
    tpu.enqueue_indirect_dma source(%dma_start3A_81 : memref<1000001xf32, #tpu.memory_space<hbm>>) target(%arg29 : memref<128xf32, #tpu.memory_space<vmem>>) offsets(%dma_start3A_76 : memref<128xi32, #tpu.memory_space<vmem>>) semaphore(%arg42 : memref<!tpu.dma_semaphore, #tpu.memory_space<semaphore_mem>>)
    %dma_start3A_82 = arith.constant 5 : i32
    %dma_start3A_83 = arith.constant 0 : i32
    %dma_start3A_84 = tpu.memref_slice %arg7[%dma_start3A_83] : memref<512xi32, #tpu.memory_space<vmem>> -> memref<128xi32, #tpu.memory_space<vmem>>
    %dma_start3A_85 = arith.constant 0 : i32
    %dma_start3A_86 = tpu.memref_slice %arg4[%dma_start3A_82, %dma_start3A_85] : memref<16x1000001xf32, #tpu.memory_space<hbm>> -> memref<1x1000001xf32, #tpu.memory_space<hbm>>
    %dma_start3A_87 = tpu.memref_squeeze %dma_start3A_86 : memref<1x1000001xf32, #tpu.memory_space<hbm>> -> memref<1000001xf32, #tpu.memory_space<hbm>>
    %dma_start3A_88 = arith.constant 0 : i32
    %dma_start3A_89 = tpu.memref_slice %dma_start3A_87[%dma_start3A_88] : memref<1000001xf32, #tpu.memory_space<hbm>> -> memref<1000001xf32, #tpu.memory_space<hbm>>
    tpu.enqueue_indirect_dma source(%dma_start3A_89 : memref<1000001xf32, #tpu.memory_space<hbm>>) target(%arg14 : memref<128xf32, #tpu.memory_space<vmem>>) offsets(%dma_start3A_84 : memref<128xi32, #tpu.memory_space<vmem>>) semaphore(%arg42 : memref<!tpu.dma_semaphore, #tpu.memory_space<semaphore_mem>>)
    %dma_start3A_90 = arith.constant 5 : i32
    %dma_start3A_91 = arith.constant 0 : i32
    %dma_start3A_92 = tpu.memref_slice %arg8[%dma_start3A_91] : memref<512xi32, #tpu.memory_space<vmem>> -> memref<128xi32, #tpu.memory_space<vmem>>
    %dma_start3A_93 = arith.constant 0 : i32
    %dma_start3A_94 = tpu.memref_slice %arg5[%dma_start3A_90, %dma_start3A_93] : memref<16x1000001xf32, #tpu.memory_space<hbm>> -> memref<1x1000001xf32, #tpu.memory_space<hbm>>
    %dma_start3A_95 = tpu.memref_squeeze %dma_start3A_94 : memref<1x1000001xf32, #tpu.memory_space<hbm>> -> memref<1000001xf32, #tpu.memory_space<hbm>>
    %dma_start3A_96 = arith.constant 0 : i32
    %dma_start3A_97 = tpu.memref_slice %dma_start3A_95[%dma_start3A_96] : memref<1000001xf32, #tpu.memory_space<hbm>> -> memref<1000001xf32, #tpu.memory_space<hbm>>
    tpu.enqueue_indirect_dma source(%dma_start3A_97 : memref<1000001xf32, #tpu.memory_space<hbm>>) target(%arg30 : memref<128xf32, #tpu.memory_space<vmem>>) offsets(%dma_start3A_92 : memref<128xi32, #tpu.memory_space<vmem>>) semaphore(%arg42 : memref<!tpu.dma_semaphore, #tpu.memory_space<semaphore_mem>>)
    %dma_start3A_98 = arith.constant 6 : i32
    %dma_start3A_99 = arith.constant 0 : i32
    %dma_start3A_100 = tpu.memref_slice %arg7[%dma_start3A_99] : memref<512xi32, #tpu.memory_space<vmem>> -> memref<128xi32, #tpu.memory_space<vmem>>
    %dma_start3A_101 = arith.constant 0 : i32
    %dma_start3A_102 = tpu.memref_slice %arg4[%dma_start3A_98, %dma_start3A_101] : memref<16x1000001xf32, #tpu.memory_space<hbm>> -> memref<1x1000001xf32, #tpu.memory_space<hbm>>
    %dma_start3A_103 = tpu.memref_squeeze %dma_start3A_102 : memref<1x1000001xf32, #tpu.memory_space<hbm>> -> memref<1000001xf32, #tpu.memory_space<hbm>>
    %dma_start3A_104 = arith.constant 0 : i32
    %dma_start3A_105 = tpu.memref_slice %dma_start3A_103[%dma_start3A_104] : memref<1000001xf32, #tpu.memory_space<hbm>> -> memref<1000001xf32, #tpu.memory_space<hbm>>
    tpu.enqueue_indirect_dma source(%dma_start3A_105 : memref<1000001xf32, #tpu.memory_space<hbm>>) target(%arg15 : memref<128xf32, #tpu.memory_space<vmem>>) offsets(%dma_start3A_100 : memref<128xi32, #tpu.memory_space<vmem>>) semaphore(%arg42 : memref<!tpu.dma_semaphore, #tpu.memory_space<semaphore_mem>>)
    %dma_start3A_106 = arith.constant 6 : i32
    %dma_start3A_107 = arith.constant 0 : i32
    %dma_start3A_108 = tpu.memref_slice %arg8[%dma_start3A_107] : memref<512xi32, #tpu.memory_space<vmem>> -> memref<128xi32, #tpu.memory_space<vmem>>
    %dma_start3A_109 = arith.constant 0 : i32
    %dma_start3A_110 = tpu.memref_slice %arg5[%dma_start3A_106, %dma_start3A_109] : memref<16x1000001xf32, #tpu.memory_space<hbm>> -> memref<1x1000001xf32, #tpu.memory_space<hbm>>
    %dma_start3A_111 = tpu.memref_squeeze %dma_start3A_110 : memref<1x1000001xf32, #tpu.memory_space<hbm>> -> memref<1000001xf32, #tpu.memory_space<hbm>>
    %dma_start3A_112 = arith.constant 0 : i32
    %dma_start3A_113 = tpu.memref_slice %dma_start3A_111[%dma_start3A_112] : memref<1000001xf32, #tpu.memory_space<hbm>> -> memref<1000001xf32, #tpu.memory_space<hbm>>
    tpu.enqueue_indirect_dma source(%dma_start3A_113 : memref<1000001xf32, #tpu.memory_space<hbm>>) target(%arg31 : memref<128xf32, #tpu.memory_space<vmem>>) offsets(%dma_start3A_108 : memref<128xi32, #tpu.memory_space<vmem>>) semaphore(%arg42 : memref<!tpu.dma_semaphore, #tpu.memory_space<semaphore_mem>>)
    %dma_start3A_114 = arith.constant 7 : i32
    %dma_start3A_115 = arith.constant 0 : i32
    %dma_start3A_116 = tpu.memref_slice %arg7[%dma_start3A_115] : memref<512xi32, #tpu.memory_space<vmem>> -> memref<128xi32, #tpu.memory_space<vmem>>
    %dma_start3A_117 = arith.constant 0 : i32
    %dma_start3A_118 = tpu.memref_slice %arg4[%dma_start3A_114, %dma_start3A_117] : memref<16x1000001xf32, #tpu.memory_space<hbm>> -> memref<1x1000001xf32, #tpu.memory_space<hbm>>
    %dma_start3A_119 = tpu.memref_squeeze %dma_start3A_118 : memref<1x1000001xf32, #tpu.memory_space<hbm>> -> memref<1000001xf32, #tpu.memory_space<hbm>>
    %dma_start3A_120 = arith.constant 0 : i32
    %dma_start3A_121 = tpu.memref_slice %dma_start3A_119[%dma_start3A_120] : memref<1000001xf32, #tpu.memory_space<hbm>> -> memref<1000001xf32, #tpu.memory_space<hbm>>
    tpu.enqueue_indirect_dma source(%dma_start3A_121 : memref<1000001xf32, #tpu.memory_space<hbm>>) target(%arg16 : memref<128xf32, #tpu.memory_space<vmem>>) offsets(%dma_start3A_116 : memref<128xi32, #tpu.memory_space<vmem>>) semaphore(%arg42 : memref<!tpu.dma_semaphore, #tpu.memory_space<semaphore_mem>>)
    %dma_start3A_122 = arith.constant 7 : i32
    %dma_start3A_123 = arith.constant 0 : i32
    %dma_start3A_124 = tpu.memref_slice %arg8[%dma_start3A_123] : memref<512xi32, #tpu.memory_space<vmem>> -> memref<128xi32, #tpu.memory_space<vmem>>
    %dma_start3A_125 = arith.constant 0 : i32
    %dma_start3A_126 = tpu.memref_slice %arg5[%dma_start3A_122, %dma_start3A_125] : memref<16x1000001xf32, #tpu.memory_space<hbm>> -> memref<1x1000001xf32, #tpu.memory_space<hbm>>
    %dma_start3A_127 = tpu.memref_squeeze %dma_start3A_126 : memref<1x1000001xf32, #tpu.memory_space<hbm>> -> memref<1000001xf32, #tpu.memory_space<hbm>>
    %dma_start3A_128 = arith.constant 0 : i32
    %dma_start3A_129 = tpu.memref_slice %dma_start3A_127[%dma_start3A_128] : memref<1000001xf32, #tpu.memory_space<hbm>> -> memref<1000001xf32, #tpu.memory_space<hbm>>
    tpu.enqueue_indirect_dma source(%dma_start3A_129 : memref<1000001xf32, #tpu.memory_space<hbm>>) target(%arg32 : memref<128xf32, #tpu.memory_space<vmem>>) offsets(%dma_start3A_124 : memref<128xi32, #tpu.memory_space<vmem>>) semaphore(%arg42 : memref<!tpu.dma_semaphore, #tpu.memory_space<semaphore_mem>>)
    %dma_start3A_130 = arith.constant 8 : i32
    %dma_start3A_131 = arith.constant 0 : i32
    %dma_start3A_132 = tpu.memref_slice %arg7[%dma_start3A_131] : memref<512xi32, #tpu.memory_space<vmem>> -> memref<128xi32, #tpu.memory_space<vmem>>
    %dma_start3A_133 = arith.constant 0 : i32
    %dma_start3A_134 = tpu.memref_slice %arg4[%dma_start3A_130, %dma_start3A_133] : memref<16x1000001xf32, #tpu.memory_space<hbm>> -> memref<1x1000001xf32, #tpu.memory_space<hbm>>
    %dma_start3A_135 = tpu.memref_squeeze %dma_start3A_134 : memref<1x1000001xf32, #tpu.memory_space<hbm>> -> memref<1000001xf32, #tpu.memory_space<hbm>>
    %dma_start3A_136 = arith.constant 0 : i32
    %dma_start3A_137 = tpu.memref_slice %dma_start3A_135[%dma_start3A_136] : memref<1000001xf32, #tpu.memory_space<hbm>> -> memref<1000001xf32, #tpu.memory_space<hbm>>
    tpu.enqueue_indirect_dma source(%dma_start3A_137 : memref<1000001xf32, #tpu.memory_space<hbm>>) target(%arg17 : memref<128xf32, #tpu.memory_space<vmem>>) offsets(%dma_start3A_132 : memref<128xi32, #tpu.memory_space<vmem>>) semaphore(%arg42 : memref<!tpu.dma_semaphore, #tpu.memory_space<semaphore_mem>>)
    %dma_start3A_138 = arith.constant 8 : i32
    %dma_start3A_139 = arith.constant 0 : i32
    %dma_start3A_140 = tpu.memref_slice %arg8[%dma_start3A_139] : memref<512xi32, #tpu.memory_space<vmem>> -> memref<128xi32, #tpu.memory_space<vmem>>
    %dma_start3A_141 = arith.constant 0 : i32
    %dma_start3A_142 = tpu.memref_slice %arg5[%dma_start3A_138, %dma_start3A_141] : memref<16x1000001xf32, #tpu.memory_space<hbm>> -> memref<1x1000001xf32, #tpu.memory_space<hbm>>
    %dma_start3A_143 = tpu.memref_squeeze %dma_start3A_142 : memref<1x1000001xf32, #tpu.memory_space<hbm>> -> memref<1000001xf32, #tpu.memory_space<hbm>>
    %dma_start3A_144 = arith.constant 0 : i32
    %dma_start3A_145 = tpu.memref_slice %dma_start3A_143[%dma_start3A_144] : memref<1000001xf32, #tpu.memory_space<hbm>> -> memref<1000001xf32, #tpu.memory_space<hbm>>
    tpu.enqueue_indirect_dma source(%dma_start3A_145 : memref<1000001xf32, #tpu.memory_space<hbm>>) target(%arg33 : memref<128xf32, #tpu.memory_space<vmem>>) offsets(%dma_start3A_140 : memref<128xi32, #tpu.memory_space<vmem>>) semaphore(%arg42 : memref<!tpu.dma_semaphore, #tpu.memory_space<semaphore_mem>>)
    %dma_start3A_146 = arith.constant 9 : i32
    %dma_start3A_147 = arith.constant 0 : i32
    %dma_start3A_148 = tpu.memref_slice %arg7[%dma_start3A_147] : memref<512xi32, #tpu.memory_space<vmem>> -> memref<128xi32, #tpu.memory_space<vmem>>
    %dma_start3A_149 = arith.constant 0 : i32
    %dma_start3A_150 = tpu.memref_slice %arg4[%dma_start3A_146, %dma_start3A_149] : memref<16x1000001xf32, #tpu.memory_space<hbm>> -> memref<1x1000001xf32, #tpu.memory_space<hbm>>
    %dma_start3A_151 = tpu.memref_squeeze %dma_start3A_150 : memref<1x1000001xf32, #tpu.memory_space<hbm>> -> memref<1000001xf32, #tpu.memory_space<hbm>>
    %dma_start3A_152 = arith.constant 0 : i32
    %dma_start3A_153 = tpu.memref_slice %dma_start3A_151[%dma_start3A_152] : memref<1000001xf32, #tpu.memory_space<hbm>> -> memref<1000001xf32, #tpu.memory_space<hbm>>
    tpu.enqueue_indirect_dma source(%dma_start3A_153 : memref<1000001xf32, #tpu.memory_space<hbm>>) target(%arg18 : memref<128xf32, #tpu.memory_space<vmem>>) offsets(%dma_start3A_148 : memref<128xi32, #tpu.memory_space<vmem>>) semaphore(%arg42 : memref<!tpu.dma_semaphore, #tpu.memory_space<semaphore_mem>>)
    %dma_start3A_154 = arith.constant 9 : i32
    %dma_start3A_155 = arith.constant 0 : i32
    %dma_start3A_156 = tpu.memref_slice %arg8[%dma_start3A_155] : memref<512xi32, #tpu.memory_space<vmem>> -> memref<128xi32, #tpu.memory_space<vmem>>
    %dma_start3A_157 = arith.constant 0 : i32
    %dma_start3A_158 = tpu.memref_slice %arg5[%dma_start3A_154, %dma_start3A_157] : memref<16x1000001xf32, #tpu.memory_space<hbm>> -> memref<1x1000001xf32, #tpu.memory_space<hbm>>
    %dma_start3A_159 = tpu.memref_squeeze %dma_start3A_158 : memref<1x1000001xf32, #tpu.memory_space<hbm>> -> memref<1000001xf32, #tpu.memory_space<hbm>>
    %dma_start3A_160 = arith.constant 0 : i32
    %dma_start3A_161 = tpu.memref_slice %dma_start3A_159[%dma_start3A_160] : memref<1000001xf32, #tpu.memory_space<hbm>> -> memref<1000001xf32, #tpu.memory_space<hbm>>
    tpu.enqueue_indirect_dma source(%dma_start3A_161 : memref<1000001xf32, #tpu.memory_space<hbm>>) target(%arg34 : memref<128xf32, #tpu.memory_space<vmem>>) offsets(%dma_start3A_156 : memref<128xi32, #tpu.memory_space<vmem>>) semaphore(%arg42 : memref<!tpu.dma_semaphore, #tpu.memory_space<semaphore_mem>>)
    %dma_start3A_162 = arith.constant 10 : i32
    %dma_start3A_163 = arith.constant 0 : i32
    %dma_start3A_164 = tpu.memref_slice %arg7[%dma_start3A_163] : memref<512xi32, #tpu.memory_space<vmem>> -> memref<128xi32, #tpu.memory_space<vmem>>
    %dma_start3A_165 = arith.constant 0 : i32
    %dma_start3A_166 = tpu.memref_slice %arg4[%dma_start3A_162, %dma_start3A_165] : memref<16x1000001xf32, #tpu.memory_space<hbm>> -> memref<1x1000001xf32, #tpu.memory_space<hbm>>
    %dma_start3A_167 = tpu.memref_squeeze %dma_start3A_166 : memref<1x1000001xf32, #tpu.memory_space<hbm>> -> memref<1000001xf32, #tpu.memory_space<hbm>>
    %dma_start3A_168 = arith.constant 0 : i32
    %dma_start3A_169 = tpu.memref_slice %dma_start3A_167[%dma_start3A_168] : memref<1000001xf32, #tpu.memory_space<hbm>> -> memref<1000001xf32, #tpu.memory_space<hbm>>
    tpu.enqueue_indirect_dma source(%dma_start3A_169 : memref<1000001xf32, #tpu.memory_space<hbm>>) target(%arg19 : memref<128xf32, #tpu.memory_space<vmem>>) offsets(%dma_start3A_164 : memref<128xi32, #tpu.memory_space<vmem>>) semaphore(%arg42 : memref<!tpu.dma_semaphore, #tpu.memory_space<semaphore_mem>>)
    %dma_start3A_170 = arith.constant 10 : i32
    %dma_start3A_171 = arith.constant 0 : i32
    %dma_start3A_172 = tpu.memref_slice %arg8[%dma_start3A_171] : memref<512xi32, #tpu.memory_space<vmem>> -> memref<128xi32, #tpu.memory_space<vmem>>
    %dma_start3A_173 = arith.constant 0 : i32
    %dma_start3A_174 = tpu.memref_slice %arg5[%dma_start3A_170, %dma_start3A_173] : memref<16x1000001xf32, #tpu.memory_space<hbm>> -> memref<1x1000001xf32, #tpu.memory_space<hbm>>
    %dma_start3A_175 = tpu.memref_squeeze %dma_start3A_174 : memref<1x1000001xf32, #tpu.memory_space<hbm>> -> memref<1000001xf32, #tpu.memory_space<hbm>>
    %dma_start3A_176 = arith.constant 0 : i32
    %dma_start3A_177 = tpu.memref_slice %dma_start3A_175[%dma_start3A_176] : memref<1000001xf32, #tpu.memory_space<hbm>> -> memref<1000001xf32, #tpu.memory_space<hbm>>
    tpu.enqueue_indirect_dma source(%dma_start3A_177 : memref<1000001xf32, #tpu.memory_space<hbm>>) target(%arg35 : memref<128xf32, #tpu.memory_space<vmem>>) offsets(%dma_start3A_172 : memref<128xi32, #tpu.memory_space<vmem>>) semaphore(%arg42 : memref<!tpu.dma_semaphore, #tpu.memory_space<semaphore_mem>>)
    %dma_start3A_178 = arith.constant 11 : i32
    %dma_start3A_179 = arith.constant 0 : i32
    %dma_start3A_180 = tpu.memref_slice %arg7[%dma_start3A_179] : memref<512xi32, #tpu.memory_space<vmem>> -> memref<128xi32, #tpu.memory_space<vmem>>
    %dma_start3A_181 = arith.constant 0 : i32
    %dma_start3A_182 = tpu.memref_slice %arg4[%dma_start3A_178, %dma_start3A_181] : memref<16x1000001xf32, #tpu.memory_space<hbm>> -> memref<1x1000001xf32, #tpu.memory_space<hbm>>
    %dma_start3A_183 = tpu.memref_squeeze %dma_start3A_182 : memref<1x1000001xf32, #tpu.memory_space<hbm>> -> memref<1000001xf32, #tpu.memory_space<hbm>>
    %dma_start3A_184 = arith.constant 0 : i32
    %dma_start3A_185 = tpu.memref_slice %dma_start3A_183[%dma_start3A_184] : memref<1000001xf32, #tpu.memory_space<hbm>> -> memref<1000001xf32, #tpu.memory_space<hbm>>
    tpu.enqueue_indirect_dma source(%dma_start3A_185 : memref<1000001xf32, #tpu.memory_space<hbm>>) target(%arg20 : memref<128xf32, #tpu.memory_space<vmem>>) offsets(%dma_start3A_180 : memref<128xi32, #tpu.memory_space<vmem>>) semaphore(%arg42 : memref<!tpu.dma_semaphore, #tpu.memory_space<semaphore_mem>>)
    %dma_start3A_186 = arith.constant 11 : i32
    %dma_start3A_187 = arith.constant 0 : i32
    %dma_start3A_188 = tpu.memref_slice %arg8[%dma_start3A_187] : memref<512xi32, #tpu.memory_space<vmem>> -> memref<128xi32, #tpu.memory_space<vmem>>
    %dma_start3A_189 = arith.constant 0 : i32
    %dma_start3A_190 = tpu.memref_slice %arg5[%dma_start3A_186, %dma_start3A_189] : memref<16x1000001xf32, #tpu.memory_space<hbm>> -> memref<1x1000001xf32, #tpu.memory_space<hbm>>
    %dma_start3A_191 = tpu.memref_squeeze %dma_start3A_190 : memref<1x1000001xf32, #tpu.memory_space<hbm>> -> memref<1000001xf32, #tpu.memory_space<hbm>>
    %dma_start3A_192 = arith.constant 0 : i32
    %dma_start3A_193 = tpu.memref_slice %dma_start3A_191[%dma_start3A_192] : memref<1000001xf32, #tpu.memory_space<hbm>> -> memref<1000001xf32, #tpu.memory_space<hbm>>
    tpu.enqueue_indirect_dma source(%dma_start3A_193 : memref<1000001xf32, #tpu.memory_space<hbm>>) target(%arg36 : memref<128xf32, #tpu.memory_space<vmem>>) offsets(%dma_start3A_188 : memref<128xi32, #tpu.memory_space<vmem>>) semaphore(%arg42 : memref<!tpu.dma_semaphore, #tpu.memory_space<semaphore_mem>>)
    %dma_start3A_194 = arith.constant 12 : i32
    %dma_start3A_195 = arith.constant 0 : i32
    %dma_start3A_196 = tpu.memref_slice %arg7[%dma_start3A_195] : memref<512xi32, #tpu.memory_space<vmem>> -> memref<128xi32, #tpu.memory_space<vmem>>
    %dma_start3A_197 = arith.constant 0 : i32
    %dma_start3A_198 = tpu.memref_slice %arg4[%dma_start3A_194, %dma_start3A_197] : memref<16x1000001xf32, #tpu.memory_space<hbm>> -> memref<1x1000001xf32, #tpu.memory_space<hbm>>
    %dma_start3A_199 = tpu.memref_squeeze %dma_start3A_198 : memref<1x1000001xf32, #tpu.memory_space<hbm>> -> memref<1000001xf32, #tpu.memory_space<hbm>>
    %dma_start3A_200 = arith.constant 0 : i32
    %dma_start3A_201 = tpu.memref_slice %dma_start3A_199[%dma_start3A_200] : memref<1000001xf32, #tpu.memory_space<hbm>> -> memref<1000001xf32, #tpu.memory_space<hbm>>
    tpu.enqueue_indirect_dma source(%dma_start3A_201 : memref<1000001xf32, #tpu.memory_space<hbm>>) target(%arg21 : memref<128xf32, #tpu.memory_space<vmem>>) offsets(%dma_start3A_196 : memref<128xi32, #tpu.memory_space<vmem>>) semaphore(%arg42 : memref<!tpu.dma_semaphore, #tpu.memory_space<semaphore_mem>>)
    %dma_start3A_202 = arith.constant 12 : i32
    %dma_start3A_203 = arith.constant 0 : i32
    %dma_start3A_204 = tpu.memref_slice %arg8[%dma_start3A_203] : memref<512xi32, #tpu.memory_space<vmem>> -> memref<128xi32, #tpu.memory_space<vmem>>
    %dma_start3A_205 = arith.constant 0 : i32
    %dma_start3A_206 = tpu.memref_slice %arg5[%dma_start3A_202, %dma_start3A_205] : memref<16x1000001xf32, #tpu.memory_space<hbm>> -> memref<1x1000001xf32, #tpu.memory_space<hbm>>
    %dma_start3A_207 = tpu.memref_squeeze %dma_start3A_206 : memref<1x1000001xf32, #tpu.memory_space<hbm>> -> memref<1000001xf32, #tpu.memory_space<hbm>>
    %dma_start3A_208 = arith.constant 0 : i32
    %dma_start3A_209 = tpu.memref_slice %dma_start3A_207[%dma_start3A_208] : memref<1000001xf32, #tpu.memory_space<hbm>> -> memref<1000001xf32, #tpu.memory_space<hbm>>
    tpu.enqueue_indirect_dma source(%dma_start3A_209 : memref<1000001xf32, #tpu.memory_space<hbm>>) target(%arg37 : memref<128xf32, #tpu.memory_space<vmem>>) offsets(%dma_start3A_204 : memref<128xi32, #tpu.memory_space<vmem>>) semaphore(%arg42 : memref<!tpu.dma_semaphore, #tpu.memory_space<semaphore_mem>>)
    %dma_start3A_210 = arith.constant 13 : i32
    %dma_start3A_211 = arith.constant 0 : i32
    %dma_start3A_212 = tpu.memref_slice %arg7[%dma_start3A_211] : memref<512xi32, #tpu.memory_space<vmem>> -> memref<128xi32, #tpu.memory_space<vmem>>
    %dma_start3A_213 = arith.constant 0 : i32
    %dma_start3A_214 = tpu.memref_slice %arg4[%dma_start3A_210, %dma_start3A_213] : memref<16x1000001xf32, #tpu.memory_space<hbm>> -> memref<1x1000001xf32, #tpu.memory_space<hbm>>
    %dma_start3A_215 = tpu.memref_squeeze %dma_start3A_214 : memref<1x1000001xf32, #tpu.memory_space<hbm>> -> memref<1000001xf32, #tpu.memory_space<hbm>>
    %dma_start3A_216 = arith.constant 0 : i32
    %dma_start3A_217 = tpu.memref_slice %dma_start3A_215[%dma_start3A_216] : memref<1000001xf32, #tpu.memory_space<hbm>> -> memref<1000001xf32, #tpu.memory_space<hbm>>
    tpu.enqueue_indirect_dma source(%dma_start3A_217 : memref<1000001xf32, #tpu.memory_space<hbm>>) target(%arg22 : memref<128xf32, #tpu.memory_space<vmem>>) offsets(%dma_start3A_212 : memref<128xi32, #tpu.memory_space<vmem>>) semaphore(%arg42 : memref<!tpu.dma_semaphore, #tpu.memory_space<semaphore_mem>>)
    %dma_start3A_218 = arith.constant 13 : i32
    %dma_start3A_219 = arith.constant 0 : i32
    %dma_start3A_220 = tpu.memref_slice %arg8[%dma_start3A_219] : memref<512xi32, #tpu.memory_space<vmem>> -> memref<128xi32, #tpu.memory_space<vmem>>
    %dma_start3A_221 = arith.constant 0 : i32
    %dma_start3A_222 = tpu.memref_slice %arg5[%dma_start3A_218, %dma_start3A_221] : memref<16x1000001xf32, #tpu.memory_space<hbm>> -> memref<1x1000001xf32, #tpu.memory_space<hbm>>
    %dma_start3A_223 = tpu.memref_squeeze %dma_start3A_222 : memref<1x1000001xf32, #tpu.memory_space<hbm>> -> memref<1000001xf32, #tpu.memory_space<hbm>>
    %dma_start3A_224 = arith.constant 0 : i32
    %dma_start3A_225 = tpu.memref_slice %dma_start3A_223[%dma_start3A_224] : memref<1000001xf32, #tpu.memory_space<hbm>> -> memref<1000001xf32, #tpu.memory_space<hbm>>
    tpu.enqueue_indirect_dma source(%dma_start3A_225 : memref<1000001xf32, #tpu.memory_space<hbm>>) target(%arg38 : memref<128xf32, #tpu.memory_space<vmem>>) offsets(%dma_start3A_220 : memref<128xi32, #tpu.memory_space<vmem>>) semaphore(%arg42 : memref<!tpu.dma_semaphore, #tpu.memory_space<semaphore_mem>>)
    %dma_start3A_226 = arith.constant 14 : i32
    %dma_start3A_227 = arith.constant 0 : i32
    %dma_start3A_228 = tpu.memref_slice %arg7[%dma_start3A_227] : memref<512xi32, #tpu.memory_space<vmem>> -> memref<128xi32, #tpu.memory_space<vmem>>
    %dma_start3A_229 = arith.constant 0 : i32
    %dma_start3A_230 = tpu.memref_slice %arg4[%dma_start3A_226, %dma_start3A_229] : memref<16x1000001xf32, #tpu.memory_space<hbm>> -> memref<1x1000001xf32, #tpu.memory_space<hbm>>
    %dma_start3A_231 = tpu.memref_squeeze %dma_start3A_230 : memref<1x1000001xf32, #tpu.memory_space<hbm>> -> memref<1000001xf32, #tpu.memory_space<hbm>>
    %dma_start3A_232 = arith.constant 0 : i32
    %dma_start3A_233 = tpu.memref_slice %dma_start3A_231[%dma_start3A_232] : memref<1000001xf32, #tpu.memory_space<hbm>> -> memref<1000001xf32, #tpu.memory_space<hbm>>
    tpu.enqueue_indirect_dma source(%dma_start3A_233 : memref<1000001xf32, #tpu.memory_space<hbm>>) target(%arg23 : memref<128xf32, #tpu.memory_space<vmem>>) offsets(%dma_start3A_228 : memref<128xi32, #tpu.memory_space<vmem>>) semaphore(%arg42 : memref<!tpu.dma_semaphore, #tpu.memory_space<semaphore_mem>>)
    %dma_start3A_234 = arith.constant 14 : i32
    %dma_start3A_235 = arith.constant 0 : i32
    %dma_start3A_236 = tpu.memref_slice %arg8[%dma_start3A_235] : memref<512xi32, #tpu.memory_space<vmem>> -> memref<128xi32, #tpu.memory_space<vmem>>
    %dma_start3A_237 = arith.constant 0 : i32
    %dma_start3A_238 = tpu.memref_slice %arg5[%dma_start3A_234, %dma_start3A_237] : memref<16x1000001xf32, #tpu.memory_space<hbm>> -> memref<1x1000001xf32, #tpu.memory_space<hbm>>
    %dma_start3A_239 = tpu.memref_squeeze %dma_start3A_238 : memref<1x1000001xf32, #tpu.memory_space<hbm>> -> memref<1000001xf32, #tpu.memory_space<hbm>>
    %dma_start3A_240 = arith.constant 0 : i32
    %dma_start3A_241 = tpu.memref_slice %dma_start3A_239[%dma_start3A_240] : memref<1000001xf32, #tpu.memory_space<hbm>> -> memref<1000001xf32, #tpu.memory_space<hbm>>
    tpu.enqueue_indirect_dma source(%dma_start3A_241 : memref<1000001xf32, #tpu.memory_space<hbm>>) target(%arg39 : memref<128xf32, #tpu.memory_space<vmem>>) offsets(%dma_start3A_236 : memref<128xi32, #tpu.memory_space<vmem>>) semaphore(%arg42 : memref<!tpu.dma_semaphore, #tpu.memory_space<semaphore_mem>>)
    %dma_start3A_242 = arith.constant 15 : i32
    %dma_start3A_243 = arith.constant 0 : i32
    %dma_start3A_244 = tpu.memref_slice %arg7[%dma_start3A_243] : memref<512xi32, #tpu.memory_space<vmem>> -> memref<128xi32, #tpu.memory_space<vmem>>
    %dma_start3A_245 = arith.constant 0 : i32
    %dma_start3A_246 = tpu.memref_slice %arg4[%dma_start3A_242, %dma_start3A_245] : memref<16x1000001xf32, #tpu.memory_space<hbm>> -> memref<1x1000001xf32, #tpu.memory_space<hbm>>
    %dma_start3A_247 = tpu.memref_squeeze %dma_start3A_246 : memref<1x1000001xf32, #tpu.memory_space<hbm>> -> memref<1000001xf32, #tpu.memory_space<hbm>>
    %dma_start3A_248 = arith.constant 0 : i32
    %dma_start3A_249 = tpu.memref_slice %dma_start3A_247[%dma_start3A_248] : memref<1000001xf32, #tpu.memory_space<hbm>> -> memref<1000001xf32, #tpu.memory_space<hbm>>
    tpu.enqueue_indirect_dma source(%dma_start3A_249 : memref<1000001xf32, #tpu.memory_space<hbm>>) target(%arg24 : memref<128xf32, #tpu.memory_space<vmem>>) offsets(%dma_start3A_244 : memref<128xi32, #tpu.memory_space<vmem>>) semaphore(%arg42 : memref<!tpu.dma_semaphore, #tpu.memory_space<semaphore_mem>>)
    %dma_start3A_250 = arith.constant 15 : i32
    %dma_start3A_251 = arith.constant 0 : i32
    %dma_start3A_252 = tpu.memref_slice %arg8[%dma_start3A_251] : memref<512xi32, #tpu.memory_space<vmem>> -> memref<128xi32, #tpu.memory_space<vmem>>
    %dma_start3A_253 = arith.constant 0 : i32
    %dma_start3A_254 = tpu.memref_slice %arg5[%dma_start3A_250, %dma_start3A_253] : memref<16x1000001xf32, #tpu.memory_space<hbm>> -> memref<1x1000001xf32, #tpu.memory_space<hbm>>
    %dma_start3A_255 = tpu.memref_squeeze %dma_start3A_254 : memref<1x1000001xf32, #tpu.memory_space<hbm>> -> memref<1000001xf32, #tpu.memory_space<hbm>>
    %dma_start3A_256 = arith.constant 0 : i32
    %dma_start3A_257 = tpu.memref_slice %dma_start3A_255[%dma_start3A_256] : memref<1000001xf32, #tpu.memory_space<hbm>> -> memref<1000001xf32, #tpu.memory_space<hbm>>
    tpu.enqueue_indirect_dma source(%dma_start3A_257 : memref<1000001xf32, #tpu.memory_space<hbm>>) target(%arg40 : memref<128xf32, #tpu.memory_space<vmem>>) offsets(%dma_start3A_252 : memref<128xi32, #tpu.memory_space<vmem>>) semaphore(%arg42 : memref<!tpu.dma_semaphore, #tpu.memory_space<semaphore_mem>>)
    %dma_wait3A = arith.constant 0 : i32
    %dma_wait3A_258 = arith.constant 0 : i32
    %dma_wait3A_259 = tpu.memref_slice %arg7[%dma_wait3A_258] : memref<512xi32, #tpu.memory_space<vmem>> -> memref<128xi32, #tpu.memory_space<vmem>>
    %dma_wait3A_260 = arith.constant 0 : i32
    %dma_wait3A_261 = tpu.memref_slice %arg4[%dma_wait3A, %dma_wait3A_260] : memref<16x1000001xf32, #tpu.memory_space<hbm>> -> memref<1x1000001xf32, #tpu.memory_space<hbm>>
    %dma_wait3A_262 = tpu.memref_squeeze %dma_wait3A_261 : memref<1x1000001xf32, #tpu.memory_space<hbm>> -> memref<1000001xf32, #tpu.memory_space<hbm>>
    %dma_wait3A_263 = arith.constant 0 : i32
    %dma_wait3A_264 = tpu.memref_slice %dma_wait3A_262[%dma_wait3A_263] : memref<1000001xf32, #tpu.memory_space<hbm>> -> memref<1000001xf32, #tpu.memory_space<hbm>>
    tpu.wait_indirect_dma semaphore(%arg42 : memref<!tpu.dma_semaphore, #tpu.memory_space<semaphore_mem>>) src(%dma_wait3A_264 : memref<1000001xf32, #tpu.memory_space<hbm>>) dst(%arg9 : memref<128xf32, #tpu.memory_space<vmem>>)
    %dma_wait3A_265 = arith.constant 0 : i32
    %dma_wait3A_266 = arith.constant 0 : i32
    %dma_wait3A_267 = tpu.memref_slice %arg8[%dma_wait3A_266] : memref<512xi32, #tpu.memory_space<vmem>> -> memref<128xi32, #tpu.memory_space<vmem>>
    %dma_wait3A_268 = arith.constant 0 : i32
    %dma_wait3A_269 = tpu.memref_slice %arg5[%dma_wait3A_265, %dma_wait3A_268] : memref<16x1000001xf32, #tpu.memory_space<hbm>> -> memref<1x1000001xf32, #tpu.memory_space<hbm>>
    %dma_wait3A_270 = tpu.memref_squeeze %dma_wait3A_269 : memref<1x1000001xf32, #tpu.memory_space<hbm>> -> memref<1000001xf32, #tpu.memory_space<hbm>>
    %dma_wait3A_271 = arith.constant 0 : i32
    %dma_wait3A_272 = tpu.memref_slice %dma_wait3A_270[%dma_wait3A_271] : memref<1000001xf32, #tpu.memory_space<hbm>> -> memref<1000001xf32, #tpu.memory_space<hbm>>
    tpu.wait_indirect_dma semaphore(%arg42 : memref<!tpu.dma_semaphore, #tpu.memory_space<semaphore_mem>>) src(%dma_wait3A_272 : memref<1000001xf32, #tpu.memory_space<hbm>>) dst(%arg25 : memref<128xf32, #tpu.memory_space<vmem>>)
    %dma_wait3A_273 = arith.constant 1 : i32
    %dma_wait3A_274 = arith.constant 0 : i32
    %dma_wait3A_275 = tpu.memref_slice %arg7[%dma_wait3A_274] : memref<512xi32, #tpu.memory_space<vmem>> -> memref<128xi32, #tpu.memory_space<vmem>>
    %dma_wait3A_276 = arith.constant 0 : i32
    %dma_wait3A_277 = tpu.memref_slice %arg4[%dma_wait3A_273, %dma_wait3A_276] : memref<16x1000001xf32, #tpu.memory_space<hbm>> -> memref<1x1000001xf32, #tpu.memory_space<hbm>>
    %dma_wait3A_278 = tpu.memref_squeeze %dma_wait3A_277 : memref<1x1000001xf32, #tpu.memory_space<hbm>> -> memref<1000001xf32, #tpu.memory_space<hbm>>
    %dma_wait3A_279 = arith.constant 0 : i32
    %dma_wait3A_280 = tpu.memref_slice %dma_wait3A_278[%dma_wait3A_279] : memref<1000001xf32, #tpu.memory_space<hbm>> -> memref<1000001xf32, #tpu.memory_space<hbm>>
    tpu.wait_indirect_dma semaphore(%arg42 : memref<!tpu.dma_semaphore, #tpu.memory_space<semaphore_mem>>) src(%dma_wait3A_280 : memref<1000001xf32, #tpu.memory_space<hbm>>) dst(%arg10 : memref<128xf32, #tpu.memory_space<vmem>>)
    %dma_wait3A_281 = arith.constant 1 : i32
    %dma_wait3A_282 = arith.constant 0 : i32
    %dma_wait3A_283 = tpu.memref_slice %arg8[%dma_wait3A_282] : memref<512xi32, #tpu.memory_space<vmem>> -> memref<128xi32, #tpu.memory_space<vmem>>
    %dma_wait3A_284 = arith.constant 0 : i32
    %dma_wait3A_285 = tpu.memref_slice %arg5[%dma_wait3A_281, %dma_wait3A_284] : memref<16x1000001xf32, #tpu.memory_space<hbm>> -> memref<1x1000001xf32, #tpu.memory_space<hbm>>
    %dma_wait3A_286 = tpu.memref_squeeze %dma_wait3A_285 : memref<1x1000001xf32, #tpu.memory_space<hbm>> -> memref<1000001xf32, #tpu.memory_space<hbm>>
    %dma_wait3A_287 = arith.constant 0 : i32
    %dma_wait3A_288 = tpu.memref_slice %dma_wait3A_286[%dma_wait3A_287] : memref<1000001xf32, #tpu.memory_space<hbm>> -> memref<1000001xf32, #tpu.memory_space<hbm>>
    tpu.wait_indirect_dma semaphore(%arg42 : memref<!tpu.dma_semaphore, #tpu.memory_space<semaphore_mem>>) src(%dma_wait3A_288 : memref<1000001xf32, #tpu.memory_space<hbm>>) dst(%arg26 : memref<128xf32, #tpu.memory_space<vmem>>)
    %dma_wait3A_289 = arith.constant 2 : i32
    %dma_wait3A_290 = arith.constant 0 : i32
    %dma_wait3A_291 = tpu.memref_slice %arg7[%dma_wait3A_290] : memref<512xi32, #tpu.memory_space<vmem>> -> memref<128xi32, #tpu.memory_space<vmem>>
    %dma_wait3A_292 = arith.constant 0 : i32
    %dma_wait3A_293 = tpu.memref_slice %arg4[%dma_wait3A_289, %dma_wait3A_292] : memref<16x1000001xf32, #tpu.memory_space<hbm>> -> memref<1x1000001xf32, #tpu.memory_space<hbm>>
    %dma_wait3A_294 = tpu.memref_squeeze %dma_wait3A_293 : memref<1x1000001xf32, #tpu.memory_space<hbm>> -> memref<1000001xf32, #tpu.memory_space<hbm>>
    %dma_wait3A_295 = arith.constant 0 : i32
    %dma_wait3A_296 = tpu.memref_slice %dma_wait3A_294[%dma_wait3A_295] : memref<1000001xf32, #tpu.memory_space<hbm>> -> memref<1000001xf32, #tpu.memory_space<hbm>>
    tpu.wait_indirect_dma semaphore(%arg42 : memref<!tpu.dma_semaphore, #tpu.memory_space<semaphore_mem>>) src(%dma_wait3A_296 : memref<1000001xf32, #tpu.memory_space<hbm>>) dst(%arg11 : memref<128xf32, #tpu.memory_space<vmem>>)
    %dma_wait3A_297 = arith.constant 2 : i32
    %dma_wait3A_298 = arith.constant 0 : i32
    %dma_wait3A_299 = tpu.memref_slice %arg8[%dma_wait3A_298] : memref<512xi32, #tpu.memory_space<vmem>> -> memref<128xi32, #tpu.memory_space<vmem>>
    %dma_wait3A_300 = arith.constant 0 : i32
    %dma_wait3A_301 = tpu.memref_slice %arg5[%dma_wait3A_297, %dma_wait3A_300] : memref<16x1000001xf32, #tpu.memory_space<hbm>> -> memref<1x1000001xf32, #tpu.memory_space<hbm>>
    %dma_wait3A_302 = tpu.memref_squeeze %dma_wait3A_301 : memref<1x1000001xf32, #tpu.memory_space<hbm>> -> memref<1000001xf32, #tpu.memory_space<hbm>>
    %dma_wait3A_303 = arith.constant 0 : i32
    %dma_wait3A_304 = tpu.memref_slice %dma_wait3A_302[%dma_wait3A_303] : memref<1000001xf32, #tpu.memory_space<hbm>> -> memref<1000001xf32, #tpu.memory_space<hbm>>
    tpu.wait_indirect_dma semaphore(%arg42 : memref<!tpu.dma_semaphore, #tpu.memory_space<semaphore_mem>>) src(%dma_wait3A_304 : memref<1000001xf32, #tpu.memory_space<hbm>>) dst(%arg27 : memref<128xf32, #tpu.memory_space<vmem>>)
    %dma_wait3A_305 = arith.constant 3 : i32
    %dma_wait3A_306 = arith.constant 0 : i32
    %dma_wait3A_307 = tpu.memref_slice %arg7[%dma_wait3A_306] : memref<512xi32, #tpu.memory_space<vmem>> -> memref<128xi32, #tpu.memory_space<vmem>>
    %dma_wait3A_308 = arith.constant 0 : i32
    %dma_wait3A_309 = tpu.memref_slice %arg4[%dma_wait3A_305, %dma_wait3A_308] : memref<16x1000001xf32, #tpu.memory_space<hbm>> -> memref<1x1000001xf32, #tpu.memory_space<hbm>>
    %dma_wait3A_310 = tpu.memref_squeeze %dma_wait3A_309 : memref<1x1000001xf32, #tpu.memory_space<hbm>> -> memref<1000001xf32, #tpu.memory_space<hbm>>
    %dma_wait3A_311 = arith.constant 0 : i32
    %dma_wait3A_312 = tpu.memref_slice %dma_wait3A_310[%dma_wait3A_311] : memref<1000001xf32, #tpu.memory_space<hbm>> -> memref<1000001xf32, #tpu.memory_space<hbm>>
    tpu.wait_indirect_dma semaphore(%arg42 : memref<!tpu.dma_semaphore, #tpu.memory_space<semaphore_mem>>) src(%dma_wait3A_312 : memref<1000001xf32, #tpu.memory_space<hbm>>) dst(%arg12 : memref<128xf32, #tpu.memory_space<vmem>>)
    %dma_wait3A_313 = arith.constant 3 : i32
    %dma_wait3A_314 = arith.constant 0 : i32
    %dma_wait3A_315 = tpu.memref_slice %arg8[%dma_wait3A_314] : memref<512xi32, #tpu.memory_space<vmem>> -> memref<128xi32, #tpu.memory_space<vmem>>
    %dma_wait3A_316 = arith.constant 0 : i32
    %dma_wait3A_317 = tpu.memref_slice %arg5[%dma_wait3A_313, %dma_wait3A_316] : memref<16x1000001xf32, #tpu.memory_space<hbm>> -> memref<1x1000001xf32, #tpu.memory_space<hbm>>
    %dma_wait3A_318 = tpu.memref_squeeze %dma_wait3A_317 : memref<1x1000001xf32, #tpu.memory_space<hbm>> -> memref<1000001xf32, #tpu.memory_space<hbm>>
    %dma_wait3A_319 = arith.constant 0 : i32
    %dma_wait3A_320 = tpu.memref_slice %dma_wait3A_318[%dma_wait3A_319] : memref<1000001xf32, #tpu.memory_space<hbm>> -> memref<1000001xf32, #tpu.memory_space<hbm>>
    tpu.wait_indirect_dma semaphore(%arg42 : memref<!tpu.dma_semaphore, #tpu.memory_space<semaphore_mem>>) src(%dma_wait3A_320 : memref<1000001xf32, #tpu.memory_space<hbm>>) dst(%arg28 : memref<128xf32, #tpu.memory_space<vmem>>)
    %dma_wait3A_321 = arith.constant 4 : i32
    %dma_wait3A_322 = arith.constant 0 : i32
    %dma_wait3A_323 = tpu.memref_slice %arg7[%dma_wait3A_322] : memref<512xi32, #tpu.memory_space<vmem>> -> memref<128xi32, #tpu.memory_space<vmem>>
    %dma_wait3A_324 = arith.constant 0 : i32
    %dma_wait3A_325 = tpu.memref_slice %arg4[%dma_wait3A_321, %dma_wait3A_324] : memref<16x1000001xf32, #tpu.memory_space<hbm>> -> memref<1x1000001xf32, #tpu.memory_space<hbm>>
    %dma_wait3A_326 = tpu.memref_squeeze %dma_wait3A_325 : memref<1x1000001xf32, #tpu.memory_space<hbm>> -> memref<1000001xf32, #tpu.memory_space<hbm>>
    %dma_wait3A_327 = arith.constant 0 : i32
    %dma_wait3A_328 = tpu.memref_slice %dma_wait3A_326[%dma_wait3A_327] : memref<1000001xf32, #tpu.memory_space<hbm>> -> memref<1000001xf32, #tpu.memory_space<hbm>>
    tpu.wait_indirect_dma semaphore(%arg42 : memref<!tpu.dma_semaphore, #tpu.memory_space<semaphore_mem>>) src(%dma_wait3A_328 : memref<1000001xf32, #tpu.memory_space<hbm>>) dst(%arg13 : memref<128xf32, #tpu.memory_space<vmem>>)
    %dma_wait3A_329 = arith.constant 4 : i32
    %dma_wait3A_330 = arith.constant 0 : i32
    %dma_wait3A_331 = tpu.memref_slice %arg8[%dma_wait3A_330] : memref<512xi32, #tpu.memory_space<vmem>> -> memref<128xi32, #tpu.memory_space<vmem>>
    %dma_wait3A_332 = arith.constant 0 : i32
    %dma_wait3A_333 = tpu.memref_slice %arg5[%dma_wait3A_329, %dma_wait3A_332] : memref<16x1000001xf32, #tpu.memory_space<hbm>> -> memref<1x1000001xf32, #tpu.memory_space<hbm>>
    %dma_wait3A_334 = tpu.memref_squeeze %dma_wait3A_333 : memref<1x1000001xf32, #tpu.memory_space<hbm>> -> memref<1000001xf32, #tpu.memory_space<hbm>>
    %dma_wait3A_335 = arith.constant 0 : i32
    %dma_wait3A_336 = tpu.memref_slice %dma_wait3A_334[%dma_wait3A_335] : memref<1000001xf32, #tpu.memory_space<hbm>> -> memref<1000001xf32, #tpu.memory_space<hbm>>
    tpu.wait_indirect_dma semaphore(%arg42 : memref<!tpu.dma_semaphore, #tpu.memory_space<semaphore_mem>>) src(%dma_wait3A_336 : memref<1000001xf32, #tpu.memory_space<hbm>>) dst(%arg29 : memref<128xf32, #tpu.memory_space<vmem>>)
    %dma_wait3A_337 = arith.constant 5 : i32
    %dma_wait3A_338 = arith.constant 0 : i32
    %dma_wait3A_339 = tpu.memref_slice %arg7[%dma_wait3A_338] : memref<512xi32, #tpu.memory_space<vmem>> -> memref<128xi32, #tpu.memory_space<vmem>>
    %dma_wait3A_340 = arith.constant 0 : i32
    %dma_wait3A_341 = tpu.memref_slice %arg4[%dma_wait3A_337, %dma_wait3A_340] : memref<16x1000001xf32, #tpu.memory_space<hbm>> -> memref<1x1000001xf32, #tpu.memory_space<hbm>>
    %dma_wait3A_342 = tpu.memref_squeeze %dma_wait3A_341 : memref<1x1000001xf32, #tpu.memory_space<hbm>> -> memref<1000001xf32, #tpu.memory_space<hbm>>
    %dma_wait3A_343 = arith.constant 0 : i32
    %dma_wait3A_344 = tpu.memref_slice %dma_wait3A_342[%dma_wait3A_343] : memref<1000001xf32, #tpu.memory_space<hbm>> -> memref<1000001xf32, #tpu.memory_space<hbm>>
    tpu.wait_indirect_dma semaphore(%arg42 : memref<!tpu.dma_semaphore, #tpu.memory_space<semaphore_mem>>) src(%dma_wait3A_344 : memref<1000001xf32, #tpu.memory_space<hbm>>) dst(%arg14 : memref<128xf32, #tpu.memory_space<vmem>>)
    %dma_wait3A_345 = arith.constant 5 : i32
    %dma_wait3A_346 = arith.constant 0 : i32
    %dma_wait3A_347 = tpu.memref_slice %arg8[%dma_wait3A_346] : memref<512xi32, #tpu.memory_space<vmem>> -> memref<128xi32, #tpu.memory_space<vmem>>
    %dma_wait3A_348 = arith.constant 0 : i32
    %dma_wait3A_349 = tpu.memref_slice %arg5[%dma_wait3A_345, %dma_wait3A_348] : memref<16x1000001xf32, #tpu.memory_space<hbm>> -> memref<1x1000001xf32, #tpu.memory_space<hbm>>
    %dma_wait3A_350 = tpu.memref_squeeze %dma_wait3A_349 : memref<1x1000001xf32, #tpu.memory_space<hbm>> -> memref<1000001xf32, #tpu.memory_space<hbm>>
    %dma_wait3A_351 = arith.constant 0 : i32
    %dma_wait3A_352 = tpu.memref_slice %dma_wait3A_350[%dma_wait3A_351] : memref<1000001xf32, #tpu.memory_space<hbm>> -> memref<1000001xf32, #tpu.memory_space<hbm>>
    tpu.wait_indirect_dma semaphore(%arg42 : memref<!tpu.dma_semaphore, #tpu.memory_space<semaphore_mem>>) src(%dma_wait3A_352 : memref<1000001xf32, #tpu.memory_space<hbm>>) dst(%arg30 : memref<128xf32, #tpu.memory_space<vmem>>)
    %dma_wait3A_353 = arith.constant 6 : i32
    %dma_wait3A_354 = arith.constant 0 : i32
    %dma_wait3A_355 = tpu.memref_slice %arg7[%dma_wait3A_354] : memref<512xi32, #tpu.memory_space<vmem>> -> memref<128xi32, #tpu.memory_space<vmem>>
    %dma_wait3A_356 = arith.constant 0 : i32
    %dma_wait3A_357 = tpu.memref_slice %arg4[%dma_wait3A_353, %dma_wait3A_356] : memref<16x1000001xf32, #tpu.memory_space<hbm>> -> memref<1x1000001xf32, #tpu.memory_space<hbm>>
    %dma_wait3A_358 = tpu.memref_squeeze %dma_wait3A_357 : memref<1x1000001xf32, #tpu.memory_space<hbm>> -> memref<1000001xf32, #tpu.memory_space<hbm>>
    %dma_wait3A_359 = arith.constant 0 : i32
    %dma_wait3A_360 = tpu.memref_slice %dma_wait3A_358[%dma_wait3A_359] : memref<1000001xf32, #tpu.memory_space<hbm>> -> memref<1000001xf32, #tpu.memory_space<hbm>>
    tpu.wait_indirect_dma semaphore(%arg42 : memref<!tpu.dma_semaphore, #tpu.memory_space<semaphore_mem>>) src(%dma_wait3A_360 : memref<1000001xf32, #tpu.memory_space<hbm>>) dst(%arg15 : memref<128xf32, #tpu.memory_space<vmem>>)
    %dma_wait3A_361 = arith.constant 6 : i32
    %dma_wait3A_362 = arith.constant 0 : i32
    %dma_wait3A_363 = tpu.memref_slice %arg8[%dma_wait3A_362] : memref<512xi32, #tpu.memory_space<vmem>> -> memref<128xi32, #tpu.memory_space<vmem>>
    %dma_wait3A_364 = arith.constant 0 : i32
    %dma_wait3A_365 = tpu.memref_slice %arg5[%dma_wait3A_361, %dma_wait3A_364] : memref<16x1000001xf32, #tpu.memory_space<hbm>> -> memref<1x1000001xf32, #tpu.memory_space<hbm>>
    %dma_wait3A_366 = tpu.memref_squeeze %dma_wait3A_365 : memref<1x1000001xf32, #tpu.memory_space<hbm>> -> memref<1000001xf32, #tpu.memory_space<hbm>>
    %dma_wait3A_367 = arith.constant 0 : i32
    %dma_wait3A_368 = tpu.memref_slice %dma_wait3A_366[%dma_wait3A_367] : memref<1000001xf32, #tpu.memory_space<hbm>> -> memref<1000001xf32, #tpu.memory_space<hbm>>
    tpu.wait_indirect_dma semaphore(%arg42 : memref<!tpu.dma_semaphore, #tpu.memory_space<semaphore_mem>>) src(%dma_wait3A_368 : memref<1000001xf32, #tpu.memory_space<hbm>>) dst(%arg31 : memref<128xf32, #tpu.memory_space<vmem>>)
    %dma_wait3A_369 = arith.constant 7 : i32
    %dma_wait3A_370 = arith.constant 0 : i32
    %dma_wait3A_371 = tpu.memref_slice %arg7[%dma_wait3A_370] : memref<512xi32, #tpu.memory_space<vmem>> -> memref<128xi32, #tpu.memory_space<vmem>>
    %dma_wait3A_372 = arith.constant 0 : i32
    %dma_wait3A_373 = tpu.memref_slice %arg4[%dma_wait3A_369, %dma_wait3A_372] : memref<16x1000001xf32, #tpu.memory_space<hbm>> -> memref<1x1000001xf32, #tpu.memory_space<hbm>>
    %dma_wait3A_374 = tpu.memref_squeeze %dma_wait3A_373 : memref<1x1000001xf32, #tpu.memory_space<hbm>> -> memref<1000001xf32, #tpu.memory_space<hbm>>
    %dma_wait3A_375 = arith.constant 0 : i32
    %dma_wait3A_376 = tpu.memref_slice %dma_wait3A_374[%dma_wait3A_375] : memref<1000001xf32, #tpu.memory_space<hbm>> -> memref<1000001xf32, #tpu.memory_space<hbm>>
    tpu.wait_indirect_dma semaphore(%arg42 : memref<!tpu.dma_semaphore, #tpu.memory_space<semaphore_mem>>) src(%dma_wait3A_376 : memref<1000001xf32, #tpu.memory_space<hbm>>) dst(%arg16 : memref<128xf32, #tpu.memory_space<vmem>>)
    %dma_wait3A_377 = arith.constant 7 : i32
    %dma_wait3A_378 = arith.constant 0 : i32
    %dma_wait3A_379 = tpu.memref_slice %arg8[%dma_wait3A_378] : memref<512xi32, #tpu.memory_space<vmem>> -> memref<128xi32, #tpu.memory_space<vmem>>
    %dma_wait3A_380 = arith.constant 0 : i32
    %dma_wait3A_381 = tpu.memref_slice %arg5[%dma_wait3A_377, %dma_wait3A_380] : memref<16x1000001xf32, #tpu.memory_space<hbm>> -> memref<1x1000001xf32, #tpu.memory_space<hbm>>
    %dma_wait3A_382 = tpu.memref_squeeze %dma_wait3A_381 : memref<1x1000001xf32, #tpu.memory_space<hbm>> -> memref<1000001xf32, #tpu.memory_space<hbm>>
    %dma_wait3A_383 = arith.constant 0 : i32
    %dma_wait3A_384 = tpu.memref_slice %dma_wait3A_382[%dma_wait3A_383] : memref<1000001xf32, #tpu.memory_space<hbm>> -> memref<1000001xf32, #tpu.memory_space<hbm>>
    tpu.wait_indirect_dma semaphore(%arg42 : memref<!tpu.dma_semaphore, #tpu.memory_space<semaphore_mem>>) src(%dma_wait3A_384 : memref<1000001xf32, #tpu.memory_space<hbm>>) dst(%arg32 : memref<128xf32, #tpu.memory_space<vmem>>)
    %dma_wait3A_385 = arith.constant 8 : i32
    %dma_wait3A_386 = arith.constant 0 : i32
    %dma_wait3A_387 = tpu.memref_slice %arg7[%dma_wait3A_386] : memref<512xi32, #tpu.memory_space<vmem>> -> memref<128xi32, #tpu.memory_space<vmem>>
    %dma_wait3A_388 = arith.constant 0 : i32
    %dma_wait3A_389 = tpu.memref_slice %arg4[%dma_wait3A_385, %dma_wait3A_388] : memref<16x1000001xf32, #tpu.memory_space<hbm>> -> memref<1x1000001xf32, #tpu.memory_space<hbm>>
    %dma_wait3A_390 = tpu.memref_squeeze %dma_wait3A_389 : memref<1x1000001xf32, #tpu.memory_space<hbm>> -> memref<1000001xf32, #tpu.memory_space<hbm>>
    %dma_wait3A_391 = arith.constant 0 : i32
    %dma_wait3A_392 = tpu.memref_slice %dma_wait3A_390[%dma_wait3A_391] : memref<1000001xf32, #tpu.memory_space<hbm>> -> memref<1000001xf32, #tpu.memory_space<hbm>>
    tpu.wait_indirect_dma semaphore(%arg42 : memref<!tpu.dma_semaphore, #tpu.memory_space<semaphore_mem>>) src(%dma_wait3A_392 : memref<1000001xf32, #tpu.memory_space<hbm>>) dst(%arg17 : memref<128xf32, #tpu.memory_space<vmem>>)
    %dma_wait3A_393 = arith.constant 8 : i32
    %dma_wait3A_394 = arith.constant 0 : i32
    %dma_wait3A_395 = tpu.memref_slice %arg8[%dma_wait3A_394] : memref<512xi32, #tpu.memory_space<vmem>> -> memref<128xi32, #tpu.memory_space<vmem>>
    %dma_wait3A_396 = arith.constant 0 : i32
    %dma_wait3A_397 = tpu.memref_slice %arg5[%dma_wait3A_393, %dma_wait3A_396] : memref<16x1000001xf32, #tpu.memory_space<hbm>> -> memref<1x1000001xf32, #tpu.memory_space<hbm>>
    %dma_wait3A_398 = tpu.memref_squeeze %dma_wait3A_397 : memref<1x1000001xf32, #tpu.memory_space<hbm>> -> memref<1000001xf32, #tpu.memory_space<hbm>>
    %dma_wait3A_399 = arith.constant 0 : i32
    %dma_wait3A_400 = tpu.memref_slice %dma_wait3A_398[%dma_wait3A_399] : memref<1000001xf32, #tpu.memory_space<hbm>> -> memref<1000001xf32, #tpu.memory_space<hbm>>
    tpu.wait_indirect_dma semaphore(%arg42 : memref<!tpu.dma_semaphore, #tpu.memory_space<semaphore_mem>>) src(%dma_wait3A_400 : memref<1000001xf32, #tpu.memory_space<hbm>>) dst(%arg33 : memref<128xf32, #tpu.memory_space<vmem>>)
    %dma_wait3A_401 = arith.constant 9 : i32
    %dma_wait3A_402 = arith.constant 0 : i32
    %dma_wait3A_403 = tpu.memref_slice %arg7[%dma_wait3A_402] : memref<512xi32, #tpu.memory_space<vmem>> -> memref<128xi32, #tpu.memory_space<vmem>>
    %dma_wait3A_404 = arith.constant 0 : i32
    %dma_wait3A_405 = tpu.memref_slice %arg4[%dma_wait3A_401, %dma_wait3A_404] : memref<16x1000001xf32, #tpu.memory_space<hbm>> -> memref<1x1000001xf32, #tpu.memory_space<hbm>>
    %dma_wait3A_406 = tpu.memref_squeeze %dma_wait3A_405 : memref<1x1000001xf32, #tpu.memory_space<hbm>> -> memref<1000001xf32, #tpu.memory_space<hbm>>
    %dma_wait3A_407 = arith.constant 0 : i32
    %dma_wait3A_408 = tpu.memref_slice %dma_wait3A_406[%dma_wait3A_407] : memref<1000001xf32, #tpu.memory_space<hbm>> -> memref<1000001xf32, #tpu.memory_space<hbm>>
    tpu.wait_indirect_dma semaphore(%arg42 : memref<!tpu.dma_semaphore, #tpu.memory_space<semaphore_mem>>) src(%dma_wait3A_408 : memref<1000001xf32, #tpu.memory_space<hbm>>) dst(%arg18 : memref<128xf32, #tpu.memory_space<vmem>>)
    %dma_wait3A_409 = arith.constant 9 : i32
    %dma_wait3A_410 = arith.constant 0 : i32
    %dma_wait3A_411 = tpu.memref_slice %arg8[%dma_wait3A_410] : memref<512xi32, #tpu.memory_space<vmem>> -> memref<128xi32, #tpu.memory_space<vmem>>
    %dma_wait3A_412 = arith.constant 0 : i32
    %dma_wait3A_413 = tpu.memref_slice %arg5[%dma_wait3A_409, %dma_wait3A_412] : memref<16x1000001xf32, #tpu.memory_space<hbm>> -> memref<1x1000001xf32, #tpu.memory_space<hbm>>
    %dma_wait3A_414 = tpu.memref_squeeze %dma_wait3A_413 : memref<1x1000001xf32, #tpu.memory_space<hbm>> -> memref<1000001xf32, #tpu.memory_space<hbm>>
    %dma_wait3A_415 = arith.constant 0 : i32
    %dma_wait3A_416 = tpu.memref_slice %dma_wait3A_414[%dma_wait3A_415] : memref<1000001xf32, #tpu.memory_space<hbm>> -> memref<1000001xf32, #tpu.memory_space<hbm>>
    tpu.wait_indirect_dma semaphore(%arg42 : memref<!tpu.dma_semaphore, #tpu.memory_space<semaphore_mem>>) src(%dma_wait3A_416 : memref<1000001xf32, #tpu.memory_space<hbm>>) dst(%arg34 : memref<128xf32, #tpu.memory_space<vmem>>)
    %dma_wait3A_417 = arith.constant 10 : i32
    %dma_wait3A_418 = arith.constant 0 : i32
    %dma_wait3A_419 = tpu.memref_slice %arg7[%dma_wait3A_418] : memref<512xi32, #tpu.memory_space<vmem>> -> memref<128xi32, #tpu.memory_space<vmem>>
    %dma_wait3A_420 = arith.constant 0 : i32
    %dma_wait3A_421 = tpu.memref_slice %arg4[%dma_wait3A_417, %dma_wait3A_420] : memref<16x1000001xf32, #tpu.memory_space<hbm>> -> memref<1x1000001xf32, #tpu.memory_space<hbm>>
    %dma_wait3A_422 = tpu.memref_squeeze %dma_wait3A_421 : memref<1x1000001xf32, #tpu.memory_space<hbm>> -> memref<1000001xf32, #tpu.memory_space<hbm>>
    %dma_wait3A_423 = arith.constant 0 : i32
    %dma_wait3A_424 = tpu.memref_slice %dma_wait3A_422[%dma_wait3A_423] : memref<1000001xf32, #tpu.memory_space<hbm>> -> memref<1000001xf32, #tpu.memory_space<hbm>>
    tpu.wait_indirect_dma semaphore(%arg42 : memref<!tpu.dma_semaphore, #tpu.memory_space<semaphore_mem>>) src(%dma_wait3A_424 : memref<1000001xf32, #tpu.memory_space<hbm>>) dst(%arg19 : memref<128xf32, #tpu.memory_space<vmem>>)
    %dma_wait3A_425 = arith.constant 10 : i32
    %dma_wait3A_426 = arith.constant 0 : i32
    %dma_wait3A_427 = tpu.memref_slice %arg8[%dma_wait3A_426] : memref<512xi32, #tpu.memory_space<vmem>> -> memref<128xi32, #tpu.memory_space<vmem>>
    %dma_wait3A_428 = arith.constant 0 : i32
    %dma_wait3A_429 = tpu.memref_slice %arg5[%dma_wait3A_425, %dma_wait3A_428] : memref<16x1000001xf32, #tpu.memory_space<hbm>> -> memref<1x1000001xf32, #tpu.memory_space<hbm>>
    %dma_wait3A_430 = tpu.memref_squeeze %dma_wait3A_429 : memref<1x1000001xf32, #tpu.memory_space<hbm>> -> memref<1000001xf32, #tpu.memory_space<hbm>>
    %dma_wait3A_431 = arith.constant 0 : i32
    %dma_wait3A_432 = tpu.memref_slice %dma_wait3A_430[%dma_wait3A_431] : memref<1000001xf32, #tpu.memory_space<hbm>> -> memref<1000001xf32, #tpu.memory_space<hbm>>
    tpu.wait_indirect_dma semaphore(%arg42 : memref<!tpu.dma_semaphore, #tpu.memory_space<semaphore_mem>>) src(%dma_wait3A_432 : memref<1000001xf32, #tpu.memory_space<hbm>>) dst(%arg35 : memref<128xf32, #tpu.memory_space<vmem>>)
    %dma_wait3A_433 = arith.constant 11 : i32
    %dma_wait3A_434 = arith.constant 0 : i32
    %dma_wait3A_435 = tpu.memref_slice %arg7[%dma_wait3A_434] : memref<512xi32, #tpu.memory_space<vmem>> -> memref<128xi32, #tpu.memory_space<vmem>>
    %dma_wait3A_436 = arith.constant 0 : i32
    %dma_wait3A_437 = tpu.memref_slice %arg4[%dma_wait3A_433, %dma_wait3A_436] : memref<16x1000001xf32, #tpu.memory_space<hbm>> -> memref<1x1000001xf32, #tpu.memory_space<hbm>>
    %dma_wait3A_438 = tpu.memref_squeeze %dma_wait3A_437 : memref<1x1000001xf32, #tpu.memory_space<hbm>> -> memref<1000001xf32, #tpu.memory_space<hbm>>
    %dma_wait3A_439 = arith.constant 0 : i32
    %dma_wait3A_440 = tpu.memref_slice %dma_wait3A_438[%dma_wait3A_439] : memref<1000001xf32, #tpu.memory_space<hbm>> -> memref<1000001xf32, #tpu.memory_space<hbm>>
    tpu.wait_indirect_dma semaphore(%arg42 : memref<!tpu.dma_semaphore, #tpu.memory_space<semaphore_mem>>) src(%dma_wait3A_440 : memref<1000001xf32, #tpu.memory_space<hbm>>) dst(%arg20 : memref<128xf32, #tpu.memory_space<vmem>>)
    %dma_wait3A_441 = arith.constant 11 : i32
    %dma_wait3A_442 = arith.constant 0 : i32
    %dma_wait3A_443 = tpu.memref_slice %arg8[%dma_wait3A_442] : memref<512xi32, #tpu.memory_space<vmem>> -> memref<128xi32, #tpu.memory_space<vmem>>
    %dma_wait3A_444 = arith.constant 0 : i32
    %dma_wait3A_445 = tpu.memref_slice %arg5[%dma_wait3A_441, %dma_wait3A_444] : memref<16x1000001xf32, #tpu.memory_space<hbm>> -> memref<1x1000001xf32, #tpu.memory_space<hbm>>
    %dma_wait3A_446 = tpu.memref_squeeze %dma_wait3A_445 : memref<1x1000001xf32, #tpu.memory_space<hbm>> -> memref<1000001xf32, #tpu.memory_space<hbm>>
    %dma_wait3A_447 = arith.constant 0 : i32
    %dma_wait3A_448 = tpu.memref_slice %dma_wait3A_446[%dma_wait3A_447] : memref<1000001xf32, #tpu.memory_space<hbm>> -> memref<1000001xf32, #tpu.memory_space<hbm>>
    tpu.wait_indirect_dma semaphore(%arg42 : memref<!tpu.dma_semaphore, #tpu.memory_space<semaphore_mem>>) src(%dma_wait3A_448 : memref<1000001xf32, #tpu.memory_space<hbm>>) dst(%arg36 : memref<128xf32, #tpu.memory_space<vmem>>)
    %dma_wait3A_449 = arith.constant 12 : i32
    %dma_wait3A_450 = arith.constant 0 : i32
    %dma_wait3A_451 = tpu.memref_slice %arg7[%dma_wait3A_450] : memref<512xi32, #tpu.memory_space<vmem>> -> memref<128xi32, #tpu.memory_space<vmem>>
    %dma_wait3A_452 = arith.constant 0 : i32
    %dma_wait3A_453 = tpu.memref_slice %arg4[%dma_wait3A_449, %dma_wait3A_452] : memref<16x1000001xf32, #tpu.memory_space<hbm>> -> memref<1x1000001xf32, #tpu.memory_space<hbm>>
    %dma_wait3A_454 = tpu.memref_squeeze %dma_wait3A_453 : memref<1x1000001xf32, #tpu.memory_space<hbm>> -> memref<1000001xf32, #tpu.memory_space<hbm>>
    %dma_wait3A_455 = arith.constant 0 : i32
    %dma_wait3A_456 = tpu.memref_slice %dma_wait3A_454[%dma_wait3A_455] : memref<1000001xf32, #tpu.memory_space<hbm>> -> memref<1000001xf32, #tpu.memory_space<hbm>>
    tpu.wait_indirect_dma semaphore(%arg42 : memref<!tpu.dma_semaphore, #tpu.memory_space<semaphore_mem>>) src(%dma_wait3A_456 : memref<1000001xf32, #tpu.memory_space<hbm>>) dst(%arg21 : memref<128xf32, #tpu.memory_space<vmem>>)
    %dma_wait3A_457 = arith.constant 12 : i32
    %dma_wait3A_458 = arith.constant 0 : i32
    %dma_wait3A_459 = tpu.memref_slice %arg8[%dma_wait3A_458] : memref<512xi32, #tpu.memory_space<vmem>> -> memref<128xi32, #tpu.memory_space<vmem>>
    %dma_wait3A_460 = arith.constant 0 : i32
    %dma_wait3A_461 = tpu.memref_slice %arg5[%dma_wait3A_457, %dma_wait3A_460] : memref<16x1000001xf32, #tpu.memory_space<hbm>> -> memref<1x1000001xf32, #tpu.memory_space<hbm>>
    %dma_wait3A_462 = tpu.memref_squeeze %dma_wait3A_461 : memref<1x1000001xf32, #tpu.memory_space<hbm>> -> memref<1000001xf32, #tpu.memory_space<hbm>>
    %dma_wait3A_463 = arith.constant 0 : i32
    %dma_wait3A_464 = tpu.memref_slice %dma_wait3A_462[%dma_wait3A_463] : memref<1000001xf32, #tpu.memory_space<hbm>> -> memref<1000001xf32, #tpu.memory_space<hbm>>
    tpu.wait_indirect_dma semaphore(%arg42 : memref<!tpu.dma_semaphore, #tpu.memory_space<semaphore_mem>>) src(%dma_wait3A_464 : memref<1000001xf32, #tpu.memory_space<hbm>>) dst(%arg37 : memref<128xf32, #tpu.memory_space<vmem>>)
    %dma_wait3A_465 = arith.constant 13 : i32
    %dma_wait3A_466 = arith.constant 0 : i32
    %dma_wait3A_467 = tpu.memref_slice %arg7[%dma_wait3A_466] : memref<512xi32, #tpu.memory_space<vmem>> -> memref<128xi32, #tpu.memory_space<vmem>>
    %dma_wait3A_468 = arith.constant 0 : i32
    %dma_wait3A_469 = tpu.memref_slice %arg4[%dma_wait3A_465, %dma_wait3A_468] : memref<16x1000001xf32, #tpu.memory_space<hbm>> -> memref<1x1000001xf32, #tpu.memory_space<hbm>>
    %dma_wait3A_470 = tpu.memref_squeeze %dma_wait3A_469 : memref<1x1000001xf32, #tpu.memory_space<hbm>> -> memref<1000001xf32, #tpu.memory_space<hbm>>
    %dma_wait3A_471 = arith.constant 0 : i32
    %dma_wait3A_472 = tpu.memref_slice %dma_wait3A_470[%dma_wait3A_471] : memref<1000001xf32, #tpu.memory_space<hbm>> -> memref<1000001xf32, #tpu.memory_space<hbm>>
    tpu.wait_indirect_dma semaphore(%arg42 : memref<!tpu.dma_semaphore, #tpu.memory_space<semaphore_mem>>) src(%dma_wait3A_472 : memref<1000001xf32, #tpu.memory_space<hbm>>) dst(%arg22 : memref<128xf32, #tpu.memory_space<vmem>>)
    %dma_wait3A_473 = arith.constant 13 : i32
    %dma_wait3A_474 = arith.constant 0 : i32
    %dma_wait3A_475 = tpu.memref_slice %arg8[%dma_wait3A_474] : memref<512xi32, #tpu.memory_space<vmem>> -> memref<128xi32, #tpu.memory_space<vmem>>
    %dma_wait3A_476 = arith.constant 0 : i32
    %dma_wait3A_477 = tpu.memref_slice %arg5[%dma_wait3A_473, %dma_wait3A_476] : memref<16x1000001xf32, #tpu.memory_space<hbm>> -> memref<1x1000001xf32, #tpu.memory_space<hbm>>
    %dma_wait3A_478 = tpu.memref_squeeze %dma_wait3A_477 : memref<1x1000001xf32, #tpu.memory_space<hbm>> -> memref<1000001xf32, #tpu.memory_space<hbm>>
    %dma_wait3A_479 = arith.constant 0 : i32
    %dma_wait3A_480 = tpu.memref_slice %dma_wait3A_478[%dma_wait3A_479] : memref<1000001xf32, #tpu.memory_space<hbm>> -> memref<1000001xf32, #tpu.memory_space<hbm>>
    tpu.wait_indirect_dma semaphore(%arg42 : memref<!tpu.dma_semaphore, #tpu.memory_space<semaphore_mem>>) src(%dma_wait3A_480 : memref<1000001xf32, #tpu.memory_space<hbm>>) dst(%arg38 : memref<128xf32, #tpu.memory_space<vmem>>)
    %dma_wait3A_481 = arith.constant 14 : i32
    %dma_wait3A_482 = arith.constant 0 : i32
    %dma_wait3A_483 = tpu.memref_slice %arg7[%dma_wait3A_482] : memref<512xi32, #tpu.memory_space<vmem>> -> memref<128xi32, #tpu.memory_space<vmem>>
    %dma_wait3A_484 = arith.constant 0 : i32
    %dma_wait3A_485 = tpu.memref_slice %arg4[%dma_wait3A_481, %dma_wait3A_484] : memref<16x1000001xf32, #tpu.memory_space<hbm>> -> memref<1x1000001xf32, #tpu.memory_space<hbm>>
    %dma_wait3A_486 = tpu.memref_squeeze %dma_wait3A_485 : memref<1x1000001xf32, #tpu.memory_space<hbm>> -> memref<1000001xf32, #tpu.memory_space<hbm>>
    %dma_wait3A_487 = arith.constant 0 : i32
    %dma_wait3A_488 = tpu.memref_slice %dma_wait3A_486[%dma_wait3A_487] : memref<1000001xf32, #tpu.memory_space<hbm>> -> memref<1000001xf32, #tpu.memory_space<hbm>>
    tpu.wait_indirect_dma semaphore(%arg42 : memref<!tpu.dma_semaphore, #tpu.memory_space<semaphore_mem>>) src(%dma_wait3A_488 : memref<1000001xf32, #tpu.memory_space<hbm>>) dst(%arg23 : memref<128xf32, #tpu.memory_space<vmem>>)
    %dma_wait3A_489 = arith.constant 14 : i32
    %dma_wait3A_490 = arith.constant 0 : i32
    %dma_wait3A_491 = tpu.memref_slice %arg8[%dma_wait3A_490] : memref<512xi32, #tpu.memory_space<vmem>> -> memref<128xi32, #tpu.memory_space<vmem>>
    %dma_wait3A_492 = arith.constant 0 : i32
    %dma_wait3A_493 = tpu.memref_slice %arg5[%dma_wait3A_489, %dma_wait3A_492] : memref<16x1000001xf32, #tpu.memory_space<hbm>> -> memref<1x1000001xf32, #tpu.memory_space<hbm>>
    %dma_wait3A_494 = tpu.memref_squeeze %dma_wait3A_493 : memref<1x1000001xf32, #tpu.memory_space<hbm>> -> memref<1000001xf32, #tpu.memory_space<hbm>>
    %dma_wait3A_495 = arith.constant 0 : i32
    %dma_wait3A_496 = tpu.memref_slice %dma_wait3A_494[%dma_wait3A_495] : memref<1000001xf32, #tpu.memory_space<hbm>> -> memref<1000001xf32, #tpu.memory_space<hbm>>
    tpu.wait_indirect_dma semaphore(%arg42 : memref<!tpu.dma_semaphore, #tpu.memory_space<semaphore_mem>>) src(%dma_wait3A_496 : memref<1000001xf32, #tpu.memory_space<hbm>>) dst(%arg39 : memref<128xf32, #tpu.memory_space<vmem>>)
    %dma_wait3A_497 = arith.constant 15 : i32
    %dma_wait3A_498 = arith.constant 0 : i32
    %dma_wait3A_499 = tpu.memref_slice %arg7[%dma_wait3A_498] : memref<512xi32, #tpu.memory_space<vmem>> -> memref<128xi32, #tpu.memory_space<vmem>>
    %dma_wait3A_500 = arith.constant 0 : i32
    %dma_wait3A_501 = tpu.memref_slice %arg4[%dma_wait3A_497, %dma_wait3A_500] : memref<16x1000001xf32, #tpu.memory_space<hbm>> -> memref<1x1000001xf32, #tpu.memory_space<hbm>>
    %dma_wait3A_502 = tpu.memref_squeeze %dma_wait3A_501 : memref<1x1000001xf32, #tpu.memory_space<hbm>> -> memref<1000001xf32, #tpu.memory_space<hbm>>
    %dma_wait3A_503 = arith.constant 0 : i32
    %dma_wait3A_504 = tpu.memref_slice %dma_wait3A_502[%dma_wait3A_503] : memref<1000001xf32, #tpu.memory_space<hbm>> -> memref<1000001xf32, #tpu.memory_space<hbm>>
    tpu.wait_indirect_dma semaphore(%arg42 : memref<!tpu.dma_semaphore, #tpu.memory_space<semaphore_mem>>) src(%dma_wait3A_504 : memref<1000001xf32, #tpu.memory_space<hbm>>) dst(%arg24 : memref<128xf32, #tpu.memory_space<vmem>>)
    %dma_wait3A_505 = arith.constant 15 : i32
    %dma_wait3A_506 = arith.constant 0 : i32
    %dma_wait3A_507 = tpu.memref_slice %arg8[%dma_wait3A_506] : memref<512xi32, #tpu.memory_space<vmem>> -> memref<128xi32, #tpu.memory_space<vmem>>
    %dma_wait3A_508 = arith.constant 0 : i32
    %dma_wait3A_509 = tpu.memref_slice %arg5[%dma_wait3A_505, %dma_wait3A_508] : memref<16x1000001xf32, #tpu.memory_space<hbm>> -> memref<1x1000001xf32, #tpu.memory_space<hbm>>
    %dma_wait3A_510 = tpu.memref_squeeze %dma_wait3A_509 : memref<1x1000001xf32, #tpu.memory_space<hbm>> -> memref<1000001xf32, #tpu.memory_space<hbm>>
    %dma_wait3A_511 = arith.constant 0 : i32
    %dma_wait3A_512 = tpu.memref_slice %dma_wait3A_510[%dma_wait3A_511] : memref<1000001xf32, #tpu.memory_space<hbm>> -> memref<1000001xf32, #tpu.memory_space<hbm>>
    tpu.wait_indirect_dma semaphore(%arg42 : memref<!tpu.dma_semaphore, #tpu.memory_space<semaphore_mem>>) src(%dma_wait3A_512 : memref<1000001xf32, #tpu.memory_space<hbm>>) dst(%arg40 : memref<128xf32, #tpu.memory_space<vmem>>)
    %scan3A = arith.constant 0 : i32
    %scan3A_513 = arith.constant 0 : i32
    %scan3A_514 = arith.constant 8 : i32
    %scan3A_515 = arith.addi %scan3A_513, %scan3A_514 : i32
    %scan3A_516 = arith.constant 1 : i32
    scf.for %scan3A_2072 = %scan3A_513 to %scan3A_515 step %scan3A_516  : i32 {
      %broadcast_in_dim3A = arith.constant 0.000000e+00 : f32
      %broadcast_in_dim3A_2073 = vector.broadcast %broadcast_in_dim3A : f32 to vector<16xf32>
      %mul3A_2074 = arith.constant 16 : i32
      %mul3A_2075 = arith.muli %scan3A_2072, %mul3A_2074 : i32
      %get3A = arith.index_cast %mul3A_2075 : i32 to index
      %get3A_2076 = tpu.vector_load %arg9[%get3A] {strides = array<i32>} : memref<128xf32, #tpu.memory_space<vmem>>, vector<16xf32>,
      %mul3A_2077 = arith.constant 16 : i32
      %mul3A_2078 = arith.muli %scan3A_2072, %mul3A_2077 : i32
      %get3A_2079 = arith.index_cast %mul3A_2078 : i32 to index
      %get3A_2080 = tpu.vector_load %arg25[%get3A_2079] {strides = array<i32>} : memref<128xf32, #tpu.memory_space<vmem>>, vector<16xf32>,
      %mul3A_2081 = arith.mulf %get3A_2076, %get3A_2080 : vector<16xf32>
      %add3A_2082 = arith.addf %broadcast_in_dim3A_2073, %mul3A_2081 : vector<16xf32>
      %mul3A_2083 = arith.constant 16 : i32
      %mul3A_2084 = arith.muli %scan3A_2072, %mul3A_2083 : i32
      %get3A_2085 = arith.index_cast %mul3A_2084 : i32 to index
      %get3A_2086 = tpu.vector_load %arg10[%get3A_2085] {strides = array<i32>} : memref<128xf32, #tpu.memory_space<vmem>>, vector<16xf32>,
      %mul3A_2087 = arith.constant 16 : i32
      %mul3A_2088 = arith.muli %scan3A_2072, %mul3A_2087 : i32
      %get3A_2089 = arith.index_cast %mul3A_2088 : i32 to index
      %get3A_2090 = tpu.vector_load %arg26[%get3A_2089] {strides = array<i32>} : memref<128xf32, #tpu.memory_space<vmem>>, vector<16xf32>,
      %mul3A_2091 = arith.mulf %get3A_2086, %get3A_2090 : vector<16xf32>
      %add3A_2092 = arith.addf %add3A_2082, %mul3A_2091 : vector<16xf32>
      %mul3A_2093 = arith.constant 16 : i32
      %mul3A_2094 = arith.muli %scan3A_2072, %mul3A_2093 : i32
      %get3A_2095 = arith.index_cast %mul3A_2094 : i32 to index
      %get3A_2096 = tpu.vector_load %arg11[%get3A_2095] {strides = array<i32>} : memref<128xf32, #tpu.memory_space<vmem>>, vector<16xf32>,
      %mul3A_2097 = arith.constant 16 : i32
      %mul3A_2098 = arith.muli %scan3A_2072, %mul3A_2097 : i32
      %get3A_2099 = arith.index_cast %mul3A_2098 : i32 to index
      %get3A_2100 = tpu.vector_load %arg27[%get3A_2099] {strides = array<i32>} : memref<128xf32, #tpu.memory_space<vmem>>, vector<16xf32>,
      %mul3A_2101 = arith.mulf %get3A_2096, %get3A_2100 : vector<16xf32>
      %add3A_2102 = arith.addf %add3A_2092, %mul3A_2101 : vector<16xf32>
      %mul3A_2103 = arith.constant 16 : i32
      %mul3A_2104 = arith.muli %scan3A_2072, %mul3A_2103 : i32
      %get3A_2105 = arith.index_cast %mul3A_2104 : i32 to index
      %get3A_2106 = tpu.vector_load %arg12[%get3A_2105] {strides = array<i32>} : memref<128xf32, #tpu.memory_space<vmem>>, vector<16xf32>,
      %mul3A_2107 = arith.constant 16 : i32
      %mul3A_2108 = arith.muli %scan3A_2072, %mul3A_2107 : i32
      %get3A_2109 = arith.index_cast %mul3A_2108 : i32 to index
      %get3A_2110 = tpu.vector_load %arg28[%get3A_2109] {strides = array<i32>} : memref<128xf32, #tpu.memory_space<vmem>>, vector<16xf32>,
      %mul3A_2111 = arith.mulf %get3A_2106, %get3A_2110 : vector<16xf32>
      %add3A_2112 = arith.addf %add3A_2102, %mul3A_2111 : vector<16xf32>
      %mul3A_2113 = arith.constant 16 : i32
      %mul3A_2114 = arith.muli %scan3A_2072, %mul3A_2113 : i32
      %get3A_2115 = arith.index_cast %mul3A_2114 : i32 to index
      %get3A_2116 = tpu.vector_load %arg13[%get3A_2115] {strides = array<i32>} : memref<128xf32, #tpu.memory_space<vmem>>, vector<16xf32>,
      %mul3A_2117 = arith.constant 16 : i32
      %mul3A_2118 = arith.muli %scan3A_2072, %mul3A_2117 : i32
      %get3A_2119 = arith.index_cast %mul3A_2118 : i32 to index
      %get3A_2120 = tpu.vector_load %arg29[%get3A_2119] {strides = array<i32>} : memref<128xf32, #tpu.memory_space<vmem>>, vector<16xf32>,
      %mul3A_2121 = arith.mulf %get3A_2116, %get3A_2120 : vector<16xf32>
      %add3A_2122 = arith.addf %add3A_2112, %mul3A_2121 : vector<16xf32>
      %mul3A_2123 = arith.constant 16 : i32
      %mul3A_2124 = arith.muli %scan3A_2072, %mul3A_2123 : i32
      %get3A_2125 = arith.index_cast %mul3A_2124 : i32 to index
      %get3A_2126 = tpu.vector_load %arg14[%get3A_2125] {strides = array<i32>} : memref<128xf32, #tpu.memory_space<vmem>>, vector<16xf32>,
      %mul3A_2127 = arith.constant 16 : i32
      %mul3A_2128 = arith.muli %scan3A_2072, %mul3A_2127 : i32
      %get3A_2129 = arith.index_cast %mul3A_2128 : i32 to index
      %get3A_2130 = tpu.vector_load %arg30[%get3A_2129] {strides = array<i32>} : memref<128xf32, #tpu.memory_space<vmem>>, vector<16xf32>,
      %mul3A_2131 = arith.mulf %get3A_2126, %get3A_2130 : vector<16xf32>
      %add3A_2132 = arith.addf %add3A_2122, %mul3A_2131 : vector<16xf32>
      %mul3A_2133 = arith.constant 16 : i32
      %mul3A_2134 = arith.muli %scan3A_2072, %mul3A_2133 : i32
      %get3A_2135 = arith.index_cast %mul3A_2134 : i32 to index
      %get3A_2136 = tpu.vector_load %arg15[%get3A_2135] {strides = array<i32>} : memref<128xf32, #tpu.memory_space<vmem>>, vector<16xf32>,
      %mul3A_2137 = arith.constant 16 : i32
      %mul3A_2138 = arith.muli %scan3A_2072, %mul3A_2137 : i32
      %get3A_2139 = arith.index_cast %mul3A_2138 : i32 to index
      %get3A_2140 = tpu.vector_load %arg31[%get3A_2139] {strides = array<i32>} : memref<128xf32, #tpu.memory_space<vmem>>, vector<16xf32>,
      %mul3A_2141 = arith.mulf %get3A_2136, %get3A_2140 : vector<16xf32>
      %add3A_2142 = arith.addf %add3A_2132, %mul3A_2141 : vector<16xf32>
      %mul3A_2143 = arith.constant 16 : i32
      %mul3A_2144 = arith.muli %scan3A_2072, %mul3A_2143 : i32
      %get3A_2145 = arith.index_cast %mul3A_2144 : i32 to index
      %get3A_2146 = tpu.vector_load %arg16[%get3A_2145] {strides = array<i32>} : memref<128xf32, #tpu.memory_space<vmem>>, vector<16xf32>,
      %mul3A_2147 = arith.constant 16 : i32
      %mul3A_2148 = arith.muli %scan3A_2072, %mul3A_2147 : i32
      %get3A_2149 = arith.index_cast %mul3A_2148 : i32 to index
      %get3A_2150 = tpu.vector_load %arg32[%get3A_2149] {strides = array<i32>} : memref<128xf32, #tpu.memory_space<vmem>>, vector<16xf32>,
      %mul3A_2151 = arith.mulf %get3A_2146, %get3A_2150 : vector<16xf32>
      %add3A_2152 = arith.addf %add3A_2142, %mul3A_2151 : vector<16xf32>
      %mul3A_2153 = arith.constant 16 : i32
      %mul3A_2154 = arith.muli %scan3A_2072, %mul3A_2153 : i32
      %get3A_2155 = arith.index_cast %mul3A_2154 : i32 to index
      %get3A_2156 = tpu.vector_load %arg17[%get3A_2155] {strides = array<i32>} : memref<128xf32, #tpu.memory_space<vmem>>, vector<16xf32>,
      %mul3A_2157 = arith.constant 16 : i32
      %mul3A_2158 = arith.muli %scan3A_2072, %mul3A_2157 : i32
      %get3A_2159 = arith.index_cast %mul3A_2158 : i32 to index
      %get3A_2160 = tpu.vector_load %arg33[%get3A_2159] {strides = array<i32>} : memref<128xf32, #tpu.memory_space<vmem>>, vector<16xf32>,
      %mul3A_2161 = arith.mulf %get3A_2156, %get3A_2160 : vector<16xf32>
      %add3A_2162 = arith.addf %add3A_2152, %mul3A_2161 : vector<16xf32>
      %mul3A_2163 = arith.constant 16 : i32
      %mul3A_2164 = arith.muli %scan3A_2072, %mul3A_2163 : i32
      %get3A_2165 = arith.index_cast %mul3A_2164 : i32 to index
      %get3A_2166 = tpu.vector_load %arg18[%get3A_2165] {strides = array<i32>} : memref<128xf32, #tpu.memory_space<vmem>>, vector<16xf32>,
      %mul3A_2167 = arith.constant 16 : i32
      %mul3A_2168 = arith.muli %scan3A_2072, %mul3A_2167 : i32
      %get3A_2169 = arith.index_cast %mul3A_2168 : i32 to index
      %get3A_2170 = tpu.vector_load %arg34[%get3A_2169] {strides = array<i32>} : memref<128xf32, #tpu.memory_space<vmem>>, vector<16xf32>,
      %mul3A_2171 = arith.mulf %get3A_2166, %get3A_2170 : vector<16xf32>
      %add3A_2172 = arith.addf %add3A_2162, %mul3A_2171 : vector<16xf32>
      %mul3A_2173 = arith.constant 16 : i32
      %mul3A_2174 = arith.muli %scan3A_2072, %mul3A_2173 : i32
      %get3A_2175 = arith.index_cast %mul3A_2174 : i32 to index
      %get3A_2176 = tpu.vector_load %arg19[%get3A_2175] {strides = array<i32>} : memref<128xf32, #tpu.memory_space<vmem>>, vector<16xf32>,
      %mul3A_2177 = arith.constant 16 : i32
      %mul3A_2178 = arith.muli %scan3A_2072, %mul3A_2177 : i32
      %get3A_2179 = arith.index_cast %mul3A_2178 : i32 to index
      %get3A_2180 = tpu.vector_load %arg35[%get3A_2179] {strides = array<i32>} : memref<128xf32, #tpu.memory_space<vmem>>, vector<16xf32>,
      %mul3A_2181 = arith.mulf %get3A_2176, %get3A_2180 : vector<16xf32>
      %add3A_2182 = arith.addf %add3A_2172, %mul3A_2181 : vector<16xf32>
      %mul3A_2183 = arith.constant 16 : i32
      %mul3A_2184 = arith.muli %scan3A_2072, %mul3A_2183 : i32
      %get3A_2185 = arith.index_cast %mul3A_2184 : i32 to index
      %get3A_2186 = tpu.vector_load %arg20[%get3A_2185] {strides = array<i32>} : memref<128xf32, #tpu.memory_space<vmem>>, vector<16xf32>,
      %mul3A_2187 = arith.constant 16 : i32
      %mul3A_2188 = arith.muli %scan3A_2072, %mul3A_2187 : i32
      %get3A_2189 = arith.index_cast %mul3A_2188 : i32 to index
      %get3A_2190 = tpu.vector_load %arg36[%get3A_2189] {strides = array<i32>} : memref<128xf32, #tpu.memory_space<vmem>>, vector<16xf32>,
      %mul3A_2191 = arith.mulf %get3A_2186, %get3A_2190 : vector<16xf32>
      %add3A_2192 = arith.addf %add3A_2182, %mul3A_2191 : vector<16xf32>
      %mul3A_2193 = arith.constant 16 : i32
      %mul3A_2194 = arith.muli %scan3A_2072, %mul3A_2193 : i32
      %get3A_2195 = arith.index_cast %mul3A_2194 : i32 to index
      %get3A_2196 = tpu.vector_load %arg21[%get3A_2195] {strides = array<i32>} : memref<128xf32, #tpu.memory_space<vmem>>, vector<16xf32>,
      %mul3A_2197 = arith.constant 16 : i32
      %mul3A_2198 = arith.muli %scan3A_2072, %mul3A_2197 : i32
      %get3A_2199 = arith.index_cast %mul3A_2198 : i32 to index
      %get3A_2200 = tpu.vector_load %arg37[%get3A_2199] {strides = array<i32>} : memref<128xf32, #tpu.memory_space<vmem>>, vector<16xf32>,
      %mul3A_2201 = arith.mulf %get3A_2196, %get3A_2200 : vector<16xf32>
      %add3A_2202 = arith.addf %add3A_2192, %mul3A_2201 : vector<16xf32>
      %mul3A_2203 = arith.constant 16 : i32
      %mul3A_2204 = arith.muli %scan3A_2072, %mul3A_2203 : i32
      %get3A_2205 = arith.index_cast %mul3A_2204 : i32 to index
      %get3A_2206 = tpu.vector_load %arg22[%get3A_2205] {strides = array<i32>} : memref<128xf32, #tpu.memory_space<vmem>>, vector<16xf32>,
      %mul3A_2207 = arith.constant 16 : i32
      %mul3A_2208 = arith.muli %scan3A_2072, %mul3A_2207 : i32
      %get3A_2209 = arith.index_cast %mul3A_2208 : i32 to index
      %get3A_2210 = tpu.vector_load %arg38[%get3A_2209] {strides = array<i32>} : memref<128xf32, #tpu.memory_space<vmem>>, vector<16xf32>,
      %mul3A_2211 = arith.mulf %get3A_2206, %get3A_2210 : vector<16xf32>
      %add3A_2212 = arith.addf %add3A_2202, %mul3A_2211 : vector<16xf32>
      %mul3A_2213 = arith.constant 16 : i32
      %mul3A_2214 = arith.muli %scan3A_2072, %mul3A_2213 : i32
      %get3A_2215 = arith.index_cast %mul3A_2214 : i32 to index
      %get3A_2216 = tpu.vector_load %arg23[%get3A_2215] {strides = array<i32>} : memref<128xf32, #tpu.memory_space<vmem>>, vector<16xf32>,
      %mul3A_2217 = arith.constant 16 : i32
      %mul3A_2218 = arith.muli %scan3A_2072, %mul3A_2217 : i32
      %get3A_2219 = arith.index_cast %mul3A_2218 : i32 to index
      %get3A_2220 = tpu.vector_load %arg39[%get3A_2219] {strides = array<i32>} : memref<128xf32, #tpu.memory_space<vmem>>, vector<16xf32>,
      %mul3A_2221 = arith.mulf %get3A_2216, %get3A_2220 : vector<16xf32>
      %add3A_2222 = arith.addf %add3A_2212, %mul3A_2221 : vector<16xf32>
      %mul3A_2223 = arith.constant 16 : i32
      %mul3A_2224 = arith.muli %scan3A_2072, %mul3A_2223 : i32
      %get3A_2225 = arith.index_cast %mul3A_2224 : i32 to index
      %get3A_2226 = tpu.vector_load %arg24[%get3A_2225] {strides = array<i32>} : memref<128xf32, #tpu.memory_space<vmem>>, vector<16xf32>,
      %mul3A_2227 = arith.constant 16 : i32
      %mul3A_2228 = arith.muli %scan3A_2072, %mul3A_2227 : i32
      %get3A_2229 = arith.index_cast %mul3A_2228 : i32 to index
      %get3A_2230 = tpu.vector_load %arg40[%get3A_2229] {strides = array<i32>} : memref<128xf32, #tpu.memory_space<vmem>>, vector<16xf32>,
      %mul3A_2231 = arith.mulf %get3A_2226, %get3A_2230 : vector<16xf32>
      %add3A_2232 = arith.addf %add3A_2222, %mul3A_2231 : vector<16xf32>
      %neg3A = arith.constant 0.000000e+00 : f32
      %neg3A_2233 = vector.broadcast %neg3A : f32 to vector<16xf32>
      %neg3A_2234 = arith.subf %neg3A_2233, %add3A_2232 : vector<16xf32>
      %exp3A = math.exp %neg3A_2234 : vector<16xf32>
      %add3A_2235 = arith.constant 1.000000e+00 : f32
      %add3A_2236 = vector.broadcast %add3A_2235 : f32 to vector<16xf32>
      %add3A_2237 = arith.addf %add3A_2236, %exp3A : vector<16xf32>
      %div3A = arith.constant 1.000000e+00 : f32
      %div3A_2238 = vector.broadcast %div3A : f32 to vector<16xf32>
      %div3A_2239 = arith.divf %div3A_2238, %add3A_2237 : vector<16xf32>
      %mul3A_2240 = arith.constant 16 : i32
      %mul3A_2241 = arith.muli %scan3A_2072, %mul3A_2240 : i32
      %add3A_2242 = arith.constant 0 : i32
      %add3A_2243 = arith.addi %add3A_2242, %mul3A_2241 : i32
      %swap3A = arith.index_cast %add3A_2243 : i32 to index
      %swap3A_2244 = tpu.vector_load %arg41[%swap3A] {strides = array<i32>} : memref<512xf32, #tpu.memory_space<vmem>>, vector<16xf32>,
      tpu.vector_store %arg41[%swap3A], %div3A_2239 {strides = array<i32>} : memref<512xf32, #tpu.memory_space<vmem>>, vector<16xf32>,
    }
    %scan3A_517 = arith.constant 8 : i32
    %dma_start3A_518 = arith.constant 0 : i32
    %dma_start3A_519 = arith.constant 128 : i32
    %dma_start3A_520 = tpu.memref_slice %arg7[%dma_start3A_519] : memref<512xi32, #tpu.memory_space<vmem>> -> memref<128xi32, #tpu.memory_space<vmem>>
    %dma_start3A_521 = arith.constant 0 : i32
    %dma_start3A_522 = tpu.memref_slice %arg4[%dma_start3A_518, %dma_start3A_521] : memref<16x1000001xf32, #tpu.memory_space<hbm>> -> memref<1x1000001xf32, #tpu.memory_space<hbm>>
    %dma_start3A_523 = tpu.memref_squeeze %dma_start3A_522 : memref<1x1000001xf32, #tpu.memory_space<hbm>> -> memref<1000001xf32, #tpu.memory_space<hbm>>
    %dma_start3A_524 = arith.constant 0 : i32
    %dma_start3A_525 = tpu.memref_slice %dma_start3A_523[%dma_start3A_524] : memref<1000001xf32, #tpu.memory_space<hbm>> -> memref<1000001xf32, #tpu.memory_space<hbm>>
    tpu.enqueue_indirect_dma source(%dma_start3A_525 : memref<1000001xf32, #tpu.memory_space<hbm>>) target(%arg9 : memref<128xf32, #tpu.memory_space<vmem>>) offsets(%dma_start3A_520 : memref<128xi32, #tpu.memory_space<vmem>>) semaphore(%arg42 : memref<!tpu.dma_semaphore, #tpu.memory_space<semaphore_mem>>)
    %dma_start3A_526 = arith.constant 0 : i32
    %dma_start3A_527 = arith.constant 128 : i32
    %dma_start3A_528 = tpu.memref_slice %arg8[%dma_start3A_527] : memref<512xi32, #tpu.memory_space<vmem>> -> memref<128xi32, #tpu.memory_space<vmem>>
    %dma_start3A_529 = arith.constant 0 : i32
    %dma_start3A_530 = tpu.memref_slice %arg5[%dma_start3A_526, %dma_start3A_529] : memref<16x1000001xf32, #tpu.memory_space<hbm>> -> memref<1x1000001xf32, #tpu.memory_space<hbm>>
    %dma_start3A_531 = tpu.memref_squeeze %dma_start3A_530 : memref<1x1000001xf32, #tpu.memory_space<hbm>> -> memref<1000001xf32, #tpu.memory_space<hbm>>
    %dma_start3A_532 = arith.constant 0 : i32
    %dma_start3A_533 = tpu.memref_slice %dma_start3A_531[%dma_start3A_532] : memref<1000001xf32, #tpu.memory_space<hbm>> -> memref<1000001xf32, #tpu.memory_space<hbm>>
    tpu.enqueue_indirect_dma source(%dma_start3A_533 : memref<1000001xf32, #tpu.memory_space<hbm>>) target(%arg25 : memref<128xf32, #tpu.memory_space<vmem>>) offsets(%dma_start3A_528 : memref<128xi32, #tpu.memory_space<vmem>>) semaphore(%arg42 : memref<!tpu.dma_semaphore, #tpu.memory_space<semaphore_mem>>)
    %dma_start3A_534 = arith.constant 1 : i32
    %dma_start3A_535 = arith.constant 128 : i32
    %dma_start3A_536 = tpu.memref_slice %arg7[%dma_start3A_535] : memref<512xi32, #tpu.memory_space<vmem>> -> memref<128xi32, #tpu.memory_space<vmem>>
    %dma_start3A_537 = arith.constant 0 : i32
    %dma_start3A_538 = tpu.memref_slice %arg4[%dma_start3A_534, %dma_start3A_537] : memref<16x1000001xf32, #tpu.memory_space<hbm>> -> memref<1x1000001xf32, #tpu.memory_space<hbm>>
    %dma_start3A_539 = tpu.memref_squeeze %dma_start3A_538 : memref<1x1000001xf32, #tpu.memory_space<hbm>> -> memref<1000001xf32, #tpu.memory_space<hbm>>
    %dma_start3A_540 = arith.constant 0 : i32
    %dma_start3A_541 = tpu.memref_slice %dma_start3A_539[%dma_start3A_540] : memref<1000001xf32, #tpu.memory_space<hbm>> -> memref<1000001xf32, #tpu.memory_space<hbm>>
    tpu.enqueue_indirect_dma source(%dma_start3A_541 : memref<1000001xf32, #tpu.memory_space<hbm>>) target(%arg10 : memref<128xf32, #tpu.memory_space<vmem>>) offsets(%dma_start3A_536 : memref<128xi32, #tpu.memory_space<vmem>>) semaphore(%arg42 : memref<!tpu.dma_semaphore, #tpu.memory_space<semaphore_mem>>)
    %dma_start3A_542 = arith.constant 1 : i32
    %dma_start3A_543 = arith.constant 128 : i32
    %dma_start3A_544 = tpu.memref_slice %arg8[%dma_start3A_543] : memref<512xi32, #tpu.memory_space<vmem>> -> memref<128xi32, #tpu.memory_space<vmem>>
    %dma_start3A_545 = arith.constant 0 : i32
    %dma_start3A_546 = tpu.memref_slice %arg5[%dma_start3A_542, %dma_start3A_545] : memref<16x1000001xf32, #tpu.memory_space<hbm>> -> memref<1x1000001xf32, #tpu.memory_space<hbm>>
    %dma_start3A_547 = tpu.memref_squeeze %dma_start3A_546 : memref<1x1000001xf32, #tpu.memory_space<hbm>> -> memref<1000001xf32, #tpu.memory_space<hbm>>
    %dma_start3A_548 = arith.constant 0 : i32
    %dma_start3A_549 = tpu.memref_slice %dma_start3A_547[%dma_start3A_548] : memref<1000001xf32, #tpu.memory_space<hbm>> -> memref<1000001xf32, #tpu.memory_space<hbm>>
    tpu.enqueue_indirect_dma source(%dma_start3A_549 : memref<1000001xf32, #tpu.memory_space<hbm>>) target(%arg26 : memref<128xf32, #tpu.memory_space<vmem>>) offsets(%dma_start3A_544 : memref<128xi32, #tpu.memory_space<vmem>>) semaphore(%arg42 : memref<!tpu.dma_semaphore, #tpu.memory_space<semaphore_mem>>)
    %dma_start3A_550 = arith.constant 2 : i32
    %dma_start3A_551 = arith.constant 128 : i32
    %dma_start3A_552 = tpu.memref_slice %arg7[%dma_start3A_551] : memref<512xi32, #tpu.memory_space<vmem>> -> memref<128xi32, #tpu.memory_space<vmem>>
    %dma_start3A_553 = arith.constant 0 : i32
    %dma_start3A_554 = tpu.memref_slice %arg4[%dma_start3A_550, %dma_start3A_553] : memref<16x1000001xf32, #tpu.memory_space<hbm>> -> memref<1x1000001xf32, #tpu.memory_space<hbm>>
    %dma_start3A_555 = tpu.memref_squeeze %dma_start3A_554 : memref<1x1000001xf32, #tpu.memory_space<hbm>> -> memref<1000001xf32, #tpu.memory_space<hbm>>
    %dma_start3A_556 = arith.constant 0 : i32
    %dma_start3A_557 = tpu.memref_slice %dma_start3A_555[%dma_start3A_556] : memref<1000001xf32, #tpu.memory_space<hbm>> -> memref<1000001xf32, #tpu.memory_space<hbm>>
    tpu.enqueue_indirect_dma source(%dma_start3A_557 : memref<1000001xf32, #tpu.memory_space<hbm>>) target(%arg11 : memref<128xf32, #tpu.memory_space<vmem>>) offsets(%dma_start3A_552 : memref<128xi32, #tpu.memory_space<vmem>>) semaphore(%arg42 : memref<!tpu.dma_semaphore, #tpu.memory_space<semaphore_mem>>)
    %dma_start3A_558 = arith.constant 2 : i32
    %dma_start3A_559 = arith.constant 128 : i32
    %dma_start3A_560 = tpu.memref_slice %arg8[%dma_start3A_559] : memref<512xi32, #tpu.memory_space<vmem>> -> memref<128xi32, #tpu.memory_space<vmem>>
    %dma_start3A_561 = arith.constant 0 : i32
    %dma_start3A_562 = tpu.memref_slice %arg5[%dma_start3A_558, %dma_start3A_561] : memref<16x1000001xf32, #tpu.memory_space<hbm>> -> memref<1x1000001xf32, #tpu.memory_space<hbm>>
    %dma_start3A_563 = tpu.memref_squeeze %dma_start3A_562 : memref<1x1000001xf32, #tpu.memory_space<hbm>> -> memref<1000001xf32, #tpu.memory_space<hbm>>
    %dma_start3A_564 = arith.constant 0 : i32
    %dma_start3A_565 = tpu.memref_slice %dma_start3A_563[%dma_start3A_564] : memref<1000001xf32, #tpu.memory_space<hbm>> -> memref<1000001xf32, #tpu.memory_space<hbm>>
    tpu.enqueue_indirect_dma source(%dma_start3A_565 : memref<1000001xf32, #tpu.memory_space<hbm>>) target(%arg27 : memref<128xf32, #tpu.memory_space<vmem>>) offsets(%dma_start3A_560 : memref<128xi32, #tpu.memory_space<vmem>>) semaphore(%arg42 : memref<!tpu.dma_semaphore, #tpu.memory_space<semaphore_mem>>)
    %dma_start3A_566 = arith.constant 3 : i32
    %dma_start3A_567 = arith.constant 128 : i32
    %dma_start3A_568 = tpu.memref_slice %arg7[%dma_start3A_567] : memref<512xi32, #tpu.memory_space<vmem>> -> memref<128xi32, #tpu.memory_space<vmem>>
    %dma_start3A_569 = arith.constant 0 : i32
    %dma_start3A_570 = tpu.memref_slice %arg4[%dma_start3A_566, %dma_start3A_569] : memref<16x1000001xf32, #tpu.memory_space<hbm>> -> memref<1x1000001xf32, #tpu.memory_space<hbm>>
    %dma_start3A_571 = tpu.memref_squeeze %dma_start3A_570 : memref<1x1000001xf32, #tpu.memory_space<hbm>> -> memref<1000001xf32, #tpu.memory_space<hbm>>
    %dma_start3A_572 = arith.constant 0 : i32
    %dma_start3A_573 = tpu.memref_slice %dma_start3A_571[%dma_start3A_572] : memref<1000001xf32, #tpu.memory_space<hbm>> -> memref<1000001xf32, #tpu.memory_space<hbm>>
    tpu.enqueue_indirect_dma source(%dma_start3A_573 : memref<1000001xf32, #tpu.memory_space<hbm>>) target(%arg12 : memref<128xf32, #tpu.memory_space<vmem>>) offsets(%dma_start3A_568 : memref<128xi32, #tpu.memory_space<vmem>>) semaphore(%arg42 : memref<!tpu.dma_semaphore, #tpu.memory_space<semaphore_mem>>)
    %dma_start3A_574 = arith.constant 3 : i32
    %dma_start3A_575 = arith.constant 128 : i32
    %dma_start3A_576 = tpu.memref_slice %arg8[%dma_start3A_575] : memref<512xi32, #tpu.memory_space<vmem>> -> memref<128xi32, #tpu.memory_space<vmem>>
    %dma_start3A_577 = arith.constant 0 : i32
    %dma_start3A_578 = tpu.memref_slice %arg5[%dma_start3A_574, %dma_start3A_577] : memref<16x1000001xf32, #tpu.memory_space<hbm>> -> memref<1x1000001xf32, #tpu.memory_space<hbm>>
    %dma_start3A_579 = tpu.memref_squeeze %dma_start3A_578 : memref<1x1000001xf32, #tpu.memory_space<hbm>> -> memref<1000001xf32, #tpu.memory_space<hbm>>
    %dma_start3A_580 = arith.constant 0 : i32
    %dma_start3A_581 = tpu.memref_slice %dma_start3A_579[%dma_start3A_580] : memref<1000001xf32, #tpu.memory_space<hbm>> -> memref<1000001xf32, #tpu.memory_space<hbm>>
    tpu.enqueue_indirect_dma source(%dma_start3A_581 : memref<1000001xf32, #tpu.memory_space<hbm>>) target(%arg28 : memref<128xf32, #tpu.memory_space<vmem>>) offsets(%dma_start3A_576 : memref<128xi32, #tpu.memory_space<vmem>>) semaphore(%arg42 : memref<!tpu.dma_semaphore, #tpu.memory_space<semaphore_mem>>)
    %dma_start3A_582 = arith.constant 4 : i32
    %dma_start3A_583 = arith.constant 128 : i32
    %dma_start3A_584 = tpu.memref_slice %arg7[%dma_start3A_583] : memref<512xi32, #tpu.memory_space<vmem>> -> memref<128xi32, #tpu.memory_space<vmem>>
    %dma_start3A_585 = arith.constant 0 : i32
    %dma_start3A_586 = tpu.memref_slice %arg4[%dma_start3A_582, %dma_start3A_585] : memref<16x1000001xf32, #tpu.memory_space<hbm>> -> memref<1x1000001xf32, #tpu.memory_space<hbm>>
    %dma_start3A_587 = tpu.memref_squeeze %dma_start3A_586 : memref<1x1000001xf32, #tpu.memory_space<hbm>> -> memref<1000001xf32, #tpu.memory_space<hbm>>
    %dma_start3A_588 = arith.constant 0 : i32
    %dma_start3A_589 = tpu.memref_slice %dma_start3A_587[%dma_start3A_588] : memref<1000001xf32, #tpu.memory_space<hbm>> -> memref<1000001xf32, #tpu.memory_space<hbm>>
    tpu.enqueue_indirect_dma source(%dma_start3A_589 : memref<1000001xf32, #tpu.memory_space<hbm>>) target(%arg13 : memref<128xf32, #tpu.memory_space<vmem>>) offsets(%dma_start3A_584 : memref<128xi32, #tpu.memory_space<vmem>>) semaphore(%arg42 : memref<!tpu.dma_semaphore, #tpu.memory_space<semaphore_mem>>)
    %dma_start3A_590 = arith.constant 4 : i32
    %dma_start3A_591 = arith.constant 128 : i32
    %dma_start3A_592 = tpu.memref_slice %arg8[%dma_start3A_591] : memref<512xi32, #tpu.memory_space<vmem>> -> memref<128xi32, #tpu.memory_space<vmem>>
    %dma_start3A_593 = arith.constant 0 : i32
    %dma_start3A_594 = tpu.memref_slice %arg5[%dma_start3A_590, %dma_start3A_593] : memref<16x1000001xf32, #tpu.memory_space<hbm>> -> memref<1x1000001xf32, #tpu.memory_space<hbm>>
    %dma_start3A_595 = tpu.memref_squeeze %dma_start3A_594 : memref<1x1000001xf32, #tpu.memory_space<hbm>> -> memref<1000001xf32, #tpu.memory_space<hbm>>
    %dma_start3A_596 = arith.constant 0 : i32
    %dma_start3A_597 = tpu.memref_slice %dma_start3A_595[%dma_start3A_596] : memref<1000001xf32, #tpu.memory_space<hbm>> -> memref<1000001xf32, #tpu.memory_space<hbm>>
    tpu.enqueue_indirect_dma source(%dma_start3A_597 : memref<1000001xf32, #tpu.memory_space<hbm>>) target(%arg29 : memref<128xf32, #tpu.memory_space<vmem>>) offsets(%dma_start3A_592 : memref<128xi32, #tpu.memory_space<vmem>>) semaphore(%arg42 : memref<!tpu.dma_semaphore, #tpu.memory_space<semaphore_mem>>)
    %dma_start3A_598 = arith.constant 5 : i32
    %dma_start3A_599 = arith.constant 128 : i32
    %dma_start3A_600 = tpu.memref_slice %arg7[%dma_start3A_599] : memref<512xi32, #tpu.memory_space<vmem>> -> memref<128xi32, #tpu.memory_space<vmem>>
    %dma_start3A_601 = arith.constant 0 : i32
    %dma_start3A_602 = tpu.memref_slice %arg4[%dma_start3A_598, %dma_start3A_601] : memref<16x1000001xf32, #tpu.memory_space<hbm>> -> memref<1x1000001xf32, #tpu.memory_space<hbm>>
    %dma_start3A_603 = tpu.memref_squeeze %dma_start3A_602 : memref<1x1000001xf32, #tpu.memory_space<hbm>> -> memref<1000001xf32, #tpu.memory_space<hbm>>
    %dma_start3A_604 = arith.constant 0 : i32
    %dma_start3A_605 = tpu.memref_slice %dma_start3A_603[%dma_start3A_604] : memref<1000001xf32, #tpu.memory_space<hbm>> -> memref<1000001xf32, #tpu.memory_space<hbm>>
    tpu.enqueue_indirect_dma source(%dma_start3A_605 : memref<1000001xf32, #tpu.memory_space<hbm>>) target(%arg14 : memref<128xf32, #tpu.memory_space<vmem>>) offsets(%dma_start3A_600 : memref<128xi32, #tpu.memory_space<vmem>>) semaphore(%arg42 : memref<!tpu.dma_semaphore, #tpu.memory_space<semaphore_mem>>)
    %dma_start3A_606 = arith.constant 5 : i32
    %dma_start3A_607 = arith.constant 128 : i32
    %dma_start3A_608 = tpu.memref_slice %arg8[%dma_start3A_607] : memref<512xi32, #tpu.memory_space<vmem>> -> memref<128xi32, #tpu.memory_space<vmem>>
    %dma_start3A_609 = arith.constant 0 : i32
    %dma_start3A_610 = tpu.memref_slice %arg5[%dma_start3A_606, %dma_start3A_609] : memref<16x1000001xf32, #tpu.memory_space<hbm>> -> memref<1x1000001xf32, #tpu.memory_space<hbm>>
    %dma_start3A_611 = tpu.memref_squeeze %dma_start3A_610 : memref<1x1000001xf32, #tpu.memory_space<hbm>> -> memref<1000001xf32, #tpu.memory_space<hbm>>
    %dma_start3A_612 = arith.constant 0 : i32
    %dma_start3A_613 = tpu.memref_slice %dma_start3A_611[%dma_start3A_612] : memref<1000001xf32, #tpu.memory_space<hbm>> -> memref<1000001xf32, #tpu.memory_space<hbm>>
    tpu.enqueue_indirect_dma source(%dma_start3A_613 : memref<1000001xf32, #tpu.memory_space<hbm>>) target(%arg30 : memref<128xf32, #tpu.memory_space<vmem>>) offsets(%dma_start3A_608 : memref<128xi32, #tpu.memory_space<vmem>>) semaphore(%arg42 : memref<!tpu.dma_semaphore, #tpu.memory_space<semaphore_mem>>)
    %dma_start3A_614 = arith.constant 6 : i32
    %dma_start3A_615 = arith.constant 128 : i32
    %dma_start3A_616 = tpu.memref_slice %arg7[%dma_start3A_615] : memref<512xi32, #tpu.memory_space<vmem>> -> memref<128xi32, #tpu.memory_space<vmem>>
    %dma_start3A_617 = arith.constant 0 : i32
    %dma_start3A_618 = tpu.memref_slice %arg4[%dma_start3A_614, %dma_start3A_617] : memref<16x1000001xf32, #tpu.memory_space<hbm>> -> memref<1x1000001xf32, #tpu.memory_space<hbm>>
    %dma_start3A_619 = tpu.memref_squeeze %dma_start3A_618 : memref<1x1000001xf32, #tpu.memory_space<hbm>> -> memref<1000001xf32, #tpu.memory_space<hbm>>
    %dma_start3A_620 = arith.constant 0 : i32
    %dma_start3A_621 = tpu.memref_slice %dma_start3A_619[%dma_start3A_620] : memref<1000001xf32, #tpu.memory_space<hbm>> -> memref<1000001xf32, #tpu.memory_space<hbm>>
    tpu.enqueue_indirect_dma source(%dma_start3A_621 : memref<1000001xf32, #tpu.memory_space<hbm>>) target(%arg15 : memref<128xf32, #tpu.memory_space<vmem>>) offsets(%dma_start3A_616 : memref<128xi32, #tpu.memory_space<vmem>>) semaphore(%arg42 : memref<!tpu.dma_semaphore, #tpu.memory_space<semaphore_mem>>)
    %dma_start3A_622 = arith.constant 6 : i32
    %dma_start3A_623 = arith.constant 128 : i32
    %dma_start3A_624 = tpu.memref_slice %arg8[%dma_start3A_623] : memref<512xi32, #tpu.memory_space<vmem>> -> memref<128xi32, #tpu.memory_space<vmem>>
    %dma_start3A_625 = arith.constant 0 : i32
    %dma_start3A_626 = tpu.memref_slice %arg5[%dma_start3A_622, %dma_start3A_625] : memref<16x1000001xf32, #tpu.memory_space<hbm>> -> memref<1x1000001xf32, #tpu.memory_space<hbm>>
    %dma_start3A_627 = tpu.memref_squeeze %dma_start3A_626 : memref<1x1000001xf32, #tpu.memory_space<hbm>> -> memref<1000001xf32, #tpu.memory_space<hbm>>
    %dma_start3A_628 = arith.constant 0 : i32
    %dma_start3A_629 = tpu.memref_slice %dma_start3A_627[%dma_start3A_628] : memref<1000001xf32, #tpu.memory_space<hbm>> -> memref<1000001xf32, #tpu.memory_space<hbm>>
    tpu.enqueue_indirect_dma source(%dma_start3A_629 : memref<1000001xf32, #tpu.memory_space<hbm>>) target(%arg31 : memref<128xf32, #tpu.memory_space<vmem>>) offsets(%dma_start3A_624 : memref<128xi32, #tpu.memory_space<vmem>>) semaphore(%arg42 : memref<!tpu.dma_semaphore, #tpu.memory_space<semaphore_mem>>)
    %dma_start3A_630 = arith.constant 7 : i32
    %dma_start3A_631 = arith.constant 128 : i32
    %dma_start3A_632 = tpu.memref_slice %arg7[%dma_start3A_631] : memref<512xi32, #tpu.memory_space<vmem>> -> memref<128xi32, #tpu.memory_space<vmem>>
    %dma_start3A_633 = arith.constant 0 : i32
    %dma_start3A_634 = tpu.memref_slice %arg4[%dma_start3A_630, %dma_start3A_633] : memref<16x1000001xf32, #tpu.memory_space<hbm>> -> memref<1x1000001xf32, #tpu.memory_space<hbm>>
    %dma_start3A_635 = tpu.memref_squeeze %dma_start3A_634 : memref<1x1000001xf32, #tpu.memory_space<hbm>> -> memref<1000001xf32, #tpu.memory_space<hbm>>
    %dma_start3A_636 = arith.constant 0 : i32
    %dma_start3A_637 = tpu.memref_slice %dma_start3A_635[%dma_start3A_636] : memref<1000001xf32, #tpu.memory_space<hbm>> -> memref<1000001xf32, #tpu.memory_space<hbm>>
    tpu.enqueue_indirect_dma source(%dma_start3A_637 : memref<1000001xf32, #tpu.memory_space<hbm>>) target(%arg16 : memref<128xf32, #tpu.memory_space<vmem>>) offsets(%dma_start3A_632 : memref<128xi32, #tpu.memory_space<vmem>>) semaphore(%arg42 : memref<!tpu.dma_semaphore, #tpu.memory_space<semaphore_mem>>)
    %dma_start3A_638 = arith.constant 7 : i32
    %dma_start3A_639 = arith.constant 128 : i32
    %dma_start3A_640 = tpu.memref_slice %arg8[%dma_start3A_639] : memref<512xi32, #tpu.memory_space<vmem>> -> memref<128xi32, #tpu.memory_space<vmem>>
    %dma_start3A_641 = arith.constant 0 : i32
    %dma_start3A_642 = tpu.memref_slice %arg5[%dma_start3A_638, %dma_start3A_641] : memref<16x1000001xf32, #tpu.memory_space<hbm>> -> memref<1x1000001xf32, #tpu.memory_space<hbm>>
    %dma_start3A_643 = tpu.memref_squeeze %dma_start3A_642 : memref<1x1000001xf32, #tpu.memory_space<hbm>> -> memref<1000001xf32, #tpu.memory_space<hbm>>
    %dma_start3A_644 = arith.constant 0 : i32
    %dma_start3A_645 = tpu.memref_slice %dma_start3A_643[%dma_start3A_644] : memref<1000001xf32, #tpu.memory_space<hbm>> -> memref<1000001xf32, #tpu.memory_space<hbm>>
    tpu.enqueue_indirect_dma source(%dma_start3A_645 : memref<1000001xf32, #tpu.memory_space<hbm>>) target(%arg32 : memref<128xf32, #tpu.memory_space<vmem>>) offsets(%dma_start3A_640 : memref<128xi32, #tpu.memory_space<vmem>>) semaphore(%arg42 : memref<!tpu.dma_semaphore, #tpu.memory_space<semaphore_mem>>)
    %dma_start3A_646 = arith.constant 8 : i32
    %dma_start3A_647 = arith.constant 128 : i32
    %dma_start3A_648 = tpu.memref_slice %arg7[%dma_start3A_647] : memref<512xi32, #tpu.memory_space<vmem>> -> memref<128xi32, #tpu.memory_space<vmem>>
    %dma_start3A_649 = arith.constant 0 : i32
    %dma_start3A_650 = tpu.memref_slice %arg4[%dma_start3A_646, %dma_start3A_649] : memref<16x1000001xf32, #tpu.memory_space<hbm>> -> memref<1x1000001xf32, #tpu.memory_space<hbm>>
    %dma_start3A_651 = tpu.memref_squeeze %dma_start3A_650 : memref<1x1000001xf32, #tpu.memory_space<hbm>> -> memref<1000001xf32, #tpu.memory_space<hbm>>
    %dma_start3A_652 = arith.constant 0 : i32
    %dma_start3A_653 = tpu.memref_slice %dma_start3A_651[%dma_start3A_652] : memref<1000001xf32, #tpu.memory_space<hbm>> -> memref<1000001xf32, #tpu.memory_space<hbm>>
    tpu.enqueue_indirect_dma source(%dma_start3A_653 : memref<1000001xf32, #tpu.memory_space<hbm>>) target(%arg17 : memref<128xf32, #tpu.memory_space<vmem>>) offsets(%dma_start3A_648 : memref<128xi32, #tpu.memory_space<vmem>>) semaphore(%arg42 : memref<!tpu.dma_semaphore, #tpu.memory_space<semaphore_mem>>)
    %dma_start3A_654 = arith.constant 8 : i32
    %dma_start3A_655 = arith.constant 128 : i32
    %dma_start3A_656 = tpu.memref_slice %arg8[%dma_start3A_655] : memref<512xi32, #tpu.memory_space<vmem>> -> memref<128xi32, #tpu.memory_space<vmem>>
    %dma_start3A_657 = arith.constant 0 : i32
    %dma_start3A_658 = tpu.memref_slice %arg5[%dma_start3A_654, %dma_start3A_657] : memref<16x1000001xf32, #tpu.memory_space<hbm>> -> memref<1x1000001xf32, #tpu.memory_space<hbm>>
    %dma_start3A_659 = tpu.memref_squeeze %dma_start3A_658 : memref<1x1000001xf32, #tpu.memory_space<hbm>> -> memref<1000001xf32, #tpu.memory_space<hbm>>
    %dma_start3A_660 = arith.constant 0 : i32
    %dma_start3A_661 = tpu.memref_slice %dma_start3A_659[%dma_start3A_660] : memref<1000001xf32, #tpu.memory_space<hbm>> -> memref<1000001xf32, #tpu.memory_space<hbm>>
    tpu.enqueue_indirect_dma source(%dma_start3A_661 : memref<1000001xf32, #tpu.memory_space<hbm>>) target(%arg33 : memref<128xf32, #tpu.memory_space<vmem>>) offsets(%dma_start3A_656 : memref<128xi32, #tpu.memory_space<vmem>>) semaphore(%arg42 : memref<!tpu.dma_semaphore, #tpu.memory_space<semaphore_mem>>)
    %dma_start3A_662 = arith.constant 9 : i32
    %dma_start3A_663 = arith.constant 128 : i32
    %dma_start3A_664 = tpu.memref_slice %arg7[%dma_start3A_663] : memref<512xi32, #tpu.memory_space<vmem>> -> memref<128xi32, #tpu.memory_space<vmem>>
    %dma_start3A_665 = arith.constant 0 : i32
    %dma_start3A_666 = tpu.memref_slice %arg4[%dma_start3A_662, %dma_start3A_665] : memref<16x1000001xf32, #tpu.memory_space<hbm>> -> memref<1x1000001xf32, #tpu.memory_space<hbm>>
    %dma_start3A_667 = tpu.memref_squeeze %dma_start3A_666 : memref<1x1000001xf32, #tpu.memory_space<hbm>> -> memref<1000001xf32, #tpu.memory_space<hbm>>
    %dma_start3A_668 = arith.constant 0 : i32
    %dma_start3A_669 = tpu.memref_slice %dma_start3A_667[%dma_start3A_668] : memref<1000001xf32, #tpu.memory_space<hbm>> -> memref<1000001xf32, #tpu.memory_space<hbm>>
    tpu.enqueue_indirect_dma source(%dma_start3A_669 : memref<1000001xf32, #tpu.memory_space<hbm>>) target(%arg18 : memref<128xf32, #tpu.memory_space<vmem>>) offsets(%dma_start3A_664 : memref<128xi32, #tpu.memory_space<vmem>>) semaphore(%arg42 : memref<!tpu.dma_semaphore, #tpu.memory_space<semaphore_mem>>)
    %dma_start3A_670 = arith.constant 9 : i32
    %dma_start3A_671 = arith.constant 128 : i32
    %dma_start3A_672 = tpu.memref_slice %arg8[%dma_start3A_671] : memref<512xi32, #tpu.memory_space<vmem>> -> memref<128xi32, #tpu.memory_space<vmem>>
    %dma_start3A_673 = arith.constant 0 : i32
    %dma_start3A_674 = tpu.memref_slice %arg5[%dma_start3A_670, %dma_start3A_673] : memref<16x1000001xf32, #tpu.memory_space<hbm>> -> memref<1x1000001xf32, #tpu.memory_space<hbm>>
    %dma_start3A_675 = tpu.memref_squeeze %dma_start3A_674 : memref<1x1000001xf32, #tpu.memory_space<hbm>> -> memref<1000001xf32, #tpu.memory_space<hbm>>
    %dma_start3A_676 = arith.constant 0 : i32
    %dma_start3A_677 = tpu.memref_slice %dma_start3A_675[%dma_start3A_676] : memref<1000001xf32, #tpu.memory_space<hbm>> -> memref<1000001xf32, #tpu.memory_space<hbm>>
    tpu.enqueue_indirect_dma source(%dma_start3A_677 : memref<1000001xf32, #tpu.memory_space<hbm>>) target(%arg34 : memref<128xf32, #tpu.memory_space<vmem>>) offsets(%dma_start3A_672 : memref<128xi32, #tpu.memory_space<vmem>>) semaphore(%arg42 : memref<!tpu.dma_semaphore, #tpu.memory_space<semaphore_mem>>)
    %dma_start3A_678 = arith.constant 10 : i32
    %dma_start3A_679 = arith.constant 128 : i32
    %dma_start3A_680 = tpu.memref_slice %arg7[%dma_start3A_679] : memref<512xi32, #tpu.memory_space<vmem>> -> memref<128xi32, #tpu.memory_space<vmem>>
    %dma_start3A_681 = arith.constant 0 : i32
    %dma_start3A_682 = tpu.memref_slice %arg4[%dma_start3A_678, %dma_start3A_681] : memref<16x1000001xf32, #tpu.memory_space<hbm>> -> memref<1x1000001xf32, #tpu.memory_space<hbm>>
    %dma_start3A_683 = tpu.memref_squeeze %dma_start3A_682 : memref<1x1000001xf32, #tpu.memory_space<hbm>> -> memref<1000001xf32, #tpu.memory_space<hbm>>
    %dma_start3A_684 = arith.constant 0 : i32
    %dma_start3A_685 = tpu.memref_slice %dma_start3A_683[%dma_start3A_684] : memref<1000001xf32, #tpu.memory_space<hbm>> -> memref<1000001xf32, #tpu.memory_space<hbm>>
    tpu.enqueue_indirect_dma source(%dma_start3A_685 : memref<1000001xf32, #tpu.memory_space<hbm>>) target(%arg19 : memref<128xf32, #tpu.memory_space<vmem>>) offsets(%dma_start3A_680 : memref<128xi32, #tpu.memory_space<vmem>>) semaphore(%arg42 : memref<!tpu.dma_semaphore, #tpu.memory_space<semaphore_mem>>)
    %dma_start3A_686 = arith.constant 10 : i32
    %dma_start3A_687 = arith.constant 128 : i32
    %dma_start3A_688 = tpu.memref_slice %arg8[%dma_start3A_687] : memref<512xi32, #tpu.memory_space<vmem>> -> memref<128xi32, #tpu.memory_space<vmem>>
    %dma_start3A_689 = arith.constant 0 : i32
    %dma_start3A_690 = tpu.memref_slice %arg5[%dma_start3A_686, %dma_start3A_689] : memref<16x1000001xf32, #tpu.memory_space<hbm>> -> memref<1x1000001xf32, #tpu.memory_space<hbm>>
    %dma_start3A_691 = tpu.memref_squeeze %dma_start3A_690 : memref<1x1000001xf32, #tpu.memory_space<hbm>> -> memref<1000001xf32, #tpu.memory_space<hbm>>
    %dma_start3A_692 = arith.constant 0 : i32
    %dma_start3A_693 = tpu.memref_slice %dma_start3A_691[%dma_start3A_692] : memref<1000001xf32, #tpu.memory_space<hbm>> -> memref<1000001xf32, #tpu.memory_space<hbm>>
    tpu.enqueue_indirect_dma source(%dma_start3A_693 : memref<1000001xf32, #tpu.memory_space<hbm>>) target(%arg35 : memref<128xf32, #tpu.memory_space<vmem>>) offsets(%dma_start3A_688 : memref<128xi32, #tpu.memory_space<vmem>>) semaphore(%arg42 : memref<!tpu.dma_semaphore, #tpu.memory_space<semaphore_mem>>)
    %dma_start3A_694 = arith.constant 11 : i32
    %dma_start3A_695 = arith.constant 128 : i32
    %dma_start3A_696 = tpu.memref_slice %arg7[%dma_start3A_695] : memref<512xi32, #tpu.memory_space<vmem>> -> memref<128xi32, #tpu.memory_space<vmem>>
    %dma_start3A_697 = arith.constant 0 : i32
    %dma_start3A_698 = tpu.memref_slice %arg4[%dma_start3A_694, %dma_start3A_697] : memref<16x1000001xf32, #tpu.memory_space<hbm>> -> memref<1x1000001xf32, #tpu.memory_space<hbm>>
    %dma_start3A_699 = tpu.memref_squeeze %dma_start3A_698 : memref<1x1000001xf32, #tpu.memory_space<hbm>> -> memref<1000001xf32, #tpu.memory_space<hbm>>
    %dma_start3A_700 = arith.constant 0 : i32
    %dma_start3A_701 = tpu.memref_slice %dma_start3A_699[%dma_start3A_700] : memref<1000001xf32, #tpu.memory_space<hbm>> -> memref<1000001xf32, #tpu.memory_space<hbm>>
    tpu.enqueue_indirect_dma source(%dma_start3A_701 : memref<1000001xf32, #tpu.memory_space<hbm>>) target(%arg20 : memref<128xf32, #tpu.memory_space<vmem>>) offsets(%dma_start3A_696 : memref<128xi32, #tpu.memory_space<vmem>>) semaphore(%arg42 : memref<!tpu.dma_semaphore, #tpu.memory_space<semaphore_mem>>)
    %dma_start3A_702 = arith.constant 11 : i32
    %dma_start3A_703 = arith.constant 128 : i32
    %dma_start3A_704 = tpu.memref_slice %arg8[%dma_start3A_703] : memref<512xi32, #tpu.memory_space<vmem>> -> memref<128xi32, #tpu.memory_space<vmem>>
    %dma_start3A_705 = arith.constant 0 : i32
    %dma_start3A_706 = tpu.memref_slice %arg5[%dma_start3A_702, %dma_start3A_705] : memref<16x1000001xf32, #tpu.memory_space<hbm>> -> memref<1x1000001xf32, #tpu.memory_space<hbm>>
    %dma_start3A_707 = tpu.memref_squeeze %dma_start3A_706 : memref<1x1000001xf32, #tpu.memory_space<hbm>> -> memref<1000001xf32, #tpu.memory_space<hbm>>
    %dma_start3A_708 = arith.constant 0 : i32
    %dma_start3A_709 = tpu.memref_slice %dma_start3A_707[%dma_start3A_708] : memref<1000001xf32, #tpu.memory_space<hbm>> -> memref<1000001xf32, #tpu.memory_space<hbm>>
    tpu.enqueue_indirect_dma source(%dma_start3A_709 : memref<1000001xf32, #tpu.memory_space<hbm>>) target(%arg36 : memref<128xf32, #tpu.memory_space<vmem>>) offsets(%dma_start3A_704 : memref<128xi32, #tpu.memory_space<vmem>>) semaphore(%arg42 : memref<!tpu.dma_semaphore, #tpu.memory_space<semaphore_mem>>)
    %dma_start3A_710 = arith.constant 12 : i32
    %dma_start3A_711 = arith.constant 128 : i32
    %dma_start3A_712 = tpu.memref_slice %arg7[%dma_start3A_711] : memref<512xi32, #tpu.memory_space<vmem>> -> memref<128xi32, #tpu.memory_space<vmem>>
    %dma_start3A_713 = arith.constant 0 : i32
    %dma_start3A_714 = tpu.memref_slice %arg4[%dma_start3A_710, %dma_start3A_713] : memref<16x1000001xf32, #tpu.memory_space<hbm>> -> memref<1x1000001xf32, #tpu.memory_space<hbm>>
    %dma_start3A_715 = tpu.memref_squeeze %dma_start3A_714 : memref<1x1000001xf32, #tpu.memory_space<hbm>> -> memref<1000001xf32, #tpu.memory_space<hbm>>
    %dma_start3A_716 = arith.constant 0 : i32
    %dma_start3A_717 = tpu.memref_slice %dma_start3A_715[%dma_start3A_716] : memref<1000001xf32, #tpu.memory_space<hbm>> -> memref<1000001xf32, #tpu.memory_space<hbm>>
    tpu.enqueue_indirect_dma source(%dma_start3A_717 : memref<1000001xf32, #tpu.memory_space<hbm>>) target(%arg21 : memref<128xf32, #tpu.memory_space<vmem>>) offsets(%dma_start3A_712 : memref<128xi32, #tpu.memory_space<vmem>>) semaphore(%arg42 : memref<!tpu.dma_semaphore, #tpu.memory_space<semaphore_mem>>)
    %dma_start3A_718 = arith.constant 12 : i32
    %dma_start3A_719 = arith.constant 128 : i32
    %dma_start3A_720 = tpu.memref_slice %arg8[%dma_start3A_719] : memref<512xi32, #tpu.memory_space<vmem>> -> memref<128xi32, #tpu.memory_space<vmem>>
    %dma_start3A_721 = arith.constant 0 : i32
    %dma_start3A_722 = tpu.memref_slice %arg5[%dma_start3A_718, %dma_start3A_721] : memref<16x1000001xf32, #tpu.memory_space<hbm>> -> memref<1x1000001xf32, #tpu.memory_space<hbm>>
    %dma_start3A_723 = tpu.memref_squeeze %dma_start3A_722 : memref<1x1000001xf32, #tpu.memory_space<hbm>> -> memref<1000001xf32, #tpu.memory_space<hbm>>
    %dma_start3A_724 = arith.constant 0 : i32
    %dma_start3A_725 = tpu.memref_slice %dma_start3A_723[%dma_start3A_724] : memref<1000001xf32, #tpu.memory_space<hbm>> -> memref<1000001xf32, #tpu.memory_space<hbm>>
    tpu.enqueue_indirect_dma source(%dma_start3A_725 : memref<1000001xf32, #tpu.memory_space<hbm>>) target(%arg37 : memref<128xf32, #tpu.memory_space<vmem>>) offsets(%dma_start3A_720 : memref<128xi32, #tpu.memory_space<vmem>>) semaphore(%arg42 : memref<!tpu.dma_semaphore, #tpu.memory_space<semaphore_mem>>)
    %dma_start3A_726 = arith.constant 13 : i32
    %dma_start3A_727 = arith.constant 128 : i32
    %dma_start3A_728 = tpu.memref_slice %arg7[%dma_start3A_727] : memref<512xi32, #tpu.memory_space<vmem>> -> memref<128xi32, #tpu.memory_space<vmem>>
    %dma_start3A_729 = arith.constant 0 : i32
    %dma_start3A_730 = tpu.memref_slice %arg4[%dma_start3A_726, %dma_start3A_729] : memref<16x1000001xf32, #tpu.memory_space<hbm>> -> memref<1x1000001xf32, #tpu.memory_space<hbm>>
    %dma_start3A_731 = tpu.memref_squeeze %dma_start3A_730 : memref<1x1000001xf32, #tpu.memory_space<hbm>> -> memref<1000001xf32, #tpu.memory_space<hbm>>
    %dma_start3A_732 = arith.constant 0 : i32
    %dma_start3A_733 = tpu.memref_slice %dma_start3A_731[%dma_start3A_732] : memref<1000001xf32, #tpu.memory_space<hbm>> -> memref<1000001xf32, #tpu.memory_space<hbm>>
    tpu.enqueue_indirect_dma source(%dma_start3A_733 : memref<1000001xf32, #tpu.memory_space<hbm>>) target(%arg22 : memref<128xf32, #tpu.memory_space<vmem>>) offsets(%dma_start3A_728 : memref<128xi32, #tpu.memory_space<vmem>>) semaphore(%arg42 : memref<!tpu.dma_semaphore, #tpu.memory_space<semaphore_mem>>)
    %dma_start3A_734 = arith.constant 13 : i32
    %dma_start3A_735 = arith.constant 128 : i32
    %dma_start3A_736 = tpu.memref_slice %arg8[%dma_start3A_735] : memref<512xi32, #tpu.memory_space<vmem>> -> memref<128xi32, #tpu.memory_space<vmem>>
    %dma_start3A_737 = arith.constant 0 : i32
    %dma_start3A_738 = tpu.memref_slice %arg5[%dma_start3A_734, %dma_start3A_737] : memref<16x1000001xf32, #tpu.memory_space<hbm>> -> memref<1x1000001xf32, #tpu.memory_space<hbm>>
    %dma_start3A_739 = tpu.memref_squeeze %dma_start3A_738 : memref<1x1000001xf32, #tpu.memory_space<hbm>> -> memref<1000001xf32, #tpu.memory_space<hbm>>
    %dma_start3A_740 = arith.constant 0 : i32
    %dma_start3A_741 = tpu.memref_slice %dma_start3A_739[%dma_start3A_740] : memref<1000001xf32, #tpu.memory_space<hbm>> -> memref<1000001xf32, #tpu.memory_space<hbm>>
    tpu.enqueue_indirect_dma source(%dma_start3A_741 : memref<1000001xf32, #tpu.memory_space<hbm>>) target(%arg38 : memref<128xf32, #tpu.memory_space<vmem>>) offsets(%dma_start3A_736 : memref<128xi32, #tpu.memory_space<vmem>>) semaphore(%arg42 : memref<!tpu.dma_semaphore, #tpu.memory_space<semaphore_mem>>)
    %dma_start3A_742 = arith.constant 14 : i32
    %dma_start3A_743 = arith.constant 128 : i32
    %dma_start3A_744 = tpu.memref_slice %arg7[%dma_start3A_743] : memref<512xi32, #tpu.memory_space<vmem>> -> memref<128xi32, #tpu.memory_space<vmem>>
    %dma_start3A_745 = arith.constant 0 : i32
    %dma_start3A_746 = tpu.memref_slice %arg4[%dma_start3A_742, %dma_start3A_745] : memref<16x1000001xf32, #tpu.memory_space<hbm>> -> memref<1x1000001xf32, #tpu.memory_space<hbm>>
    %dma_start3A_747 = tpu.memref_squeeze %dma_start3A_746 : memref<1x1000001xf32, #tpu.memory_space<hbm>> -> memref<1000001xf32, #tpu.memory_space<hbm>>
    %dma_start3A_748 = arith.constant 0 : i32
    %dma_start3A_749 = tpu.memref_slice %dma_start3A_747[%dma_start3A_748] : memref<1000001xf32, #tpu.memory_space<hbm>> -> memref<1000001xf32, #tpu.memory_space<hbm>>
    tpu.enqueue_indirect_dma source(%dma_start3A_749 : memref<1000001xf32, #tpu.memory_space<hbm>>) target(%arg23 : memref<128xf32, #tpu.memory_space<vmem>>) offsets(%dma_start3A_744 : memref<128xi32, #tpu.memory_space<vmem>>) semaphore(%arg42 : memref<!tpu.dma_semaphore, #tpu.memory_space<semaphore_mem>>)
    %dma_start3A_750 = arith.constant 14 : i32
    %dma_start3A_751 = arith.constant 128 : i32
    %dma_start3A_752 = tpu.memref_slice %arg8[%dma_start3A_751] : memref<512xi32, #tpu.memory_space<vmem>> -> memref<128xi32, #tpu.memory_space<vmem>>
    %dma_start3A_753 = arith.constant 0 : i32
    %dma_start3A_754 = tpu.memref_slice %arg5[%dma_start3A_750, %dma_start3A_753] : memref<16x1000001xf32, #tpu.memory_space<hbm>> -> memref<1x1000001xf32, #tpu.memory_space<hbm>>
    %dma_start3A_755 = tpu.memref_squeeze %dma_start3A_754 : memref<1x1000001xf32, #tpu.memory_space<hbm>> -> memref<1000001xf32, #tpu.memory_space<hbm>>
    %dma_start3A_756 = arith.constant 0 : i32
    %dma_start3A_757 = tpu.memref_slice %dma_start3A_755[%dma_start3A_756] : memref<1000001xf32, #tpu.memory_space<hbm>> -> memref<1000001xf32, #tpu.memory_space<hbm>>
    tpu.enqueue_indirect_dma source(%dma_start3A_757 : memref<1000001xf32, #tpu.memory_space<hbm>>) target(%arg39 : memref<128xf32, #tpu.memory_space<vmem>>) offsets(%dma_start3A_752 : memref<128xi32, #tpu.memory_space<vmem>>) semaphore(%arg42 : memref<!tpu.dma_semaphore, #tpu.memory_space<semaphore_mem>>)
    %dma_start3A_758 = arith.constant 15 : i32
    %dma_start3A_759 = arith.constant 128 : i32
    %dma_start3A_760 = tpu.memref_slice %arg7[%dma_start3A_759] : memref<512xi32, #tpu.memory_space<vmem>> -> memref<128xi32, #tpu.memory_space<vmem>>
    %dma_start3A_761 = arith.constant 0 : i32
    %dma_start3A_762 = tpu.memref_slice %arg4[%dma_start3A_758, %dma_start3A_761] : memref<16x1000001xf32, #tpu.memory_space<hbm>> -> memref<1x1000001xf32, #tpu.memory_space<hbm>>
    %dma_start3A_763 = tpu.memref_squeeze %dma_start3A_762 : memref<1x1000001xf32, #tpu.memory_space<hbm>> -> memref<1000001xf32, #tpu.memory_space<hbm>>
    %dma_start3A_764 = arith.constant 0 : i32
    %dma_start3A_765 = tpu.memref_slice %dma_start3A_763[%dma_start3A_764] : memref<1000001xf32, #tpu.memory_space<hbm>> -> memref<1000001xf32, #tpu.memory_space<hbm>>
    tpu.enqueue_indirect_dma source(%dma_start3A_765 : memref<1000001xf32, #tpu.memory_space<hbm>>) target(%arg24 : memref<128xf32, #tpu.memory_space<vmem>>) offsets(%dma_start3A_760 : memref<128xi32, #tpu.memory_space<vmem>>) semaphore(%arg42 : memref<!tpu.dma_semaphore, #tpu.memory_space<semaphore_mem>>)
    %dma_start3A_766 = arith.constant 15 : i32
    %dma_start3A_767 = arith.constant 128 : i32
    %dma_start3A_768 = tpu.memref_slice %arg8[%dma_start3A_767] : memref<512xi32, #tpu.memory_space<vmem>> -> memref<128xi32, #tpu.memory_space<vmem>>
    %dma_start3A_769 = arith.constant 0 : i32
    %dma_start3A_770 = tpu.memref_slice %arg5[%dma_start3A_766, %dma_start3A_769] : memref<16x1000001xf32, #tpu.memory_space<hbm>> -> memref<1x1000001xf32, #tpu.memory_space<hbm>>
    %dma_start3A_771 = tpu.memref_squeeze %dma_start3A_770 : memref<1x1000001xf32, #tpu.memory_space<hbm>> -> memref<1000001xf32, #tpu.memory_space<hbm>>
    %dma_start3A_772 = arith.constant 0 : i32
    %dma_start3A_773 = tpu.memref_slice %dma_start3A_771[%dma_start3A_772] : memref<1000001xf32, #tpu.memory_space<hbm>> -> memref<1000001xf32, #tpu.memory_space<hbm>>
    tpu.enqueue_indirect_dma source(%dma_start3A_773 : memref<1000001xf32, #tpu.memory_space<hbm>>) target(%arg40 : memref<128xf32, #tpu.memory_space<vmem>>) offsets(%dma_start3A_768 : memref<128xi32, #tpu.memory_space<vmem>>) semaphore(%arg42 : memref<!tpu.dma_semaphore, #tpu.memory_space<semaphore_mem>>)
    %dma_wait3A_774 = arith.constant 0 : i32
    %dma_wait3A_775 = arith.constant 128 : i32
    %dma_wait3A_776 = tpu.memref_slice %arg7[%dma_wait3A_775] : memref<512xi32, #tpu.memory_space<vmem>> -> memref<128xi32, #tpu.memory_space<vmem>>
    %dma_wait3A_777 = arith.constant 0 : i32
    %dma_wait3A_778 = tpu.memref_slice %arg4[%dma_wait3A_774, %dma_wait3A_777] : memref<16x1000001xf32, #tpu.memory_space<hbm>> -> memref<1x1000001xf32, #tpu.memory_space<hbm>>
    %dma_wait3A_779 = tpu.memref_squeeze %dma_wait3A_778 : memref<1x1000001xf32, #tpu.memory_space<hbm>> -> memref<1000001xf32, #tpu.memory_space<hbm>>
    %dma_wait3A_780 = arith.constant 0 : i32
    %dma_wait3A_781 = tpu.memref_slice %dma_wait3A_779[%dma_wait3A_780] : memref<1000001xf32, #tpu.memory_space<hbm>> -> memref<1000001xf32, #tpu.memory_space<hbm>>
    tpu.wait_indirect_dma semaphore(%arg42 : memref<!tpu.dma_semaphore, #tpu.memory_space<semaphore_mem>>) src(%dma_wait3A_781 : memref<1000001xf32, #tpu.memory_space<hbm>>) dst(%arg9 : memref<128xf32, #tpu.memory_space<vmem>>)
    %dma_wait3A_782 = arith.constant 0 : i32
    %dma_wait3A_783 = arith.constant 128 : i32
    %dma_wait3A_784 = tpu.memref_slice %arg8[%dma_wait3A_783] : memref<512xi32, #tpu.memory_space<vmem>> -> memref<128xi32, #tpu.memory_space<vmem>>
    %dma_wait3A_785 = arith.constant 0 : i32
    %dma_wait3A_786 = tpu.memref_slice %arg5[%dma_wait3A_782, %dma_wait3A_785] : memref<16x1000001xf32, #tpu.memory_space<hbm>> -> memref<1x1000001xf32, #tpu.memory_space<hbm>>
    %dma_wait3A_787 = tpu.memref_squeeze %dma_wait3A_786 : memref<1x1000001xf32, #tpu.memory_space<hbm>> -> memref<1000001xf32, #tpu.memory_space<hbm>>
    %dma_wait3A_788 = arith.constant 0 : i32
    %dma_wait3A_789 = tpu.memref_slice %dma_wait3A_787[%dma_wait3A_788] : memref<1000001xf32, #tpu.memory_space<hbm>> -> memref<1000001xf32, #tpu.memory_space<hbm>>
    tpu.wait_indirect_dma semaphore(%arg42 : memref<!tpu.dma_semaphore, #tpu.memory_space<semaphore_mem>>) src(%dma_wait3A_789 : memref<1000001xf32, #tpu.memory_space<hbm>>) dst(%arg25 : memref<128xf32, #tpu.memory_space<vmem>>)
    %dma_wait3A_790 = arith.constant 1 : i32
    %dma_wait3A_791 = arith.constant 128 : i32
    %dma_wait3A_792 = tpu.memref_slice %arg7[%dma_wait3A_791] : memref<512xi32, #tpu.memory_space<vmem>> -> memref<128xi32, #tpu.memory_space<vmem>>
    %dma_wait3A_793 = arith.constant 0 : i32
    %dma_wait3A_794 = tpu.memref_slice %arg4[%dma_wait3A_790, %dma_wait3A_793] : memref<16x1000001xf32, #tpu.memory_space<hbm>> -> memref<1x1000001xf32, #tpu.memory_space<hbm>>
    %dma_wait3A_795 = tpu.memref_squeeze %dma_wait3A_794 : memref<1x1000001xf32, #tpu.memory_space<hbm>> -> memref<1000001xf32, #tpu.memory_space<hbm>>
    %dma_wait3A_796 = arith.constant 0 : i32
    %dma_wait3A_797 = tpu.memref_slice %dma_wait3A_795[%dma_wait3A_796] : memref<1000001xf32, #tpu.memory_space<hbm>> -> memref<1000001xf32, #tpu.memory_space<hbm>>
    tpu.wait_indirect_dma semaphore(%arg42 : memref<!tpu.dma_semaphore, #tpu.memory_space<semaphore_mem>>) src(%dma_wait3A_797 : memref<1000001xf32, #tpu.memory_space<hbm>>) dst(%arg10 : memref<128xf32, #tpu.memory_space<vmem>>)
    %dma_wait3A_798 = arith.constant 1 : i32
    %dma_wait3A_799 = arith.constant 128 : i32
    %dma_wait3A_800 = tpu.memref_slice %arg8[%dma_wait3A_799] : memref<512xi32, #tpu.memory_space<vmem>> -> memref<128xi32, #tpu.memory_space<vmem>>
    %dma_wait3A_801 = arith.constant 0 : i32
    %dma_wait3A_802 = tpu.memref_slice %arg5[%dma_wait3A_798, %dma_wait3A_801] : memref<16x1000001xf32, #tpu.memory_space<hbm>> -> memref<1x1000001xf32, #tpu.memory_space<hbm>>
    %dma_wait3A_803 = tpu.memref_squeeze %dma_wait3A_802 : memref<1x1000001xf32, #tpu.memory_space<hbm>> -> memref<1000001xf32, #tpu.memory_space<hbm>>
    %dma_wait3A_804 = arith.constant 0 : i32
    %dma_wait3A_805 = tpu.memref_slice %dma_wait3A_803[%dma_wait3A_804] : memref<1000001xf32, #tpu.memory_space<hbm>> -> memref<1000001xf32, #tpu.memory_space<hbm>>
    tpu.wait_indirect_dma semaphore(%arg42 : memref<!tpu.dma_semaphore, #tpu.memory_space<semaphore_mem>>) src(%dma_wait3A_805 : memref<1000001xf32, #tpu.memory_space<hbm>>) dst(%arg26 : memref<128xf32, #tpu.memory_space<vmem>>)
    %dma_wait3A_806 = arith.constant 2 : i32
    %dma_wait3A_807 = arith.constant 128 : i32
    %dma_wait3A_808 = tpu.memref_slice %arg7[%dma_wait3A_807] : memref<512xi32, #tpu.memory_space<vmem>> -> memref<128xi32, #tpu.memory_space<vmem>>
    %dma_wait3A_809 = arith.constant 0 : i32
    %dma_wait3A_810 = tpu.memref_slice %arg4[%dma_wait3A_806, %dma_wait3A_809] : memref<16x1000001xf32, #tpu.memory_space<hbm>> -> memref<1x1000001xf32, #tpu.memory_space<hbm>>
    %dma_wait3A_811 = tpu.memref_squeeze %dma_wait3A_810 : memref<1x1000001xf32, #tpu.memory_space<hbm>> -> memref<1000001xf32, #tpu.memory_space<hbm>>
    %dma_wait3A_812 = arith.constant 0 : i32
    %dma_wait3A_813 = tpu.memref_slice %dma_wait3A_811[%dma_wait3A_812] : memref<1000001xf32, #tpu.memory_space<hbm>> -> memref<1000001xf32, #tpu.memory_space<hbm>>
    tpu.wait_indirect_dma semaphore(%arg42 : memref<!tpu.dma_semaphore, #tpu.memory_space<semaphore_mem>>) src(%dma_wait3A_813 : memref<1000001xf32, #tpu.memory_space<hbm>>) dst(%arg11 : memref<128xf32, #tpu.memory_space<vmem>>)
    %dma_wait3A_814 = arith.constant 2 : i32
    %dma_wait3A_815 = arith.constant 128 : i32
    %dma_wait3A_816 = tpu.memref_slice %arg8[%dma_wait3A_815] : memref<512xi32, #tpu.memory_space<vmem>> -> memref<128xi32, #tpu.memory_space<vmem>>
    %dma_wait3A_817 = arith.constant 0 : i32
    %dma_wait3A_818 = tpu.memref_slice %arg5[%dma_wait3A_814, %dma_wait3A_817] : memref<16x1000001xf32, #tpu.memory_space<hbm>> -> memref<1x1000001xf32, #tpu.memory_space<hbm>>
    %dma_wait3A_819 = tpu.memref_squeeze %dma_wait3A_818 : memref<1x1000001xf32, #tpu.memory_space<hbm>> -> memref<1000001xf32, #tpu.memory_space<hbm>>
    %dma_wait3A_820 = arith.constant 0 : i32
    %dma_wait3A_821 = tpu.memref_slice %dma_wait3A_819[%dma_wait3A_820] : memref<1000001xf32, #tpu.memory_space<hbm>> -> memref<1000001xf32, #tpu.memory_space<hbm>>
    tpu.wait_indirect_dma semaphore(%arg42 : memref<!tpu.dma_semaphore, #tpu.memory_space<semaphore_mem>>) src(%dma_wait3A_821 : memref<1000001xf32, #tpu.memory_space<hbm>>) dst(%arg27 : memref<128xf32, #tpu.memory_space<vmem>>)
    %dma_wait3A_822 = arith.constant 3 : i32
    %dma_wait3A_823 = arith.constant 128 : i32
    %dma_wait3A_824 = tpu.memref_slice %arg7[%dma_wait3A_823] : memref<512xi32, #tpu.memory_space<vmem>> -> memref<128xi32, #tpu.memory_space<vmem>>
    %dma_wait3A_825 = arith.constant 0 : i32
    %dma_wait3A_826 = tpu.memref_slice %arg4[%dma_wait3A_822, %dma_wait3A_825] : memref<16x1000001xf32, #tpu.memory_space<hbm>> -> memref<1x1000001xf32, #tpu.memory_space<hbm>>
    %dma_wait3A_827 = tpu.memref_squeeze %dma_wait3A_826 : memref<1x1000001xf32, #tpu.memory_space<hbm>> -> memref<1000001xf32, #tpu.memory_space<hbm>>
    %dma_wait3A_828 = arith.constant 0 : i32
    %dma_wait3A_829 = tpu.memref_slice %dma_wait3A_827[%dma_wait3A_828] : memref<1000001xf32, #tpu.memory_space<hbm>> -> memref<1000001xf32, #tpu.memory_space<hbm>>
    tpu.wait_indirect_dma semaphore(%arg42 : memref<!tpu.dma_semaphore, #tpu.memory_space<semaphore_mem>>) src(%dma_wait3A_829 : memref<1000001xf32, #tpu.memory_space<hbm>>) dst(%arg12 : memref<128xf32, #tpu.memory_space<vmem>>)
    %dma_wait3A_830 = arith.constant 3 : i32
    %dma_wait3A_831 = arith.constant 128 : i32
    %dma_wait3A_832 = tpu.memref_slice %arg8[%dma_wait3A_831] : memref<512xi32, #tpu.memory_space<vmem>> -> memref<128xi32, #tpu.memory_space<vmem>>
    %dma_wait3A_833 = arith.constant 0 : i32
    %dma_wait3A_834 = tpu.memref_slice %arg5[%dma_wait3A_830, %dma_wait3A_833] : memref<16x1000001xf32, #tpu.memory_space<hbm>> -> memref<1x1000001xf32, #tpu.memory_space<hbm>>
    %dma_wait3A_835 = tpu.memref_squeeze %dma_wait3A_834 : memref<1x1000001xf32, #tpu.memory_space<hbm>> -> memref<1000001xf32, #tpu.memory_space<hbm>>
    %dma_wait3A_836 = arith.constant 0 : i32
    %dma_wait3A_837 = tpu.memref_slice %dma_wait3A_835[%dma_wait3A_836] : memref<1000001xf32, #tpu.memory_space<hbm>> -> memref<1000001xf32, #tpu.memory_space<hbm>>
    tpu.wait_indirect_dma semaphore(%arg42 : memref<!tpu.dma_semaphore, #tpu.memory_space<semaphore_mem>>) src(%dma_wait3A_837 : memref<1000001xf32, #tpu.memory_space<hbm>>) dst(%arg28 : memref<128xf32, #tpu.memory_space<vmem>>)
    %dma_wait3A_838 = arith.constant 4 : i32
    %dma_wait3A_839 = arith.constant 128 : i32
    %dma_wait3A_840 = tpu.memref_slice %arg7[%dma_wait3A_839] : memref<512xi32, #tpu.memory_space<vmem>> -> memref<128xi32, #tpu.memory_space<vmem>>
    %dma_wait3A_841 = arith.constant 0 : i32
    %dma_wait3A_842 = tpu.memref_slice %arg4[%dma_wait3A_838, %dma_wait3A_841] : memref<16x1000001xf32, #tpu.memory_space<hbm>> -> memref<1x1000001xf32, #tpu.memory_space<hbm>>
    %dma_wait3A_843 = tpu.memref_squeeze %dma_wait3A_842 : memref<1x1000001xf32, #tpu.memory_space<hbm>> -> memref<1000001xf32, #tpu.memory_space<hbm>>
    %dma_wait3A_844 = arith.constant 0 : i32
    %dma_wait3A_845 = tpu.memref_slice %dma_wait3A_843[%dma_wait3A_844] : memref<1000001xf32, #tpu.memory_space<hbm>> -> memref<1000001xf32, #tpu.memory_space<hbm>>
    tpu.wait_indirect_dma semaphore(%arg42 : memref<!tpu.dma_semaphore, #tpu.memory_space<semaphore_mem>>) src(%dma_wait3A_845 : memref<1000001xf32, #tpu.memory_space<hbm>>) dst(%arg13 : memref<128xf32, #tpu.memory_space<vmem>>)
    %dma_wait3A_846 = arith.constant 4 : i32
    %dma_wait3A_847 = arith.constant 128 : i32
    %dma_wait3A_848 = tpu.memref_slice %arg8[%dma_wait3A_847] : memref<512xi32, #tpu.memory_space<vmem>> -> memref<128xi32, #tpu.memory_space<vmem>>
    %dma_wait3A_849 = arith.constant 0 : i32
    %dma_wait3A_850 = tpu.memref_slice %arg5[%dma_wait3A_846, %dma_wait3A_849] : memref<16x1000001xf32, #tpu.memory_space<hbm>> -> memref<1x1000001xf32, #tpu.memory_space<hbm>>
    %dma_wait3A_851 = tpu.memref_squeeze %dma_wait3A_850 : memref<1x1000001xf32, #tpu.memory_space<hbm>> -> memref<1000001xf32, #tpu.memory_space<hbm>>
    %dma_wait3A_852 = arith.constant 0 : i32
    %dma_wait3A_853 = tpu.memref_slice %dma_wait3A_851[%dma_wait3A_852] : memref<1000001xf32, #tpu.memory_space<hbm>> -> memref<1000001xf32, #tpu.memory_space<hbm>>
    tpu.wait_indirect_dma semaphore(%arg42 : memref<!tpu.dma_semaphore, #tpu.memory_space<semaphore_mem>>) src(%dma_wait3A_853 : memref<1000001xf32, #tpu.memory_space<hbm>>) dst(%arg29 : memref<128xf32, #tpu.memory_space<vmem>>)
    %dma_wait3A_854 = arith.constant 5 : i32
    %dma_wait3A_855 = arith.constant 128 : i32
    %dma_wait3A_856 = tpu.memref_slice %arg7[%dma_wait3A_855] : memref<512xi32, #tpu.memory_space<vmem>> -> memref<128xi32, #tpu.memory_space<vmem>>
    %dma_wait3A_857 = arith.constant 0 : i32
    %dma_wait3A_858 = tpu.memref_slice %arg4[%dma_wait3A_854, %dma_wait3A_857] : memref<16x1000001xf32, #tpu.memory_space<hbm>> -> memref<1x1000001xf32, #tpu.memory_space<hbm>>
    %dma_wait3A_859 = tpu.memref_squeeze %dma_wait3A_858 : memref<1x1000001xf32, #tpu.memory_space<hbm>> -> memref<1000001xf32, #tpu.memory_space<hbm>>
    %dma_wait3A_860 = arith.constant 0 : i32
    %dma_wait3A_861 = tpu.memref_slice %dma_wait3A_859[%dma_wait3A_860] : memref<1000001xf32, #tpu.memory_space<hbm>> -> memref<1000001xf32, #tpu.memory_space<hbm>>
    tpu.wait_indirect_dma semaphore(%arg42 : memref<!tpu.dma_semaphore, #tpu.memory_space<semaphore_mem>>) src(%dma_wait3A_861 : memref<1000001xf32, #tpu.memory_space<hbm>>) dst(%arg14 : memref<128xf32, #tpu.memory_space<vmem>>)
    %dma_wait3A_862 = arith.constant 5 : i32
    %dma_wait3A_863 = arith.constant 128 : i32
    %dma_wait3A_864 = tpu.memref_slice %arg8[%dma_wait3A_863] : memref<512xi32, #tpu.memory_space<vmem>> -> memref<128xi32, #tpu.memory_space<vmem>>
    %dma_wait3A_865 = arith.constant 0 : i32
    %dma_wait3A_866 = tpu.memref_slice %arg5[%dma_wait3A_862, %dma_wait3A_865] : memref<16x1000001xf32, #tpu.memory_space<hbm>> -> memref<1x1000001xf32, #tpu.memory_space<hbm>>
    %dma_wait3A_867 = tpu.memref_squeeze %dma_wait3A_866 : memref<1x1000001xf32, #tpu.memory_space<hbm>> -> memref<1000001xf32, #tpu.memory_space<hbm>>
    %dma_wait3A_868 = arith.constant 0 : i32
    %dma_wait3A_869 = tpu.memref_slice %dma_wait3A_867[%dma_wait3A_868] : memref<1000001xf32, #tpu.memory_space<hbm>> -> memref<1000001xf32, #tpu.memory_space<hbm>>
    tpu.wait_indirect_dma semaphore(%arg42 : memref<!tpu.dma_semaphore, #tpu.memory_space<semaphore_mem>>) src(%dma_wait3A_869 : memref<1000001xf32, #tpu.memory_space<hbm>>) dst(%arg30 : memref<128xf32, #tpu.memory_space<vmem>>)
    %dma_wait3A_870 = arith.constant 6 : i32
    %dma_wait3A_871 = arith.constant 128 : i32
    %dma_wait3A_872 = tpu.memref_slice %arg7[%dma_wait3A_871] : memref<512xi32, #tpu.memory_space<vmem>> -> memref<128xi32, #tpu.memory_space<vmem>>
    %dma_wait3A_873 = arith.constant 0 : i32
    %dma_wait3A_874 = tpu.memref_slice %arg4[%dma_wait3A_870, %dma_wait3A_873] : memref<16x1000001xf32, #tpu.memory_space<hbm>> -> memref<1x1000001xf32, #tpu.memory_space<hbm>>
    %dma_wait3A_875 = tpu.memref_squeeze %dma_wait3A_874 : memref<1x1000001xf32, #tpu.memory_space<hbm>> -> memref<1000001xf32, #tpu.memory_space<hbm>>
    %dma_wait3A_876 = arith.constant 0 : i32
    %dma_wait3A_877 = tpu.memref_slice %dma_wait3A_875[%dma_wait3A_876] : memref<1000001xf32, #tpu.memory_space<hbm>> -> memref<1000001xf32, #tpu.memory_space<hbm>>
    tpu.wait_indirect_dma semaphore(%arg42 : memref<!tpu.dma_semaphore, #tpu.memory_space<semaphore_mem>>) src(%dma_wait3A_877 : memref<1000001xf32, #tpu.memory_space<hbm>>) dst(%arg15 : memref<128xf32, #tpu.memory_space<vmem>>)
    %dma_wait3A_878 = arith.constant 6 : i32
    %dma_wait3A_879 = arith.constant 128 : i32
    %dma_wait3A_880 = tpu.memref_slice %arg8[%dma_wait3A_879] : memref<512xi32, #tpu.memory_space<vmem>> -> memref<128xi32, #tpu.memory_space<vmem>>
    %dma_wait3A_881 = arith.constant 0 : i32
    %dma_wait3A_882 = tpu.memref_slice %arg5[%dma_wait3A_878, %dma_wait3A_881] : memref<16x1000001xf32, #tpu.memory_space<hbm>> -> memref<1x1000001xf32, #tpu.memory_space<hbm>>
    %dma_wait3A_883 = tpu.memref_squeeze %dma_wait3A_882 : memref<1x1000001xf32, #tpu.memory_space<hbm>> -> memref<1000001xf32, #tpu.memory_space<hbm>>
    %dma_wait3A_884 = arith.constant 0 : i32
    %dma_wait3A_885 = tpu.memref_slice %dma_wait3A_883[%dma_wait3A_884] : memref<1000001xf32, #tpu.memory_space<hbm>> -> memref<1000001xf32, #tpu.memory_space<hbm>>
    tpu.wait_indirect_dma semaphore(%arg42 : memref<!tpu.dma_semaphore, #tpu.memory_space<semaphore_mem>>) src(%dma_wait3A_885 : memref<1000001xf32, #tpu.memory_space<hbm>>) dst(%arg31 : memref<128xf32, #tpu.memory_space<vmem>>)
    %dma_wait3A_886 = arith.constant 7 : i32
    %dma_wait3A_887 = arith.constant 128 : i32
    %dma_wait3A_888 = tpu.memref_slice %arg7[%dma_wait3A_887] : memref<512xi32, #tpu.memory_space<vmem>> -> memref<128xi32, #tpu.memory_space<vmem>>
    %dma_wait3A_889 = arith.constant 0 : i32
    %dma_wait3A_890 = tpu.memref_slice %arg4[%dma_wait3A_886, %dma_wait3A_889] : memref<16x1000001xf32, #tpu.memory_space<hbm>> -> memref<1x1000001xf32, #tpu.memory_space<hbm>>
    %dma_wait3A_891 = tpu.memref_squeeze %dma_wait3A_890 : memref<1x1000001xf32, #tpu.memory_space<hbm>> -> memref<1000001xf32, #tpu.memory_space<hbm>>
    %dma_wait3A_892 = arith.constant 0 : i32
    %dma_wait3A_893 = tpu.memref_slice %dma_wait3A_891[%dma_wait3A_892] : memref<1000001xf32, #tpu.memory_space<hbm>> -> memref<1000001xf32, #tpu.memory_space<hbm>>
    tpu.wait_indirect_dma semaphore(%arg42 : memref<!tpu.dma_semaphore, #tpu.memory_space<semaphore_mem>>) src(%dma_wait3A_893 : memref<1000001xf32, #tpu.memory_space<hbm>>) dst(%arg16 : memref<128xf32, #tpu.memory_space<vmem>>)
    %dma_wait3A_894 = arith.constant 7 : i32
    %dma_wait3A_895 = arith.constant 128 : i32
    %dma_wait3A_896 = tpu.memref_slice %arg8[%dma_wait3A_895] : memref<512xi32, #tpu.memory_space<vmem>> -> memref<128xi32, #tpu.memory_space<vmem>>
    %dma_wait3A_897 = arith.constant 0 : i32
    %dma_wait3A_898 = tpu.memref_slice %arg5[%dma_wait3A_894, %dma_wait3A_897] : memref<16x1000001xf32, #tpu.memory_space<hbm>> -> memref<1x1000001xf32, #tpu.memory_space<hbm>>
    %dma_wait3A_899 = tpu.memref_squeeze %dma_wait3A_898 : memref<1x1000001xf32, #tpu.memory_space<hbm>> -> memref<1000001xf32, #tpu.memory_space<hbm>>
    %dma_wait3A_900 = arith.constant 0 : i32
    %dma_wait3A_901 = tpu.memref_slice %dma_wait3A_899[%dma_wait3A_900] : memref<1000001xf32, #tpu.memory_space<hbm>> -> memref<1000001xf32, #tpu.memory_space<hbm>>
    tpu.wait_indirect_dma semaphore(%arg42 : memref<!tpu.dma_semaphore, #tpu.memory_space<semaphore_mem>>) src(%dma_wait3A_901 : memref<1000001xf32, #tpu.memory_space<hbm>>) dst(%arg32 : memref<128xf32, #tpu.memory_space<vmem>>)
    %dma_wait3A_902 = arith.constant 8 : i32
    %dma_wait3A_903 = arith.constant 128 : i32
    %dma_wait3A_904 = tpu.memref_slice %arg7[%dma_wait3A_903] : memref<512xi32, #tpu.memory_space<vmem>> -> memref<128xi32, #tpu.memory_space<vmem>>
    %dma_wait3A_905 = arith.constant 0 : i32
    %dma_wait3A_906 = tpu.memref_slice %arg4[%dma_wait3A_902, %dma_wait3A_905] : memref<16x1000001xf32, #tpu.memory_space<hbm>> -> memref<1x1000001xf32, #tpu.memory_space<hbm>>
    %dma_wait3A_907 = tpu.memref_squeeze %dma_wait3A_906 : memref<1x1000001xf32, #tpu.memory_space<hbm>> -> memref<1000001xf32, #tpu.memory_space<hbm>>
    %dma_wait3A_908 = arith.constant 0 : i32
    %dma_wait3A_909 = tpu.memref_slice %dma_wait3A_907[%dma_wait3A_908] : memref<1000001xf32, #tpu.memory_space<hbm>> -> memref<1000001xf32, #tpu.memory_space<hbm>>
    tpu.wait_indirect_dma semaphore(%arg42 : memref<!tpu.dma_semaphore, #tpu.memory_space<semaphore_mem>>) src(%dma_wait3A_909 : memref<1000001xf32, #tpu.memory_space<hbm>>) dst(%arg17 : memref<128xf32, #tpu.memory_space<vmem>>)
    %dma_wait3A_910 = arith.constant 8 : i32
    %dma_wait3A_911 = arith.constant 128 : i32
    %dma_wait3A_912 = tpu.memref_slice %arg8[%dma_wait3A_911] : memref<512xi32, #tpu.memory_space<vmem>> -> memref<128xi32, #tpu.memory_space<vmem>>
    %dma_wait3A_913 = arith.constant 0 : i32
    %dma_wait3A_914 = tpu.memref_slice %arg5[%dma_wait3A_910, %dma_wait3A_913] : memref<16x1000001xf32, #tpu.memory_space<hbm>> -> memref<1x1000001xf32, #tpu.memory_space<hbm>>
    %dma_wait3A_915 = tpu.memref_squeeze %dma_wait3A_914 : memref<1x1000001xf32, #tpu.memory_space<hbm>> -> memref<1000001xf32, #tpu.memory_space<hbm>>
    %dma_wait3A_916 = arith.constant 0 : i32
    %dma_wait3A_917 = tpu.memref_slice %dma_wait3A_915[%dma_wait3A_916] : memref<1000001xf32, #tpu.memory_space<hbm>> -> memref<1000001xf32, #tpu.memory_space<hbm>>
    tpu.wait_indirect_dma semaphore(%arg42 : memref<!tpu.dma_semaphore, #tpu.memory_space<semaphore_mem>>) src(%dma_wait3A_917 : memref<1000001xf32, #tpu.memory_space<hbm>>) dst(%arg33 : memref<128xf32, #tpu.memory_space<vmem>>)
    %dma_wait3A_918 = arith.constant 9 : i32
    %dma_wait3A_919 = arith.constant 128 : i32
    %dma_wait3A_920 = tpu.memref_slice %arg7[%dma_wait3A_919] : memref<512xi32, #tpu.memory_space<vmem>> -> memref<128xi32, #tpu.memory_space<vmem>>
    %dma_wait3A_921 = arith.constant 0 : i32
    %dma_wait3A_922 = tpu.memref_slice %arg4[%dma_wait3A_918, %dma_wait3A_921] : memref<16x1000001xf32, #tpu.memory_space<hbm>> -> memref<1x1000001xf32, #tpu.memory_space<hbm>>
    %dma_wait3A_923 = tpu.memref_squeeze %dma_wait3A_922 : memref<1x1000001xf32, #tpu.memory_space<hbm>> -> memref<1000001xf32, #tpu.memory_space<hbm>>
    %dma_wait3A_924 = arith.constant 0 : i32
    %dma_wait3A_925 = tpu.memref_slice %dma_wait3A_923[%dma_wait3A_924] : memref<1000001xf32, #tpu.memory_space<hbm>> -> memref<1000001xf32, #tpu.memory_space<hbm>>
    tpu.wait_indirect_dma semaphore(%arg42 : memref<!tpu.dma_semaphore, #tpu.memory_space<semaphore_mem>>) src(%dma_wait3A_925 : memref<1000001xf32, #tpu.memory_space<hbm>>) dst(%arg18 : memref<128xf32, #tpu.memory_space<vmem>>)
    %dma_wait3A_926 = arith.constant 9 : i32
    %dma_wait3A_927 = arith.constant 128 : i32
    %dma_wait3A_928 = tpu.memref_slice %arg8[%dma_wait3A_927] : memref<512xi32, #tpu.memory_space<vmem>> -> memref<128xi32, #tpu.memory_space<vmem>>
    %dma_wait3A_929 = arith.constant 0 : i32
    %dma_wait3A_930 = tpu.memref_slice %arg5[%dma_wait3A_926, %dma_wait3A_929] : memref<16x1000001xf32, #tpu.memory_space<hbm>> -> memref<1x1000001xf32, #tpu.memory_space<hbm>>
    %dma_wait3A_931 = tpu.memref_squeeze %dma_wait3A_930 : memref<1x1000001xf32, #tpu.memory_space<hbm>> -> memref<1000001xf32, #tpu.memory_space<hbm>>
    %dma_wait3A_932 = arith.constant 0 : i32
    %dma_wait3A_933 = tpu.memref_slice %dma_wait3A_931[%dma_wait3A_932] : memref<1000001xf32, #tpu.memory_space<hbm>> -> memref<1000001xf32, #tpu.memory_space<hbm>>
    tpu.wait_indirect_dma semaphore(%arg42 : memref<!tpu.dma_semaphore, #tpu.memory_space<semaphore_mem>>) src(%dma_wait3A_933 : memref<1000001xf32, #tpu.memory_space<hbm>>) dst(%arg34 : memref<128xf32, #tpu.memory_space<vmem>>)
    %dma_wait3A_934 = arith.constant 10 : i32
    %dma_wait3A_935 = arith.constant 128 : i32
    %dma_wait3A_936 = tpu.memref_slice %arg7[%dma_wait3A_935] : memref<512xi32, #tpu.memory_space<vmem>> -> memref<128xi32, #tpu.memory_space<vmem>>
    %dma_wait3A_937 = arith.constant 0 : i32
    %dma_wait3A_938 = tpu.memref_slice %arg4[%dma_wait3A_934, %dma_wait3A_937] : memref<16x1000001xf32, #tpu.memory_space<hbm>> -> memref<1x1000001xf32, #tpu.memory_space<hbm>>
    %dma_wait3A_939 = tpu.memref_squeeze %dma_wait3A_938 : memref<1x1000001xf32, #tpu.memory_space<hbm>> -> memref<1000001xf32, #tpu.memory_space<hbm>>
    %dma_wait3A_940 = arith.constant 0 : i32
    %dma_wait3A_941 = tpu.memref_slice %dma_wait3A_939[%dma_wait3A_940] : memref<1000001xf32, #tpu.memory_space<hbm>> -> memref<1000001xf32, #tpu.memory_space<hbm>>
    tpu.wait_indirect_dma semaphore(%arg42 : memref<!tpu.dma_semaphore, #tpu.memory_space<semaphore_mem>>) src(%dma_wait3A_941 : memref<1000001xf32, #tpu.memory_space<hbm>>) dst(%arg19 : memref<128xf32, #tpu.memory_space<vmem>>)
    %dma_wait3A_942 = arith.constant 10 : i32
    %dma_wait3A_943 = arith.constant 128 : i32
    %dma_wait3A_944 = tpu.memref_slice %arg8[%dma_wait3A_943] : memref<512xi32, #tpu.memory_space<vmem>> -> memref<128xi32, #tpu.memory_space<vmem>>
    %dma_wait3A_945 = arith.constant 0 : i32
    %dma_wait3A_946 = tpu.memref_slice %arg5[%dma_wait3A_942, %dma_wait3A_945] : memref<16x1000001xf32, #tpu.memory_space<hbm>> -> memref<1x1000001xf32, #tpu.memory_space<hbm>>
    %dma_wait3A_947 = tpu.memref_squeeze %dma_wait3A_946 : memref<1x1000001xf32, #tpu.memory_space<hbm>> -> memref<1000001xf32, #tpu.memory_space<hbm>>
    %dma_wait3A_948 = arith.constant 0 : i32
    %dma_wait3A_949 = tpu.memref_slice %dma_wait3A_947[%dma_wait3A_948] : memref<1000001xf32, #tpu.memory_space<hbm>> -> memref<1000001xf32, #tpu.memory_space<hbm>>
    tpu.wait_indirect_dma semaphore(%arg42 : memref<!tpu.dma_semaphore, #tpu.memory_space<semaphore_mem>>) src(%dma_wait3A_949 : memref<1000001xf32, #tpu.memory_space<hbm>>) dst(%arg35 : memref<128xf32, #tpu.memory_space<vmem>>)
    %dma_wait3A_950 = arith.constant 11 : i32
    %dma_wait3A_951 = arith.constant 128 : i32
    %dma_wait3A_952 = tpu.memref_slice %arg7[%dma_wait3A_951] : memref<512xi32, #tpu.memory_space<vmem>> -> memref<128xi32, #tpu.memory_space<vmem>>
    %dma_wait3A_953 = arith.constant 0 : i32
    %dma_wait3A_954 = tpu.memref_slice %arg4[%dma_wait3A_950, %dma_wait3A_953] : memref<16x1000001xf32, #tpu.memory_space<hbm>> -> memref<1x1000001xf32, #tpu.memory_space<hbm>>
    %dma_wait3A_955 = tpu.memref_squeeze %dma_wait3A_954 : memref<1x1000001xf32, #tpu.memory_space<hbm>> -> memref<1000001xf32, #tpu.memory_space<hbm>>
    %dma_wait3A_956 = arith.constant 0 : i32
    %dma_wait3A_957 = tpu.memref_slice %dma_wait3A_955[%dma_wait3A_956] : memref<1000001xf32, #tpu.memory_space<hbm>> -> memref<1000001xf32, #tpu.memory_space<hbm>>
    tpu.wait_indirect_dma semaphore(%arg42 : memref<!tpu.dma_semaphore, #tpu.memory_space<semaphore_mem>>) src(%dma_wait3A_957 : memref<1000001xf32, #tpu.memory_space<hbm>>) dst(%arg20 : memref<128xf32, #tpu.memory_space<vmem>>)
    %dma_wait3A_958 = arith.constant 11 : i32
    %dma_wait3A_959 = arith.constant 128 : i32
    %dma_wait3A_960 = tpu.memref_slice %arg8[%dma_wait3A_959] : memref<512xi32, #tpu.memory_space<vmem>> -> memref<128xi32, #tpu.memory_space<vmem>>
    %dma_wait3A_961 = arith.constant 0 : i32
    %dma_wait3A_962 = tpu.memref_slice %arg5[%dma_wait3A_958, %dma_wait3A_961] : memref<16x1000001xf32, #tpu.memory_space<hbm>> -> memref<1x1000001xf32, #tpu.memory_space<hbm>>
    %dma_wait3A_963 = tpu.memref_squeeze %dma_wait3A_962 : memref<1x1000001xf32, #tpu.memory_space<hbm>> -> memref<1000001xf32, #tpu.memory_space<hbm>>
    %dma_wait3A_964 = arith.constant 0 : i32
    %dma_wait3A_965 = tpu.memref_slice %dma_wait3A_963[%dma_wait3A_964] : memref<1000001xf32, #tpu.memory_space<hbm>> -> memref<1000001xf32, #tpu.memory_space<hbm>>
    tpu.wait_indirect_dma semaphore(%arg42 : memref<!tpu.dma_semaphore, #tpu.memory_space<semaphore_mem>>) src(%dma_wait3A_965 : memref<1000001xf32, #tpu.memory_space<hbm>>) dst(%arg36 : memref<128xf32, #tpu.memory_space<vmem>>)
    %dma_wait3A_966 = arith.constant 12 : i32
    %dma_wait3A_967 = arith.constant 128 : i32
    %dma_wait3A_968 = tpu.memref_slice %arg7[%dma_wait3A_967] : memref<512xi32, #tpu.memory_space<vmem>> -> memref<128xi32, #tpu.memory_space<vmem>>
    %dma_wait3A_969 = arith.constant 0 : i32
    %dma_wait3A_970 = tpu.memref_slice %arg4[%dma_wait3A_966, %dma_wait3A_969] : memref<16x1000001xf32, #tpu.memory_space<hbm>> -> memref<1x1000001xf32, #tpu.memory_space<hbm>>
    %dma_wait3A_971 = tpu.memref_squeeze %dma_wait3A_970 : memref<1x1000001xf32, #tpu.memory_space<hbm>> -> memref<1000001xf32, #tpu.memory_space<hbm>>
    %dma_wait3A_972 = arith.constant 0 : i32
    %dma_wait3A_973 = tpu.memref_slice %dma_wait3A_971[%dma_wait3A_972] : memref<1000001xf32, #tpu.memory_space<hbm>> -> memref<1000001xf32, #tpu.memory_space<hbm>>
    tpu.wait_indirect_dma semaphore(%arg42 : memref<!tpu.dma_semaphore, #tpu.memory_space<semaphore_mem>>) src(%dma_wait3A_973 : memref<1000001xf32, #tpu.memory_space<hbm>>) dst(%arg21 : memref<128xf32, #tpu.memory_space<vmem>>)
    %dma_wait3A_974 = arith.constant 12 : i32
    %dma_wait3A_975 = arith.constant 128 : i32
    %dma_wait3A_976 = tpu.memref_slice %arg8[%dma_wait3A_975] : memref<512xi32, #tpu.memory_space<vmem>> -> memref<128xi32, #tpu.memory_space<vmem>>
    %dma_wait3A_977 = arith.constant 0 : i32
    %dma_wait3A_978 = tpu.memref_slice %arg5[%dma_wait3A_974, %dma_wait3A_977] : memref<16x1000001xf32, #tpu.memory_space<hbm>> -> memref<1x1000001xf32, #tpu.memory_space<hbm>>
    %dma_wait3A_979 = tpu.memref_squeeze %dma_wait3A_978 : memref<1x1000001xf32, #tpu.memory_space<hbm>> -> memref<1000001xf32, #tpu.memory_space<hbm>>
    %dma_wait3A_980 = arith.constant 0 : i32
    %dma_wait3A_981 = tpu.memref_slice %dma_wait3A_979[%dma_wait3A_980] : memref<1000001xf32, #tpu.memory_space<hbm>> -> memref<1000001xf32, #tpu.memory_space<hbm>>
    tpu.wait_indirect_dma semaphore(%arg42 : memref<!tpu.dma_semaphore, #tpu.memory_space<semaphore_mem>>) src(%dma_wait3A_981 : memref<1000001xf32, #tpu.memory_space<hbm>>) dst(%arg37 : memref<128xf32, #tpu.memory_space<vmem>>)
    %dma_wait3A_982 = arith.constant 13 : i32
    %dma_wait3A_983 = arith.constant 128 : i32
    %dma_wait3A_984 = tpu.memref_slice %arg7[%dma_wait3A_983] : memref<512xi32, #tpu.memory_space<vmem>> -> memref<128xi32, #tpu.memory_space<vmem>>
    %dma_wait3A_985 = arith.constant 0 : i32
    %dma_wait3A_986 = tpu.memref_slice %arg4[%dma_wait3A_982, %dma_wait3A_985] : memref<16x1000001xf32, #tpu.memory_space<hbm>> -> memref<1x1000001xf32, #tpu.memory_space<hbm>>
    %dma_wait3A_987 = tpu.memref_squeeze %dma_wait3A_986 : memref<1x1000001xf32, #tpu.memory_space<hbm>> -> memref<1000001xf32, #tpu.memory_space<hbm>>
    %dma_wait3A_988 = arith.constant 0 : i32
    %dma_wait3A_989 = tpu.memref_slice %dma_wait3A_987[%dma_wait3A_988] : memref<1000001xf32, #tpu.memory_space<hbm>> -> memref<1000001xf32, #tpu.memory_space<hbm>>
    tpu.wait_indirect_dma semaphore(%arg42 : memref<!tpu.dma_semaphore, #tpu.memory_space<semaphore_mem>>) src(%dma_wait3A_989 : memref<1000001xf32, #tpu.memory_space<hbm>>) dst(%arg22 : memref<128xf32, #tpu.memory_space<vmem>>)
    %dma_wait3A_990 = arith.constant 13 : i32
    %dma_wait3A_991 = arith.constant 128 : i32
    %dma_wait3A_992 = tpu.memref_slice %arg8[%dma_wait3A_991] : memref<512xi32, #tpu.memory_space<vmem>> -> memref<128xi32, #tpu.memory_space<vmem>>
    %dma_wait3A_993 = arith.constant 0 : i32
    %dma_wait3A_994 = tpu.memref_slice %arg5[%dma_wait3A_990, %dma_wait3A_993] : memref<16x1000001xf32, #tpu.memory_space<hbm>> -> memref<1x1000001xf32, #tpu.memory_space<hbm>>
    %dma_wait3A_995 = tpu.memref_squeeze %dma_wait3A_994 : memref<1x1000001xf32, #tpu.memory_space<hbm>> -> memref<1000001xf32, #tpu.memory_space<hbm>>
    %dma_wait3A_996 = arith.constant 0 : i32
    %dma_wait3A_997 = tpu.memref_slice %dma_wait3A_995[%dma_wait3A_996] : memref<1000001xf32, #tpu.memory_space<hbm>> -> memref<1000001xf32, #tpu.memory_space<hbm>>
    tpu.wait_indirect_dma semaphore(%arg42 : memref<!tpu.dma_semaphore, #tpu.memory_space<semaphore_mem>>) src(%dma_wait3A_997 : memref<1000001xf32, #tpu.memory_space<hbm>>) dst(%arg38 : memref<128xf32, #tpu.memory_space<vmem>>)
    %dma_wait3A_998 = arith.constant 14 : i32
    %dma_wait3A_999 = arith.constant 128 : i32
    %dma_wait3A_1000 = tpu.memref_slice %arg7[%dma_wait3A_999] : memref<512xi32, #tpu.memory_space<vmem>> -> memref<128xi32, #tpu.memory_space<vmem>>
    %dma_wait3A_1001 = arith.constant 0 : i32
    %dma_wait3A_1002 = tpu.memref_slice %arg4[%dma_wait3A_998, %dma_wait3A_1001] : memref<16x1000001xf32, #tpu.memory_space<hbm>> -> memref<1x1000001xf32, #tpu.memory_space<hbm>>
    %dma_wait3A_1003 = tpu.memref_squeeze %dma_wait3A_1002 : memref<1x1000001xf32, #tpu.memory_space<hbm>> -> memref<1000001xf32, #tpu.memory_space<hbm>>
    %dma_wait3A_1004 = arith.constant 0 : i32
    %dma_wait3A_1005 = tpu.memref_slice %dma_wait3A_1003[%dma_wait3A_1004] : memref<1000001xf32, #tpu.memory_space<hbm>> -> memref<1000001xf32, #tpu.memory_space<hbm>>
    tpu.wait_indirect_dma semaphore(%arg42 : memref<!tpu.dma_semaphore, #tpu.memory_space<semaphore_mem>>) src(%dma_wait3A_1005 : memref<1000001xf32, #tpu.memory_space<hbm>>) dst(%arg23 : memref<128xf32, #tpu.memory_space<vmem>>)
    %dma_wait3A_1006 = arith.constant 14 : i32
    %dma_wait3A_1007 = arith.constant 128 : i32
    %dma_wait3A_1008 = tpu.memref_slice %arg8[%dma_wait3A_1007] : memref<512xi32, #tpu.memory_space<vmem>> -> memref<128xi32, #tpu.memory_space<vmem>>
    %dma_wait3A_1009 = arith.constant 0 : i32
    %dma_wait3A_1010 = tpu.memref_slice %arg5[%dma_wait3A_1006, %dma_wait3A_1009] : memref<16x1000001xf32, #tpu.memory_space<hbm>> -> memref<1x1000001xf32, #tpu.memory_space<hbm>>
    %dma_wait3A_1011 = tpu.memref_squeeze %dma_wait3A_1010 : memref<1x1000001xf32, #tpu.memory_space<hbm>> -> memref<1000001xf32, #tpu.memory_space<hbm>>
    %dma_wait3A_1012 = arith.constant 0 : i32
    %dma_wait3A_1013 = tpu.memref_slice %dma_wait3A_1011[%dma_wait3A_1012] : memref<1000001xf32, #tpu.memory_space<hbm>> -> memref<1000001xf32, #tpu.memory_space<hbm>>
    tpu.wait_indirect_dma semaphore(%arg42 : memref<!tpu.dma_semaphore, #tpu.memory_space<semaphore_mem>>) src(%dma_wait3A_1013 : memref<1000001xf32, #tpu.memory_space<hbm>>) dst(%arg39 : memref<128xf32, #tpu.memory_space<vmem>>)
    %dma_wait3A_1014 = arith.constant 15 : i32
    %dma_wait3A_1015 = arith.constant 128 : i32
    %dma_wait3A_1016 = tpu.memref_slice %arg7[%dma_wait3A_1015] : memref<512xi32, #tpu.memory_space<vmem>> -> memref<128xi32, #tpu.memory_space<vmem>>
    %dma_wait3A_1017 = arith.constant 0 : i32
    %dma_wait3A_1018 = tpu.memref_slice %arg4[%dma_wait3A_1014, %dma_wait3A_1017] : memref<16x1000001xf32, #tpu.memory_space<hbm>> -> memref<1x1000001xf32, #tpu.memory_space<hbm>>
    %dma_wait3A_1019 = tpu.memref_squeeze %dma_wait3A_1018 : memref<1x1000001xf32, #tpu.memory_space<hbm>> -> memref<1000001xf32, #tpu.memory_space<hbm>>
    %dma_wait3A_1020 = arith.constant 0 : i32
    %dma_wait3A_1021 = tpu.memref_slice %dma_wait3A_1019[%dma_wait3A_1020] : memref<1000001xf32, #tpu.memory_space<hbm>> -> memref<1000001xf32, #tpu.memory_space<hbm>>
    tpu.wait_indirect_dma semaphore(%arg42 : memref<!tpu.dma_semaphore, #tpu.memory_space<semaphore_mem>>) src(%dma_wait3A_1021 : memref<1000001xf32, #tpu.memory_space<hbm>>) dst(%arg24 : memref<128xf32, #tpu.memory_space<vmem>>)
    %dma_wait3A_1022 = arith.constant 15 : i32
    %dma_wait3A_1023 = arith.constant 128 : i32
    %dma_wait3A_1024 = tpu.memref_slice %arg8[%dma_wait3A_1023] : memref<512xi32, #tpu.memory_space<vmem>> -> memref<128xi32, #tpu.memory_space<vmem>>
    %dma_wait3A_1025 = arith.constant 0 : i32
    %dma_wait3A_1026 = tpu.memref_slice %arg5[%dma_wait3A_1022, %dma_wait3A_1025] : memref<16x1000001xf32, #tpu.memory_space<hbm>> -> memref<1x1000001xf32, #tpu.memory_space<hbm>>
    %dma_wait3A_1027 = tpu.memref_squeeze %dma_wait3A_1026 : memref<1x1000001xf32, #tpu.memory_space<hbm>> -> memref<1000001xf32, #tpu.memory_space<hbm>>
    %dma_wait3A_1028 = arith.constant 0 : i32
    %dma_wait3A_1029 = tpu.memref_slice %dma_wait3A_1027[%dma_wait3A_1028] : memref<1000001xf32, #tpu.memory_space<hbm>> -> memref<1000001xf32, #tpu.memory_space<hbm>>
    tpu.wait_indirect_dma semaphore(%arg42 : memref<!tpu.dma_semaphore, #tpu.memory_space<semaphore_mem>>) src(%dma_wait3A_1029 : memref<1000001xf32, #tpu.memory_space<hbm>>) dst(%arg40 : memref<128xf32, #tpu.memory_space<vmem>>)
    %scan3A_1030 = arith.constant 0 : i32
    %scan3A_1031 = arith.constant 0 : i32
    %scan3A_1032 = arith.constant 8 : i32
    %scan3A_1033 = arith.addi %scan3A_1031, %scan3A_1032 : i32
    %scan3A_1034 = arith.constant 1 : i32
    scf.for %scan3A_2072 = %scan3A_1031 to %scan3A_1033 step %scan3A_1034  : i32 {
      %broadcast_in_dim3A = arith.constant 0.000000e+00 : f32
      %broadcast_in_dim3A_2073 = vector.broadcast %broadcast_in_dim3A : f32 to vector<16xf32>
      %mul3A_2074 = arith.constant 16 : i32
      %mul3A_2075 = arith.muli %scan3A_2072, %mul3A_2074 : i32
      %get3A = arith.index_cast %mul3A_2075 : i32 to index
      %get3A_2076 = tpu.vector_load %arg9[%get3A] {strides = array<i32>} : memref<128xf32, #tpu.memory_space<vmem>>, vector<16xf32>,
      %mul3A_2077 = arith.constant 16 : i32
      %mul3A_2078 = arith.muli %scan3A_2072, %mul3A_2077 : i32
      %get3A_2079 = arith.index_cast %mul3A_2078 : i32 to index
      %get3A_2080 = tpu.vector_load %arg25[%get3A_2079] {strides = array<i32>} : memref<128xf32, #tpu.memory_space<vmem>>, vector<16xf32>,
      %mul3A_2081 = arith.mulf %get3A_2076, %get3A_2080 : vector<16xf32>
      %add3A_2082 = arith.addf %broadcast_in_dim3A_2073, %mul3A_2081 : vector<16xf32>
      %mul3A_2083 = arith.constant 16 : i32
      %mul3A_2084 = arith.muli %scan3A_2072, %mul3A_2083 : i32
      %get3A_2085 = arith.index_cast %mul3A_2084 : i32 to index
      %get3A_2086 = tpu.vector_load %arg10[%get3A_2085] {strides = array<i32>} : memref<128xf32, #tpu.memory_space<vmem>>, vector<16xf32>,
      %mul3A_2087 = arith.constant 16 : i32
      %mul3A_2088 = arith.muli %scan3A_2072, %mul3A_2087 : i32
      %get3A_2089 = arith.index_cast %mul3A_2088 : i32 to index
      %get3A_2090 = tpu.vector_load %arg26[%get3A_2089] {strides = array<i32>} : memref<128xf32, #tpu.memory_space<vmem>>, vector<16xf32>,
      %mul3A_2091 = arith.mulf %get3A_2086, %get3A_2090 : vector<16xf32>
      %add3A_2092 = arith.addf %add3A_2082, %mul3A_2091 : vector<16xf32>
      %mul3A_2093 = arith.constant 16 : i32
      %mul3A_2094 = arith.muli %scan3A_2072, %mul3A_2093 : i32
      %get3A_2095 = arith.index_cast %mul3A_2094 : i32 to index
      %get3A_2096 = tpu.vector_load %arg11[%get3A_2095] {strides = array<i32>} : memref<128xf32, #tpu.memory_space<vmem>>, vector<16xf32>,
      %mul3A_2097 = arith.constant 16 : i32
      %mul3A_2098 = arith.muli %scan3A_2072, %mul3A_2097 : i32
      %get3A_2099 = arith.index_cast %mul3A_2098 : i32 to index
      %get3A_2100 = tpu.vector_load %arg27[%get3A_2099] {strides = array<i32>} : memref<128xf32, #tpu.memory_space<vmem>>, vector<16xf32>,
      %mul3A_2101 = arith.mulf %get3A_2096, %get3A_2100 : vector<16xf32>
      %add3A_2102 = arith.addf %add3A_2092, %mul3A_2101 : vector<16xf32>
      %mul3A_2103 = arith.constant 16 : i32
      %mul3A_2104 = arith.muli %scan3A_2072, %mul3A_2103 : i32
      %get3A_2105 = arith.index_cast %mul3A_2104 : i32 to index
      %get3A_2106 = tpu.vector_load %arg12[%get3A_2105] {strides = array<i32>} : memref<128xf32, #tpu.memory_space<vmem>>, vector<16xf32>,
      %mul3A_2107 = arith.constant 16 : i32
      %mul3A_2108 = arith.muli %scan3A_2072, %mul3A_2107 : i32
      %get3A_2109 = arith.index_cast %mul3A_2108 : i32 to index
      %get3A_2110 = tpu.vector_load %arg28[%get3A_2109] {strides = array<i32>} : memref<128xf32, #tpu.memory_space<vmem>>, vector<16xf32>,
      %mul3A_2111 = arith.mulf %get3A_2106, %get3A_2110 : vector<16xf32>
      %add3A_2112 = arith.addf %add3A_2102, %mul3A_2111 : vector<16xf32>
      %mul3A_2113 = arith.constant 16 : i32
      %mul3A_2114 = arith.muli %scan3A_2072, %mul3A_2113 : i32
      %get3A_2115 = arith.index_cast %mul3A_2114 : i32 to index
      %get3A_2116 = tpu.vector_load %arg13[%get3A_2115] {strides = array<i32>} : memref<128xf32, #tpu.memory_space<vmem>>, vector<16xf32>,
      %mul3A_2117 = arith.constant 16 : i32
      %mul3A_2118 = arith.muli %scan3A_2072, %mul3A_2117 : i32
      %get3A_2119 = arith.index_cast %mul3A_2118 : i32 to index
      %get3A_2120 = tpu.vector_load %arg29[%get3A_2119] {strides = array<i32>} : memref<128xf32, #tpu.memory_space<vmem>>, vector<16xf32>,
      %mul3A_2121 = arith.mulf %get3A_2116, %get3A_2120 : vector<16xf32>
      %add3A_2122 = arith.addf %add3A_2112, %mul3A_2121 : vector<16xf32>
      %mul3A_2123 = arith.constant 16 : i32
      %mul3A_2124 = arith.muli %scan3A_2072, %mul3A_2123 : i32
      %get3A_2125 = arith.index_cast %mul3A_2124 : i32 to index
      %get3A_2126 = tpu.vector_load %arg14[%get3A_2125] {strides = array<i32>} : memref<128xf32, #tpu.memory_space<vmem>>, vector<16xf32>,
      %mul3A_2127 = arith.constant 16 : i32
      %mul3A_2128 = arith.muli %scan3A_2072, %mul3A_2127 : i32
      %get3A_2129 = arith.index_cast %mul3A_2128 : i32 to index
      %get3A_2130 = tpu.vector_load %arg30[%get3A_2129] {strides = array<i32>} : memref<128xf32, #tpu.memory_space<vmem>>, vector<16xf32>,
      %mul3A_2131 = arith.mulf %get3A_2126, %get3A_2130 : vector<16xf32>
      %add3A_2132 = arith.addf %add3A_2122, %mul3A_2131 : vector<16xf32>
      %mul3A_2133 = arith.constant 16 : i32
      %mul3A_2134 = arith.muli %scan3A_2072, %mul3A_2133 : i32
      %get3A_2135 = arith.index_cast %mul3A_2134 : i32 to index
      %get3A_2136 = tpu.vector_load %arg15[%get3A_2135] {strides = array<i32>} : memref<128xf32, #tpu.memory_space<vmem>>, vector<16xf32>,
      %mul3A_2137 = arith.constant 16 : i32
      %mul3A_2138 = arith.muli %scan3A_2072, %mul3A_2137 : i32
      %get3A_2139 = arith.index_cast %mul3A_2138 : i32 to index
      %get3A_2140 = tpu.vector_load %arg31[%get3A_2139] {strides = array<i32>} : memref<128xf32, #tpu.memory_space<vmem>>, vector<16xf32>,
      %mul3A_2141 = arith.mulf %get3A_2136, %get3A_2140 : vector<16xf32>
      %add3A_2142 = arith.addf %add3A_2132, %mul3A_2141 : vector<16xf32>
      %mul3A_2143 = arith.constant 16 : i32
      %mul3A_2144 = arith.muli %scan3A_2072, %mul3A_2143 : i32
      %get3A_2145 = arith.index_cast %mul3A_2144 : i32 to index
      %get3A_2146 = tpu.vector_load %arg16[%get3A_2145] {strides = array<i32>} : memref<128xf32, #tpu.memory_space<vmem>>, vector<16xf32>,
      %mul3A_2147 = arith.constant 16 : i32
      %mul3A_2148 = arith.muli %scan3A_2072, %mul3A_2147 : i32
      %get3A_2149 = arith.index_cast %mul3A_2148 : i32 to index
      %get3A_2150 = tpu.vector_load %arg32[%get3A_2149] {strides = array<i32>} : memref<128xf32, #tpu.memory_space<vmem>>, vector<16xf32>,
      %mul3A_2151 = arith.mulf %get3A_2146, %get3A_2150 : vector<16xf32>
      %add3A_2152 = arith.addf %add3A_2142, %mul3A_2151 : vector<16xf32>
      %mul3A_2153 = arith.constant 16 : i32
      %mul3A_2154 = arith.muli %scan3A_2072, %mul3A_2153 : i32
      %get3A_2155 = arith.index_cast %mul3A_2154 : i32 to index
      %get3A_2156 = tpu.vector_load %arg17[%get3A_2155] {strides = array<i32>} : memref<128xf32, #tpu.memory_space<vmem>>, vector<16xf32>,
      %mul3A_2157 = arith.constant 16 : i32
      %mul3A_2158 = arith.muli %scan3A_2072, %mul3A_2157 : i32
      %get3A_2159 = arith.index_cast %mul3A_2158 : i32 to index
      %get3A_2160 = tpu.vector_load %arg33[%get3A_2159] {strides = array<i32>} : memref<128xf32, #tpu.memory_space<vmem>>, vector<16xf32>,
      %mul3A_2161 = arith.mulf %get3A_2156, %get3A_2160 : vector<16xf32>
      %add3A_2162 = arith.addf %add3A_2152, %mul3A_2161 : vector<16xf32>
      %mul3A_2163 = arith.constant 16 : i32
      %mul3A_2164 = arith.muli %scan3A_2072, %mul3A_2163 : i32
      %get3A_2165 = arith.index_cast %mul3A_2164 : i32 to index
      %get3A_2166 = tpu.vector_load %arg18[%get3A_2165] {strides = array<i32>} : memref<128xf32, #tpu.memory_space<vmem>>, vector<16xf32>,
      %mul3A_2167 = arith.constant 16 : i32
      %mul3A_2168 = arith.muli %scan3A_2072, %mul3A_2167 : i32
      %get3A_2169 = arith.index_cast %mul3A_2168 : i32 to index
      %get3A_2170 = tpu.vector_load %arg34[%get3A_2169] {strides = array<i32>} : memref<128xf32, #tpu.memory_space<vmem>>, vector<16xf32>,
      %mul3A_2171 = arith.mulf %get3A_2166, %get3A_2170 : vector<16xf32>
      %add3A_2172 = arith.addf %add3A_2162, %mul3A_2171 : vector<16xf32>
      %mul3A_2173 = arith.constant 16 : i32
      %mul3A_2174 = arith.muli %scan3A_2072, %mul3A_2173 : i32
      %get3A_2175 = arith.index_cast %mul3A_2174 : i32 to index
      %get3A_2176 = tpu.vector_load %arg19[%get3A_2175] {strides = array<i32>} : memref<128xf32, #tpu.memory_space<vmem>>, vector<16xf32>,
      %mul3A_2177 = arith.constant 16 : i32
      %mul3A_2178 = arith.muli %scan3A_2072, %mul3A_2177 : i32
      %get3A_2179 = arith.index_cast %mul3A_2178 : i32 to index
      %get3A_2180 = tpu.vector_load %arg35[%get3A_2179] {strides = array<i32>} : memref<128xf32, #tpu.memory_space<vmem>>, vector<16xf32>,
      %mul3A_2181 = arith.mulf %get3A_2176, %get3A_2180 : vector<16xf32>
      %add3A_2182 = arith.addf %add3A_2172, %mul3A_2181 : vector<16xf32>
      %mul3A_2183 = arith.constant 16 : i32
      %mul3A_2184 = arith.muli %scan3A_2072, %mul3A_2183 : i32
      %get3A_2185 = arith.index_cast %mul3A_2184 : i32 to index
      %get3A_2186 = tpu.vector_load %arg20[%get3A_2185] {strides = array<i32>} : memref<128xf32, #tpu.memory_space<vmem>>, vector<16xf32>,
      %mul3A_2187 = arith.constant 16 : i32
      %mul3A_2188 = arith.muli %scan3A_2072, %mul3A_2187 : i32
      %get3A_2189 = arith.index_cast %mul3A_2188 : i32 to index
      %get3A_2190 = tpu.vector_load %arg36[%get3A_2189] {strides = array<i32>} : memref<128xf32, #tpu.memory_space<vmem>>, vector<16xf32>,
      %mul3A_2191 = arith.mulf %get3A_2186, %get3A_2190 : vector<16xf32>
      %add3A_2192 = arith.addf %add3A_2182, %mul3A_2191 : vector<16xf32>
      %mul3A_2193 = arith.constant 16 : i32
      %mul3A_2194 = arith.muli %scan3A_2072, %mul3A_2193 : i32
      %get3A_2195 = arith.index_cast %mul3A_2194 : i32 to index
      %get3A_2196 = tpu.vector_load %arg21[%get3A_2195] {strides = array<i32>} : memref<128xf32, #tpu.memory_space<vmem>>, vector<16xf32>,
      %mul3A_2197 = arith.constant 16 : i32
      %mul3A_2198 = arith.muli %scan3A_2072, %mul3A_2197 : i32
      %get3A_2199 = arith.index_cast %mul3A_2198 : i32 to index
      %get3A_2200 = tpu.vector_load %arg37[%get3A_2199] {strides = array<i32>} : memref<128xf32, #tpu.memory_space<vmem>>, vector<16xf32>,
      %mul3A_2201 = arith.mulf %get3A_2196, %get3A_2200 : vector<16xf32>
      %add3A_2202 = arith.addf %add3A_2192, %mul3A_2201 : vector<16xf32>
      %mul3A_2203 = arith.constant 16 : i32
      %mul3A_2204 = arith.muli %scan3A_2072, %mul3A_2203 : i32
      %get3A_2205 = arith.index_cast %mul3A_2204 : i32 to index
      %get3A_2206 = tpu.vector_load %arg22[%get3A_2205] {strides = array<i32>} : memref<128xf32, #tpu.memory_space<vmem>>, vector<16xf32>,
      %mul3A_2207 = arith.constant 16 : i32
      %mul3A_2208 = arith.muli %scan3A_2072, %mul3A_2207 : i32
      %get3A_2209 = arith.index_cast %mul3A_2208 : i32 to index
      %get3A_2210 = tpu.vector_load %arg38[%get3A_2209] {strides = array<i32>} : memref<128xf32, #tpu.memory_space<vmem>>, vector<16xf32>,
      %mul3A_2211 = arith.mulf %get3A_2206, %get3A_2210 : vector<16xf32>
      %add3A_2212 = arith.addf %add3A_2202, %mul3A_2211 : vector<16xf32>
      %mul3A_2213 = arith.constant 16 : i32
      %mul3A_2214 = arith.muli %scan3A_2072, %mul3A_2213 : i32
      %get3A_2215 = arith.index_cast %mul3A_2214 : i32 to index
      %get3A_2216 = tpu.vector_load %arg23[%get3A_2215] {strides = array<i32>} : memref<128xf32, #tpu.memory_space<vmem>>, vector<16xf32>,
      %mul3A_2217 = arith.constant 16 : i32
      %mul3A_2218 = arith.muli %scan3A_2072, %mul3A_2217 : i32
      %get3A_2219 = arith.index_cast %mul3A_2218 : i32 to index
      %get3A_2220 = tpu.vector_load %arg39[%get3A_2219] {strides = array<i32>} : memref<128xf32, #tpu.memory_space<vmem>>, vector<16xf32>,
      %mul3A_2221 = arith.mulf %get3A_2216, %get3A_2220 : vector<16xf32>
      %add3A_2222 = arith.addf %add3A_2212, %mul3A_2221 : vector<16xf32>
      %mul3A_2223 = arith.constant 16 : i32
      %mul3A_2224 = arith.muli %scan3A_2072, %mul3A_2223 : i32
      %get3A_2225 = arith.index_cast %mul3A_2224 : i32 to index
      %get3A_2226 = tpu.vector_load %arg24[%get3A_2225] {strides = array<i32>} : memref<128xf32, #tpu.memory_space<vmem>>, vector<16xf32>,
      %mul3A_2227 = arith.constant 16 : i32
      %mul3A_2228 = arith.muli %scan3A_2072, %mul3A_2227 : i32
      %get3A_2229 = arith.index_cast %mul3A_2228 : i32 to index
      %get3A_2230 = tpu.vector_load %arg40[%get3A_2229] {strides = array<i32>} : memref<128xf32, #tpu.memory_space<vmem>>, vector<16xf32>,
      %mul3A_2231 = arith.mulf %get3A_2226, %get3A_2230 : vector<16xf32>
      %add3A_2232 = arith.addf %add3A_2222, %mul3A_2231 : vector<16xf32>
      %neg3A = arith.constant 0.000000e+00 : f32
      %neg3A_2233 = vector.broadcast %neg3A : f32 to vector<16xf32>
      %neg3A_2234 = arith.subf %neg3A_2233, %add3A_2232 : vector<16xf32>
      %exp3A = math.exp %neg3A_2234 : vector<16xf32>
      %add3A_2235 = arith.constant 1.000000e+00 : f32
      %add3A_2236 = vector.broadcast %add3A_2235 : f32 to vector<16xf32>
      %add3A_2237 = arith.addf %add3A_2236, %exp3A : vector<16xf32>
      %div3A = arith.constant 1.000000e+00 : f32
      %div3A_2238 = vector.broadcast %div3A : f32 to vector<16xf32>
      %div3A_2239 = arith.divf %div3A_2238, %add3A_2237 : vector<16xf32>
      %mul3A_2240 = arith.constant 16 : i32
      %mul3A_2241 = arith.muli %scan3A_2072, %mul3A_2240 : i32
      %add3A_2242 = arith.constant 128 : i32
      %add3A_2243 = arith.addi %add3A_2242, %mul3A_2241 : i32
      %swap3A = arith.index_cast %add3A_2243 : i32 to index
      %swap3A_2244 = tpu.vector_load %arg41[%swap3A] {strides = array<i32>} : memref<512xf32, #tpu.memory_space<vmem>>, vector<16xf32>,
      tpu.vector_store %arg41[%swap3A], %div3A_2239 {strides = array<i32>} : memref<512xf32, #tpu.memory_space<vmem>>, vector<16xf32>,
    }
    %scan3A_1035 = arith.constant 8 : i32
    %dma_start3A_1036 = arith.constant 0 : i32
    %dma_start3A_1037 = arith.constant 256 : i32
    %dma_start3A_1038 = tpu.memref_slice %arg7[%dma_start3A_1037] : memref<512xi32, #tpu.memory_space<vmem>> -> memref<128xi32, #tpu.memory_space<vmem>>
    %dma_start3A_1039 = arith.constant 0 : i32
    %dma_start3A_1040 = tpu.memref_slice %arg4[%dma_start3A_1036, %dma_start3A_1039] : memref<16x1000001xf32, #tpu.memory_space<hbm>> -> memref<1x1000001xf32, #tpu.memory_space<hbm>>
    %dma_start3A_1041 = tpu.memref_squeeze %dma_start3A_1040 : memref<1x1000001xf32, #tpu.memory_space<hbm>> -> memref<1000001xf32, #tpu.memory_space<hbm>>
    %dma_start3A_1042 = arith.constant 0 : i32
    %dma_start3A_1043 = tpu.memref_slice %dma_start3A_1041[%dma_start3A_1042] : memref<1000001xf32, #tpu.memory_space<hbm>> -> memref<1000001xf32, #tpu.memory_space<hbm>>
    tpu.enqueue_indirect_dma source(%dma_start3A_1043 : memref<1000001xf32, #tpu.memory_space<hbm>>) target(%arg9 : memref<128xf32, #tpu.memory_space<vmem>>) offsets(%dma_start3A_1038 : memref<128xi32, #tpu.memory_space<vmem>>) semaphore(%arg42 : memref<!tpu.dma_semaphore, #tpu.memory_space<semaphore_mem>>)
    %dma_start3A_1044 = arith.constant 0 : i32
    %dma_start3A_1045 = arith.constant 256 : i32
    %dma_start3A_1046 = tpu.memref_slice %arg8[%dma_start3A_1045] : memref<512xi32, #tpu.memory_space<vmem>> -> memref<128xi32, #tpu.memory_space<vmem>>
    %dma_start3A_1047 = arith.constant 0 : i32
    %dma_start3A_1048 = tpu.memref_slice %arg5[%dma_start3A_1044, %dma_start3A_1047] : memref<16x1000001xf32, #tpu.memory_space<hbm>> -> memref<1x1000001xf32, #tpu.memory_space<hbm>>
    %dma_start3A_1049 = tpu.memref_squeeze %dma_start3A_1048 : memref<1x1000001xf32, #tpu.memory_space<hbm>> -> memref<1000001xf32, #tpu.memory_space<hbm>>
    %dma_start3A_1050 = arith.constant 0 : i32
    %dma_start3A_1051 = tpu.memref_slice %dma_start3A_1049[%dma_start3A_1050] : memref<1000001xf32, #tpu.memory_space<hbm>> -> memref<1000001xf32, #tpu.memory_space<hbm>>
    tpu.enqueue_indirect_dma source(%dma_start3A_1051 : memref<1000001xf32, #tpu.memory_space<hbm>>) target(%arg25 : memref<128xf32, #tpu.memory_space<vmem>>) offsets(%dma_start3A_1046 : memref<128xi32, #tpu.memory_space<vmem>>) semaphore(%arg42 : memref<!tpu.dma_semaphore, #tpu.memory_space<semaphore_mem>>)
    %dma_start3A_1052 = arith.constant 1 : i32
    %dma_start3A_1053 = arith.constant 256 : i32
    %dma_start3A_1054 = tpu.memref_slice %arg7[%dma_start3A_1053] : memref<512xi32, #tpu.memory_space<vmem>> -> memref<128xi32, #tpu.memory_space<vmem>>
    %dma_start3A_1055 = arith.constant 0 : i32
    %dma_start3A_1056 = tpu.memref_slice %arg4[%dma_start3A_1052, %dma_start3A_1055] : memref<16x1000001xf32, #tpu.memory_space<hbm>> -> memref<1x1000001xf32, #tpu.memory_space<hbm>>
    %dma_start3A_1057 = tpu.memref_squeeze %dma_start3A_1056 : memref<1x1000001xf32, #tpu.memory_space<hbm>> -> memref<1000001xf32, #tpu.memory_space<hbm>>
    %dma_start3A_1058 = arith.constant 0 : i32
    %dma_start3A_1059 = tpu.memref_slice %dma_start3A_1057[%dma_start3A_1058] : memref<1000001xf32, #tpu.memory_space<hbm>> -> memref<1000001xf32, #tpu.memory_space<hbm>>
    tpu.enqueue_indirect_dma source(%dma_start3A_1059 : memref<1000001xf32, #tpu.memory_space<hbm>>) target(%arg10 : memref<128xf32, #tpu.memory_space<vmem>>) offsets(%dma_start3A_1054 : memref<128xi32, #tpu.memory_space<vmem>>) semaphore(%arg42 : memref<!tpu.dma_semaphore, #tpu.memory_space<semaphore_mem>>)
    %dma_start3A_1060 = arith.constant 1 : i32
    %dma_start3A_1061 = arith.constant 256 : i32
    %dma_start3A_1062 = tpu.memref_slice %arg8[%dma_start3A_1061] : memref<512xi32, #tpu.memory_space<vmem>> -> memref<128xi32, #tpu.memory_space<vmem>>
    %dma_start3A_1063 = arith.constant 0 : i32
    %dma_start3A_1064 = tpu.memref_slice %arg5[%dma_start3A_1060, %dma_start3A_1063] : memref<16x1000001xf32, #tpu.memory_space<hbm>> -> memref<1x1000001xf32, #tpu.memory_space<hbm>>
    %dma_start3A_1065 = tpu.memref_squeeze %dma_start3A_1064 : memref<1x1000001xf32, #tpu.memory_space<hbm>> -> memref<1000001xf32, #tpu.memory_space<hbm>>
    %dma_start3A_1066 = arith.constant 0 : i32
    %dma_start3A_1067 = tpu.memref_slice %dma_start3A_1065[%dma_start3A_1066] : memref<1000001xf32, #tpu.memory_space<hbm>> -> memref<1000001xf32, #tpu.memory_space<hbm>>
    tpu.enqueue_indirect_dma source(%dma_start3A_1067 : memref<1000001xf32, #tpu.memory_space<hbm>>) target(%arg26 : memref<128xf32, #tpu.memory_space<vmem>>) offsets(%dma_start3A_1062 : memref<128xi32, #tpu.memory_space<vmem>>) semaphore(%arg42 : memref<!tpu.dma_semaphore, #tpu.memory_space<semaphore_mem>>)
    %dma_start3A_1068 = arith.constant 2 : i32
    %dma_start3A_1069 = arith.constant 256 : i32
    %dma_start3A_1070 = tpu.memref_slice %arg7[%dma_start3A_1069] : memref<512xi32, #tpu.memory_space<vmem>> -> memref<128xi32, #tpu.memory_space<vmem>>
    %dma_start3A_1071 = arith.constant 0 : i32
    %dma_start3A_1072 = tpu.memref_slice %arg4[%dma_start3A_1068, %dma_start3A_1071] : memref<16x1000001xf32, #tpu.memory_space<hbm>> -> memref<1x1000001xf32, #tpu.memory_space<hbm>>
    %dma_start3A_1073 = tpu.memref_squeeze %dma_start3A_1072 : memref<1x1000001xf32, #tpu.memory_space<hbm>> -> memref<1000001xf32, #tpu.memory_space<hbm>>
    %dma_start3A_1074 = arith.constant 0 : i32
    %dma_start3A_1075 = tpu.memref_slice %dma_start3A_1073[%dma_start3A_1074] : memref<1000001xf32, #tpu.memory_space<hbm>> -> memref<1000001xf32, #tpu.memory_space<hbm>>
    tpu.enqueue_indirect_dma source(%dma_start3A_1075 : memref<1000001xf32, #tpu.memory_space<hbm>>) target(%arg11 : memref<128xf32, #tpu.memory_space<vmem>>) offsets(%dma_start3A_1070 : memref<128xi32, #tpu.memory_space<vmem>>) semaphore(%arg42 : memref<!tpu.dma_semaphore, #tpu.memory_space<semaphore_mem>>)
    %dma_start3A_1076 = arith.constant 2 : i32
    %dma_start3A_1077 = arith.constant 256 : i32
    %dma_start3A_1078 = tpu.memref_slice %arg8[%dma_start3A_1077] : memref<512xi32, #tpu.memory_space<vmem>> -> memref<128xi32, #tpu.memory_space<vmem>>
    %dma_start3A_1079 = arith.constant 0 : i32
    %dma_start3A_1080 = tpu.memref_slice %arg5[%dma_start3A_1076, %dma_start3A_1079] : memref<16x1000001xf32, #tpu.memory_space<hbm>> -> memref<1x1000001xf32, #tpu.memory_space<hbm>>
    %dma_start3A_1081 = tpu.memref_squeeze %dma_start3A_1080 : memref<1x1000001xf32, #tpu.memory_space<hbm>> -> memref<1000001xf32, #tpu.memory_space<hbm>>
    %dma_start3A_1082 = arith.constant 0 : i32
    %dma_start3A_1083 = tpu.memref_slice %dma_start3A_1081[%dma_start3A_1082] : memref<1000001xf32, #tpu.memory_space<hbm>> -> memref<1000001xf32, #tpu.memory_space<hbm>>
    tpu.enqueue_indirect_dma source(%dma_start3A_1083 : memref<1000001xf32, #tpu.memory_space<hbm>>) target(%arg27 : memref<128xf32, #tpu.memory_space<vmem>>) offsets(%dma_start3A_1078 : memref<128xi32, #tpu.memory_space<vmem>>) semaphore(%arg42 : memref<!tpu.dma_semaphore, #tpu.memory_space<semaphore_mem>>)
    %dma_start3A_1084 = arith.constant 3 : i32
    %dma_start3A_1085 = arith.constant 256 : i32
    %dma_start3A_1086 = tpu.memref_slice %arg7[%dma_start3A_1085] : memref<512xi32, #tpu.memory_space<vmem>> -> memref<128xi32, #tpu.memory_space<vmem>>
    %dma_start3A_1087 = arith.constant 0 : i32
    %dma_start3A_1088 = tpu.memref_slice %arg4[%dma_start3A_1084, %dma_start3A_1087] : memref<16x1000001xf32, #tpu.memory_space<hbm>> -> memref<1x1000001xf32, #tpu.memory_space<hbm>>
    %dma_start3A_1089 = tpu.memref_squeeze %dma_start3A_1088 : memref<1x1000001xf32, #tpu.memory_space<hbm>> -> memref<1000001xf32, #tpu.memory_space<hbm>>
    %dma_start3A_1090 = arith.constant 0 : i32
    %dma_start3A_1091 = tpu.memref_slice %dma_start3A_1089[%dma_start3A_1090] : memref<1000001xf32, #tpu.memory_space<hbm>> -> memref<1000001xf32, #tpu.memory_space<hbm>>
    tpu.enqueue_indirect_dma source(%dma_start3A_1091 : memref<1000001xf32, #tpu.memory_space<hbm>>) target(%arg12 : memref<128xf32, #tpu.memory_space<vmem>>) offsets(%dma_start3A_1086 : memref<128xi32, #tpu.memory_space<vmem>>) semaphore(%arg42 : memref<!tpu.dma_semaphore, #tpu.memory_space<semaphore_mem>>)
    %dma_start3A_1092 = arith.constant 3 : i32
    %dma_start3A_1093 = arith.constant 256 : i32
    %dma_start3A_1094 = tpu.memref_slice %arg8[%dma_start3A_1093] : memref<512xi32, #tpu.memory_space<vmem>> -> memref<128xi32, #tpu.memory_space<vmem>>
    %dma_start3A_1095 = arith.constant 0 : i32
    %dma_start3A_1096 = tpu.memref_slice %arg5[%dma_start3A_1092, %dma_start3A_1095] : memref<16x1000001xf32, #tpu.memory_space<hbm>> -> memref<1x1000001xf32, #tpu.memory_space<hbm>>
    %dma_start3A_1097 = tpu.memref_squeeze %dma_start3A_1096 : memref<1x1000001xf32, #tpu.memory_space<hbm>> -> memref<1000001xf32, #tpu.memory_space<hbm>>
    %dma_start3A_1098 = arith.constant 0 : i32
    %dma_start3A_1099 = tpu.memref_slice %dma_start3A_1097[%dma_start3A_1098] : memref<1000001xf32, #tpu.memory_space<hbm>> -> memref<1000001xf32, #tpu.memory_space<hbm>>
    tpu.enqueue_indirect_dma source(%dma_start3A_1099 : memref<1000001xf32, #tpu.memory_space<hbm>>) target(%arg28 : memref<128xf32, #tpu.memory_space<vmem>>) offsets(%dma_start3A_1094 : memref<128xi32, #tpu.memory_space<vmem>>) semaphore(%arg42 : memref<!tpu.dma_semaphore, #tpu.memory_space<semaphore_mem>>)
    %dma_start3A_1100 = arith.constant 4 : i32
    %dma_start3A_1101 = arith.constant 256 : i32
    %dma_start3A_1102 = tpu.memref_slice %arg7[%dma_start3A_1101] : memref<512xi32, #tpu.memory_space<vmem>> -> memref<128xi32, #tpu.memory_space<vmem>>
    %dma_start3A_1103 = arith.constant 0 : i32
    %dma_start3A_1104 = tpu.memref_slice %arg4[%dma_start3A_1100, %dma_start3A_1103] : memref<16x1000001xf32, #tpu.memory_space<hbm>> -> memref<1x1000001xf32, #tpu.memory_space<hbm>>
    %dma_start3A_1105 = tpu.memref_squeeze %dma_start3A_1104 : memref<1x1000001xf32, #tpu.memory_space<hbm>> -> memref<1000001xf32, #tpu.memory_space<hbm>>
    %dma_start3A_1106 = arith.constant 0 : i32
    %dma_start3A_1107 = tpu.memref_slice %dma_start3A_1105[%dma_start3A_1106] : memref<1000001xf32, #tpu.memory_space<hbm>> -> memref<1000001xf32, #tpu.memory_space<hbm>>
    tpu.enqueue_indirect_dma source(%dma_start3A_1107 : memref<1000001xf32, #tpu.memory_space<hbm>>) target(%arg13 : memref<128xf32, #tpu.memory_space<vmem>>) offsets(%dma_start3A_1102 : memref<128xi32, #tpu.memory_space<vmem>>) semaphore(%arg42 : memref<!tpu.dma_semaphore, #tpu.memory_space<semaphore_mem>>)
    %dma_start3A_1108 = arith.constant 4 : i32
    %dma_start3A_1109 = arith.constant 256 : i32
    %dma_start3A_1110 = tpu.memref_slice %arg8[%dma_start3A_1109] : memref<512xi32, #tpu.memory_space<vmem>> -> memref<128xi32, #tpu.memory_space<vmem>>
    %dma_start3A_1111 = arith.constant 0 : i32
    %dma_start3A_1112 = tpu.memref_slice %arg5[%dma_start3A_1108, %dma_start3A_1111] : memref<16x1000001xf32, #tpu.memory_space<hbm>> -> memref<1x1000001xf32, #tpu.memory_space<hbm>>
    %dma_start3A_1113 = tpu.memref_squeeze %dma_start3A_1112 : memref<1x1000001xf32, #tpu.memory_space<hbm>> -> memref<1000001xf32, #tpu.memory_space<hbm>>
    %dma_start3A_1114 = arith.constant 0 : i32
    %dma_start3A_1115 = tpu.memref_slice %dma_start3A_1113[%dma_start3A_1114] : memref<1000001xf32, #tpu.memory_space<hbm>> -> memref<1000001xf32, #tpu.memory_space<hbm>>
    tpu.enqueue_indirect_dma source(%dma_start3A_1115 : memref<1000001xf32, #tpu.memory_space<hbm>>) target(%arg29 : memref<128xf32, #tpu.memory_space<vmem>>) offsets(%dma_start3A_1110 : memref<128xi32, #tpu.memory_space<vmem>>) semaphore(%arg42 : memref<!tpu.dma_semaphore, #tpu.memory_space<semaphore_mem>>)
    %dma_start3A_1116 = arith.constant 5 : i32
    %dma_start3A_1117 = arith.constant 256 : i32
    %dma_start3A_1118 = tpu.memref_slice %arg7[%dma_start3A_1117] : memref<512xi32, #tpu.memory_space<vmem>> -> memref<128xi32, #tpu.memory_space<vmem>>
    %dma_start3A_1119 = arith.constant 0 : i32
    %dma_start3A_1120 = tpu.memref_slice %arg4[%dma_start3A_1116, %dma_start3A_1119] : memref<16x1000001xf32, #tpu.memory_space<hbm>> -> memref<1x1000001xf32, #tpu.memory_space<hbm>>
    %dma_start3A_1121 = tpu.memref_squeeze %dma_start3A_1120 : memref<1x1000001xf32, #tpu.memory_space<hbm>> -> memref<1000001xf32, #tpu.memory_space<hbm>>
    %dma_start3A_1122 = arith.constant 0 : i32
    %dma_start3A_1123 = tpu.memref_slice %dma_start3A_1121[%dma_start3A_1122] : memref<1000001xf32, #tpu.memory_space<hbm>> -> memref<1000001xf32, #tpu.memory_space<hbm>>
    tpu.enqueue_indirect_dma source(%dma_start3A_1123 : memref<1000001xf32, #tpu.memory_space<hbm>>) target(%arg14 : memref<128xf32, #tpu.memory_space<vmem>>) offsets(%dma_start3A_1118 : memref<128xi32, #tpu.memory_space<vmem>>) semaphore(%arg42 : memref<!tpu.dma_semaphore, #tpu.memory_space<semaphore_mem>>)
    %dma_start3A_1124 = arith.constant 5 : i32
    %dma_start3A_1125 = arith.constant 256 : i32
    %dma_start3A_1126 = tpu.memref_slice %arg8[%dma_start3A_1125] : memref<512xi32, #tpu.memory_space<vmem>> -> memref<128xi32, #tpu.memory_space<vmem>>
    %dma_start3A_1127 = arith.constant 0 : i32
    %dma_start3A_1128 = tpu.memref_slice %arg5[%dma_start3A_1124, %dma_start3A_1127] : memref<16x1000001xf32, #tpu.memory_space<hbm>> -> memref<1x1000001xf32, #tpu.memory_space<hbm>>
    %dma_start3A_1129 = tpu.memref_squeeze %dma_start3A_1128 : memref<1x1000001xf32, #tpu.memory_space<hbm>> -> memref<1000001xf32, #tpu.memory_space<hbm>>
    %dma_start3A_1130 = arith.constant 0 : i32
    %dma_start3A_1131 = tpu.memref_slice %dma_start3A_1129[%dma_start3A_1130] : memref<1000001xf32, #tpu.memory_space<hbm>> -> memref<1000001xf32, #tpu.memory_space<hbm>>
    tpu.enqueue_indirect_dma source(%dma_start3A_1131 : memref<1000001xf32, #tpu.memory_space<hbm>>) target(%arg30 : memref<128xf32, #tpu.memory_space<vmem>>) offsets(%dma_start3A_1126 : memref<128xi32, #tpu.memory_space<vmem>>) semaphore(%arg42 : memref<!tpu.dma_semaphore, #tpu.memory_space<semaphore_mem>>)
    %dma_start3A_1132 = arith.constant 6 : i32
    %dma_start3A_1133 = arith.constant 256 : i32
    %dma_start3A_1134 = tpu.memref_slice %arg7[%dma_start3A_1133] : memref<512xi32, #tpu.memory_space<vmem>> -> memref<128xi32, #tpu.memory_space<vmem>>
    %dma_start3A_1135 = arith.constant 0 : i32
    %dma_start3A_1136 = tpu.memref_slice %arg4[%dma_start3A_1132, %dma_start3A_1135] : memref<16x1000001xf32, #tpu.memory_space<hbm>> -> memref<1x1000001xf32, #tpu.memory_space<hbm>>
    %dma_start3A_1137 = tpu.memref_squeeze %dma_start3A_1136 : memref<1x1000001xf32, #tpu.memory_space<hbm>> -> memref<1000001xf32, #tpu.memory_space<hbm>>
    %dma_start3A_1138 = arith.constant 0 : i32
    %dma_start3A_1139 = tpu.memref_slice %dma_start3A_1137[%dma_start3A_1138] : memref<1000001xf32, #tpu.memory_space<hbm>> -> memref<1000001xf32, #tpu.memory_space<hbm>>
    tpu.enqueue_indirect_dma source(%dma_start3A_1139 : memref<1000001xf32, #tpu.memory_space<hbm>>) target(%arg15 : memref<128xf32, #tpu.memory_space<vmem>>) offsets(%dma_start3A_1134 : memref<128xi32, #tpu.memory_space<vmem>>) semaphore(%arg42 : memref<!tpu.dma_semaphore, #tpu.memory_space<semaphore_mem>>)
    %dma_start3A_1140 = arith.constant 6 : i32
    %dma_start3A_1141 = arith.constant 256 : i32
    %dma_start3A_1142 = tpu.memref_slice %arg8[%dma_start3A_1141] : memref<512xi32, #tpu.memory_space<vmem>> -> memref<128xi32, #tpu.memory_space<vmem>>
    %dma_start3A_1143 = arith.constant 0 : i32
    %dma_start3A_1144 = tpu.memref_slice %arg5[%dma_start3A_1140, %dma_start3A_1143] : memref<16x1000001xf32, #tpu.memory_space<hbm>> -> memref<1x1000001xf32, #tpu.memory_space<hbm>>
    %dma_start3A_1145 = tpu.memref_squeeze %dma_start3A_1144 : memref<1x1000001xf32, #tpu.memory_space<hbm>> -> memref<1000001xf32, #tpu.memory_space<hbm>>
    %dma_start3A_1146 = arith.constant 0 : i32
    %dma_start3A_1147 = tpu.memref_slice %dma_start3A_1145[%dma_start3A_1146] : memref<1000001xf32, #tpu.memory_space<hbm>> -> memref<1000001xf32, #tpu.memory_space<hbm>>
    tpu.enqueue_indirect_dma source(%dma_start3A_1147 : memref<1000001xf32, #tpu.memory_space<hbm>>) target(%arg31 : memref<128xf32, #tpu.memory_space<vmem>>) offsets(%dma_start3A_1142 : memref<128xi32, #tpu.memory_space<vmem>>) semaphore(%arg42 : memref<!tpu.dma_semaphore, #tpu.memory_space<semaphore_mem>>)
    %dma_start3A_1148 = arith.constant 7 : i32
    %dma_start3A_1149 = arith.constant 256 : i32
    %dma_start3A_1150 = tpu.memref_slice %arg7[%dma_start3A_1149] : memref<512xi32, #tpu.memory_space<vmem>> -> memref<128xi32, #tpu.memory_space<vmem>>
    %dma_start3A_1151 = arith.constant 0 : i32
    %dma_start3A_1152 = tpu.memref_slice %arg4[%dma_start3A_1148, %dma_start3A_1151] : memref<16x1000001xf32, #tpu.memory_space<hbm>> -> memref<1x1000001xf32, #tpu.memory_space<hbm>>
    %dma_start3A_1153 = tpu.memref_squeeze %dma_start3A_1152 : memref<1x1000001xf32, #tpu.memory_space<hbm>> -> memref<1000001xf32, #tpu.memory_space<hbm>>
    %dma_start3A_1154 = arith.constant 0 : i32
    %dma_start3A_1155 = tpu.memref_slice %dma_start3A_1153[%dma_start3A_1154] : memref<1000001xf32, #tpu.memory_space<hbm>> -> memref<1000001xf32, #tpu.memory_space<hbm>>
    tpu.enqueue_indirect_dma source(%dma_start3A_1155 : memref<1000001xf32, #tpu.memory_space<hbm>>) target(%arg16 : memref<128xf32, #tpu.memory_space<vmem>>) offsets(%dma_start3A_1150 : memref<128xi32, #tpu.memory_space<vmem>>) semaphore(%arg42 : memref<!tpu.dma_semaphore, #tpu.memory_space<semaphore_mem>>)
    %dma_start3A_1156 = arith.constant 7 : i32
    %dma_start3A_1157 = arith.constant 256 : i32
    %dma_start3A_1158 = tpu.memref_slice %arg8[%dma_start3A_1157] : memref<512xi32, #tpu.memory_space<vmem>> -> memref<128xi32, #tpu.memory_space<vmem>>
    %dma_start3A_1159 = arith.constant 0 : i32
    %dma_start3A_1160 = tpu.memref_slice %arg5[%dma_start3A_1156, %dma_start3A_1159] : memref<16x1000001xf32, #tpu.memory_space<hbm>> -> memref<1x1000001xf32, #tpu.memory_space<hbm>>
    %dma_start3A_1161 = tpu.memref_squeeze %dma_start3A_1160 : memref<1x1000001xf32, #tpu.memory_space<hbm>> -> memref<1000001xf32, #tpu.memory_space<hbm>>
    %dma_start3A_1162 = arith.constant 0 : i32
    %dma_start3A_1163 = tpu.memref_slice %dma_start3A_1161[%dma_start3A_1162] : memref<1000001xf32, #tpu.memory_space<hbm>> -> memref<1000001xf32, #tpu.memory_space<hbm>>
    tpu.enqueue_indirect_dma source(%dma_start3A_1163 : memref<1000001xf32, #tpu.memory_space<hbm>>) target(%arg32 : memref<128xf32, #tpu.memory_space<vmem>>) offsets(%dma_start3A_1158 : memref<128xi32, #tpu.memory_space<vmem>>) semaphore(%arg42 : memref<!tpu.dma_semaphore, #tpu.memory_space<semaphore_mem>>)
    %dma_start3A_1164 = arith.constant 8 : i32
    %dma_start3A_1165 = arith.constant 256 : i32
    %dma_start3A_1166 = tpu.memref_slice %arg7[%dma_start3A_1165] : memref<512xi32, #tpu.memory_space<vmem>> -> memref<128xi32, #tpu.memory_space<vmem>>
    %dma_start3A_1167 = arith.constant 0 : i32
    %dma_start3A_1168 = tpu.memref_slice %arg4[%dma_start3A_1164, %dma_start3A_1167] : memref<16x1000001xf32, #tpu.memory_space<hbm>> -> memref<1x1000001xf32, #tpu.memory_space<hbm>>
    %dma_start3A_1169 = tpu.memref_squeeze %dma_start3A_1168 : memref<1x1000001xf32, #tpu.memory_space<hbm>> -> memref<1000001xf32, #tpu.memory_space<hbm>>
    %dma_start3A_1170 = arith.constant 0 : i32
    %dma_start3A_1171 = tpu.memref_slice %dma_start3A_1169[%dma_start3A_1170] : memref<1000001xf32, #tpu.memory_space<hbm>> -> memref<1000001xf32, #tpu.memory_space<hbm>>
    tpu.enqueue_indirect_dma source(%dma_start3A_1171 : memref<1000001xf32, #tpu.memory_space<hbm>>) target(%arg17 : memref<128xf32, #tpu.memory_space<vmem>>) offsets(%dma_start3A_1166 : memref<128xi32, #tpu.memory_space<vmem>>) semaphore(%arg42 : memref<!tpu.dma_semaphore, #tpu.memory_space<semaphore_mem>>)
    %dma_start3A_1172 = arith.constant 8 : i32
    %dma_start3A_1173 = arith.constant 256 : i32
    %dma_start3A_1174 = tpu.memref_slice %arg8[%dma_start3A_1173] : memref<512xi32, #tpu.memory_space<vmem>> -> memref<128xi32, #tpu.memory_space<vmem>>
    %dma_start3A_1175 = arith.constant 0 : i32
    %dma_start3A_1176 = tpu.memref_slice %arg5[%dma_start3A_1172, %dma_start3A_1175] : memref<16x1000001xf32, #tpu.memory_space<hbm>> -> memref<1x1000001xf32, #tpu.memory_space<hbm>>
    %dma_start3A_1177 = tpu.memref_squeeze %dma_start3A_1176 : memref<1x1000001xf32, #tpu.memory_space<hbm>> -> memref<1000001xf32, #tpu.memory_space<hbm>>
    %dma_start3A_1178 = arith.constant 0 : i32
    %dma_start3A_1179 = tpu.memref_slice %dma_start3A_1177[%dma_start3A_1178] : memref<1000001xf32, #tpu.memory_space<hbm>> -> memref<1000001xf32, #tpu.memory_space<hbm>>
    tpu.enqueue_indirect_dma source(%dma_start3A_1179 : memref<1000001xf32, #tpu.memory_space<hbm>>) target(%arg33 : memref<128xf32, #tpu.memory_space<vmem>>) offsets(%dma_start3A_1174 : memref<128xi32, #tpu.memory_space<vmem>>) semaphore(%arg42 : memref<!tpu.dma_semaphore, #tpu.memory_space<semaphore_mem>>)
    %dma_start3A_1180 = arith.constant 9 : i32
    %dma_start3A_1181 = arith.constant 256 : i32
    %dma_start3A_1182 = tpu.memref_slice %arg7[%dma_start3A_1181] : memref<512xi32, #tpu.memory_space<vmem>> -> memref<128xi32, #tpu.memory_space<vmem>>
    %dma_start3A_1183 = arith.constant 0 : i32
    %dma_start3A_1184 = tpu.memref_slice %arg4[%dma_start3A_1180, %dma_start3A_1183] : memref<16x1000001xf32, #tpu.memory_space<hbm>> -> memref<1x1000001xf32, #tpu.memory_space<hbm>>
    %dma_start3A_1185 = tpu.memref_squeeze %dma_start3A_1184 : memref<1x1000001xf32, #tpu.memory_space<hbm>> -> memref<1000001xf32, #tpu.memory_space<hbm>>
    %dma_start3A_1186 = arith.constant 0 : i32
    %dma_start3A_1187 = tpu.memref_slice %dma_start3A_1185[%dma_start3A_1186] : memref<1000001xf32, #tpu.memory_space<hbm>> -> memref<1000001xf32, #tpu.memory_space<hbm>>
    tpu.enqueue_indirect_dma source(%dma_start3A_1187 : memref<1000001xf32, #tpu.memory_space<hbm>>) target(%arg18 : memref<128xf32, #tpu.memory_space<vmem>>) offsets(%dma_start3A_1182 : memref<128xi32, #tpu.memory_space<vmem>>) semaphore(%arg42 : memref<!tpu.dma_semaphore, #tpu.memory_space<semaphore_mem>>)
    %dma_start3A_1188 = arith.constant 9 : i32
    %dma_start3A_1189 = arith.constant 256 : i32
    %dma_start3A_1190 = tpu.memref_slice %arg8[%dma_start3A_1189] : memref<512xi32, #tpu.memory_space<vmem>> -> memref<128xi32, #tpu.memory_space<vmem>>
    %dma_start3A_1191 = arith.constant 0 : i32
    %dma_start3A_1192 = tpu.memref_slice %arg5[%dma_start3A_1188, %dma_start3A_1191] : memref<16x1000001xf32, #tpu.memory_space<hbm>> -> memref<1x1000001xf32, #tpu.memory_space<hbm>>
    %dma_start3A_1193 = tpu.memref_squeeze %dma_start3A_1192 : memref<1x1000001xf32, #tpu.memory_space<hbm>> -> memref<1000001xf32, #tpu.memory_space<hbm>>
    %dma_start3A_1194 = arith.constant 0 : i32
    %dma_start3A_1195 = tpu.memref_slice %dma_start3A_1193[%dma_start3A_1194] : memref<1000001xf32, #tpu.memory_space<hbm>> -> memref<1000001xf32, #tpu.memory_space<hbm>>
    tpu.enqueue_indirect_dma source(%dma_start3A_1195 : memref<1000001xf32, #tpu.memory_space<hbm>>) target(%arg34 : memref<128xf32, #tpu.memory_space<vmem>>) offsets(%dma_start3A_1190 : memref<128xi32, #tpu.memory_space<vmem>>) semaphore(%arg42 : memref<!tpu.dma_semaphore, #tpu.memory_space<semaphore_mem>>)
    %dma_start3A_1196 = arith.constant 10 : i32
    %dma_start3A_1197 = arith.constant 256 : i32
    %dma_start3A_1198 = tpu.memref_slice %arg7[%dma_start3A_1197] : memref<512xi32, #tpu.memory_space<vmem>> -> memref<128xi32, #tpu.memory_space<vmem>>
    %dma_start3A_1199 = arith.constant 0 : i32
    %dma_start3A_1200 = tpu.memref_slice %arg4[%dma_start3A_1196, %dma_start3A_1199] : memref<16x1000001xf32, #tpu.memory_space<hbm>> -> memref<1x1000001xf32, #tpu.memory_space<hbm>>
    %dma_start3A_1201 = tpu.memref_squeeze %dma_start3A_1200 : memref<1x1000001xf32, #tpu.memory_space<hbm>> -> memref<1000001xf32, #tpu.memory_space<hbm>>
    %dma_start3A_1202 = arith.constant 0 : i32
    %dma_start3A_1203 = tpu.memref_slice %dma_start3A_1201[%dma_start3A_1202] : memref<1000001xf32, #tpu.memory_space<hbm>> -> memref<1000001xf32, #tpu.memory_space<hbm>>
    tpu.enqueue_indirect_dma source(%dma_start3A_1203 : memref<1000001xf32, #tpu.memory_space<hbm>>) target(%arg19 : memref<128xf32, #tpu.memory_space<vmem>>) offsets(%dma_start3A_1198 : memref<128xi32, #tpu.memory_space<vmem>>) semaphore(%arg42 : memref<!tpu.dma_semaphore, #tpu.memory_space<semaphore_mem>>)
    %dma_start3A_1204 = arith.constant 10 : i32
    %dma_start3A_1205 = arith.constant 256 : i32
    %dma_start3A_1206 = tpu.memref_slice %arg8[%dma_start3A_1205] : memref<512xi32, #tpu.memory_space<vmem>> -> memref<128xi32, #tpu.memory_space<vmem>>
    %dma_start3A_1207 = arith.constant 0 : i32
    %dma_start3A_1208 = tpu.memref_slice %arg5[%dma_start3A_1204, %dma_start3A_1207] : memref<16x1000001xf32, #tpu.memory_space<hbm>> -> memref<1x1000001xf32, #tpu.memory_space<hbm>>
    %dma_start3A_1209 = tpu.memref_squeeze %dma_start3A_1208 : memref<1x1000001xf32, #tpu.memory_space<hbm>> -> memref<1000001xf32, #tpu.memory_space<hbm>>
    %dma_start3A_1210 = arith.constant 0 : i32
    %dma_start3A_1211 = tpu.memref_slice %dma_start3A_1209[%dma_start3A_1210] : memref<1000001xf32, #tpu.memory_space<hbm>> -> memref<1000001xf32, #tpu.memory_space<hbm>>
    tpu.enqueue_indirect_dma source(%dma_start3A_1211 : memref<1000001xf32, #tpu.memory_space<hbm>>) target(%arg35 : memref<128xf32, #tpu.memory_space<vmem>>) offsets(%dma_start3A_1206 : memref<128xi32, #tpu.memory_space<vmem>>) semaphore(%arg42 : memref<!tpu.dma_semaphore, #tpu.memory_space<semaphore_mem>>)
    %dma_start3A_1212 = arith.constant 11 : i32
    %dma_start3A_1213 = arith.constant 256 : i32
    %dma_start3A_1214 = tpu.memref_slice %arg7[%dma_start3A_1213] : memref<512xi32, #tpu.memory_space<vmem>> -> memref<128xi32, #tpu.memory_space<vmem>>
    %dma_start3A_1215 = arith.constant 0 : i32
    %dma_start3A_1216 = tpu.memref_slice %arg4[%dma_start3A_1212, %dma_start3A_1215] : memref<16x1000001xf32, #tpu.memory_space<hbm>> -> memref<1x1000001xf32, #tpu.memory_space<hbm>>
    %dma_start3A_1217 = tpu.memref_squeeze %dma_start3A_1216 : memref<1x1000001xf32, #tpu.memory_space<hbm>> -> memref<1000001xf32, #tpu.memory_space<hbm>>
    %dma_start3A_1218 = arith.constant 0 : i32
    %dma_start3A_1219 = tpu.memref_slice %dma_start3A_1217[%dma_start3A_1218] : memref<1000001xf32, #tpu.memory_space<hbm>> -> memref<1000001xf32, #tpu.memory_space<hbm>>
    tpu.enqueue_indirect_dma source(%dma_start3A_1219 : memref<1000001xf32, #tpu.memory_space<hbm>>) target(%arg20 : memref<128xf32, #tpu.memory_space<vmem>>) offsets(%dma_start3A_1214 : memref<128xi32, #tpu.memory_space<vmem>>) semaphore(%arg42 : memref<!tpu.dma_semaphore, #tpu.memory_space<semaphore_mem>>)
    %dma_start3A_1220 = arith.constant 11 : i32
    %dma_start3A_1221 = arith.constant 256 : i32
    %dma_start3A_1222 = tpu.memref_slice %arg8[%dma_start3A_1221] : memref<512xi32, #tpu.memory_space<vmem>> -> memref<128xi32, #tpu.memory_space<vmem>>
    %dma_start3A_1223 = arith.constant 0 : i32
    %dma_start3A_1224 = tpu.memref_slice %arg5[%dma_start3A_1220, %dma_start3A_1223] : memref<16x1000001xf32, #tpu.memory_space<hbm>> -> memref<1x1000001xf32, #tpu.memory_space<hbm>>
    %dma_start3A_1225 = tpu.memref_squeeze %dma_start3A_1224 : memref<1x1000001xf32, #tpu.memory_space<hbm>> -> memref<1000001xf32, #tpu.memory_space<hbm>>
    %dma_start3A_1226 = arith.constant 0 : i32
    %dma_start3A_1227 = tpu.memref_slice %dma_start3A_1225[%dma_start3A_1226] : memref<1000001xf32, #tpu.memory_space<hbm>> -> memref<1000001xf32, #tpu.memory_space<hbm>>
    tpu.enqueue_indirect_dma source(%dma_start3A_1227 : memref<1000001xf32, #tpu.memory_space<hbm>>) target(%arg36 : memref<128xf32, #tpu.memory_space<vmem>>) offsets(%dma_start3A_1222 : memref<128xi32, #tpu.memory_space<vmem>>) semaphore(%arg42 : memref<!tpu.dma_semaphore, #tpu.memory_space<semaphore_mem>>)
    %dma_start3A_1228 = arith.constant 12 : i32
    %dma_start3A_1229 = arith.constant 256 : i32
    %dma_start3A_1230 = tpu.memref_slice %arg7[%dma_start3A_1229] : memref<512xi32, #tpu.memory_space<vmem>> -> memref<128xi32, #tpu.memory_space<vmem>>
    %dma_start3A_1231 = arith.constant 0 : i32
    %dma_start3A_1232 = tpu.memref_slice %arg4[%dma_start3A_1228, %dma_start3A_1231] : memref<16x1000001xf32, #tpu.memory_space<hbm>> -> memref<1x1000001xf32, #tpu.memory_space<hbm>>
    %dma_start3A_1233 = tpu.memref_squeeze %dma_start3A_1232 : memref<1x1000001xf32, #tpu.memory_space<hbm>> -> memref<1000001xf32, #tpu.memory_space<hbm>>
    %dma_start3A_1234 = arith.constant 0 : i32
    %dma_start3A_1235 = tpu.memref_slice %dma_start3A_1233[%dma_start3A_1234] : memref<1000001xf32, #tpu.memory_space<hbm>> -> memref<1000001xf32, #tpu.memory_space<hbm>>
    tpu.enqueue_indirect_dma source(%dma_start3A_1235 : memref<1000001xf32, #tpu.memory_space<hbm>>) target(%arg21 : memref<128xf32, #tpu.memory_space<vmem>>) offsets(%dma_start3A_1230 : memref<128xi32, #tpu.memory_space<vmem>>) semaphore(%arg42 : memref<!tpu.dma_semaphore, #tpu.memory_space<semaphore_mem>>)
    %dma_start3A_1236 = arith.constant 12 : i32
    %dma_start3A_1237 = arith.constant 256 : i32
    %dma_start3A_1238 = tpu.memref_slice %arg8[%dma_start3A_1237] : memref<512xi32, #tpu.memory_space<vmem>> -> memref<128xi32, #tpu.memory_space<vmem>>
    %dma_start3A_1239 = arith.constant 0 : i32
    %dma_start3A_1240 = tpu.memref_slice %arg5[%dma_start3A_1236, %dma_start3A_1239] : memref<16x1000001xf32, #tpu.memory_space<hbm>> -> memref<1x1000001xf32, #tpu.memory_space<hbm>>
    %dma_start3A_1241 = tpu.memref_squeeze %dma_start3A_1240 : memref<1x1000001xf32, #tpu.memory_space<hbm>> -> memref<1000001xf32, #tpu.memory_space<hbm>>
    %dma_start3A_1242 = arith.constant 0 : i32
    %dma_start3A_1243 = tpu.memref_slice %dma_start3A_1241[%dma_start3A_1242] : memref<1000001xf32, #tpu.memory_space<hbm>> -> memref<1000001xf32, #tpu.memory_space<hbm>>
    tpu.enqueue_indirect_dma source(%dma_start3A_1243 : memref<1000001xf32, #tpu.memory_space<hbm>>) target(%arg37 : memref<128xf32, #tpu.memory_space<vmem>>) offsets(%dma_start3A_1238 : memref<128xi32, #tpu.memory_space<vmem>>) semaphore(%arg42 : memref<!tpu.dma_semaphore, #tpu.memory_space<semaphore_mem>>)
    %dma_start3A_1244 = arith.constant 13 : i32
    %dma_start3A_1245 = arith.constant 256 : i32
    %dma_start3A_1246 = tpu.memref_slice %arg7[%dma_start3A_1245] : memref<512xi32, #tpu.memory_space<vmem>> -> memref<128xi32, #tpu.memory_space<vmem>>
    %dma_start3A_1247 = arith.constant 0 : i32
    %dma_start3A_1248 = tpu.memref_slice %arg4[%dma_start3A_1244, %dma_start3A_1247] : memref<16x1000001xf32, #tpu.memory_space<hbm>> -> memref<1x1000001xf32, #tpu.memory_space<hbm>>
    %dma_start3A_1249 = tpu.memref_squeeze %dma_start3A_1248 : memref<1x1000001xf32, #tpu.memory_space<hbm>> -> memref<1000001xf32, #tpu.memory_space<hbm>>
    %dma_start3A_1250 = arith.constant 0 : i32
    %dma_start3A_1251 = tpu.memref_slice %dma_start3A_1249[%dma_start3A_1250] : memref<1000001xf32, #tpu.memory_space<hbm>> -> memref<1000001xf32, #tpu.memory_space<hbm>>
    tpu.enqueue_indirect_dma source(%dma_start3A_1251 : memref<1000001xf32, #tpu.memory_space<hbm>>) target(%arg22 : memref<128xf32, #tpu.memory_space<vmem>>) offsets(%dma_start3A_1246 : memref<128xi32, #tpu.memory_space<vmem>>) semaphore(%arg42 : memref<!tpu.dma_semaphore, #tpu.memory_space<semaphore_mem>>)
    %dma_start3A_1252 = arith.constant 13 : i32
    %dma_start3A_1253 = arith.constant 256 : i32
    %dma_start3A_1254 = tpu.memref_slice %arg8[%dma_start3A_1253] : memref<512xi32, #tpu.memory_space<vmem>> -> memref<128xi32, #tpu.memory_space<vmem>>
    %dma_start3A_1255 = arith.constant 0 : i32
    %dma_start3A_1256 = tpu.memref_slice %arg5[%dma_start3A_1252, %dma_start3A_1255] : memref<16x1000001xf32, #tpu.memory_space<hbm>> -> memref<1x1000001xf32, #tpu.memory_space<hbm>>
    %dma_start3A_1257 = tpu.memref_squeeze %dma_start3A_1256 : memref<1x1000001xf32, #tpu.memory_space<hbm>> -> memref<1000001xf32, #tpu.memory_space<hbm>>
    %dma_start3A_1258 = arith.constant 0 : i32
    %dma_start3A_1259 = tpu.memref_slice %dma_start3A_1257[%dma_start3A_1258] : memref<1000001xf32, #tpu.memory_space<hbm>> -> memref<1000001xf32, #tpu.memory_space<hbm>>
    tpu.enqueue_indirect_dma source(%dma_start3A_1259 : memref<1000001xf32, #tpu.memory_space<hbm>>) target(%arg38 : memref<128xf32, #tpu.memory_space<vmem>>) offsets(%dma_start3A_1254 : memref<128xi32, #tpu.memory_space<vmem>>) semaphore(%arg42 : memref<!tpu.dma_semaphore, #tpu.memory_space<semaphore_mem>>)
    %dma_start3A_1260 = arith.constant 14 : i32
    %dma_start3A_1261 = arith.constant 256 : i32
    %dma_start3A_1262 = tpu.memref_slice %arg7[%dma_start3A_1261] : memref<512xi32, #tpu.memory_space<vmem>> -> memref<128xi32, #tpu.memory_space<vmem>>
    %dma_start3A_1263 = arith.constant 0 : i32
    %dma_start3A_1264 = tpu.memref_slice %arg4[%dma_start3A_1260, %dma_start3A_1263] : memref<16x1000001xf32, #tpu.memory_space<hbm>> -> memref<1x1000001xf32, #tpu.memory_space<hbm>>
    %dma_start3A_1265 = tpu.memref_squeeze %dma_start3A_1264 : memref<1x1000001xf32, #tpu.memory_space<hbm>> -> memref<1000001xf32, #tpu.memory_space<hbm>>
    %dma_start3A_1266 = arith.constant 0 : i32
    %dma_start3A_1267 = tpu.memref_slice %dma_start3A_1265[%dma_start3A_1266] : memref<1000001xf32, #tpu.memory_space<hbm>> -> memref<1000001xf32, #tpu.memory_space<hbm>>
    tpu.enqueue_indirect_dma source(%dma_start3A_1267 : memref<1000001xf32, #tpu.memory_space<hbm>>) target(%arg23 : memref<128xf32, #tpu.memory_space<vmem>>) offsets(%dma_start3A_1262 : memref<128xi32, #tpu.memory_space<vmem>>) semaphore(%arg42 : memref<!tpu.dma_semaphore, #tpu.memory_space<semaphore_mem>>)
    %dma_start3A_1268 = arith.constant 14 : i32
    %dma_start3A_1269 = arith.constant 256 : i32
    %dma_start3A_1270 = tpu.memref_slice %arg8[%dma_start3A_1269] : memref<512xi32, #tpu.memory_space<vmem>> -> memref<128xi32, #tpu.memory_space<vmem>>
    %dma_start3A_1271 = arith.constant 0 : i32
    %dma_start3A_1272 = tpu.memref_slice %arg5[%dma_start3A_1268, %dma_start3A_1271] : memref<16x1000001xf32, #tpu.memory_space<hbm>> -> memref<1x1000001xf32, #tpu.memory_space<hbm>>
    %dma_start3A_1273 = tpu.memref_squeeze %dma_start3A_1272 : memref<1x1000001xf32, #tpu.memory_space<hbm>> -> memref<1000001xf32, #tpu.memory_space<hbm>>
    %dma_start3A_1274 = arith.constant 0 : i32
    %dma_start3A_1275 = tpu.memref_slice %dma_start3A_1273[%dma_start3A_1274] : memref<1000001xf32, #tpu.memory_space<hbm>> -> memref<1000001xf32, #tpu.memory_space<hbm>>
    tpu.enqueue_indirect_dma source(%dma_start3A_1275 : memref<1000001xf32, #tpu.memory_space<hbm>>) target(%arg39 : memref<128xf32, #tpu.memory_space<vmem>>) offsets(%dma_start3A_1270 : memref<128xi32, #tpu.memory_space<vmem>>) semaphore(%arg42 : memref<!tpu.dma_semaphore, #tpu.memory_space<semaphore_mem>>)
    %dma_start3A_1276 = arith.constant 15 : i32
    %dma_start3A_1277 = arith.constant 256 : i32
    %dma_start3A_1278 = tpu.memref_slice %arg7[%dma_start3A_1277] : memref<512xi32, #tpu.memory_space<vmem>> -> memref<128xi32, #tpu.memory_space<vmem>>
    %dma_start3A_1279 = arith.constant 0 : i32
    %dma_start3A_1280 = tpu.memref_slice %arg4[%dma_start3A_1276, %dma_start3A_1279] : memref<16x1000001xf32, #tpu.memory_space<hbm>> -> memref<1x1000001xf32, #tpu.memory_space<hbm>>
    %dma_start3A_1281 = tpu.memref_squeeze %dma_start3A_1280 : memref<1x1000001xf32, #tpu.memory_space<hbm>> -> memref<1000001xf32, #tpu.memory_space<hbm>>
    %dma_start3A_1282 = arith.constant 0 : i32
    %dma_start3A_1283 = tpu.memref_slice %dma_start3A_1281[%dma_start3A_1282] : memref<1000001xf32, #tpu.memory_space<hbm>> -> memref<1000001xf32, #tpu.memory_space<hbm>>
    tpu.enqueue_indirect_dma source(%dma_start3A_1283 : memref<1000001xf32, #tpu.memory_space<hbm>>) target(%arg24 : memref<128xf32, #tpu.memory_space<vmem>>) offsets(%dma_start3A_1278 : memref<128xi32, #tpu.memory_space<vmem>>) semaphore(%arg42 : memref<!tpu.dma_semaphore, #tpu.memory_space<semaphore_mem>>)
    %dma_start3A_1284 = arith.constant 15 : i32
    %dma_start3A_1285 = arith.constant 256 : i32
    %dma_start3A_1286 = tpu.memref_slice %arg8[%dma_start3A_1285] : memref<512xi32, #tpu.memory_space<vmem>> -> memref<128xi32, #tpu.memory_space<vmem>>
    %dma_start3A_1287 = arith.constant 0 : i32
    %dma_start3A_1288 = tpu.memref_slice %arg5[%dma_start3A_1284, %dma_start3A_1287] : memref<16x1000001xf32, #tpu.memory_space<hbm>> -> memref<1x1000001xf32, #tpu.memory_space<hbm>>
    %dma_start3A_1289 = tpu.memref_squeeze %dma_start3A_1288 : memref<1x1000001xf32, #tpu.memory_space<hbm>> -> memref<1000001xf32, #tpu.memory_space<hbm>>
    %dma_start3A_1290 = arith.constant 0 : i32
    %dma_start3A_1291 = tpu.memref_slice %dma_start3A_1289[%dma_start3A_1290] : memref<1000001xf32, #tpu.memory_space<hbm>> -> memref<1000001xf32, #tpu.memory_space<hbm>>
    tpu.enqueue_indirect_dma source(%dma_start3A_1291 : memref<1000001xf32, #tpu.memory_space<hbm>>) target(%arg40 : memref<128xf32, #tpu.memory_space<vmem>>) offsets(%dma_start3A_1286 : memref<128xi32, #tpu.memory_space<vmem>>) semaphore(%arg42 : memref<!tpu.dma_semaphore, #tpu.memory_space<semaphore_mem>>)
    %dma_wait3A_1292 = arith.constant 0 : i32
    %dma_wait3A_1293 = arith.constant 256 : i32
    %dma_wait3A_1294 = tpu.memref_slice %arg7[%dma_wait3A_1293] : memref<512xi32, #tpu.memory_space<vmem>> -> memref<128xi32, #tpu.memory_space<vmem>>
    %dma_wait3A_1295 = arith.constant 0 : i32
    %dma_wait3A_1296 = tpu.memref_slice %arg4[%dma_wait3A_1292, %dma_wait3A_1295] : memref<16x1000001xf32, #tpu.memory_space<hbm>> -> memref<1x1000001xf32, #tpu.memory_space<hbm>>
    %dma_wait3A_1297 = tpu.memref_squeeze %dma_wait3A_1296 : memref<1x1000001xf32, #tpu.memory_space<hbm>> -> memref<1000001xf32, #tpu.memory_space<hbm>>
    %dma_wait3A_1298 = arith.constant 0 : i32
    %dma_wait3A_1299 = tpu.memref_slice %dma_wait3A_1297[%dma_wait3A_1298] : memref<1000001xf32, #tpu.memory_space<hbm>> -> memref<1000001xf32, #tpu.memory_space<hbm>>
    tpu.wait_indirect_dma semaphore(%arg42 : memref<!tpu.dma_semaphore, #tpu.memory_space<semaphore_mem>>) src(%dma_wait3A_1299 : memref<1000001xf32, #tpu.memory_space<hbm>>) dst(%arg9 : memref<128xf32, #tpu.memory_space<vmem>>)
    %dma_wait3A_1300 = arith.constant 0 : i32
    %dma_wait3A_1301 = arith.constant 256 : i32
    %dma_wait3A_1302 = tpu.memref_slice %arg8[%dma_wait3A_1301] : memref<512xi32, #tpu.memory_space<vmem>> -> memref<128xi32, #tpu.memory_space<vmem>>
    %dma_wait3A_1303 = arith.constant 0 : i32
    %dma_wait3A_1304 = tpu.memref_slice %arg5[%dma_wait3A_1300, %dma_wait3A_1303] : memref<16x1000001xf32, #tpu.memory_space<hbm>> -> memref<1x1000001xf32, #tpu.memory_space<hbm>>
    %dma_wait3A_1305 = tpu.memref_squeeze %dma_wait3A_1304 : memref<1x1000001xf32, #tpu.memory_space<hbm>> -> memref<1000001xf32, #tpu.memory_space<hbm>>
    %dma_wait3A_1306 = arith.constant 0 : i32
    %dma_wait3A_1307 = tpu.memref_slice %dma_wait3A_1305[%dma_wait3A_1306] : memref<1000001xf32, #tpu.memory_space<hbm>> -> memref<1000001xf32, #tpu.memory_space<hbm>>
    tpu.wait_indirect_dma semaphore(%arg42 : memref<!tpu.dma_semaphore, #tpu.memory_space<semaphore_mem>>) src(%dma_wait3A_1307 : memref<1000001xf32, #tpu.memory_space<hbm>>) dst(%arg25 : memref<128xf32, #tpu.memory_space<vmem>>)
    %dma_wait3A_1308 = arith.constant 1 : i32
    %dma_wait3A_1309 = arith.constant 256 : i32
    %dma_wait3A_1310 = tpu.memref_slice %arg7[%dma_wait3A_1309] : memref<512xi32, #tpu.memory_space<vmem>> -> memref<128xi32, #tpu.memory_space<vmem>>
    %dma_wait3A_1311 = arith.constant 0 : i32
    %dma_wait3A_1312 = tpu.memref_slice %arg4[%dma_wait3A_1308, %dma_wait3A_1311] : memref<16x1000001xf32, #tpu.memory_space<hbm>> -> memref<1x1000001xf32, #tpu.memory_space<hbm>>
    %dma_wait3A_1313 = tpu.memref_squeeze %dma_wait3A_1312 : memref<1x1000001xf32, #tpu.memory_space<hbm>> -> memref<1000001xf32, #tpu.memory_space<hbm>>
    %dma_wait3A_1314 = arith.constant 0 : i32
    %dma_wait3A_1315 = tpu.memref_slice %dma_wait3A_1313[%dma_wait3A_1314] : memref<1000001xf32, #tpu.memory_space<hbm>> -> memref<1000001xf32, #tpu.memory_space<hbm>>
    tpu.wait_indirect_dma semaphore(%arg42 : memref<!tpu.dma_semaphore, #tpu.memory_space<semaphore_mem>>) src(%dma_wait3A_1315 : memref<1000001xf32, #tpu.memory_space<hbm>>) dst(%arg10 : memref<128xf32, #tpu.memory_space<vmem>>)
    %dma_wait3A_1316 = arith.constant 1 : i32
    %dma_wait3A_1317 = arith.constant 256 : i32
    %dma_wait3A_1318 = tpu.memref_slice %arg8[%dma_wait3A_1317] : memref<512xi32, #tpu.memory_space<vmem>> -> memref<128xi32, #tpu.memory_space<vmem>>
    %dma_wait3A_1319 = arith.constant 0 : i32
    %dma_wait3A_1320 = tpu.memref_slice %arg5[%dma_wait3A_1316, %dma_wait3A_1319] : memref<16x1000001xf32, #tpu.memory_space<hbm>> -> memref<1x1000001xf32, #tpu.memory_space<hbm>>
    %dma_wait3A_1321 = tpu.memref_squeeze %dma_wait3A_1320 : memref<1x1000001xf32, #tpu.memory_space<hbm>> -> memref<1000001xf32, #tpu.memory_space<hbm>>
    %dma_wait3A_1322 = arith.constant 0 : i32
    %dma_wait3A_1323 = tpu.memref_slice %dma_wait3A_1321[%dma_wait3A_1322] : memref<1000001xf32, #tpu.memory_space<hbm>> -> memref<1000001xf32, #tpu.memory_space<hbm>>
    tpu.wait_indirect_dma semaphore(%arg42 : memref<!tpu.dma_semaphore, #tpu.memory_space<semaphore_mem>>) src(%dma_wait3A_1323 : memref<1000001xf32, #tpu.memory_space<hbm>>) dst(%arg26 : memref<128xf32, #tpu.memory_space<vmem>>)
    %dma_wait3A_1324 = arith.constant 2 : i32
    %dma_wait3A_1325 = arith.constant 256 : i32
    %dma_wait3A_1326 = tpu.memref_slice %arg7[%dma_wait3A_1325] : memref<512xi32, #tpu.memory_space<vmem>> -> memref<128xi32, #tpu.memory_space<vmem>>
    %dma_wait3A_1327 = arith.constant 0 : i32
    %dma_wait3A_1328 = tpu.memref_slice %arg4[%dma_wait3A_1324, %dma_wait3A_1327] : memref<16x1000001xf32, #tpu.memory_space<hbm>> -> memref<1x1000001xf32, #tpu.memory_space<hbm>>
    %dma_wait3A_1329 = tpu.memref_squeeze %dma_wait3A_1328 : memref<1x1000001xf32, #tpu.memory_space<hbm>> -> memref<1000001xf32, #tpu.memory_space<hbm>>
    %dma_wait3A_1330 = arith.constant 0 : i32
    %dma_wait3A_1331 = tpu.memref_slice %dma_wait3A_1329[%dma_wait3A_1330] : memref<1000001xf32, #tpu.memory_space<hbm>> -> memref<1000001xf32, #tpu.memory_space<hbm>>
    tpu.wait_indirect_dma semaphore(%arg42 : memref<!tpu.dma_semaphore, #tpu.memory_space<semaphore_mem>>) src(%dma_wait3A_1331 : memref<1000001xf32, #tpu.memory_space<hbm>>) dst(%arg11 : memref<128xf32, #tpu.memory_space<vmem>>)
    %dma_wait3A_1332 = arith.constant 2 : i32
    %dma_wait3A_1333 = arith.constant 256 : i32
    %dma_wait3A_1334 = tpu.memref_slice %arg8[%dma_wait3A_1333] : memref<512xi32, #tpu.memory_space<vmem>> -> memref<128xi32, #tpu.memory_space<vmem>>
    %dma_wait3A_1335 = arith.constant 0 : i32
    %dma_wait3A_1336 = tpu.memref_slice %arg5[%dma_wait3A_1332, %dma_wait3A_1335] : memref<16x1000001xf32, #tpu.memory_space<hbm>> -> memref<1x1000001xf32, #tpu.memory_space<hbm>>
    %dma_wait3A_1337 = tpu.memref_squeeze %dma_wait3A_1336 : memref<1x1000001xf32, #tpu.memory_space<hbm>> -> memref<1000001xf32, #tpu.memory_space<hbm>>
    %dma_wait3A_1338 = arith.constant 0 : i32
    %dma_wait3A_1339 = tpu.memref_slice %dma_wait3A_1337[%dma_wait3A_1338] : memref<1000001xf32, #tpu.memory_space<hbm>> -> memref<1000001xf32, #tpu.memory_space<hbm>>
    tpu.wait_indirect_dma semaphore(%arg42 : memref<!tpu.dma_semaphore, #tpu.memory_space<semaphore_mem>>) src(%dma_wait3A_1339 : memref<1000001xf32, #tpu.memory_space<hbm>>) dst(%arg27 : memref<128xf32, #tpu.memory_space<vmem>>)
    %dma_wait3A_1340 = arith.constant 3 : i32
    %dma_wait3A_1341 = arith.constant 256 : i32
    %dma_wait3A_1342 = tpu.memref_slice %arg7[%dma_wait3A_1341] : memref<512xi32, #tpu.memory_space<vmem>> -> memref<128xi32, #tpu.memory_space<vmem>>
    %dma_wait3A_1343 = arith.constant 0 : i32
    %dma_wait3A_1344 = tpu.memref_slice %arg4[%dma_wait3A_1340, %dma_wait3A_1343] : memref<16x1000001xf32, #tpu.memory_space<hbm>> -> memref<1x1000001xf32, #tpu.memory_space<hbm>>
    %dma_wait3A_1345 = tpu.memref_squeeze %dma_wait3A_1344 : memref<1x1000001xf32, #tpu.memory_space<hbm>> -> memref<1000001xf32, #tpu.memory_space<hbm>>
    %dma_wait3A_1346 = arith.constant 0 : i32
    %dma_wait3A_1347 = tpu.memref_slice %dma_wait3A_1345[%dma_wait3A_1346] : memref<1000001xf32, #tpu.memory_space<hbm>> -> memref<1000001xf32, #tpu.memory_space<hbm>>
    tpu.wait_indirect_dma semaphore(%arg42 : memref<!tpu.dma_semaphore, #tpu.memory_space<semaphore_mem>>) src(%dma_wait3A_1347 : memref<1000001xf32, #tpu.memory_space<hbm>>) dst(%arg12 : memref<128xf32, #tpu.memory_space<vmem>>)
    %dma_wait3A_1348 = arith.constant 3 : i32
    %dma_wait3A_1349 = arith.constant 256 : i32
    %dma_wait3A_1350 = tpu.memref_slice %arg8[%dma_wait3A_1349] : memref<512xi32, #tpu.memory_space<vmem>> -> memref<128xi32, #tpu.memory_space<vmem>>
    %dma_wait3A_1351 = arith.constant 0 : i32
    %dma_wait3A_1352 = tpu.memref_slice %arg5[%dma_wait3A_1348, %dma_wait3A_1351] : memref<16x1000001xf32, #tpu.memory_space<hbm>> -> memref<1x1000001xf32, #tpu.memory_space<hbm>>
    %dma_wait3A_1353 = tpu.memref_squeeze %dma_wait3A_1352 : memref<1x1000001xf32, #tpu.memory_space<hbm>> -> memref<1000001xf32, #tpu.memory_space<hbm>>
    %dma_wait3A_1354 = arith.constant 0 : i32
    %dma_wait3A_1355 = tpu.memref_slice %dma_wait3A_1353[%dma_wait3A_1354] : memref<1000001xf32, #tpu.memory_space<hbm>> -> memref<1000001xf32, #tpu.memory_space<hbm>>
    tpu.wait_indirect_dma semaphore(%arg42 : memref<!tpu.dma_semaphore, #tpu.memory_space<semaphore_mem>>) src(%dma_wait3A_1355 : memref<1000001xf32, #tpu.memory_space<hbm>>) dst(%arg28 : memref<128xf32, #tpu.memory_space<vmem>>)
    %dma_wait3A_1356 = arith.constant 4 : i32
    %dma_wait3A_1357 = arith.constant 256 : i32
    %dma_wait3A_1358 = tpu.memref_slice %arg7[%dma_wait3A_1357] : memref<512xi32, #tpu.memory_space<vmem>> -> memref<128xi32, #tpu.memory_space<vmem>>
    %dma_wait3A_1359 = arith.constant 0 : i32
    %dma_wait3A_1360 = tpu.memref_slice %arg4[%dma_wait3A_1356, %dma_wait3A_1359] : memref<16x1000001xf32, #tpu.memory_space<hbm>> -> memref<1x1000001xf32, #tpu.memory_space<hbm>>
    %dma_wait3A_1361 = tpu.memref_squeeze %dma_wait3A_1360 : memref<1x1000001xf32, #tpu.memory_space<hbm>> -> memref<1000001xf32, #tpu.memory_space<hbm>>
    %dma_wait3A_1362 = arith.constant 0 : i32
    %dma_wait3A_1363 = tpu.memref_slice %dma_wait3A_1361[%dma_wait3A_1362] : memref<1000001xf32, #tpu.memory_space<hbm>> -> memref<1000001xf32, #tpu.memory_space<hbm>>
    tpu.wait_indirect_dma semaphore(%arg42 : memref<!tpu.dma_semaphore, #tpu.memory_space<semaphore_mem>>) src(%dma_wait3A_1363 : memref<1000001xf32, #tpu.memory_space<hbm>>) dst(%arg13 : memref<128xf32, #tpu.memory_space<vmem>>)
    %dma_wait3A_1364 = arith.constant 4 : i32
    %dma_wait3A_1365 = arith.constant 256 : i32
    %dma_wait3A_1366 = tpu.memref_slice %arg8[%dma_wait3A_1365] : memref<512xi32, #tpu.memory_space<vmem>> -> memref<128xi32, #tpu.memory_space<vmem>>
    %dma_wait3A_1367 = arith.constant 0 : i32
    %dma_wait3A_1368 = tpu.memref_slice %arg5[%dma_wait3A_1364, %dma_wait3A_1367] : memref<16x1000001xf32, #tpu.memory_space<hbm>> -> memref<1x1000001xf32, #tpu.memory_space<hbm>>
    %dma_wait3A_1369 = tpu.memref_squeeze %dma_wait3A_1368 : memref<1x1000001xf32, #tpu.memory_space<hbm>> -> memref<1000001xf32, #tpu.memory_space<hbm>>
    %dma_wait3A_1370 = arith.constant 0 : i32
    %dma_wait3A_1371 = tpu.memref_slice %dma_wait3A_1369[%dma_wait3A_1370] : memref<1000001xf32, #tpu.memory_space<hbm>> -> memref<1000001xf32, #tpu.memory_space<hbm>>
    tpu.wait_indirect_dma semaphore(%arg42 : memref<!tpu.dma_semaphore, #tpu.memory_space<semaphore_mem>>) src(%dma_wait3A_1371 : memref<1000001xf32, #tpu.memory_space<hbm>>) dst(%arg29 : memref<128xf32, #tpu.memory_space<vmem>>)
    %dma_wait3A_1372 = arith.constant 5 : i32
    %dma_wait3A_1373 = arith.constant 256 : i32
    %dma_wait3A_1374 = tpu.memref_slice %arg7[%dma_wait3A_1373] : memref<512xi32, #tpu.memory_space<vmem>> -> memref<128xi32, #tpu.memory_space<vmem>>
    %dma_wait3A_1375 = arith.constant 0 : i32
    %dma_wait3A_1376 = tpu.memref_slice %arg4[%dma_wait3A_1372, %dma_wait3A_1375] : memref<16x1000001xf32, #tpu.memory_space<hbm>> -> memref<1x1000001xf32, #tpu.memory_space<hbm>>
    %dma_wait3A_1377 = tpu.memref_squeeze %dma_wait3A_1376 : memref<1x1000001xf32, #tpu.memory_space<hbm>> -> memref<1000001xf32, #tpu.memory_space<hbm>>
    %dma_wait3A_1378 = arith.constant 0 : i32
    %dma_wait3A_1379 = tpu.memref_slice %dma_wait3A_1377[%dma_wait3A_1378] : memref<1000001xf32, #tpu.memory_space<hbm>> -> memref<1000001xf32, #tpu.memory_space<hbm>>
    tpu.wait_indirect_dma semaphore(%arg42 : memref<!tpu.dma_semaphore, #tpu.memory_space<semaphore_mem>>) src(%dma_wait3A_1379 : memref<1000001xf32, #tpu.memory_space<hbm>>) dst(%arg14 : memref<128xf32, #tpu.memory_space<vmem>>)
    %dma_wait3A_1380 = arith.constant 5 : i32
    %dma_wait3A_1381 = arith.constant 256 : i32
    %dma_wait3A_1382 = tpu.memref_slice %arg8[%dma_wait3A_1381] : memref<512xi32, #tpu.memory_space<vmem>> -> memref<128xi32, #tpu.memory_space<vmem>>
    %dma_wait3A_1383 = arith.constant 0 : i32
    %dma_wait3A_1384 = tpu.memref_slice %arg5[%dma_wait3A_1380, %dma_wait3A_1383] : memref<16x1000001xf32, #tpu.memory_space<hbm>> -> memref<1x1000001xf32, #tpu.memory_space<hbm>>
    %dma_wait3A_1385 = tpu.memref_squeeze %dma_wait3A_1384 : memref<1x1000001xf32, #tpu.memory_space<hbm>> -> memref<1000001xf32, #tpu.memory_space<hbm>>
    %dma_wait3A_1386 = arith.constant 0 : i32
    %dma_wait3A_1387 = tpu.memref_slice %dma_wait3A_1385[%dma_wait3A_1386] : memref<1000001xf32, #tpu.memory_space<hbm>> -> memref<1000001xf32, #tpu.memory_space<hbm>>
    tpu.wait_indirect_dma semaphore(%arg42 : memref<!tpu.dma_semaphore, #tpu.memory_space<semaphore_mem>>) src(%dma_wait3A_1387 : memref<1000001xf32, #tpu.memory_space<hbm>>) dst(%arg30 : memref<128xf32, #tpu.memory_space<vmem>>)
    %dma_wait3A_1388 = arith.constant 6 : i32
    %dma_wait3A_1389 = arith.constant 256 : i32
    %dma_wait3A_1390 = tpu.memref_slice %arg7[%dma_wait3A_1389] : memref<512xi32, #tpu.memory_space<vmem>> -> memref<128xi32, #tpu.memory_space<vmem>>
    %dma_wait3A_1391 = arith.constant 0 : i32
    %dma_wait3A_1392 = tpu.memref_slice %arg4[%dma_wait3A_1388, %dma_wait3A_1391] : memref<16x1000001xf32, #tpu.memory_space<hbm>> -> memref<1x1000001xf32, #tpu.memory_space<hbm>>
    %dma_wait3A_1393 = tpu.memref_squeeze %dma_wait3A_1392 : memref<1x1000001xf32, #tpu.memory_space<hbm>> -> memref<1000001xf32, #tpu.memory_space<hbm>>
    %dma_wait3A_1394 = arith.constant 0 : i32
    %dma_wait3A_1395 = tpu.memref_slice %dma_wait3A_1393[%dma_wait3A_1394] : memref<1000001xf32, #tpu.memory_space<hbm>> -> memref<1000001xf32, #tpu.memory_space<hbm>>
    tpu.wait_indirect_dma semaphore(%arg42 : memref<!tpu.dma_semaphore, #tpu.memory_space<semaphore_mem>>) src(%dma_wait3A_1395 : memref<1000001xf32, #tpu.memory_space<hbm>>) dst(%arg15 : memref<128xf32, #tpu.memory_space<vmem>>)
    %dma_wait3A_1396 = arith.constant 6 : i32
    %dma_wait3A_1397 = arith.constant 256 : i32
    %dma_wait3A_1398 = tpu.memref_slice %arg8[%dma_wait3A_1397] : memref<512xi32, #tpu.memory_space<vmem>> -> memref<128xi32, #tpu.memory_space<vmem>>
    %dma_wait3A_1399 = arith.constant 0 : i32
    %dma_wait3A_1400 = tpu.memref_slice %arg5[%dma_wait3A_1396, %dma_wait3A_1399] : memref<16x1000001xf32, #tpu.memory_space<hbm>> -> memref<1x1000001xf32, #tpu.memory_space<hbm>>
    %dma_wait3A_1401 = tpu.memref_squeeze %dma_wait3A_1400 : memref<1x1000001xf32, #tpu.memory_space<hbm>> -> memref<1000001xf32, #tpu.memory_space<hbm>>
    %dma_wait3A_1402 = arith.constant 0 : i32
    %dma_wait3A_1403 = tpu.memref_slice %dma_wait3A_1401[%dma_wait3A_1402] : memref<1000001xf32, #tpu.memory_space<hbm>> -> memref<1000001xf32, #tpu.memory_space<hbm>>
    tpu.wait_indirect_dma semaphore(%arg42 : memref<!tpu.dma_semaphore, #tpu.memory_space<semaphore_mem>>) src(%dma_wait3A_1403 : memref<1000001xf32, #tpu.memory_space<hbm>>) dst(%arg31 : memref<128xf32, #tpu.memory_space<vmem>>)
    %dma_wait3A_1404 = arith.constant 7 : i32
    %dma_wait3A_1405 = arith.constant 256 : i32
    %dma_wait3A_1406 = tpu.memref_slice %arg7[%dma_wait3A_1405] : memref<512xi32, #tpu.memory_space<vmem>> -> memref<128xi32, #tpu.memory_space<vmem>>
    %dma_wait3A_1407 = arith.constant 0 : i32
    %dma_wait3A_1408 = tpu.memref_slice %arg4[%dma_wait3A_1404, %dma_wait3A_1407] : memref<16x1000001xf32, #tpu.memory_space<hbm>> -> memref<1x1000001xf32, #tpu.memory_space<hbm>>
    %dma_wait3A_1409 = tpu.memref_squeeze %dma_wait3A_1408 : memref<1x1000001xf32, #tpu.memory_space<hbm>> -> memref<1000001xf32, #tpu.memory_space<hbm>>
    %dma_wait3A_1410 = arith.constant 0 : i32
    %dma_wait3A_1411 = tpu.memref_slice %dma_wait3A_1409[%dma_wait3A_1410] : memref<1000001xf32, #tpu.memory_space<hbm>> -> memref<1000001xf32, #tpu.memory_space<hbm>>
    tpu.wait_indirect_dma semaphore(%arg42 : memref<!tpu.dma_semaphore, #tpu.memory_space<semaphore_mem>>) src(%dma_wait3A_1411 : memref<1000001xf32, #tpu.memory_space<hbm>>) dst(%arg16 : memref<128xf32, #tpu.memory_space<vmem>>)
    %dma_wait3A_1412 = arith.constant 7 : i32
    %dma_wait3A_1413 = arith.constant 256 : i32
    %dma_wait3A_1414 = tpu.memref_slice %arg8[%dma_wait3A_1413] : memref<512xi32, #tpu.memory_space<vmem>> -> memref<128xi32, #tpu.memory_space<vmem>>
    %dma_wait3A_1415 = arith.constant 0 : i32
    %dma_wait3A_1416 = tpu.memref_slice %arg5[%dma_wait3A_1412, %dma_wait3A_1415] : memref<16x1000001xf32, #tpu.memory_space<hbm>> -> memref<1x1000001xf32, #tpu.memory_space<hbm>>
    %dma_wait3A_1417 = tpu.memref_squeeze %dma_wait3A_1416 : memref<1x1000001xf32, #tpu.memory_space<hbm>> -> memref<1000001xf32, #tpu.memory_space<hbm>>
    %dma_wait3A_1418 = arith.constant 0 : i32
    %dma_wait3A_1419 = tpu.memref_slice %dma_wait3A_1417[%dma_wait3A_1418] : memref<1000001xf32, #tpu.memory_space<hbm>> -> memref<1000001xf32, #tpu.memory_space<hbm>>
    tpu.wait_indirect_dma semaphore(%arg42 : memref<!tpu.dma_semaphore, #tpu.memory_space<semaphore_mem>>) src(%dma_wait3A_1419 : memref<1000001xf32, #tpu.memory_space<hbm>>) dst(%arg32 : memref<128xf32, #tpu.memory_space<vmem>>)
    %dma_wait3A_1420 = arith.constant 8 : i32
    %dma_wait3A_1421 = arith.constant 256 : i32
    %dma_wait3A_1422 = tpu.memref_slice %arg7[%dma_wait3A_1421] : memref<512xi32, #tpu.memory_space<vmem>> -> memref<128xi32, #tpu.memory_space<vmem>>
    %dma_wait3A_1423 = arith.constant 0 : i32
    %dma_wait3A_1424 = tpu.memref_slice %arg4[%dma_wait3A_1420, %dma_wait3A_1423] : memref<16x1000001xf32, #tpu.memory_space<hbm>> -> memref<1x1000001xf32, #tpu.memory_space<hbm>>
    %dma_wait3A_1425 = tpu.memref_squeeze %dma_wait3A_1424 : memref<1x1000001xf32, #tpu.memory_space<hbm>> -> memref<1000001xf32, #tpu.memory_space<hbm>>
    %dma_wait3A_1426 = arith.constant 0 : i32
    %dma_wait3A_1427 = tpu.memref_slice %dma_wait3A_1425[%dma_wait3A_1426] : memref<1000001xf32, #tpu.memory_space<hbm>> -> memref<1000001xf32, #tpu.memory_space<hbm>>
    tpu.wait_indirect_dma semaphore(%arg42 : memref<!tpu.dma_semaphore, #tpu.memory_space<semaphore_mem>>) src(%dma_wait3A_1427 : memref<1000001xf32, #tpu.memory_space<hbm>>) dst(%arg17 : memref<128xf32, #tpu.memory_space<vmem>>)
    %dma_wait3A_1428 = arith.constant 8 : i32
    %dma_wait3A_1429 = arith.constant 256 : i32
    %dma_wait3A_1430 = tpu.memref_slice %arg8[%dma_wait3A_1429] : memref<512xi32, #tpu.memory_space<vmem>> -> memref<128xi32, #tpu.memory_space<vmem>>
    %dma_wait3A_1431 = arith.constant 0 : i32
    %dma_wait3A_1432 = tpu.memref_slice %arg5[%dma_wait3A_1428, %dma_wait3A_1431] : memref<16x1000001xf32, #tpu.memory_space<hbm>> -> memref<1x1000001xf32, #tpu.memory_space<hbm>>
    %dma_wait3A_1433 = tpu.memref_squeeze %dma_wait3A_1432 : memref<1x1000001xf32, #tpu.memory_space<hbm>> -> memref<1000001xf32, #tpu.memory_space<hbm>>
    %dma_wait3A_1434 = arith.constant 0 : i32
    %dma_wait3A_1435 = tpu.memref_slice %dma_wait3A_1433[%dma_wait3A_1434] : memref<1000001xf32, #tpu.memory_space<hbm>> -> memref<1000001xf32, #tpu.memory_space<hbm>>
    tpu.wait_indirect_dma semaphore(%arg42 : memref<!tpu.dma_semaphore, #tpu.memory_space<semaphore_mem>>) src(%dma_wait3A_1435 : memref<1000001xf32, #tpu.memory_space<hbm>>) dst(%arg33 : memref<128xf32, #tpu.memory_space<vmem>>)
    %dma_wait3A_1436 = arith.constant 9 : i32
    %dma_wait3A_1437 = arith.constant 256 : i32
    %dma_wait3A_1438 = tpu.memref_slice %arg7[%dma_wait3A_1437] : memref<512xi32, #tpu.memory_space<vmem>> -> memref<128xi32, #tpu.memory_space<vmem>>
    %dma_wait3A_1439 = arith.constant 0 : i32
    %dma_wait3A_1440 = tpu.memref_slice %arg4[%dma_wait3A_1436, %dma_wait3A_1439] : memref<16x1000001xf32, #tpu.memory_space<hbm>> -> memref<1x1000001xf32, #tpu.memory_space<hbm>>
    %dma_wait3A_1441 = tpu.memref_squeeze %dma_wait3A_1440 : memref<1x1000001xf32, #tpu.memory_space<hbm>> -> memref<1000001xf32, #tpu.memory_space<hbm>>
    %dma_wait3A_1442 = arith.constant 0 : i32
    %dma_wait3A_1443 = tpu.memref_slice %dma_wait3A_1441[%dma_wait3A_1442] : memref<1000001xf32, #tpu.memory_space<hbm>> -> memref<1000001xf32, #tpu.memory_space<hbm>>
    tpu.wait_indirect_dma semaphore(%arg42 : memref<!tpu.dma_semaphore, #tpu.memory_space<semaphore_mem>>) src(%dma_wait3A_1443 : memref<1000001xf32, #tpu.memory_space<hbm>>) dst(%arg18 : memref<128xf32, #tpu.memory_space<vmem>>)
    %dma_wait3A_1444 = arith.constant 9 : i32
    %dma_wait3A_1445 = arith.constant 256 : i32
    %dma_wait3A_1446 = tpu.memref_slice %arg8[%dma_wait3A_1445] : memref<512xi32, #tpu.memory_space<vmem>> -> memref<128xi32, #tpu.memory_space<vmem>>
    %dma_wait3A_1447 = arith.constant 0 : i32
    %dma_wait3A_1448 = tpu.memref_slice %arg5[%dma_wait3A_1444, %dma_wait3A_1447] : memref<16x1000001xf32, #tpu.memory_space<hbm>> -> memref<1x1000001xf32, #tpu.memory_space<hbm>>
    %dma_wait3A_1449 = tpu.memref_squeeze %dma_wait3A_1448 : memref<1x1000001xf32, #tpu.memory_space<hbm>> -> memref<1000001xf32, #tpu.memory_space<hbm>>
    %dma_wait3A_1450 = arith.constant 0 : i32
    %dma_wait3A_1451 = tpu.memref_slice %dma_wait3A_1449[%dma_wait3A_1450] : memref<1000001xf32, #tpu.memory_space<hbm>> -> memref<1000001xf32, #tpu.memory_space<hbm>>
    tpu.wait_indirect_dma semaphore(%arg42 : memref<!tpu.dma_semaphore, #tpu.memory_space<semaphore_mem>>) src(%dma_wait3A_1451 : memref<1000001xf32, #tpu.memory_space<hbm>>) dst(%arg34 : memref<128xf32, #tpu.memory_space<vmem>>)
    %dma_wait3A_1452 = arith.constant 10 : i32
    %dma_wait3A_1453 = arith.constant 256 : i32
    %dma_wait3A_1454 = tpu.memref_slice %arg7[%dma_wait3A_1453] : memref<512xi32, #tpu.memory_space<vmem>> -> memref<128xi32, #tpu.memory_space<vmem>>
    %dma_wait3A_1455 = arith.constant 0 : i32
    %dma_wait3A_1456 = tpu.memref_slice %arg4[%dma_wait3A_1452, %dma_wait3A_1455] : memref<16x1000001xf32, #tpu.memory_space<hbm>> -> memref<1x1000001xf32, #tpu.memory_space<hbm>>
    %dma_wait3A_1457 = tpu.memref_squeeze %dma_wait3A_1456 : memref<1x1000001xf32, #tpu.memory_space<hbm>> -> memref<1000001xf32, #tpu.memory_space<hbm>>
    %dma_wait3A_1458 = arith.constant 0 : i32
    %dma_wait3A_1459 = tpu.memref_slice %dma_wait3A_1457[%dma_wait3A_1458] : memref<1000001xf32, #tpu.memory_space<hbm>> -> memref<1000001xf32, #tpu.memory_space<hbm>>
    tpu.wait_indirect_dma semaphore(%arg42 : memref<!tpu.dma_semaphore, #tpu.memory_space<semaphore_mem>>) src(%dma_wait3A_1459 : memref<1000001xf32, #tpu.memory_space<hbm>>) dst(%arg19 : memref<128xf32, #tpu.memory_space<vmem>>)
    %dma_wait3A_1460 = arith.constant 10 : i32
    %dma_wait3A_1461 = arith.constant 256 : i32
    %dma_wait3A_1462 = tpu.memref_slice %arg8[%dma_wait3A_1461] : memref<512xi32, #tpu.memory_space<vmem>> -> memref<128xi32, #tpu.memory_space<vmem>>
    %dma_wait3A_1463 = arith.constant 0 : i32
    %dma_wait3A_1464 = tpu.memref_slice %arg5[%dma_wait3A_1460, %dma_wait3A_1463] : memref<16x1000001xf32, #tpu.memory_space<hbm>> -> memref<1x1000001xf32, #tpu.memory_space<hbm>>
    %dma_wait3A_1465 = tpu.memref_squeeze %dma_wait3A_1464 : memref<1x1000001xf32, #tpu.memory_space<hbm>> -> memref<1000001xf32, #tpu.memory_space<hbm>>
    %dma_wait3A_1466 = arith.constant 0 : i32
    %dma_wait3A_1467 = tpu.memref_slice %dma_wait3A_1465[%dma_wait3A_1466] : memref<1000001xf32, #tpu.memory_space<hbm>> -> memref<1000001xf32, #tpu.memory_space<hbm>>
    tpu.wait_indirect_dma semaphore(%arg42 : memref<!tpu.dma_semaphore, #tpu.memory_space<semaphore_mem>>) src(%dma_wait3A_1467 : memref<1000001xf32, #tpu.memory_space<hbm>>) dst(%arg35 : memref<128xf32, #tpu.memory_space<vmem>>)
    %dma_wait3A_1468 = arith.constant 11 : i32
    %dma_wait3A_1469 = arith.constant 256 : i32
    %dma_wait3A_1470 = tpu.memref_slice %arg7[%dma_wait3A_1469] : memref<512xi32, #tpu.memory_space<vmem>> -> memref<128xi32, #tpu.memory_space<vmem>>
    %dma_wait3A_1471 = arith.constant 0 : i32
    %dma_wait3A_1472 = tpu.memref_slice %arg4[%dma_wait3A_1468, %dma_wait3A_1471] : memref<16x1000001xf32, #tpu.memory_space<hbm>> -> memref<1x1000001xf32, #tpu.memory_space<hbm>>
    %dma_wait3A_1473 = tpu.memref_squeeze %dma_wait3A_1472 : memref<1x1000001xf32, #tpu.memory_space<hbm>> -> memref<1000001xf32, #tpu.memory_space<hbm>>
    %dma_wait3A_1474 = arith.constant 0 : i32
    %dma_wait3A_1475 = tpu.memref_slice %dma_wait3A_1473[%dma_wait3A_1474] : memref<1000001xf32, #tpu.memory_space<hbm>> -> memref<1000001xf32, #tpu.memory_space<hbm>>
    tpu.wait_indirect_dma semaphore(%arg42 : memref<!tpu.dma_semaphore, #tpu.memory_space<semaphore_mem>>) src(%dma_wait3A_1475 : memref<1000001xf32, #tpu.memory_space<hbm>>) dst(%arg20 : memref<128xf32, #tpu.memory_space<vmem>>)
    %dma_wait3A_1476 = arith.constant 11 : i32
    %dma_wait3A_1477 = arith.constant 256 : i32
    %dma_wait3A_1478 = tpu.memref_slice %arg8[%dma_wait3A_1477] : memref<512xi32, #tpu.memory_space<vmem>> -> memref<128xi32, #tpu.memory_space<vmem>>
    %dma_wait3A_1479 = arith.constant 0 : i32
    %dma_wait3A_1480 = tpu.memref_slice %arg5[%dma_wait3A_1476, %dma_wait3A_1479] : memref<16x1000001xf32, #tpu.memory_space<hbm>> -> memref<1x1000001xf32, #tpu.memory_space<hbm>>
    %dma_wait3A_1481 = tpu.memref_squeeze %dma_wait3A_1480 : memref<1x1000001xf32, #tpu.memory_space<hbm>> -> memref<1000001xf32, #tpu.memory_space<hbm>>
    %dma_wait3A_1482 = arith.constant 0 : i32
    %dma_wait3A_1483 = tpu.memref_slice %dma_wait3A_1481[%dma_wait3A_1482] : memref<1000001xf32, #tpu.memory_space<hbm>> -> memref<1000001xf32, #tpu.memory_space<hbm>>
    tpu.wait_indirect_dma semaphore(%arg42 : memref<!tpu.dma_semaphore, #tpu.memory_space<semaphore_mem>>) src(%dma_wait3A_1483 : memref<1000001xf32, #tpu.memory_space<hbm>>) dst(%arg36 : memref<128xf32, #tpu.memory_space<vmem>>)
    %dma_wait3A_1484 = arith.constant 12 : i32
    %dma_wait3A_1485 = arith.constant 256 : i32
    %dma_wait3A_1486 = tpu.memref_slice %arg7[%dma_wait3A_1485] : memref<512xi32, #tpu.memory_space<vmem>> -> memref<128xi32, #tpu.memory_space<vmem>>
    %dma_wait3A_1487 = arith.constant 0 : i32
    %dma_wait3A_1488 = tpu.memref_slice %arg4[%dma_wait3A_1484, %dma_wait3A_1487] : memref<16x1000001xf32, #tpu.memory_space<hbm>> -> memref<1x1000001xf32, #tpu.memory_space<hbm>>
    %dma_wait3A_1489 = tpu.memref_squeeze %dma_wait3A_1488 : memref<1x1000001xf32, #tpu.memory_space<hbm>> -> memref<1000001xf32, #tpu.memory_space<hbm>>
    %dma_wait3A_1490 = arith.constant 0 : i32
    %dma_wait3A_1491 = tpu.memref_slice %dma_wait3A_1489[%dma_wait3A_1490] : memref<1000001xf32, #tpu.memory_space<hbm>> -> memref<1000001xf32, #tpu.memory_space<hbm>>
    tpu.wait_indirect_dma semaphore(%arg42 : memref<!tpu.dma_semaphore, #tpu.memory_space<semaphore_mem>>) src(%dma_wait3A_1491 : memref<1000001xf32, #tpu.memory_space<hbm>>) dst(%arg21 : memref<128xf32, #tpu.memory_space<vmem>>)
    %dma_wait3A_1492 = arith.constant 12 : i32
    %dma_wait3A_1493 = arith.constant 256 : i32
    %dma_wait3A_1494 = tpu.memref_slice %arg8[%dma_wait3A_1493] : memref<512xi32, #tpu.memory_space<vmem>> -> memref<128xi32, #tpu.memory_space<vmem>>
    %dma_wait3A_1495 = arith.constant 0 : i32
    %dma_wait3A_1496 = tpu.memref_slice %arg5[%dma_wait3A_1492, %dma_wait3A_1495] : memref<16x1000001xf32, #tpu.memory_space<hbm>> -> memref<1x1000001xf32, #tpu.memory_space<hbm>>
    %dma_wait3A_1497 = tpu.memref_squeeze %dma_wait3A_1496 : memref<1x1000001xf32, #tpu.memory_space<hbm>> -> memref<1000001xf32, #tpu.memory_space<hbm>>
    %dma_wait3A_1498 = arith.constant 0 : i32
    %dma_wait3A_1499 = tpu.memref_slice %dma_wait3A_1497[%dma_wait3A_1498] : memref<1000001xf32, #tpu.memory_space<hbm>> -> memref<1000001xf32, #tpu.memory_space<hbm>>
    tpu.wait_indirect_dma semaphore(%arg42 : memref<!tpu.dma_semaphore, #tpu.memory_space<semaphore_mem>>) src(%dma_wait3A_1499 : memref<1000001xf32, #tpu.memory_space<hbm>>) dst(%arg37 : memref<128xf32, #tpu.memory_space<vmem>>)
    %dma_wait3A_1500 = arith.constant 13 : i32
    %dma_wait3A_1501 = arith.constant 256 : i32
    %dma_wait3A_1502 = tpu.memref_slice %arg7[%dma_wait3A_1501] : memref<512xi32, #tpu.memory_space<vmem>> -> memref<128xi32, #tpu.memory_space<vmem>>
    %dma_wait3A_1503 = arith.constant 0 : i32
    %dma_wait3A_1504 = tpu.memref_slice %arg4[%dma_wait3A_1500, %dma_wait3A_1503] : memref<16x1000001xf32, #tpu.memory_space<hbm>> -> memref<1x1000001xf32, #tpu.memory_space<hbm>>
    %dma_wait3A_1505 = tpu.memref_squeeze %dma_wait3A_1504 : memref<1x1000001xf32, #tpu.memory_space<hbm>> -> memref<1000001xf32, #tpu.memory_space<hbm>>
    %dma_wait3A_1506 = arith.constant 0 : i32
    %dma_wait3A_1507 = tpu.memref_slice %dma_wait3A_1505[%dma_wait3A_1506] : memref<1000001xf32, #tpu.memory_space<hbm>> -> memref<1000001xf32, #tpu.memory_space<hbm>>
    tpu.wait_indirect_dma semaphore(%arg42 : memref<!tpu.dma_semaphore, #tpu.memory_space<semaphore_mem>>) src(%dma_wait3A_1507 : memref<1000001xf32, #tpu.memory_space<hbm>>) dst(%arg22 : memref<128xf32, #tpu.memory_space<vmem>>)
    %dma_wait3A_1508 = arith.constant 13 : i32
    %dma_wait3A_1509 = arith.constant 256 : i32
    %dma_wait3A_1510 = tpu.memref_slice %arg8[%dma_wait3A_1509] : memref<512xi32, #tpu.memory_space<vmem>> -> memref<128xi32, #tpu.memory_space<vmem>>
    %dma_wait3A_1511 = arith.constant 0 : i32
    %dma_wait3A_1512 = tpu.memref_slice %arg5[%dma_wait3A_1508, %dma_wait3A_1511] : memref<16x1000001xf32, #tpu.memory_space<hbm>> -> memref<1x1000001xf32, #tpu.memory_space<hbm>>
    %dma_wait3A_1513 = tpu.memref_squeeze %dma_wait3A_1512 : memref<1x1000001xf32, #tpu.memory_space<hbm>> -> memref<1000001xf32, #tpu.memory_space<hbm>>
    %dma_wait3A_1514 = arith.constant 0 : i32
    %dma_wait3A_1515 = tpu.memref_slice %dma_wait3A_1513[%dma_wait3A_1514] : memref<1000001xf32, #tpu.memory_space<hbm>> -> memref<1000001xf32, #tpu.memory_space<hbm>>
    tpu.wait_indirect_dma semaphore(%arg42 : memref<!tpu.dma_semaphore, #tpu.memory_space<semaphore_mem>>) src(%dma_wait3A_1515 : memref<1000001xf32, #tpu.memory_space<hbm>>) dst(%arg38 : memref<128xf32, #tpu.memory_space<vmem>>)
    %dma_wait3A_1516 = arith.constant 14 : i32
    %dma_wait3A_1517 = arith.constant 256 : i32
    %dma_wait3A_1518 = tpu.memref_slice %arg7[%dma_wait3A_1517] : memref<512xi32, #tpu.memory_space<vmem>> -> memref<128xi32, #tpu.memory_space<vmem>>
    %dma_wait3A_1519 = arith.constant 0 : i32
    %dma_wait3A_1520 = tpu.memref_slice %arg4[%dma_wait3A_1516, %dma_wait3A_1519] : memref<16x1000001xf32, #tpu.memory_space<hbm>> -> memref<1x1000001xf32, #tpu.memory_space<hbm>>
    %dma_wait3A_1521 = tpu.memref_squeeze %dma_wait3A_1520 : memref<1x1000001xf32, #tpu.memory_space<hbm>> -> memref<1000001xf32, #tpu.memory_space<hbm>>
    %dma_wait3A_1522 = arith.constant 0 : i32
    %dma_wait3A_1523 = tpu.memref_slice %dma_wait3A_1521[%dma_wait3A_1522] : memref<1000001xf32, #tpu.memory_space<hbm>> -> memref<1000001xf32, #tpu.memory_space<hbm>>
    tpu.wait_indirect_dma semaphore(%arg42 : memref<!tpu.dma_semaphore, #tpu.memory_space<semaphore_mem>>) src(%dma_wait3A_1523 : memref<1000001xf32, #tpu.memory_space<hbm>>) dst(%arg23 : memref<128xf32, #tpu.memory_space<vmem>>)
    %dma_wait3A_1524 = arith.constant 14 : i32
    %dma_wait3A_1525 = arith.constant 256 : i32
    %dma_wait3A_1526 = tpu.memref_slice %arg8[%dma_wait3A_1525] : memref<512xi32, #tpu.memory_space<vmem>> -> memref<128xi32, #tpu.memory_space<vmem>>
    %dma_wait3A_1527 = arith.constant 0 : i32
    %dma_wait3A_1528 = tpu.memref_slice %arg5[%dma_wait3A_1524, %dma_wait3A_1527] : memref<16x1000001xf32, #tpu.memory_space<hbm>> -> memref<1x1000001xf32, #tpu.memory_space<hbm>>
    %dma_wait3A_1529 = tpu.memref_squeeze %dma_wait3A_1528 : memref<1x1000001xf32, #tpu.memory_space<hbm>> -> memref<1000001xf32, #tpu.memory_space<hbm>>
    %dma_wait3A_1530 = arith.constant 0 : i32
    %dma_wait3A_1531 = tpu.memref_slice %dma_wait3A_1529[%dma_wait3A_1530] : memref<1000001xf32, #tpu.memory_space<hbm>> -> memref<1000001xf32, #tpu.memory_space<hbm>>
    tpu.wait_indirect_dma semaphore(%arg42 : memref<!tpu.dma_semaphore, #tpu.memory_space<semaphore_mem>>) src(%dma_wait3A_1531 : memref<1000001xf32, #tpu.memory_space<hbm>>) dst(%arg39 : memref<128xf32, #tpu.memory_space<vmem>>)
    %dma_wait3A_1532 = arith.constant 15 : i32
    %dma_wait3A_1533 = arith.constant 256 : i32
    %dma_wait3A_1534 = tpu.memref_slice %arg7[%dma_wait3A_1533] : memref<512xi32, #tpu.memory_space<vmem>> -> memref<128xi32, #tpu.memory_space<vmem>>
    %dma_wait3A_1535 = arith.constant 0 : i32
    %dma_wait3A_1536 = tpu.memref_slice %arg4[%dma_wait3A_1532, %dma_wait3A_1535] : memref<16x1000001xf32, #tpu.memory_space<hbm>> -> memref<1x1000001xf32, #tpu.memory_space<hbm>>
    %dma_wait3A_1537 = tpu.memref_squeeze %dma_wait3A_1536 : memref<1x1000001xf32, #tpu.memory_space<hbm>> -> memref<1000001xf32, #tpu.memory_space<hbm>>
    %dma_wait3A_1538 = arith.constant 0 : i32
    %dma_wait3A_1539 = tpu.memref_slice %dma_wait3A_1537[%dma_wait3A_1538] : memref<1000001xf32, #tpu.memory_space<hbm>> -> memref<1000001xf32, #tpu.memory_space<hbm>>
    tpu.wait_indirect_dma semaphore(%arg42 : memref<!tpu.dma_semaphore, #tpu.memory_space<semaphore_mem>>) src(%dma_wait3A_1539 : memref<1000001xf32, #tpu.memory_space<hbm>>) dst(%arg24 : memref<128xf32, #tpu.memory_space<vmem>>)
    %dma_wait3A_1540 = arith.constant 15 : i32
    %dma_wait3A_1541 = arith.constant 256 : i32
    %dma_wait3A_1542 = tpu.memref_slice %arg8[%dma_wait3A_1541] : memref<512xi32, #tpu.memory_space<vmem>> -> memref<128xi32, #tpu.memory_space<vmem>>
    %dma_wait3A_1543 = arith.constant 0 : i32
    %dma_wait3A_1544 = tpu.memref_slice %arg5[%dma_wait3A_1540, %dma_wait3A_1543] : memref<16x1000001xf32, #tpu.memory_space<hbm>> -> memref<1x1000001xf32, #tpu.memory_space<hbm>>
    %dma_wait3A_1545 = tpu.memref_squeeze %dma_wait3A_1544 : memref<1x1000001xf32, #tpu.memory_space<hbm>> -> memref<1000001xf32, #tpu.memory_space<hbm>>
    %dma_wait3A_1546 = arith.constant 0 : i32
    %dma_wait3A_1547 = tpu.memref_slice %dma_wait3A_1545[%dma_wait3A_1546] : memref<1000001xf32, #tpu.memory_space<hbm>> -> memref<1000001xf32, #tpu.memory_space<hbm>>
    tpu.wait_indirect_dma semaphore(%arg42 : memref<!tpu.dma_semaphore, #tpu.memory_space<semaphore_mem>>) src(%dma_wait3A_1547 : memref<1000001xf32, #tpu.memory_space<hbm>>) dst(%arg40 : memref<128xf32, #tpu.memory_space<vmem>>)
    %scan3A_1548 = arith.constant 0 : i32
    %scan3A_1549 = arith.constant 0 : i32
    %scan3A_1550 = arith.constant 8 : i32
    %scan3A_1551 = arith.addi %scan3A_1549, %scan3A_1550 : i32
    %scan3A_1552 = arith.constant 1 : i32
    scf.for %scan3A_2072 = %scan3A_1549 to %scan3A_1551 step %scan3A_1552  : i32 {
      %broadcast_in_dim3A = arith.constant 0.000000e+00 : f32
      %broadcast_in_dim3A_2073 = vector.broadcast %broadcast_in_dim3A : f32 to vector<16xf32>
      %mul3A_2074 = arith.constant 16 : i32
      %mul3A_2075 = arith.muli %scan3A_2072, %mul3A_2074 : i32
      %get3A = arith.index_cast %mul3A_2075 : i32 to index
      %get3A_2076 = tpu.vector_load %arg9[%get3A] {strides = array<i32>} : memref<128xf32, #tpu.memory_space<vmem>>, vector<16xf32>,
      %mul3A_2077 = arith.constant 16 : i32
      %mul3A_2078 = arith.muli %scan3A_2072, %mul3A_2077 : i32
      %get3A_2079 = arith.index_cast %mul3A_2078 : i32 to index
      %get3A_2080 = tpu.vector_load %arg25[%get3A_2079] {strides = array<i32>} : memref<128xf32, #tpu.memory_space<vmem>>, vector<16xf32>,
      %mul3A_2081 = arith.mulf %get3A_2076, %get3A_2080 : vector<16xf32>
      %add3A_2082 = arith.addf %broadcast_in_dim3A_2073, %mul3A_2081 : vector<16xf32>
      %mul3A_2083 = arith.constant 16 : i32
      %mul3A_2084 = arith.muli %scan3A_2072, %mul3A_2083 : i32
      %get3A_2085 = arith.index_cast %mul3A_2084 : i32 to index
      %get3A_2086 = tpu.vector_load %arg10[%get3A_2085] {strides = array<i32>} : memref<128xf32, #tpu.memory_space<vmem>>, vector<16xf32>,
      %mul3A_2087 = arith.constant 16 : i32
      %mul3A_2088 = arith.muli %scan3A_2072, %mul3A_2087 : i32
      %get3A_2089 = arith.index_cast %mul3A_2088 : i32 to index
      %get3A_2090 = tpu.vector_load %arg26[%get3A_2089] {strides = array<i32>} : memref<128xf32, #tpu.memory_space<vmem>>, vector<16xf32>,
      %mul3A_2091 = arith.mulf %get3A_2086, %get3A_2090 : vector<16xf32>
      %add3A_2092 = arith.addf %add3A_2082, %mul3A_2091 : vector<16xf32>
      %mul3A_2093 = arith.constant 16 : i32
      %mul3A_2094 = arith.muli %scan3A_2072, %mul3A_2093 : i32
      %get3A_2095 = arith.index_cast %mul3A_2094 : i32 to index
      %get3A_2096 = tpu.vector_load %arg11[%get3A_2095] {strides = array<i32>} : memref<128xf32, #tpu.memory_space<vmem>>, vector<16xf32>,
      %mul3A_2097 = arith.constant 16 : i32
      %mul3A_2098 = arith.muli %scan3A_2072, %mul3A_2097 : i32
      %get3A_2099 = arith.index_cast %mul3A_2098 : i32 to index
      %get3A_2100 = tpu.vector_load %arg27[%get3A_2099] {strides = array<i32>} : memref<128xf32, #tpu.memory_space<vmem>>, vector<16xf32>,
      %mul3A_2101 = arith.mulf %get3A_2096, %get3A_2100 : vector<16xf32>
      %add3A_2102 = arith.addf %add3A_2092, %mul3A_2101 : vector<16xf32>
      %mul3A_2103 = arith.constant 16 : i32
      %mul3A_2104 = arith.muli %scan3A_2072, %mul3A_2103 : i32
      %get3A_2105 = arith.index_cast %mul3A_2104 : i32 to index
      %get3A_2106 = tpu.vector_load %arg12[%get3A_2105] {strides = array<i32>} : memref<128xf32, #tpu.memory_space<vmem>>, vector<16xf32>,
      %mul3A_2107 = arith.constant 16 : i32
      %mul3A_2108 = arith.muli %scan3A_2072, %mul3A_2107 : i32
      %get3A_2109 = arith.index_cast %mul3A_2108 : i32 to index
      %get3A_2110 = tpu.vector_load %arg28[%get3A_2109] {strides = array<i32>} : memref<128xf32, #tpu.memory_space<vmem>>, vector<16xf32>,
      %mul3A_2111 = arith.mulf %get3A_2106, %get3A_2110 : vector<16xf32>
      %add3A_2112 = arith.addf %add3A_2102, %mul3A_2111 : vector<16xf32>
      %mul3A_2113 = arith.constant 16 : i32
      %mul3A_2114 = arith.muli %scan3A_2072, %mul3A_2113 : i32
      %get3A_2115 = arith.index_cast %mul3A_2114 : i32 to index
      %get3A_2116 = tpu.vector_load %arg13[%get3A_2115] {strides = array<i32>} : memref<128xf32, #tpu.memory_space<vmem>>, vector<16xf32>,
      %mul3A_2117 = arith.constant 16 : i32
      %mul3A_2118 = arith.muli %scan3A_2072, %mul3A_2117 : i32
      %get3A_2119 = arith.index_cast %mul3A_2118 : i32 to index
      %get3A_2120 = tpu.vector_load %arg29[%get3A_2119] {strides = array<i32>} : memref<128xf32, #tpu.memory_space<vmem>>, vector<16xf32>,
      %mul3A_2121 = arith.mulf %get3A_2116, %get3A_2120 : vector<16xf32>
      %add3A_2122 = arith.addf %add3A_2112, %mul3A_2121 : vector<16xf32>
      %mul3A_2123 = arith.constant 16 : i32
      %mul3A_2124 = arith.muli %scan3A_2072, %mul3A_2123 : i32
      %get3A_2125 = arith.index_cast %mul3A_2124 : i32 to index
      %get3A_2126 = tpu.vector_load %arg14[%get3A_2125] {strides = array<i32>} : memref<128xf32, #tpu.memory_space<vmem>>, vector<16xf32>,
      %mul3A_2127 = arith.constant 16 : i32
      %mul3A_2128 = arith.muli %scan3A_2072, %mul3A_2127 : i32
      %get3A_2129 = arith.index_cast %mul3A_2128 : i32 to index
      %get3A_2130 = tpu.vector_load %arg30[%get3A_2129] {strides = array<i32>} : memref<128xf32, #tpu.memory_space<vmem>>, vector<16xf32>,
      %mul3A_2131 = arith.mulf %get3A_2126, %get3A_2130 : vector<16xf32>
      %add3A_2132 = arith.addf %add3A_2122, %mul3A_2131 : vector<16xf32>
      %mul3A_2133 = arith.constant 16 : i32
      %mul3A_2134 = arith.muli %scan3A_2072, %mul3A_2133 : i32
      %get3A_2135 = arith.index_cast %mul3A_2134 : i32 to index
      %get3A_2136 = tpu.vector_load %arg15[%get3A_2135] {strides = array<i32>} : memref<128xf32, #tpu.memory_space<vmem>>, vector<16xf32>,
      %mul3A_2137 = arith.constant 16 : i32
      %mul3A_2138 = arith.muli %scan3A_2072, %mul3A_2137 : i32
      %get3A_2139 = arith.index_cast %mul3A_2138 : i32 to index
      %get3A_2140 = tpu.vector_load %arg31[%get3A_2139] {strides = array<i32>} : memref<128xf32, #tpu.memory_space<vmem>>, vector<16xf32>,
      %mul3A_2141 = arith.mulf %get3A_2136, %get3A_2140 : vector<16xf32>
      %add3A_2142 = arith.addf %add3A_2132, %mul3A_2141 : vector<16xf32>
      %mul3A_2143 = arith.constant 16 : i32
      %mul3A_2144 = arith.muli %scan3A_2072, %mul3A_2143 : i32
      %get3A_2145 = arith.index_cast %mul3A_2144 : i32 to index
      %get3A_2146 = tpu.vector_load %arg16[%get3A_2145] {strides = array<i32>} : memref<128xf32, #tpu.memory_space<vmem>>, vector<16xf32>,
      %mul3A_2147 = arith.constant 16 : i32
      %mul3A_2148 = arith.muli %scan3A_2072, %mul3A_2147 : i32
      %get3A_2149 = arith.index_cast %mul3A_2148 : i32 to index
      %get3A_2150 = tpu.vector_load %arg32[%get3A_2149] {strides = array<i32>} : memref<128xf32, #tpu.memory_space<vmem>>, vector<16xf32>,
      %mul3A_2151 = arith.mulf %get3A_2146, %get3A_2150 : vector<16xf32>
      %add3A_2152 = arith.addf %add3A_2142, %mul3A_2151 : vector<16xf32>
      %mul3A_2153 = arith.constant 16 : i32
      %mul3A_2154 = arith.muli %scan3A_2072, %mul3A_2153 : i32
      %get3A_2155 = arith.index_cast %mul3A_2154 : i32 to index
      %get3A_2156 = tpu.vector_load %arg17[%get3A_2155] {strides = array<i32>} : memref<128xf32, #tpu.memory_space<vmem>>, vector<16xf32>,
      %mul3A_2157 = arith.constant 16 : i32
      %mul3A_2158 = arith.muli %scan3A_2072, %mul3A_2157 : i32
      %get3A_2159 = arith.index_cast %mul3A_2158 : i32 to index
      %get3A_2160 = tpu.vector_load %arg33[%get3A_2159] {strides = array<i32>} : memref<128xf32, #tpu.memory_space<vmem>>, vector<16xf32>,
      %mul3A_2161 = arith.mulf %get3A_2156, %get3A_2160 : vector<16xf32>
      %add3A_2162 = arith.addf %add3A_2152, %mul3A_2161 : vector<16xf32>
      %mul3A_2163 = arith.constant 16 : i32
      %mul3A_2164 = arith.muli %scan3A_2072, %mul3A_2163 : i32
      %get3A_2165 = arith.index_cast %mul3A_2164 : i32 to index
      %get3A_2166 = tpu.vector_load %arg18[%get3A_2165] {strides = array<i32>} : memref<128xf32, #tpu.memory_space<vmem>>, vector<16xf32>,
      %mul3A_2167 = arith.constant 16 : i32
      %mul3A_2168 = arith.muli %scan3A_2072, %mul3A_2167 : i32
      %get3A_2169 = arith.index_cast %mul3A_2168 : i32 to index
      %get3A_2170 = tpu.vector_load %arg34[%get3A_2169] {strides = array<i32>} : memref<128xf32, #tpu.memory_space<vmem>>, vector<16xf32>,
      %mul3A_2171 = arith.mulf %get3A_2166, %get3A_2170 : vector<16xf32>
      %add3A_2172 = arith.addf %add3A_2162, %mul3A_2171 : vector<16xf32>
      %mul3A_2173 = arith.constant 16 : i32
      %mul3A_2174 = arith.muli %scan3A_2072, %mul3A_2173 : i32
      %get3A_2175 = arith.index_cast %mul3A_2174 : i32 to index
      %get3A_2176 = tpu.vector_load %arg19[%get3A_2175] {strides = array<i32>} : memref<128xf32, #tpu.memory_space<vmem>>, vector<16xf32>,
      %mul3A_2177 = arith.constant 16 : i32
      %mul3A_2178 = arith.muli %scan3A_2072, %mul3A_2177 : i32
      %get3A_2179 = arith.index_cast %mul3A_2178 : i32 to index
      %get3A_2180 = tpu.vector_load %arg35[%get3A_2179] {strides = array<i32>} : memref<128xf32, #tpu.memory_space<vmem>>, vector<16xf32>,
      %mul3A_2181 = arith.mulf %get3A_2176, %get3A_2180 : vector<16xf32>
      %add3A_2182 = arith.addf %add3A_2172, %mul3A_2181 : vector<16xf32>
      %mul3A_2183 = arith.constant 16 : i32
      %mul3A_2184 = arith.muli %scan3A_2072, %mul3A_2183 : i32
      %get3A_2185 = arith.index_cast %mul3A_2184 : i32 to index
      %get3A_2186 = tpu.vector_load %arg20[%get3A_2185] {strides = array<i32>} : memref<128xf32, #tpu.memory_space<vmem>>, vector<16xf32>,
      %mul3A_2187 = arith.constant 16 : i32
      %mul3A_2188 = arith.muli %scan3A_2072, %mul3A_2187 : i32
      %get3A_2189 = arith.index_cast %mul3A_2188 : i32 to index
      %get3A_2190 = tpu.vector_load %arg36[%get3A_2189] {strides = array<i32>} : memref<128xf32, #tpu.memory_space<vmem>>, vector<16xf32>,
      %mul3A_2191 = arith.mulf %get3A_2186, %get3A_2190 : vector<16xf32>
      %add3A_2192 = arith.addf %add3A_2182, %mul3A_2191 : vector<16xf32>
      %mul3A_2193 = arith.constant 16 : i32
      %mul3A_2194 = arith.muli %scan3A_2072, %mul3A_2193 : i32
      %get3A_2195 = arith.index_cast %mul3A_2194 : i32 to index
      %get3A_2196 = tpu.vector_load %arg21[%get3A_2195] {strides = array<i32>} : memref<128xf32, #tpu.memory_space<vmem>>, vector<16xf32>,
      %mul3A_2197 = arith.constant 16 : i32
      %mul3A_2198 = arith.muli %scan3A_2072, %mul3A_2197 : i32
      %get3A_2199 = arith.index_cast %mul3A_2198 : i32 to index
      %get3A_2200 = tpu.vector_load %arg37[%get3A_2199] {strides = array<i32>} : memref<128xf32, #tpu.memory_space<vmem>>, vector<16xf32>,
      %mul3A_2201 = arith.mulf %get3A_2196, %get3A_2200 : vector<16xf32>
      %add3A_2202 = arith.addf %add3A_2192, %mul3A_2201 : vector<16xf32>
      %mul3A_2203 = arith.constant 16 : i32
      %mul3A_2204 = arith.muli %scan3A_2072, %mul3A_2203 : i32
      %get3A_2205 = arith.index_cast %mul3A_2204 : i32 to index
      %get3A_2206 = tpu.vector_load %arg22[%get3A_2205] {strides = array<i32>} : memref<128xf32, #tpu.memory_space<vmem>>, vector<16xf32>,
      %mul3A_2207 = arith.constant 16 : i32
      %mul3A_2208 = arith.muli %scan3A_2072, %mul3A_2207 : i32
      %get3A_2209 = arith.index_cast %mul3A_2208 : i32 to index
      %get3A_2210 = tpu.vector_load %arg38[%get3A_2209] {strides = array<i32>} : memref<128xf32, #tpu.memory_space<vmem>>, vector<16xf32>,
      %mul3A_2211 = arith.mulf %get3A_2206, %get3A_2210 : vector<16xf32>
      %add3A_2212 = arith.addf %add3A_2202, %mul3A_2211 : vector<16xf32>
      %mul3A_2213 = arith.constant 16 : i32
      %mul3A_2214 = arith.muli %scan3A_2072, %mul3A_2213 : i32
      %get3A_2215 = arith.index_cast %mul3A_2214 : i32 to index
      %get3A_2216 = tpu.vector_load %arg23[%get3A_2215] {strides = array<i32>} : memref<128xf32, #tpu.memory_space<vmem>>, vector<16xf32>,
      %mul3A_2217 = arith.constant 16 : i32
      %mul3A_2218 = arith.muli %scan3A_2072, %mul3A_2217 : i32
      %get3A_2219 = arith.index_cast %mul3A_2218 : i32 to index
      %get3A_2220 = tpu.vector_load %arg39[%get3A_2219] {strides = array<i32>} : memref<128xf32, #tpu.memory_space<vmem>>, vector<16xf32>,
      %mul3A_2221 = arith.mulf %get3A_2216, %get3A_2220 : vector<16xf32>
      %add3A_2222 = arith.addf %add3A_2212, %mul3A_2221 : vector<16xf32>
      %mul3A_2223 = arith.constant 16 : i32
      %mul3A_2224 = arith.muli %scan3A_2072, %mul3A_2223 : i32
      %get3A_2225 = arith.index_cast %mul3A_2224 : i32 to index
      %get3A_2226 = tpu.vector_load %arg24[%get3A_2225] {strides = array<i32>} : memref<128xf32, #tpu.memory_space<vmem>>, vector<16xf32>,
      %mul3A_2227 = arith.constant 16 : i32
      %mul3A_2228 = arith.muli %scan3A_2072, %mul3A_2227 : i32
      %get3A_2229 = arith.index_cast %mul3A_2228 : i32 to index
      %get3A_2230 = tpu.vector_load %arg40[%get3A_2229] {strides = array<i32>} : memref<128xf32, #tpu.memory_space<vmem>>, vector<16xf32>,
      %mul3A_2231 = arith.mulf %get3A_2226, %get3A_2230 : vector<16xf32>
      %add3A_2232 = arith.addf %add3A_2222, %mul3A_2231 : vector<16xf32>
      %neg3A = arith.constant 0.000000e+00 : f32
      %neg3A_2233 = vector.broadcast %neg3A : f32 to vector<16xf32>
      %neg3A_2234 = arith.subf %neg3A_2233, %add3A_2232 : vector<16xf32>
      %exp3A = math.exp %neg3A_2234 : vector<16xf32>
      %add3A_2235 = arith.constant 1.000000e+00 : f32
      %add3A_2236 = vector.broadcast %add3A_2235 : f32 to vector<16xf32>
      %add3A_2237 = arith.addf %add3A_2236, %exp3A : vector<16xf32>
      %div3A = arith.constant 1.000000e+00 : f32
      %div3A_2238 = vector.broadcast %div3A : f32 to vector<16xf32>
      %div3A_2239 = arith.divf %div3A_2238, %add3A_2237 : vector<16xf32>
      %mul3A_2240 = arith.constant 16 : i32
      %mul3A_2241 = arith.muli %scan3A_2072, %mul3A_2240 : i32
      %add3A_2242 = arith.constant 256 : i32
      %add3A_2243 = arith.addi %add3A_2242, %mul3A_2241 : i32
      %swap3A = arith.index_cast %add3A_2243 : i32 to index
      %swap3A_2244 = tpu.vector_load %arg41[%swap3A] {strides = array<i32>} : memref<512xf32, #tpu.memory_space<vmem>>, vector<16xf32>,
      tpu.vector_store %arg41[%swap3A], %div3A_2239 {strides = array<i32>} : memref<512xf32, #tpu.memory_space<vmem>>, vector<16xf32>,
    }
    %scan3A_1553 = arith.constant 8 : i32
    %dma_start3A_1554 = arith.constant 0 : i32
    %dma_start3A_1555 = arith.constant 384 : i32
    %dma_start3A_1556 = tpu.memref_slice %arg7[%dma_start3A_1555] : memref<512xi32, #tpu.memory_space<vmem>> -> memref<128xi32, #tpu.memory_space<vmem>>
    %dma_start3A_1557 = arith.constant 0 : i32
    %dma_start3A_1558 = tpu.memref_slice %arg4[%dma_start3A_1554, %dma_start3A_1557] : memref<16x1000001xf32, #tpu.memory_space<hbm>> -> memref<1x1000001xf32, #tpu.memory_space<hbm>>
    %dma_start3A_1559 = tpu.memref_squeeze %dma_start3A_1558 : memref<1x1000001xf32, #tpu.memory_space<hbm>> -> memref<1000001xf32, #tpu.memory_space<hbm>>
    %dma_start3A_1560 = arith.constant 0 : i32
    %dma_start3A_1561 = tpu.memref_slice %dma_start3A_1559[%dma_start3A_1560] : memref<1000001xf32, #tpu.memory_space<hbm>> -> memref<1000001xf32, #tpu.memory_space<hbm>>
    tpu.enqueue_indirect_dma source(%dma_start3A_1561 : memref<1000001xf32, #tpu.memory_space<hbm>>) target(%arg9 : memref<128xf32, #tpu.memory_space<vmem>>) offsets(%dma_start3A_1556 : memref<128xi32, #tpu.memory_space<vmem>>) semaphore(%arg42 : memref<!tpu.dma_semaphore, #tpu.memory_space<semaphore_mem>>)
    %dma_start3A_1562 = arith.constant 0 : i32
    %dma_start3A_1563 = arith.constant 384 : i32
    %dma_start3A_1564 = tpu.memref_slice %arg8[%dma_start3A_1563] : memref<512xi32, #tpu.memory_space<vmem>> -> memref<128xi32, #tpu.memory_space<vmem>>
    %dma_start3A_1565 = arith.constant 0 : i32
    %dma_start3A_1566 = tpu.memref_slice %arg5[%dma_start3A_1562, %dma_start3A_1565] : memref<16x1000001xf32, #tpu.memory_space<hbm>> -> memref<1x1000001xf32, #tpu.memory_space<hbm>>
    %dma_start3A_1567 = tpu.memref_squeeze %dma_start3A_1566 : memref<1x1000001xf32, #tpu.memory_space<hbm>> -> memref<1000001xf32, #tpu.memory_space<hbm>>
    %dma_start3A_1568 = arith.constant 0 : i32
    %dma_start3A_1569 = tpu.memref_slice %dma_start3A_1567[%dma_start3A_1568] : memref<1000001xf32, #tpu.memory_space<hbm>> -> memref<1000001xf32, #tpu.memory_space<hbm>>
    tpu.enqueue_indirect_dma source(%dma_start3A_1569 : memref<1000001xf32, #tpu.memory_space<hbm>>) target(%arg25 : memref<128xf32, #tpu.memory_space<vmem>>) offsets(%dma_start3A_1564 : memref<128xi32, #tpu.memory_space<vmem>>) semaphore(%arg42 : memref<!tpu.dma_semaphore, #tpu.memory_space<semaphore_mem>>)
    %dma_start3A_1570 = arith.constant 1 : i32
    %dma_start3A_1571 = arith.constant 384 : i32
    %dma_start3A_1572 = tpu.memref_slice %arg7[%dma_start3A_1571] : memref<512xi32, #tpu.memory_space<vmem>> -> memref<128xi32, #tpu.memory_space<vmem>>
    %dma_start3A_1573 = arith.constant 0 : i32
    %dma_start3A_1574 = tpu.memref_slice %arg4[%dma_start3A_1570, %dma_start3A_1573] : memref<16x1000001xf32, #tpu.memory_space<hbm>> -> memref<1x1000001xf32, #tpu.memory_space<hbm>>
    %dma_start3A_1575 = tpu.memref_squeeze %dma_start3A_1574 : memref<1x1000001xf32, #tpu.memory_space<hbm>> -> memref<1000001xf32, #tpu.memory_space<hbm>>
    %dma_start3A_1576 = arith.constant 0 : i32
    %dma_start3A_1577 = tpu.memref_slice %dma_start3A_1575[%dma_start3A_1576] : memref<1000001xf32, #tpu.memory_space<hbm>> -> memref<1000001xf32, #tpu.memory_space<hbm>>
    tpu.enqueue_indirect_dma source(%dma_start3A_1577 : memref<1000001xf32, #tpu.memory_space<hbm>>) target(%arg10 : memref<128xf32, #tpu.memory_space<vmem>>) offsets(%dma_start3A_1572 : memref<128xi32, #tpu.memory_space<vmem>>) semaphore(%arg42 : memref<!tpu.dma_semaphore, #tpu.memory_space<semaphore_mem>>)
    %dma_start3A_1578 = arith.constant 1 : i32
    %dma_start3A_1579 = arith.constant 384 : i32
    %dma_start3A_1580 = tpu.memref_slice %arg8[%dma_start3A_1579] : memref<512xi32, #tpu.memory_space<vmem>> -> memref<128xi32, #tpu.memory_space<vmem>>
    %dma_start3A_1581 = arith.constant 0 : i32
    %dma_start3A_1582 = tpu.memref_slice %arg5[%dma_start3A_1578, %dma_start3A_1581] : memref<16x1000001xf32, #tpu.memory_space<hbm>> -> memref<1x1000001xf32, #tpu.memory_space<hbm>>
    %dma_start3A_1583 = tpu.memref_squeeze %dma_start3A_1582 : memref<1x1000001xf32, #tpu.memory_space<hbm>> -> memref<1000001xf32, #tpu.memory_space<hbm>>
    %dma_start3A_1584 = arith.constant 0 : i32
    %dma_start3A_1585 = tpu.memref_slice %dma_start3A_1583[%dma_start3A_1584] : memref<1000001xf32, #tpu.memory_space<hbm>> -> memref<1000001xf32, #tpu.memory_space<hbm>>
    tpu.enqueue_indirect_dma source(%dma_start3A_1585 : memref<1000001xf32, #tpu.memory_space<hbm>>) target(%arg26 : memref<128xf32, #tpu.memory_space<vmem>>) offsets(%dma_start3A_1580 : memref<128xi32, #tpu.memory_space<vmem>>) semaphore(%arg42 : memref<!tpu.dma_semaphore, #tpu.memory_space<semaphore_mem>>)
    %dma_start3A_1586 = arith.constant 2 : i32
    %dma_start3A_1587 = arith.constant 384 : i32
    %dma_start3A_1588 = tpu.memref_slice %arg7[%dma_start3A_1587] : memref<512xi32, #tpu.memory_space<vmem>> -> memref<128xi32, #tpu.memory_space<vmem>>
    %dma_start3A_1589 = arith.constant 0 : i32
    %dma_start3A_1590 = tpu.memref_slice %arg4[%dma_start3A_1586, %dma_start3A_1589] : memref<16x1000001xf32, #tpu.memory_space<hbm>> -> memref<1x1000001xf32, #tpu.memory_space<hbm>>
    %dma_start3A_1591 = tpu.memref_squeeze %dma_start3A_1590 : memref<1x1000001xf32, #tpu.memory_space<hbm>> -> memref<1000001xf32, #tpu.memory_space<hbm>>
    %dma_start3A_1592 = arith.constant 0 : i32
    %dma_start3A_1593 = tpu.memref_slice %dma_start3A_1591[%dma_start3A_1592] : memref<1000001xf32, #tpu.memory_space<hbm>> -> memref<1000001xf32, #tpu.memory_space<hbm>>
    tpu.enqueue_indirect_dma source(%dma_start3A_1593 : memref<1000001xf32, #tpu.memory_space<hbm>>) target(%arg11 : memref<128xf32, #tpu.memory_space<vmem>>) offsets(%dma_start3A_1588 : memref<128xi32, #tpu.memory_space<vmem>>) semaphore(%arg42 : memref<!tpu.dma_semaphore, #tpu.memory_space<semaphore_mem>>)
    %dma_start3A_1594 = arith.constant 2 : i32
    %dma_start3A_1595 = arith.constant 384 : i32
    %dma_start3A_1596 = tpu.memref_slice %arg8[%dma_start3A_1595] : memref<512xi32, #tpu.memory_space<vmem>> -> memref<128xi32, #tpu.memory_space<vmem>>
    %dma_start3A_1597 = arith.constant 0 : i32
    %dma_start3A_1598 = tpu.memref_slice %arg5[%dma_start3A_1594, %dma_start3A_1597] : memref<16x1000001xf32, #tpu.memory_space<hbm>> -> memref<1x1000001xf32, #tpu.memory_space<hbm>>
    %dma_start3A_1599 = tpu.memref_squeeze %dma_start3A_1598 : memref<1x1000001xf32, #tpu.memory_space<hbm>> -> memref<1000001xf32, #tpu.memory_space<hbm>>
    %dma_start3A_1600 = arith.constant 0 : i32
    %dma_start3A_1601 = tpu.memref_slice %dma_start3A_1599[%dma_start3A_1600] : memref<1000001xf32, #tpu.memory_space<hbm>> -> memref<1000001xf32, #tpu.memory_space<hbm>>
    tpu.enqueue_indirect_dma source(%dma_start3A_1601 : memref<1000001xf32, #tpu.memory_space<hbm>>) target(%arg27 : memref<128xf32, #tpu.memory_space<vmem>>) offsets(%dma_start3A_1596 : memref<128xi32, #tpu.memory_space<vmem>>) semaphore(%arg42 : memref<!tpu.dma_semaphore, #tpu.memory_space<semaphore_mem>>)
    %dma_start3A_1602 = arith.constant 3 : i32
    %dma_start3A_1603 = arith.constant 384 : i32
    %dma_start3A_1604 = tpu.memref_slice %arg7[%dma_start3A_1603] : memref<512xi32, #tpu.memory_space<vmem>> -> memref<128xi32, #tpu.memory_space<vmem>>
    %dma_start3A_1605 = arith.constant 0 : i32
    %dma_start3A_1606 = tpu.memref_slice %arg4[%dma_start3A_1602, %dma_start3A_1605] : memref<16x1000001xf32, #tpu.memory_space<hbm>> -> memref<1x1000001xf32, #tpu.memory_space<hbm>>
    %dma_start3A_1607 = tpu.memref_squeeze %dma_start3A_1606 : memref<1x1000001xf32, #tpu.memory_space<hbm>> -> memref<1000001xf32, #tpu.memory_space<hbm>>
    %dma_start3A_1608 = arith.constant 0 : i32
    %dma_start3A_1609 = tpu.memref_slice %dma_start3A_1607[%dma_start3A_1608] : memref<1000001xf32, #tpu.memory_space<hbm>> -> memref<1000001xf32, #tpu.memory_space<hbm>>
    tpu.enqueue_indirect_dma source(%dma_start3A_1609 : memref<1000001xf32, #tpu.memory_space<hbm>>) target(%arg12 : memref<128xf32, #tpu.memory_space<vmem>>) offsets(%dma_start3A_1604 : memref<128xi32, #tpu.memory_space<vmem>>) semaphore(%arg42 : memref<!tpu.dma_semaphore, #tpu.memory_space<semaphore_mem>>)
    %dma_start3A_1610 = arith.constant 3 : i32
    %dma_start3A_1611 = arith.constant 384 : i32
    %dma_start3A_1612 = tpu.memref_slice %arg8[%dma_start3A_1611] : memref<512xi32, #tpu.memory_space<vmem>> -> memref<128xi32, #tpu.memory_space<vmem>>
    %dma_start3A_1613 = arith.constant 0 : i32
    %dma_start3A_1614 = tpu.memref_slice %arg5[%dma_start3A_1610, %dma_start3A_1613] : memref<16x1000001xf32, #tpu.memory_space<hbm>> -> memref<1x1000001xf32, #tpu.memory_space<hbm>>
    %dma_start3A_1615 = tpu.memref_squeeze %dma_start3A_1614 : memref<1x1000001xf32, #tpu.memory_space<hbm>> -> memref<1000001xf32, #tpu.memory_space<hbm>>
    %dma_start3A_1616 = arith.constant 0 : i32
    %dma_start3A_1617 = tpu.memref_slice %dma_start3A_1615[%dma_start3A_1616] : memref<1000001xf32, #tpu.memory_space<hbm>> -> memref<1000001xf32, #tpu.memory_space<hbm>>
    tpu.enqueue_indirect_dma source(%dma_start3A_1617 : memref<1000001xf32, #tpu.memory_space<hbm>>) target(%arg28 : memref<128xf32, #tpu.memory_space<vmem>>) offsets(%dma_start3A_1612 : memref<128xi32, #tpu.memory_space<vmem>>) semaphore(%arg42 : memref<!tpu.dma_semaphore, #tpu.memory_space<semaphore_mem>>)
    %dma_start3A_1618 = arith.constant 4 : i32
    %dma_start3A_1619 = arith.constant 384 : i32
    %dma_start3A_1620 = tpu.memref_slice %arg7[%dma_start3A_1619] : memref<512xi32, #tpu.memory_space<vmem>> -> memref<128xi32, #tpu.memory_space<vmem>>
    %dma_start3A_1621 = arith.constant 0 : i32
    %dma_start3A_1622 = tpu.memref_slice %arg4[%dma_start3A_1618, %dma_start3A_1621] : memref<16x1000001xf32, #tpu.memory_space<hbm>> -> memref<1x1000001xf32, #tpu.memory_space<hbm>>
    %dma_start3A_1623 = tpu.memref_squeeze %dma_start3A_1622 : memref<1x1000001xf32, #tpu.memory_space<hbm>> -> memref<1000001xf32, #tpu.memory_space<hbm>>
    %dma_start3A_1624 = arith.constant 0 : i32
    %dma_start3A_1625 = tpu.memref_slice %dma_start3A_1623[%dma_start3A_1624] : memref<1000001xf32, #tpu.memory_space<hbm>> -> memref<1000001xf32, #tpu.memory_space<hbm>>
    tpu.enqueue_indirect_dma source(%dma_start3A_1625 : memref<1000001xf32, #tpu.memory_space<hbm>>) target(%arg13 : memref<128xf32, #tpu.memory_space<vmem>>) offsets(%dma_start3A_1620 : memref<128xi32, #tpu.memory_space<vmem>>) semaphore(%arg42 : memref<!tpu.dma_semaphore, #tpu.memory_space<semaphore_mem>>)
    %dma_start3A_1626 = arith.constant 4 : i32
    %dma_start3A_1627 = arith.constant 384 : i32
    %dma_start3A_1628 = tpu.memref_slice %arg8[%dma_start3A_1627] : memref<512xi32, #tpu.memory_space<vmem>> -> memref<128xi32, #tpu.memory_space<vmem>>
    %dma_start3A_1629 = arith.constant 0 : i32
    %dma_start3A_1630 = tpu.memref_slice %arg5[%dma_start3A_1626, %dma_start3A_1629] : memref<16x1000001xf32, #tpu.memory_space<hbm>> -> memref<1x1000001xf32, #tpu.memory_space<hbm>>
    %dma_start3A_1631 = tpu.memref_squeeze %dma_start3A_1630 : memref<1x1000001xf32, #tpu.memory_space<hbm>> -> memref<1000001xf32, #tpu.memory_space<hbm>>
    %dma_start3A_1632 = arith.constant 0 : i32
    %dma_start3A_1633 = tpu.memref_slice %dma_start3A_1631[%dma_start3A_1632] : memref<1000001xf32, #tpu.memory_space<hbm>> -> memref<1000001xf32, #tpu.memory_space<hbm>>
    tpu.enqueue_indirect_dma source(%dma_start3A_1633 : memref<1000001xf32, #tpu.memory_space<hbm>>) target(%arg29 : memref<128xf32, #tpu.memory_space<vmem>>) offsets(%dma_start3A_1628 : memref<128xi32, #tpu.memory_space<vmem>>) semaphore(%arg42 : memref<!tpu.dma_semaphore, #tpu.memory_space<semaphore_mem>>)
    %dma_start3A_1634 = arith.constant 5 : i32
    %dma_start3A_1635 = arith.constant 384 : i32
    %dma_start3A_1636 = tpu.memref_slice %arg7[%dma_start3A_1635] : memref<512xi32, #tpu.memory_space<vmem>> -> memref<128xi32, #tpu.memory_space<vmem>>
    %dma_start3A_1637 = arith.constant 0 : i32
    %dma_start3A_1638 = tpu.memref_slice %arg4[%dma_start3A_1634, %dma_start3A_1637] : memref<16x1000001xf32, #tpu.memory_space<hbm>> -> memref<1x1000001xf32, #tpu.memory_space<hbm>>
    %dma_start3A_1639 = tpu.memref_squeeze %dma_start3A_1638 : memref<1x1000001xf32, #tpu.memory_space<hbm>> -> memref<1000001xf32, #tpu.memory_space<hbm>>
    %dma_start3A_1640 = arith.constant 0 : i32
    %dma_start3A_1641 = tpu.memref_slice %dma_start3A_1639[%dma_start3A_1640] : memref<1000001xf32, #tpu.memory_space<hbm>> -> memref<1000001xf32, #tpu.memory_space<hbm>>
    tpu.enqueue_indirect_dma source(%dma_start3A_1641 : memref<1000001xf32, #tpu.memory_space<hbm>>) target(%arg14 : memref<128xf32, #tpu.memory_space<vmem>>) offsets(%dma_start3A_1636 : memref<128xi32, #tpu.memory_space<vmem>>) semaphore(%arg42 : memref<!tpu.dma_semaphore, #tpu.memory_space<semaphore_mem>>)
    %dma_start3A_1642 = arith.constant 5 : i32
    %dma_start3A_1643 = arith.constant 384 : i32
    %dma_start3A_1644 = tpu.memref_slice %arg8[%dma_start3A_1643] : memref<512xi32, #tpu.memory_space<vmem>> -> memref<128xi32, #tpu.memory_space<vmem>>
    %dma_start3A_1645 = arith.constant 0 : i32
    %dma_start3A_1646 = tpu.memref_slice %arg5[%dma_start3A_1642, %dma_start3A_1645] : memref<16x1000001xf32, #tpu.memory_space<hbm>> -> memref<1x1000001xf32, #tpu.memory_space<hbm>>
    %dma_start3A_1647 = tpu.memref_squeeze %dma_start3A_1646 : memref<1x1000001xf32, #tpu.memory_space<hbm>> -> memref<1000001xf32, #tpu.memory_space<hbm>>
    %dma_start3A_1648 = arith.constant 0 : i32
    %dma_start3A_1649 = tpu.memref_slice %dma_start3A_1647[%dma_start3A_1648] : memref<1000001xf32, #tpu.memory_space<hbm>> -> memref<1000001xf32, #tpu.memory_space<hbm>>
    tpu.enqueue_indirect_dma source(%dma_start3A_1649 : memref<1000001xf32, #tpu.memory_space<hbm>>) target(%arg30 : memref<128xf32, #tpu.memory_space<vmem>>) offsets(%dma_start3A_1644 : memref<128xi32, #tpu.memory_space<vmem>>) semaphore(%arg42 : memref<!tpu.dma_semaphore, #tpu.memory_space<semaphore_mem>>)
    %dma_start3A_1650 = arith.constant 6 : i32
    %dma_start3A_1651 = arith.constant 384 : i32
    %dma_start3A_1652 = tpu.memref_slice %arg7[%dma_start3A_1651] : memref<512xi32, #tpu.memory_space<vmem>> -> memref<128xi32, #tpu.memory_space<vmem>>
    %dma_start3A_1653 = arith.constant 0 : i32
    %dma_start3A_1654 = tpu.memref_slice %arg4[%dma_start3A_1650, %dma_start3A_1653] : memref<16x1000001xf32, #tpu.memory_space<hbm>> -> memref<1x1000001xf32, #tpu.memory_space<hbm>>
    %dma_start3A_1655 = tpu.memref_squeeze %dma_start3A_1654 : memref<1x1000001xf32, #tpu.memory_space<hbm>> -> memref<1000001xf32, #tpu.memory_space<hbm>>
    %dma_start3A_1656 = arith.constant 0 : i32
    %dma_start3A_1657 = tpu.memref_slice %dma_start3A_1655[%dma_start3A_1656] : memref<1000001xf32, #tpu.memory_space<hbm>> -> memref<1000001xf32, #tpu.memory_space<hbm>>
    tpu.enqueue_indirect_dma source(%dma_start3A_1657 : memref<1000001xf32, #tpu.memory_space<hbm>>) target(%arg15 : memref<128xf32, #tpu.memory_space<vmem>>) offsets(%dma_start3A_1652 : memref<128xi32, #tpu.memory_space<vmem>>) semaphore(%arg42 : memref<!tpu.dma_semaphore, #tpu.memory_space<semaphore_mem>>)
    %dma_start3A_1658 = arith.constant 6 : i32
    %dma_start3A_1659 = arith.constant 384 : i32
    %dma_start3A_1660 = tpu.memref_slice %arg8[%dma_start3A_1659] : memref<512xi32, #tpu.memory_space<vmem>> -> memref<128xi32, #tpu.memory_space<vmem>>
    %dma_start3A_1661 = arith.constant 0 : i32
    %dma_start3A_1662 = tpu.memref_slice %arg5[%dma_start3A_1658, %dma_start3A_1661] : memref<16x1000001xf32, #tpu.memory_space<hbm>> -> memref<1x1000001xf32, #tpu.memory_space<hbm>>
    %dma_start3A_1663 = tpu.memref_squeeze %dma_start3A_1662 : memref<1x1000001xf32, #tpu.memory_space<hbm>> -> memref<1000001xf32, #tpu.memory_space<hbm>>
    %dma_start3A_1664 = arith.constant 0 : i32
    %dma_start3A_1665 = tpu.memref_slice %dma_start3A_1663[%dma_start3A_1664] : memref<1000001xf32, #tpu.memory_space<hbm>> -> memref<1000001xf32, #tpu.memory_space<hbm>>
    tpu.enqueue_indirect_dma source(%dma_start3A_1665 : memref<1000001xf32, #tpu.memory_space<hbm>>) target(%arg31 : memref<128xf32, #tpu.memory_space<vmem>>) offsets(%dma_start3A_1660 : memref<128xi32, #tpu.memory_space<vmem>>) semaphore(%arg42 : memref<!tpu.dma_semaphore, #tpu.memory_space<semaphore_mem>>)
    %dma_start3A_1666 = arith.constant 7 : i32
    %dma_start3A_1667 = arith.constant 384 : i32
    %dma_start3A_1668 = tpu.memref_slice %arg7[%dma_start3A_1667] : memref<512xi32, #tpu.memory_space<vmem>> -> memref<128xi32, #tpu.memory_space<vmem>>
    %dma_start3A_1669 = arith.constant 0 : i32
    %dma_start3A_1670 = tpu.memref_slice %arg4[%dma_start3A_1666, %dma_start3A_1669] : memref<16x1000001xf32, #tpu.memory_space<hbm>> -> memref<1x1000001xf32, #tpu.memory_space<hbm>>
    %dma_start3A_1671 = tpu.memref_squeeze %dma_start3A_1670 : memref<1x1000001xf32, #tpu.memory_space<hbm>> -> memref<1000001xf32, #tpu.memory_space<hbm>>
    %dma_start3A_1672 = arith.constant 0 : i32
    %dma_start3A_1673 = tpu.memref_slice %dma_start3A_1671[%dma_start3A_1672] : memref<1000001xf32, #tpu.memory_space<hbm>> -> memref<1000001xf32, #tpu.memory_space<hbm>>
    tpu.enqueue_indirect_dma source(%dma_start3A_1673 : memref<1000001xf32, #tpu.memory_space<hbm>>) target(%arg16 : memref<128xf32, #tpu.memory_space<vmem>>) offsets(%dma_start3A_1668 : memref<128xi32, #tpu.memory_space<vmem>>) semaphore(%arg42 : memref<!tpu.dma_semaphore, #tpu.memory_space<semaphore_mem>>)
    %dma_start3A_1674 = arith.constant 7 : i32
    %dma_start3A_1675 = arith.constant 384 : i32
    %dma_start3A_1676 = tpu.memref_slice %arg8[%dma_start3A_1675] : memref<512xi32, #tpu.memory_space<vmem>> -> memref<128xi32, #tpu.memory_space<vmem>>
    %dma_start3A_1677 = arith.constant 0 : i32
    %dma_start3A_1678 = tpu.memref_slice %arg5[%dma_start3A_1674, %dma_start3A_1677] : memref<16x1000001xf32, #tpu.memory_space<hbm>> -> memref<1x1000001xf32, #tpu.memory_space<hbm>>
    %dma_start3A_1679 = tpu.memref_squeeze %dma_start3A_1678 : memref<1x1000001xf32, #tpu.memory_space<hbm>> -> memref<1000001xf32, #tpu.memory_space<hbm>>
    %dma_start3A_1680 = arith.constant 0 : i32
    %dma_start3A_1681 = tpu.memref_slice %dma_start3A_1679[%dma_start3A_1680] : memref<1000001xf32, #tpu.memory_space<hbm>> -> memref<1000001xf32, #tpu.memory_space<hbm>>
    tpu.enqueue_indirect_dma source(%dma_start3A_1681 : memref<1000001xf32, #tpu.memory_space<hbm>>) target(%arg32 : memref<128xf32, #tpu.memory_space<vmem>>) offsets(%dma_start3A_1676 : memref<128xi32, #tpu.memory_space<vmem>>) semaphore(%arg42 : memref<!tpu.dma_semaphore, #tpu.memory_space<semaphore_mem>>)
    %dma_start3A_1682 = arith.constant 8 : i32
    %dma_start3A_1683 = arith.constant 384 : i32
    %dma_start3A_1684 = tpu.memref_slice %arg7[%dma_start3A_1683] : memref<512xi32, #tpu.memory_space<vmem>> -> memref<128xi32, #tpu.memory_space<vmem>>
    %dma_start3A_1685 = arith.constant 0 : i32
    %dma_start3A_1686 = tpu.memref_slice %arg4[%dma_start3A_1682, %dma_start3A_1685] : memref<16x1000001xf32, #tpu.memory_space<hbm>> -> memref<1x1000001xf32, #tpu.memory_space<hbm>>
    %dma_start3A_1687 = tpu.memref_squeeze %dma_start3A_1686 : memref<1x1000001xf32, #tpu.memory_space<hbm>> -> memref<1000001xf32, #tpu.memory_space<hbm>>
    %dma_start3A_1688 = arith.constant 0 : i32
    %dma_start3A_1689 = tpu.memref_slice %dma_start3A_1687[%dma_start3A_1688] : memref<1000001xf32, #tpu.memory_space<hbm>> -> memref<1000001xf32, #tpu.memory_space<hbm>>
    tpu.enqueue_indirect_dma source(%dma_start3A_1689 : memref<1000001xf32, #tpu.memory_space<hbm>>) target(%arg17 : memref<128xf32, #tpu.memory_space<vmem>>) offsets(%dma_start3A_1684 : memref<128xi32, #tpu.memory_space<vmem>>) semaphore(%arg42 : memref<!tpu.dma_semaphore, #tpu.memory_space<semaphore_mem>>)
    %dma_start3A_1690 = arith.constant 8 : i32
    %dma_start3A_1691 = arith.constant 384 : i32
    %dma_start3A_1692 = tpu.memref_slice %arg8[%dma_start3A_1691] : memref<512xi32, #tpu.memory_space<vmem>> -> memref<128xi32, #tpu.memory_space<vmem>>
    %dma_start3A_1693 = arith.constant 0 : i32
    %dma_start3A_1694 = tpu.memref_slice %arg5[%dma_start3A_1690, %dma_start3A_1693] : memref<16x1000001xf32, #tpu.memory_space<hbm>> -> memref<1x1000001xf32, #tpu.memory_space<hbm>>
    %dma_start3A_1695 = tpu.memref_squeeze %dma_start3A_1694 : memref<1x1000001xf32, #tpu.memory_space<hbm>> -> memref<1000001xf32, #tpu.memory_space<hbm>>
    %dma_start3A_1696 = arith.constant 0 : i32
    %dma_start3A_1697 = tpu.memref_slice %dma_start3A_1695[%dma_start3A_1696] : memref<1000001xf32, #tpu.memory_space<hbm>> -> memref<1000001xf32, #tpu.memory_space<hbm>>
    tpu.enqueue_indirect_dma source(%dma_start3A_1697 : memref<1000001xf32, #tpu.memory_space<hbm>>) target(%arg33 : memref<128xf32, #tpu.memory_space<vmem>>) offsets(%dma_start3A_1692 : memref<128xi32, #tpu.memory_space<vmem>>) semaphore(%arg42 : memref<!tpu.dma_semaphore, #tpu.memory_space<semaphore_mem>>)
    %dma_start3A_1698 = arith.constant 9 : i32
    %dma_start3A_1699 = arith.constant 384 : i32
    %dma_start3A_1700 = tpu.memref_slice %arg7[%dma_start3A_1699] : memref<512xi32, #tpu.memory_space<vmem>> -> memref<128xi32, #tpu.memory_space<vmem>>
    %dma_start3A_1701 = arith.constant 0 : i32
    %dma_start3A_1702 = tpu.memref_slice %arg4[%dma_start3A_1698, %dma_start3A_1701] : memref<16x1000001xf32, #tpu.memory_space<hbm>> -> memref<1x1000001xf32, #tpu.memory_space<hbm>>
    %dma_start3A_1703 = tpu.memref_squeeze %dma_start3A_1702 : memref<1x1000001xf32, #tpu.memory_space<hbm>> -> memref<1000001xf32, #tpu.memory_space<hbm>>
    %dma_start3A_1704 = arith.constant 0 : i32
    %dma_start3A_1705 = tpu.memref_slice %dma_start3A_1703[%dma_start3A_1704] : memref<1000001xf32, #tpu.memory_space<hbm>> -> memref<1000001xf32, #tpu.memory_space<hbm>>
    tpu.enqueue_indirect_dma source(%dma_start3A_1705 : memref<1000001xf32, #tpu.memory_space<hbm>>) target(%arg18 : memref<128xf32, #tpu.memory_space<vmem>>) offsets(%dma_start3A_1700 : memref<128xi32, #tpu.memory_space<vmem>>) semaphore(%arg42 : memref<!tpu.dma_semaphore, #tpu.memory_space<semaphore_mem>>)
    %dma_start3A_1706 = arith.constant 9 : i32
    %dma_start3A_1707 = arith.constant 384 : i32
    %dma_start3A_1708 = tpu.memref_slice %arg8[%dma_start3A_1707] : memref<512xi32, #tpu.memory_space<vmem>> -> memref<128xi32, #tpu.memory_space<vmem>>
    %dma_start3A_1709 = arith.constant 0 : i32
    %dma_start3A_1710 = tpu.memref_slice %arg5[%dma_start3A_1706, %dma_start3A_1709] : memref<16x1000001xf32, #tpu.memory_space<hbm>> -> memref<1x1000001xf32, #tpu.memory_space<hbm>>
    %dma_start3A_1711 = tpu.memref_squeeze %dma_start3A_1710 : memref<1x1000001xf32, #tpu.memory_space<hbm>> -> memref<1000001xf32, #tpu.memory_space<hbm>>
    %dma_start3A_1712 = arith.constant 0 : i32
    %dma_start3A_1713 = tpu.memref_slice %dma_start3A_1711[%dma_start3A_1712] : memref<1000001xf32, #tpu.memory_space<hbm>> -> memref<1000001xf32, #tpu.memory_space<hbm>>
    tpu.enqueue_indirect_dma source(%dma_start3A_1713 : memref<1000001xf32, #tpu.memory_space<hbm>>) target(%arg34 : memref<128xf32, #tpu.memory_space<vmem>>) offsets(%dma_start3A_1708 : memref<128xi32, #tpu.memory_space<vmem>>) semaphore(%arg42 : memref<!tpu.dma_semaphore, #tpu.memory_space<semaphore_mem>>)
    %dma_start3A_1714 = arith.constant 10 : i32
    %dma_start3A_1715 = arith.constant 384 : i32
    %dma_start3A_1716 = tpu.memref_slice %arg7[%dma_start3A_1715] : memref<512xi32, #tpu.memory_space<vmem>> -> memref<128xi32, #tpu.memory_space<vmem>>
    %dma_start3A_1717 = arith.constant 0 : i32
    %dma_start3A_1718 = tpu.memref_slice %arg4[%dma_start3A_1714, %dma_start3A_1717] : memref<16x1000001xf32, #tpu.memory_space<hbm>> -> memref<1x1000001xf32, #tpu.memory_space<hbm>>
    %dma_start3A_1719 = tpu.memref_squeeze %dma_start3A_1718 : memref<1x1000001xf32, #tpu.memory_space<hbm>> -> memref<1000001xf32, #tpu.memory_space<hbm>>
    %dma_start3A_1720 = arith.constant 0 : i32
    %dma_start3A_1721 = tpu.memref_slice %dma_start3A_1719[%dma_start3A_1720] : memref<1000001xf32, #tpu.memory_space<hbm>> -> memref<1000001xf32, #tpu.memory_space<hbm>>
    tpu.enqueue_indirect_dma source(%dma_start3A_1721 : memref<1000001xf32, #tpu.memory_space<hbm>>) target(%arg19 : memref<128xf32, #tpu.memory_space<vmem>>) offsets(%dma_start3A_1716 : memref<128xi32, #tpu.memory_space<vmem>>) semaphore(%arg42 : memref<!tpu.dma_semaphore, #tpu.memory_space<semaphore_mem>>)
    %dma_start3A_1722 = arith.constant 10 : i32
    %dma_start3A_1723 = arith.constant 384 : i32
    %dma_start3A_1724 = tpu.memref_slice %arg8[%dma_start3A_1723] : memref<512xi32, #tpu.memory_space<vmem>> -> memref<128xi32, #tpu.memory_space<vmem>>
    %dma_start3A_1725 = arith.constant 0 : i32
    %dma_start3A_1726 = tpu.memref_slice %arg5[%dma_start3A_1722, %dma_start3A_1725] : memref<16x1000001xf32, #tpu.memory_space<hbm>> -> memref<1x1000001xf32, #tpu.memory_space<hbm>>
    %dma_start3A_1727 = tpu.memref_squeeze %dma_start3A_1726 : memref<1x1000001xf32, #tpu.memory_space<hbm>> -> memref<1000001xf32, #tpu.memory_space<hbm>>
    %dma_start3A_1728 = arith.constant 0 : i32
    %dma_start3A_1729 = tpu.memref_slice %dma_start3A_1727[%dma_start3A_1728] : memref<1000001xf32, #tpu.memory_space<hbm>> -> memref<1000001xf32, #tpu.memory_space<hbm>>
    tpu.enqueue_indirect_dma source(%dma_start3A_1729 : memref<1000001xf32, #tpu.memory_space<hbm>>) target(%arg35 : memref<128xf32, #tpu.memory_space<vmem>>) offsets(%dma_start3A_1724 : memref<128xi32, #tpu.memory_space<vmem>>) semaphore(%arg42 : memref<!tpu.dma_semaphore, #tpu.memory_space<semaphore_mem>>)
    %dma_start3A_1730 = arith.constant 11 : i32
    %dma_start3A_1731 = arith.constant 384 : i32
    %dma_start3A_1732 = tpu.memref_slice %arg7[%dma_start3A_1731] : memref<512xi32, #tpu.memory_space<vmem>> -> memref<128xi32, #tpu.memory_space<vmem>>
    %dma_start3A_1733 = arith.constant 0 : i32
    %dma_start3A_1734 = tpu.memref_slice %arg4[%dma_start3A_1730, %dma_start3A_1733] : memref<16x1000001xf32, #tpu.memory_space<hbm>> -> memref<1x1000001xf32, #tpu.memory_space<hbm>>
    %dma_start3A_1735 = tpu.memref_squeeze %dma_start3A_1734 : memref<1x1000001xf32, #tpu.memory_space<hbm>> -> memref<1000001xf32, #tpu.memory_space<hbm>>
    %dma_start3A_1736 = arith.constant 0 : i32
    %dma_start3A_1737 = tpu.memref_slice %dma_start3A_1735[%dma_start3A_1736] : memref<1000001xf32, #tpu.memory_space<hbm>> -> memref<1000001xf32, #tpu.memory_space<hbm>>
    tpu.enqueue_indirect_dma source(%dma_start3A_1737 : memref<1000001xf32, #tpu.memory_space<hbm>>) target(%arg20 : memref<128xf32, #tpu.memory_space<vmem>>) offsets(%dma_start3A_1732 : memref<128xi32, #tpu.memory_space<vmem>>) semaphore(%arg42 : memref<!tpu.dma_semaphore, #tpu.memory_space<semaphore_mem>>)
    %dma_start3A_1738 = arith.constant 11 : i32
    %dma_start3A_1739 = arith.constant 384 : i32
    %dma_start3A_1740 = tpu.memref_slice %arg8[%dma_start3A_1739] : memref<512xi32, #tpu.memory_space<vmem>> -> memref<128xi32, #tpu.memory_space<vmem>>
    %dma_start3A_1741 = arith.constant 0 : i32
    %dma_start3A_1742 = tpu.memref_slice %arg5[%dma_start3A_1738, %dma_start3A_1741] : memref<16x1000001xf32, #tpu.memory_space<hbm>> -> memref<1x1000001xf32, #tpu.memory_space<hbm>>
    %dma_start3A_1743 = tpu.memref_squeeze %dma_start3A_1742 : memref<1x1000001xf32, #tpu.memory_space<hbm>> -> memref<1000001xf32, #tpu.memory_space<hbm>>
    %dma_start3A_1744 = arith.constant 0 : i32
    %dma_start3A_1745 = tpu.memref_slice %dma_start3A_1743[%dma_start3A_1744] : memref<1000001xf32, #tpu.memory_space<hbm>> -> memref<1000001xf32, #tpu.memory_space<hbm>>
    tpu.enqueue_indirect_dma source(%dma_start3A_1745 : memref<1000001xf32, #tpu.memory_space<hbm>>) target(%arg36 : memref<128xf32, #tpu.memory_space<vmem>>) offsets(%dma_start3A_1740 : memref<128xi32, #tpu.memory_space<vmem>>) semaphore(%arg42 : memref<!tpu.dma_semaphore, #tpu.memory_space<semaphore_mem>>)
    %dma_start3A_1746 = arith.constant 12 : i32
    %dma_start3A_1747 = arith.constant 384 : i32
    %dma_start3A_1748 = tpu.memref_slice %arg7[%dma_start3A_1747] : memref<512xi32, #tpu.memory_space<vmem>> -> memref<128xi32, #tpu.memory_space<vmem>>
    %dma_start3A_1749 = arith.constant 0 : i32
    %dma_start3A_1750 = tpu.memref_slice %arg4[%dma_start3A_1746, %dma_start3A_1749] : memref<16x1000001xf32, #tpu.memory_space<hbm>> -> memref<1x1000001xf32, #tpu.memory_space<hbm>>
    %dma_start3A_1751 = tpu.memref_squeeze %dma_start3A_1750 : memref<1x1000001xf32, #tpu.memory_space<hbm>> -> memref<1000001xf32, #tpu.memory_space<hbm>>
    %dma_start3A_1752 = arith.constant 0 : i32
    %dma_start3A_1753 = tpu.memref_slice %dma_start3A_1751[%dma_start3A_1752] : memref<1000001xf32, #tpu.memory_space<hbm>> -> memref<1000001xf32, #tpu.memory_space<hbm>>
    tpu.enqueue_indirect_dma source(%dma_start3A_1753 : memref<1000001xf32, #tpu.memory_space<hbm>>) target(%arg21 : memref<128xf32, #tpu.memory_space<vmem>>) offsets(%dma_start3A_1748 : memref<128xi32, #tpu.memory_space<vmem>>) semaphore(%arg42 : memref<!tpu.dma_semaphore, #tpu.memory_space<semaphore_mem>>)
    %dma_start3A_1754 = arith.constant 12 : i32
    %dma_start3A_1755 = arith.constant 384 : i32
    %dma_start3A_1756 = tpu.memref_slice %arg8[%dma_start3A_1755] : memref<512xi32, #tpu.memory_space<vmem>> -> memref<128xi32, #tpu.memory_space<vmem>>
    %dma_start3A_1757 = arith.constant 0 : i32
    %dma_start3A_1758 = tpu.memref_slice %arg5[%dma_start3A_1754, %dma_start3A_1757] : memref<16x1000001xf32, #tpu.memory_space<hbm>> -> memref<1x1000001xf32, #tpu.memory_space<hbm>>
    %dma_start3A_1759 = tpu.memref_squeeze %dma_start3A_1758 : memref<1x1000001xf32, #tpu.memory_space<hbm>> -> memref<1000001xf32, #tpu.memory_space<hbm>>
    %dma_start3A_1760 = arith.constant 0 : i32
    %dma_start3A_1761 = tpu.memref_slice %dma_start3A_1759[%dma_start3A_1760] : memref<1000001xf32, #tpu.memory_space<hbm>> -> memref<1000001xf32, #tpu.memory_space<hbm>>
    tpu.enqueue_indirect_dma source(%dma_start3A_1761 : memref<1000001xf32, #tpu.memory_space<hbm>>) target(%arg37 : memref<128xf32, #tpu.memory_space<vmem>>) offsets(%dma_start3A_1756 : memref<128xi32, #tpu.memory_space<vmem>>) semaphore(%arg42 : memref<!tpu.dma_semaphore, #tpu.memory_space<semaphore_mem>>)
    %dma_start3A_1762 = arith.constant 13 : i32
    %dma_start3A_1763 = arith.constant 384 : i32
    %dma_start3A_1764 = tpu.memref_slice %arg7[%dma_start3A_1763] : memref<512xi32, #tpu.memory_space<vmem>> -> memref<128xi32, #tpu.memory_space<vmem>>
    %dma_start3A_1765 = arith.constant 0 : i32
    %dma_start3A_1766 = tpu.memref_slice %arg4[%dma_start3A_1762, %dma_start3A_1765] : memref<16x1000001xf32, #tpu.memory_space<hbm>> -> memref<1x1000001xf32, #tpu.memory_space<hbm>>
    %dma_start3A_1767 = tpu.memref_squeeze %dma_start3A_1766 : memref<1x1000001xf32, #tpu.memory_space<hbm>> -> memref<1000001xf32, #tpu.memory_space<hbm>>
    %dma_start3A_1768 = arith.constant 0 : i32
    %dma_start3A_1769 = tpu.memref_slice %dma_start3A_1767[%dma_start3A_1768] : memref<1000001xf32, #tpu.memory_space<hbm>> -> memref<1000001xf32, #tpu.memory_space<hbm>>
    tpu.enqueue_indirect_dma source(%dma_start3A_1769 : memref<1000001xf32, #tpu.memory_space<hbm>>) target(%arg22 : memref<128xf32, #tpu.memory_space<vmem>>) offsets(%dma_start3A_1764 : memref<128xi32, #tpu.memory_space<vmem>>) semaphore(%arg42 : memref<!tpu.dma_semaphore, #tpu.memory_space<semaphore_mem>>)
    %dma_start3A_1770 = arith.constant 13 : i32
    %dma_start3A_1771 = arith.constant 384 : i32
    %dma_start3A_1772 = tpu.memref_slice %arg8[%dma_start3A_1771] : memref<512xi32, #tpu.memory_space<vmem>> -> memref<128xi32, #tpu.memory_space<vmem>>
    %dma_start3A_1773 = arith.constant 0 : i32
    %dma_start3A_1774 = tpu.memref_slice %arg5[%dma_start3A_1770, %dma_start3A_1773] : memref<16x1000001xf32, #tpu.memory_space<hbm>> -> memref<1x1000001xf32, #tpu.memory_space<hbm>>
    %dma_start3A_1775 = tpu.memref_squeeze %dma_start3A_1774 : memref<1x1000001xf32, #tpu.memory_space<hbm>> -> memref<1000001xf32, #tpu.memory_space<hbm>>
    %dma_start3A_1776 = arith.constant 0 : i32
    %dma_start3A_1777 = tpu.memref_slice %dma_start3A_1775[%dma_start3A_1776] : memref<1000001xf32, #tpu.memory_space<hbm>> -> memref<1000001xf32, #tpu.memory_space<hbm>>
    tpu.enqueue_indirect_dma source(%dma_start3A_1777 : memref<1000001xf32, #tpu.memory_space<hbm>>) target(%arg38 : memref<128xf32, #tpu.memory_space<vmem>>) offsets(%dma_start3A_1772 : memref<128xi32, #tpu.memory_space<vmem>>) semaphore(%arg42 : memref<!tpu.dma_semaphore, #tpu.memory_space<semaphore_mem>>)
    %dma_start3A_1778 = arith.constant 14 : i32
    %dma_start3A_1779 = arith.constant 384 : i32
    %dma_start3A_1780 = tpu.memref_slice %arg7[%dma_start3A_1779] : memref<512xi32, #tpu.memory_space<vmem>> -> memref<128xi32, #tpu.memory_space<vmem>>
    %dma_start3A_1781 = arith.constant 0 : i32
    %dma_start3A_1782 = tpu.memref_slice %arg4[%dma_start3A_1778, %dma_start3A_1781] : memref<16x1000001xf32, #tpu.memory_space<hbm>> -> memref<1x1000001xf32, #tpu.memory_space<hbm>>
    %dma_start3A_1783 = tpu.memref_squeeze %dma_start3A_1782 : memref<1x1000001xf32, #tpu.memory_space<hbm>> -> memref<1000001xf32, #tpu.memory_space<hbm>>
    %dma_start3A_1784 = arith.constant 0 : i32
    %dma_start3A_1785 = tpu.memref_slice %dma_start3A_1783[%dma_start3A_1784] : memref<1000001xf32, #tpu.memory_space<hbm>> -> memref<1000001xf32, #tpu.memory_space<hbm>>
    tpu.enqueue_indirect_dma source(%dma_start3A_1785 : memref<1000001xf32, #tpu.memory_space<hbm>>) target(%arg23 : memref<128xf32, #tpu.memory_space<vmem>>) offsets(%dma_start3A_1780 : memref<128xi32, #tpu.memory_space<vmem>>) semaphore(%arg42 : memref<!tpu.dma_semaphore, #tpu.memory_space<semaphore_mem>>)
    %dma_start3A_1786 = arith.constant 14 : i32
    %dma_start3A_1787 = arith.constant 384 : i32
    %dma_start3A_1788 = tpu.memref_slice %arg8[%dma_start3A_1787] : memref<512xi32, #tpu.memory_space<vmem>> -> memref<128xi32, #tpu.memory_space<vmem>>
    %dma_start3A_1789 = arith.constant 0 : i32
    %dma_start3A_1790 = tpu.memref_slice %arg5[%dma_start3A_1786, %dma_start3A_1789] : memref<16x1000001xf32, #tpu.memory_space<hbm>> -> memref<1x1000001xf32, #tpu.memory_space<hbm>>
    %dma_start3A_1791 = tpu.memref_squeeze %dma_start3A_1790 : memref<1x1000001xf32, #tpu.memory_space<hbm>> -> memref<1000001xf32, #tpu.memory_space<hbm>>
    %dma_start3A_1792 = arith.constant 0 : i32
    %dma_start3A_1793 = tpu.memref_slice %dma_start3A_1791[%dma_start3A_1792] : memref<1000001xf32, #tpu.memory_space<hbm>> -> memref<1000001xf32, #tpu.memory_space<hbm>>
    tpu.enqueue_indirect_dma source(%dma_start3A_1793 : memref<1000001xf32, #tpu.memory_space<hbm>>) target(%arg39 : memref<128xf32, #tpu.memory_space<vmem>>) offsets(%dma_start3A_1788 : memref<128xi32, #tpu.memory_space<vmem>>) semaphore(%arg42 : memref<!tpu.dma_semaphore, #tpu.memory_space<semaphore_mem>>)
    %dma_start3A_1794 = arith.constant 15 : i32
    %dma_start3A_1795 = arith.constant 384 : i32
    %dma_start3A_1796 = tpu.memref_slice %arg7[%dma_start3A_1795] : memref<512xi32, #tpu.memory_space<vmem>> -> memref<128xi32, #tpu.memory_space<vmem>>
    %dma_start3A_1797 = arith.constant 0 : i32
    %dma_start3A_1798 = tpu.memref_slice %arg4[%dma_start3A_1794, %dma_start3A_1797] : memref<16x1000001xf32, #tpu.memory_space<hbm>> -> memref<1x1000001xf32, #tpu.memory_space<hbm>>
    %dma_start3A_1799 = tpu.memref_squeeze %dma_start3A_1798 : memref<1x1000001xf32, #tpu.memory_space<hbm>> -> memref<1000001xf32, #tpu.memory_space<hbm>>
    %dma_start3A_1800 = arith.constant 0 : i32
    %dma_start3A_1801 = tpu.memref_slice %dma_start3A_1799[%dma_start3A_1800] : memref<1000001xf32, #tpu.memory_space<hbm>> -> memref<1000001xf32, #tpu.memory_space<hbm>>
    tpu.enqueue_indirect_dma source(%dma_start3A_1801 : memref<1000001xf32, #tpu.memory_space<hbm>>) target(%arg24 : memref<128xf32, #tpu.memory_space<vmem>>) offsets(%dma_start3A_1796 : memref<128xi32, #tpu.memory_space<vmem>>) semaphore(%arg42 : memref<!tpu.dma_semaphore, #tpu.memory_space<semaphore_mem>>)
    %dma_start3A_1802 = arith.constant 15 : i32
    %dma_start3A_1803 = arith.constant 384 : i32
    %dma_start3A_1804 = tpu.memref_slice %arg8[%dma_start3A_1803] : memref<512xi32, #tpu.memory_space<vmem>> -> memref<128xi32, #tpu.memory_space<vmem>>
    %dma_start3A_1805 = arith.constant 0 : i32
    %dma_start3A_1806 = tpu.memref_slice %arg5[%dma_start3A_1802, %dma_start3A_1805] : memref<16x1000001xf32, #tpu.memory_space<hbm>> -> memref<1x1000001xf32, #tpu.memory_space<hbm>>
    %dma_start3A_1807 = tpu.memref_squeeze %dma_start3A_1806 : memref<1x1000001xf32, #tpu.memory_space<hbm>> -> memref<1000001xf32, #tpu.memory_space<hbm>>
    %dma_start3A_1808 = arith.constant 0 : i32
    %dma_start3A_1809 = tpu.memref_slice %dma_start3A_1807[%dma_start3A_1808] : memref<1000001xf32, #tpu.memory_space<hbm>> -> memref<1000001xf32, #tpu.memory_space<hbm>>
    tpu.enqueue_indirect_dma source(%dma_start3A_1809 : memref<1000001xf32, #tpu.memory_space<hbm>>) target(%arg40 : memref<128xf32, #tpu.memory_space<vmem>>) offsets(%dma_start3A_1804 : memref<128xi32, #tpu.memory_space<vmem>>) semaphore(%arg42 : memref<!tpu.dma_semaphore, #tpu.memory_space<semaphore_mem>>)
    %dma_wait3A_1810 = arith.constant 0 : i32
    %dma_wait3A_1811 = arith.constant 384 : i32
    %dma_wait3A_1812 = tpu.memref_slice %arg7[%dma_wait3A_1811] : memref<512xi32, #tpu.memory_space<vmem>> -> memref<128xi32, #tpu.memory_space<vmem>>
    %dma_wait3A_1813 = arith.constant 0 : i32
    %dma_wait3A_1814 = tpu.memref_slice %arg4[%dma_wait3A_1810, %dma_wait3A_1813] : memref<16x1000001xf32, #tpu.memory_space<hbm>> -> memref<1x1000001xf32, #tpu.memory_space<hbm>>
    %dma_wait3A_1815 = tpu.memref_squeeze %dma_wait3A_1814 : memref<1x1000001xf32, #tpu.memory_space<hbm>> -> memref<1000001xf32, #tpu.memory_space<hbm>>
    %dma_wait3A_1816 = arith.constant 0 : i32
    %dma_wait3A_1817 = tpu.memref_slice %dma_wait3A_1815[%dma_wait3A_1816] : memref<1000001xf32, #tpu.memory_space<hbm>> -> memref<1000001xf32, #tpu.memory_space<hbm>>
    tpu.wait_indirect_dma semaphore(%arg42 : memref<!tpu.dma_semaphore, #tpu.memory_space<semaphore_mem>>) src(%dma_wait3A_1817 : memref<1000001xf32, #tpu.memory_space<hbm>>) dst(%arg9 : memref<128xf32, #tpu.memory_space<vmem>>)
    %dma_wait3A_1818 = arith.constant 0 : i32
    %dma_wait3A_1819 = arith.constant 384 : i32
    %dma_wait3A_1820 = tpu.memref_slice %arg8[%dma_wait3A_1819] : memref<512xi32, #tpu.memory_space<vmem>> -> memref<128xi32, #tpu.memory_space<vmem>>
    %dma_wait3A_1821 = arith.constant 0 : i32
    %dma_wait3A_1822 = tpu.memref_slice %arg5[%dma_wait3A_1818, %dma_wait3A_1821] : memref<16x1000001xf32, #tpu.memory_space<hbm>> -> memref<1x1000001xf32, #tpu.memory_space<hbm>>
    %dma_wait3A_1823 = tpu.memref_squeeze %dma_wait3A_1822 : memref<1x1000001xf32, #tpu.memory_space<hbm>> -> memref<1000001xf32, #tpu.memory_space<hbm>>
    %dma_wait3A_1824 = arith.constant 0 : i32
    %dma_wait3A_1825 = tpu.memref_slice %dma_wait3A_1823[%dma_wait3A_1824] : memref<1000001xf32, #tpu.memory_space<hbm>> -> memref<1000001xf32, #tpu.memory_space<hbm>>
    tpu.wait_indirect_dma semaphore(%arg42 : memref<!tpu.dma_semaphore, #tpu.memory_space<semaphore_mem>>) src(%dma_wait3A_1825 : memref<1000001xf32, #tpu.memory_space<hbm>>) dst(%arg25 : memref<128xf32, #tpu.memory_space<vmem>>)
    %dma_wait3A_1826 = arith.constant 1 : i32
    %dma_wait3A_1827 = arith.constant 384 : i32
    %dma_wait3A_1828 = tpu.memref_slice %arg7[%dma_wait3A_1827] : memref<512xi32, #tpu.memory_space<vmem>> -> memref<128xi32, #tpu.memory_space<vmem>>
    %dma_wait3A_1829 = arith.constant 0 : i32
    %dma_wait3A_1830 = tpu.memref_slice %arg4[%dma_wait3A_1826, %dma_wait3A_1829] : memref<16x1000001xf32, #tpu.memory_space<hbm>> -> memref<1x1000001xf32, #tpu.memory_space<hbm>>
    %dma_wait3A_1831 = tpu.memref_squeeze %dma_wait3A_1830 : memref<1x1000001xf32, #tpu.memory_space<hbm>> -> memref<1000001xf32, #tpu.memory_space<hbm>>
    %dma_wait3A_1832 = arith.constant 0 : i32
    %dma_wait3A_1833 = tpu.memref_slice %dma_wait3A_1831[%dma_wait3A_1832] : memref<1000001xf32, #tpu.memory_space<hbm>> -> memref<1000001xf32, #tpu.memory_space<hbm>>
    tpu.wait_indirect_dma semaphore(%arg42 : memref<!tpu.dma_semaphore, #tpu.memory_space<semaphore_mem>>) src(%dma_wait3A_1833 : memref<1000001xf32, #tpu.memory_space<hbm>>) dst(%arg10 : memref<128xf32, #tpu.memory_space<vmem>>)
    %dma_wait3A_1834 = arith.constant 1 : i32
    %dma_wait3A_1835 = arith.constant 384 : i32
    %dma_wait3A_1836 = tpu.memref_slice %arg8[%dma_wait3A_1835] : memref<512xi32, #tpu.memory_space<vmem>> -> memref<128xi32, #tpu.memory_space<vmem>>
    %dma_wait3A_1837 = arith.constant 0 : i32
    %dma_wait3A_1838 = tpu.memref_slice %arg5[%dma_wait3A_1834, %dma_wait3A_1837] : memref<16x1000001xf32, #tpu.memory_space<hbm>> -> memref<1x1000001xf32, #tpu.memory_space<hbm>>
    %dma_wait3A_1839 = tpu.memref_squeeze %dma_wait3A_1838 : memref<1x1000001xf32, #tpu.memory_space<hbm>> -> memref<1000001xf32, #tpu.memory_space<hbm>>
    %dma_wait3A_1840 = arith.constant 0 : i32
    %dma_wait3A_1841 = tpu.memref_slice %dma_wait3A_1839[%dma_wait3A_1840] : memref<1000001xf32, #tpu.memory_space<hbm>> -> memref<1000001xf32, #tpu.memory_space<hbm>>
    tpu.wait_indirect_dma semaphore(%arg42 : memref<!tpu.dma_semaphore, #tpu.memory_space<semaphore_mem>>) src(%dma_wait3A_1841 : memref<1000001xf32, #tpu.memory_space<hbm>>) dst(%arg26 : memref<128xf32, #tpu.memory_space<vmem>>)
    %dma_wait3A_1842 = arith.constant 2 : i32
    %dma_wait3A_1843 = arith.constant 384 : i32
    %dma_wait3A_1844 = tpu.memref_slice %arg7[%dma_wait3A_1843] : memref<512xi32, #tpu.memory_space<vmem>> -> memref<128xi32, #tpu.memory_space<vmem>>
    %dma_wait3A_1845 = arith.constant 0 : i32
    %dma_wait3A_1846 = tpu.memref_slice %arg4[%dma_wait3A_1842, %dma_wait3A_1845] : memref<16x1000001xf32, #tpu.memory_space<hbm>> -> memref<1x1000001xf32, #tpu.memory_space<hbm>>
    %dma_wait3A_1847 = tpu.memref_squeeze %dma_wait3A_1846 : memref<1x1000001xf32, #tpu.memory_space<hbm>> -> memref<1000001xf32, #tpu.memory_space<hbm>>
    %dma_wait3A_1848 = arith.constant 0 : i32
    %dma_wait3A_1849 = tpu.memref_slice %dma_wait3A_1847[%dma_wait3A_1848] : memref<1000001xf32, #tpu.memory_space<hbm>> -> memref<1000001xf32, #tpu.memory_space<hbm>>
    tpu.wait_indirect_dma semaphore(%arg42 : memref<!tpu.dma_semaphore, #tpu.memory_space<semaphore_mem>>) src(%dma_wait3A_1849 : memref<1000001xf32, #tpu.memory_space<hbm>>) dst(%arg11 : memref<128xf32, #tpu.memory_space<vmem>>)
    %dma_wait3A_1850 = arith.constant 2 : i32
    %dma_wait3A_1851 = arith.constant 384 : i32
    %dma_wait3A_1852 = tpu.memref_slice %arg8[%dma_wait3A_1851] : memref<512xi32, #tpu.memory_space<vmem>> -> memref<128xi32, #tpu.memory_space<vmem>>
    %dma_wait3A_1853 = arith.constant 0 : i32
    %dma_wait3A_1854 = tpu.memref_slice %arg5[%dma_wait3A_1850, %dma_wait3A_1853] : memref<16x1000001xf32, #tpu.memory_space<hbm>> -> memref<1x1000001xf32, #tpu.memory_space<hbm>>
    %dma_wait3A_1855 = tpu.memref_squeeze %dma_wait3A_1854 : memref<1x1000001xf32, #tpu.memory_space<hbm>> -> memref<1000001xf32, #tpu.memory_space<hbm>>
    %dma_wait3A_1856 = arith.constant 0 : i32
    %dma_wait3A_1857 = tpu.memref_slice %dma_wait3A_1855[%dma_wait3A_1856] : memref<1000001xf32, #tpu.memory_space<hbm>> -> memref<1000001xf32, #tpu.memory_space<hbm>>
    tpu.wait_indirect_dma semaphore(%arg42 : memref<!tpu.dma_semaphore, #tpu.memory_space<semaphore_mem>>) src(%dma_wait3A_1857 : memref<1000001xf32, #tpu.memory_space<hbm>>) dst(%arg27 : memref<128xf32, #tpu.memory_space<vmem>>)
    %dma_wait3A_1858 = arith.constant 3 : i32
    %dma_wait3A_1859 = arith.constant 384 : i32
    %dma_wait3A_1860 = tpu.memref_slice %arg7[%dma_wait3A_1859] : memref<512xi32, #tpu.memory_space<vmem>> -> memref<128xi32, #tpu.memory_space<vmem>>
    %dma_wait3A_1861 = arith.constant 0 : i32
    %dma_wait3A_1862 = tpu.memref_slice %arg4[%dma_wait3A_1858, %dma_wait3A_1861] : memref<16x1000001xf32, #tpu.memory_space<hbm>> -> memref<1x1000001xf32, #tpu.memory_space<hbm>>
    %dma_wait3A_1863 = tpu.memref_squeeze %dma_wait3A_1862 : memref<1x1000001xf32, #tpu.memory_space<hbm>> -> memref<1000001xf32, #tpu.memory_space<hbm>>
    %dma_wait3A_1864 = arith.constant 0 : i32
    %dma_wait3A_1865 = tpu.memref_slice %dma_wait3A_1863[%dma_wait3A_1864] : memref<1000001xf32, #tpu.memory_space<hbm>> -> memref<1000001xf32, #tpu.memory_space<hbm>>
    tpu.wait_indirect_dma semaphore(%arg42 : memref<!tpu.dma_semaphore, #tpu.memory_space<semaphore_mem>>) src(%dma_wait3A_1865 : memref<1000001xf32, #tpu.memory_space<hbm>>) dst(%arg12 : memref<128xf32, #tpu.memory_space<vmem>>)
    %dma_wait3A_1866 = arith.constant 3 : i32
    %dma_wait3A_1867 = arith.constant 384 : i32
    %dma_wait3A_1868 = tpu.memref_slice %arg8[%dma_wait3A_1867] : memref<512xi32, #tpu.memory_space<vmem>> -> memref<128xi32, #tpu.memory_space<vmem>>
    %dma_wait3A_1869 = arith.constant 0 : i32
    %dma_wait3A_1870 = tpu.memref_slice %arg5[%dma_wait3A_1866, %dma_wait3A_1869] : memref<16x1000001xf32, #tpu.memory_space<hbm>> -> memref<1x1000001xf32, #tpu.memory_space<hbm>>
    %dma_wait3A_1871 = tpu.memref_squeeze %dma_wait3A_1870 : memref<1x1000001xf32, #tpu.memory_space<hbm>> -> memref<1000001xf32, #tpu.memory_space<hbm>>
    %dma_wait3A_1872 = arith.constant 0 : i32
    %dma_wait3A_1873 = tpu.memref_slice %dma_wait3A_1871[%dma_wait3A_1872] : memref<1000001xf32, #tpu.memory_space<hbm>> -> memref<1000001xf32, #tpu.memory_space<hbm>>
    tpu.wait_indirect_dma semaphore(%arg42 : memref<!tpu.dma_semaphore, #tpu.memory_space<semaphore_mem>>) src(%dma_wait3A_1873 : memref<1000001xf32, #tpu.memory_space<hbm>>) dst(%arg28 : memref<128xf32, #tpu.memory_space<vmem>>)
    %dma_wait3A_1874 = arith.constant 4 : i32
    %dma_wait3A_1875 = arith.constant 384 : i32
    %dma_wait3A_1876 = tpu.memref_slice %arg7[%dma_wait3A_1875] : memref<512xi32, #tpu.memory_space<vmem>> -> memref<128xi32, #tpu.memory_space<vmem>>
    %dma_wait3A_1877 = arith.constant 0 : i32
    %dma_wait3A_1878 = tpu.memref_slice %arg4[%dma_wait3A_1874, %dma_wait3A_1877] : memref<16x1000001xf32, #tpu.memory_space<hbm>> -> memref<1x1000001xf32, #tpu.memory_space<hbm>>
    %dma_wait3A_1879 = tpu.memref_squeeze %dma_wait3A_1878 : memref<1x1000001xf32, #tpu.memory_space<hbm>> -> memref<1000001xf32, #tpu.memory_space<hbm>>
    %dma_wait3A_1880 = arith.constant 0 : i32
    %dma_wait3A_1881 = tpu.memref_slice %dma_wait3A_1879[%dma_wait3A_1880] : memref<1000001xf32, #tpu.memory_space<hbm>> -> memref<1000001xf32, #tpu.memory_space<hbm>>
    tpu.wait_indirect_dma semaphore(%arg42 : memref<!tpu.dma_semaphore, #tpu.memory_space<semaphore_mem>>) src(%dma_wait3A_1881 : memref<1000001xf32, #tpu.memory_space<hbm>>) dst(%arg13 : memref<128xf32, #tpu.memory_space<vmem>>)
    %dma_wait3A_1882 = arith.constant 4 : i32
    %dma_wait3A_1883 = arith.constant 384 : i32
    %dma_wait3A_1884 = tpu.memref_slice %arg8[%dma_wait3A_1883] : memref<512xi32, #tpu.memory_space<vmem>> -> memref<128xi32, #tpu.memory_space<vmem>>
    %dma_wait3A_1885 = arith.constant 0 : i32
    %dma_wait3A_1886 = tpu.memref_slice %arg5[%dma_wait3A_1882, %dma_wait3A_1885] : memref<16x1000001xf32, #tpu.memory_space<hbm>> -> memref<1x1000001xf32, #tpu.memory_space<hbm>>
    %dma_wait3A_1887 = tpu.memref_squeeze %dma_wait3A_1886 : memref<1x1000001xf32, #tpu.memory_space<hbm>> -> memref<1000001xf32, #tpu.memory_space<hbm>>
    %dma_wait3A_1888 = arith.constant 0 : i32
    %dma_wait3A_1889 = tpu.memref_slice %dma_wait3A_1887[%dma_wait3A_1888] : memref<1000001xf32, #tpu.memory_space<hbm>> -> memref<1000001xf32, #tpu.memory_space<hbm>>
    tpu.wait_indirect_dma semaphore(%arg42 : memref<!tpu.dma_semaphore, #tpu.memory_space<semaphore_mem>>) src(%dma_wait3A_1889 : memref<1000001xf32, #tpu.memory_space<hbm>>) dst(%arg29 : memref<128xf32, #tpu.memory_space<vmem>>)
    %dma_wait3A_1890 = arith.constant 5 : i32
    %dma_wait3A_1891 = arith.constant 384 : i32
    %dma_wait3A_1892 = tpu.memref_slice %arg7[%dma_wait3A_1891] : memref<512xi32, #tpu.memory_space<vmem>> -> memref<128xi32, #tpu.memory_space<vmem>>
    %dma_wait3A_1893 = arith.constant 0 : i32
    %dma_wait3A_1894 = tpu.memref_slice %arg4[%dma_wait3A_1890, %dma_wait3A_1893] : memref<16x1000001xf32, #tpu.memory_space<hbm>> -> memref<1x1000001xf32, #tpu.memory_space<hbm>>
    %dma_wait3A_1895 = tpu.memref_squeeze %dma_wait3A_1894 : memref<1x1000001xf32, #tpu.memory_space<hbm>> -> memref<1000001xf32, #tpu.memory_space<hbm>>
    %dma_wait3A_1896 = arith.constant 0 : i32
    %dma_wait3A_1897 = tpu.memref_slice %dma_wait3A_1895[%dma_wait3A_1896] : memref<1000001xf32, #tpu.memory_space<hbm>> -> memref<1000001xf32, #tpu.memory_space<hbm>>
    tpu.wait_indirect_dma semaphore(%arg42 : memref<!tpu.dma_semaphore, #tpu.memory_space<semaphore_mem>>) src(%dma_wait3A_1897 : memref<1000001xf32, #tpu.memory_space<hbm>>) dst(%arg14 : memref<128xf32, #tpu.memory_space<vmem>>)
    %dma_wait3A_1898 = arith.constant 5 : i32
    %dma_wait3A_1899 = arith.constant 384 : i32
    %dma_wait3A_1900 = tpu.memref_slice %arg8[%dma_wait3A_1899] : memref<512xi32, #tpu.memory_space<vmem>> -> memref<128xi32, #tpu.memory_space<vmem>>
    %dma_wait3A_1901 = arith.constant 0 : i32
    %dma_wait3A_1902 = tpu.memref_slice %arg5[%dma_wait3A_1898, %dma_wait3A_1901] : memref<16x1000001xf32, #tpu.memory_space<hbm>> -> memref<1x1000001xf32, #tpu.memory_space<hbm>>
    %dma_wait3A_1903 = tpu.memref_squeeze %dma_wait3A_1902 : memref<1x1000001xf32, #tpu.memory_space<hbm>> -> memref<1000001xf32, #tpu.memory_space<hbm>>
    %dma_wait3A_1904 = arith.constant 0 : i32
    %dma_wait3A_1905 = tpu.memref_slice %dma_wait3A_1903[%dma_wait3A_1904] : memref<1000001xf32, #tpu.memory_space<hbm>> -> memref<1000001xf32, #tpu.memory_space<hbm>>
    tpu.wait_indirect_dma semaphore(%arg42 : memref<!tpu.dma_semaphore, #tpu.memory_space<semaphore_mem>>) src(%dma_wait3A_1905 : memref<1000001xf32, #tpu.memory_space<hbm>>) dst(%arg30 : memref<128xf32, #tpu.memory_space<vmem>>)
    %dma_wait3A_1906 = arith.constant 6 : i32
    %dma_wait3A_1907 = arith.constant 384 : i32
    %dma_wait3A_1908 = tpu.memref_slice %arg7[%dma_wait3A_1907] : memref<512xi32, #tpu.memory_space<vmem>> -> memref<128xi32, #tpu.memory_space<vmem>>
    %dma_wait3A_1909 = arith.constant 0 : i32
    %dma_wait3A_1910 = tpu.memref_slice %arg4[%dma_wait3A_1906, %dma_wait3A_1909] : memref<16x1000001xf32, #tpu.memory_space<hbm>> -> memref<1x1000001xf32, #tpu.memory_space<hbm>>
    %dma_wait3A_1911 = tpu.memref_squeeze %dma_wait3A_1910 : memref<1x1000001xf32, #tpu.memory_space<hbm>> -> memref<1000001xf32, #tpu.memory_space<hbm>>
    %dma_wait3A_1912 = arith.constant 0 : i32
    %dma_wait3A_1913 = tpu.memref_slice %dma_wait3A_1911[%dma_wait3A_1912] : memref<1000001xf32, #tpu.memory_space<hbm>> -> memref<1000001xf32, #tpu.memory_space<hbm>>
    tpu.wait_indirect_dma semaphore(%arg42 : memref<!tpu.dma_semaphore, #tpu.memory_space<semaphore_mem>>) src(%dma_wait3A_1913 : memref<1000001xf32, #tpu.memory_space<hbm>>) dst(%arg15 : memref<128xf32, #tpu.memory_space<vmem>>)
    %dma_wait3A_1914 = arith.constant 6 : i32
    %dma_wait3A_1915 = arith.constant 384 : i32
    %dma_wait3A_1916 = tpu.memref_slice %arg8[%dma_wait3A_1915] : memref<512xi32, #tpu.memory_space<vmem>> -> memref<128xi32, #tpu.memory_space<vmem>>
    %dma_wait3A_1917 = arith.constant 0 : i32
    %dma_wait3A_1918 = tpu.memref_slice %arg5[%dma_wait3A_1914, %dma_wait3A_1917] : memref<16x1000001xf32, #tpu.memory_space<hbm>> -> memref<1x1000001xf32, #tpu.memory_space<hbm>>
    %dma_wait3A_1919 = tpu.memref_squeeze %dma_wait3A_1918 : memref<1x1000001xf32, #tpu.memory_space<hbm>> -> memref<1000001xf32, #tpu.memory_space<hbm>>
    %dma_wait3A_1920 = arith.constant 0 : i32
    %dma_wait3A_1921 = tpu.memref_slice %dma_wait3A_1919[%dma_wait3A_1920] : memref<1000001xf32, #tpu.memory_space<hbm>> -> memref<1000001xf32, #tpu.memory_space<hbm>>
    tpu.wait_indirect_dma semaphore(%arg42 : memref<!tpu.dma_semaphore, #tpu.memory_space<semaphore_mem>>) src(%dma_wait3A_1921 : memref<1000001xf32, #tpu.memory_space<hbm>>) dst(%arg31 : memref<128xf32, #tpu.memory_space<vmem>>)
    %dma_wait3A_1922 = arith.constant 7 : i32
    %dma_wait3A_1923 = arith.constant 384 : i32
    %dma_wait3A_1924 = tpu.memref_slice %arg7[%dma_wait3A_1923] : memref<512xi32, #tpu.memory_space<vmem>> -> memref<128xi32, #tpu.memory_space<vmem>>
    %dma_wait3A_1925 = arith.constant 0 : i32
    %dma_wait3A_1926 = tpu.memref_slice %arg4[%dma_wait3A_1922, %dma_wait3A_1925] : memref<16x1000001xf32, #tpu.memory_space<hbm>> -> memref<1x1000001xf32, #tpu.memory_space<hbm>>
    %dma_wait3A_1927 = tpu.memref_squeeze %dma_wait3A_1926 : memref<1x1000001xf32, #tpu.memory_space<hbm>> -> memref<1000001xf32, #tpu.memory_space<hbm>>
    %dma_wait3A_1928 = arith.constant 0 : i32
    %dma_wait3A_1929 = tpu.memref_slice %dma_wait3A_1927[%dma_wait3A_1928] : memref<1000001xf32, #tpu.memory_space<hbm>> -> memref<1000001xf32, #tpu.memory_space<hbm>>
    tpu.wait_indirect_dma semaphore(%arg42 : memref<!tpu.dma_semaphore, #tpu.memory_space<semaphore_mem>>) src(%dma_wait3A_1929 : memref<1000001xf32, #tpu.memory_space<hbm>>) dst(%arg16 : memref<128xf32, #tpu.memory_space<vmem>>)
    %dma_wait3A_1930 = arith.constant 7 : i32
    %dma_wait3A_1931 = arith.constant 384 : i32
    %dma_wait3A_1932 = tpu.memref_slice %arg8[%dma_wait3A_1931] : memref<512xi32, #tpu.memory_space<vmem>> -> memref<128xi32, #tpu.memory_space<vmem>>
    %dma_wait3A_1933 = arith.constant 0 : i32
    %dma_wait3A_1934 = tpu.memref_slice %arg5[%dma_wait3A_1930, %dma_wait3A_1933] : memref<16x1000001xf32, #tpu.memory_space<hbm>> -> memref<1x1000001xf32, #tpu.memory_space<hbm>>
    %dma_wait3A_1935 = tpu.memref_squeeze %dma_wait3A_1934 : memref<1x1000001xf32, #tpu.memory_space<hbm>> -> memref<1000001xf32, #tpu.memory_space<hbm>>
    %dma_wait3A_1936 = arith.constant 0 : i32
    %dma_wait3A_1937 = tpu.memref_slice %dma_wait3A_1935[%dma_wait3A_1936] : memref<1000001xf32, #tpu.memory_space<hbm>> -> memref<1000001xf32, #tpu.memory_space<hbm>>
    tpu.wait_indirect_dma semaphore(%arg42 : memref<!tpu.dma_semaphore, #tpu.memory_space<semaphore_mem>>) src(%dma_wait3A_1937 : memref<1000001xf32, #tpu.memory_space<hbm>>) dst(%arg32 : memref<128xf32, #tpu.memory_space<vmem>>)
    %dma_wait3A_1938 = arith.constant 8 : i32
    %dma_wait3A_1939 = arith.constant 384 : i32
    %dma_wait3A_1940 = tpu.memref_slice %arg7[%dma_wait3A_1939] : memref<512xi32, #tpu.memory_space<vmem>> -> memref<128xi32, #tpu.memory_space<vmem>>
    %dma_wait3A_1941 = arith.constant 0 : i32
    %dma_wait3A_1942 = tpu.memref_slice %arg4[%dma_wait3A_1938, %dma_wait3A_1941] : memref<16x1000001xf32, #tpu.memory_space<hbm>> -> memref<1x1000001xf32, #tpu.memory_space<hbm>>
    %dma_wait3A_1943 = tpu.memref_squeeze %dma_wait3A_1942 : memref<1x1000001xf32, #tpu.memory_space<hbm>> -> memref<1000001xf32, #tpu.memory_space<hbm>>
    %dma_wait3A_1944 = arith.constant 0 : i32
    %dma_wait3A_1945 = tpu.memref_slice %dma_wait3A_1943[%dma_wait3A_1944] : memref<1000001xf32, #tpu.memory_space<hbm>> -> memref<1000001xf32, #tpu.memory_space<hbm>>
    tpu.wait_indirect_dma semaphore(%arg42 : memref<!tpu.dma_semaphore, #tpu.memory_space<semaphore_mem>>) src(%dma_wait3A_1945 : memref<1000001xf32, #tpu.memory_space<hbm>>) dst(%arg17 : memref<128xf32, #tpu.memory_space<vmem>>)
    %dma_wait3A_1946 = arith.constant 8 : i32
    %dma_wait3A_1947 = arith.constant 384 : i32
    %dma_wait3A_1948 = tpu.memref_slice %arg8[%dma_wait3A_1947] : memref<512xi32, #tpu.memory_space<vmem>> -> memref<128xi32, #tpu.memory_space<vmem>>
    %dma_wait3A_1949 = arith.constant 0 : i32
    %dma_wait3A_1950 = tpu.memref_slice %arg5[%dma_wait3A_1946, %dma_wait3A_1949] : memref<16x1000001xf32, #tpu.memory_space<hbm>> -> memref<1x1000001xf32, #tpu.memory_space<hbm>>
    %dma_wait3A_1951 = tpu.memref_squeeze %dma_wait3A_1950 : memref<1x1000001xf32, #tpu.memory_space<hbm>> -> memref<1000001xf32, #tpu.memory_space<hbm>>
    %dma_wait3A_1952 = arith.constant 0 : i32
    %dma_wait3A_1953 = tpu.memref_slice %dma_wait3A_1951[%dma_wait3A_1952] : memref<1000001xf32, #tpu.memory_space<hbm>> -> memref<1000001xf32, #tpu.memory_space<hbm>>
    tpu.wait_indirect_dma semaphore(%arg42 : memref<!tpu.dma_semaphore, #tpu.memory_space<semaphore_mem>>) src(%dma_wait3A_1953 : memref<1000001xf32, #tpu.memory_space<hbm>>) dst(%arg33 : memref<128xf32, #tpu.memory_space<vmem>>)
    %dma_wait3A_1954 = arith.constant 9 : i32
    %dma_wait3A_1955 = arith.constant 384 : i32
    %dma_wait3A_1956 = tpu.memref_slice %arg7[%dma_wait3A_1955] : memref<512xi32, #tpu.memory_space<vmem>> -> memref<128xi32, #tpu.memory_space<vmem>>
    %dma_wait3A_1957 = arith.constant 0 : i32
    %dma_wait3A_1958 = tpu.memref_slice %arg4[%dma_wait3A_1954, %dma_wait3A_1957] : memref<16x1000001xf32, #tpu.memory_space<hbm>> -> memref<1x1000001xf32, #tpu.memory_space<hbm>>
    %dma_wait3A_1959 = tpu.memref_squeeze %dma_wait3A_1958 : memref<1x1000001xf32, #tpu.memory_space<hbm>> -> memref<1000001xf32, #tpu.memory_space<hbm>>
    %dma_wait3A_1960 = arith.constant 0 : i32
    %dma_wait3A_1961 = tpu.memref_slice %dma_wait3A_1959[%dma_wait3A_1960] : memref<1000001xf32, #tpu.memory_space<hbm>> -> memref<1000001xf32, #tpu.memory_space<hbm>>
    tpu.wait_indirect_dma semaphore(%arg42 : memref<!tpu.dma_semaphore, #tpu.memory_space<semaphore_mem>>) src(%dma_wait3A_1961 : memref<1000001xf32, #tpu.memory_space<hbm>>) dst(%arg18 : memref<128xf32, #tpu.memory_space<vmem>>)
    %dma_wait3A_1962 = arith.constant 9 : i32
    %dma_wait3A_1963 = arith.constant 384 : i32
    %dma_wait3A_1964 = tpu.memref_slice %arg8[%dma_wait3A_1963] : memref<512xi32, #tpu.memory_space<vmem>> -> memref<128xi32, #tpu.memory_space<vmem>>
    %dma_wait3A_1965 = arith.constant 0 : i32
    %dma_wait3A_1966 = tpu.memref_slice %arg5[%dma_wait3A_1962, %dma_wait3A_1965] : memref<16x1000001xf32, #tpu.memory_space<hbm>> -> memref<1x1000001xf32, #tpu.memory_space<hbm>>
    %dma_wait3A_1967 = tpu.memref_squeeze %dma_wait3A_1966 : memref<1x1000001xf32, #tpu.memory_space<hbm>> -> memref<1000001xf32, #tpu.memory_space<hbm>>
    %dma_wait3A_1968 = arith.constant 0 : i32
    %dma_wait3A_1969 = tpu.memref_slice %dma_wait3A_1967[%dma_wait3A_1968] : memref<1000001xf32, #tpu.memory_space<hbm>> -> memref<1000001xf32, #tpu.memory_space<hbm>>
    tpu.wait_indirect_dma semaphore(%arg42 : memref<!tpu.dma_semaphore, #tpu.memory_space<semaphore_mem>>) src(%dma_wait3A_1969 : memref<1000001xf32, #tpu.memory_space<hbm>>) dst(%arg34 : memref<128xf32, #tpu.memory_space<vmem>>)
    %dma_wait3A_1970 = arith.constant 10 : i32
    %dma_wait3A_1971 = arith.constant 384 : i32
    %dma_wait3A_1972 = tpu.memref_slice %arg7[%dma_wait3A_1971] : memref<512xi32, #tpu.memory_space<vmem>> -> memref<128xi32, #tpu.memory_space<vmem>>
    %dma_wait3A_1973 = arith.constant 0 : i32
    %dma_wait3A_1974 = tpu.memref_slice %arg4[%dma_wait3A_1970, %dma_wait3A_1973] : memref<16x1000001xf32, #tpu.memory_space<hbm>> -> memref<1x1000001xf32, #tpu.memory_space<hbm>>
    %dma_wait3A_1975 = tpu.memref_squeeze %dma_wait3A_1974 : memref<1x1000001xf32, #tpu.memory_space<hbm>> -> memref<1000001xf32, #tpu.memory_space<hbm>>
    %dma_wait3A_1976 = arith.constant 0 : i32
    %dma_wait3A_1977 = tpu.memref_slice %dma_wait3A_1975[%dma_wait3A_1976] : memref<1000001xf32, #tpu.memory_space<hbm>> -> memref<1000001xf32, #tpu.memory_space<hbm>>
    tpu.wait_indirect_dma semaphore(%arg42 : memref<!tpu.dma_semaphore, #tpu.memory_space<semaphore_mem>>) src(%dma_wait3A_1977 : memref<1000001xf32, #tpu.memory_space<hbm>>) dst(%arg19 : memref<128xf32, #tpu.memory_space<vmem>>)
    %dma_wait3A_1978 = arith.constant 10 : i32
    %dma_wait3A_1979 = arith.constant 384 : i32
    %dma_wait3A_1980 = tpu.memref_slice %arg8[%dma_wait3A_1979] : memref<512xi32, #tpu.memory_space<vmem>> -> memref<128xi32, #tpu.memory_space<vmem>>
    %dma_wait3A_1981 = arith.constant 0 : i32
    %dma_wait3A_1982 = tpu.memref_slice %arg5[%dma_wait3A_1978, %dma_wait3A_1981] : memref<16x1000001xf32, #tpu.memory_space<hbm>> -> memref<1x1000001xf32, #tpu.memory_space<hbm>>
    %dma_wait3A_1983 = tpu.memref_squeeze %dma_wait3A_1982 : memref<1x1000001xf32, #tpu.memory_space<hbm>> -> memref<1000001xf32, #tpu.memory_space<hbm>>
    %dma_wait3A_1984 = arith.constant 0 : i32
    %dma_wait3A_1985 = tpu.memref_slice %dma_wait3A_1983[%dma_wait3A_1984] : memref<1000001xf32, #tpu.memory_space<hbm>> -> memref<1000001xf32, #tpu.memory_space<hbm>>
    tpu.wait_indirect_dma semaphore(%arg42 : memref<!tpu.dma_semaphore, #tpu.memory_space<semaphore_mem>>) src(%dma_wait3A_1985 : memref<1000001xf32, #tpu.memory_space<hbm>>) dst(%arg35 : memref<128xf32, #tpu.memory_space<vmem>>)
    %dma_wait3A_1986 = arith.constant 11 : i32
    %dma_wait3A_1987 = arith.constant 384 : i32
    %dma_wait3A_1988 = tpu.memref_slice %arg7[%dma_wait3A_1987] : memref<512xi32, #tpu.memory_space<vmem>> -> memref<128xi32, #tpu.memory_space<vmem>>
    %dma_wait3A_1989 = arith.constant 0 : i32
    %dma_wait3A_1990 = tpu.memref_slice %arg4[%dma_wait3A_1986, %dma_wait3A_1989] : memref<16x1000001xf32, #tpu.memory_space<hbm>> -> memref<1x1000001xf32, #tpu.memory_space<hbm>>
    %dma_wait3A_1991 = tpu.memref_squeeze %dma_wait3A_1990 : memref<1x1000001xf32, #tpu.memory_space<hbm>> -> memref<1000001xf32, #tpu.memory_space<hbm>>
    %dma_wait3A_1992 = arith.constant 0 : i32
    %dma_wait3A_1993 = tpu.memref_slice %dma_wait3A_1991[%dma_wait3A_1992] : memref<1000001xf32, #tpu.memory_space<hbm>> -> memref<1000001xf32, #tpu.memory_space<hbm>>
    tpu.wait_indirect_dma semaphore(%arg42 : memref<!tpu.dma_semaphore, #tpu.memory_space<semaphore_mem>>) src(%dma_wait3A_1993 : memref<1000001xf32, #tpu.memory_space<hbm>>) dst(%arg20 : memref<128xf32, #tpu.memory_space<vmem>>)
    %dma_wait3A_1994 = arith.constant 11 : i32
    %dma_wait3A_1995 = arith.constant 384 : i32
    %dma_wait3A_1996 = tpu.memref_slice %arg8[%dma_wait3A_1995] : memref<512xi32, #tpu.memory_space<vmem>> -> memref<128xi32, #tpu.memory_space<vmem>>
    %dma_wait3A_1997 = arith.constant 0 : i32
    %dma_wait3A_1998 = tpu.memref_slice %arg5[%dma_wait3A_1994, %dma_wait3A_1997] : memref<16x1000001xf32, #tpu.memory_space<hbm>> -> memref<1x1000001xf32, #tpu.memory_space<hbm>>
    %dma_wait3A_1999 = tpu.memref_squeeze %dma_wait3A_1998 : memref<1x1000001xf32, #tpu.memory_space<hbm>> -> memref<1000001xf32, #tpu.memory_space<hbm>>
    %dma_wait3A_2000 = arith.constant 0 : i32
    %dma_wait3A_2001 = tpu.memref_slice %dma_wait3A_1999[%dma_wait3A_2000] : memref<1000001xf32, #tpu.memory_space<hbm>> -> memref<1000001xf32, #tpu.memory_space<hbm>>
    tpu.wait_indirect_dma semaphore(%arg42 : memref<!tpu.dma_semaphore, #tpu.memory_space<semaphore_mem>>) src(%dma_wait3A_2001 : memref<1000001xf32, #tpu.memory_space<hbm>>) dst(%arg36 : memref<128xf32, #tpu.memory_space<vmem>>)
    %dma_wait3A_2002 = arith.constant 12 : i32
    %dma_wait3A_2003 = arith.constant 384 : i32
    %dma_wait3A_2004 = tpu.memref_slice %arg7[%dma_wait3A_2003] : memref<512xi32, #tpu.memory_space<vmem>> -> memref<128xi32, #tpu.memory_space<vmem>>
    %dma_wait3A_2005 = arith.constant 0 : i32
    %dma_wait3A_2006 = tpu.memref_slice %arg4[%dma_wait3A_2002, %dma_wait3A_2005] : memref<16x1000001xf32, #tpu.memory_space<hbm>> -> memref<1x1000001xf32, #tpu.memory_space<hbm>>
    %dma_wait3A_2007 = tpu.memref_squeeze %dma_wait3A_2006 : memref<1x1000001xf32, #tpu.memory_space<hbm>> -> memref<1000001xf32, #tpu.memory_space<hbm>>
    %dma_wait3A_2008 = arith.constant 0 : i32
    %dma_wait3A_2009 = tpu.memref_slice %dma_wait3A_2007[%dma_wait3A_2008] : memref<1000001xf32, #tpu.memory_space<hbm>> -> memref<1000001xf32, #tpu.memory_space<hbm>>
    tpu.wait_indirect_dma semaphore(%arg42 : memref<!tpu.dma_semaphore, #tpu.memory_space<semaphore_mem>>) src(%dma_wait3A_2009 : memref<1000001xf32, #tpu.memory_space<hbm>>) dst(%arg21 : memref<128xf32, #tpu.memory_space<vmem>>)
    %dma_wait3A_2010 = arith.constant 12 : i32
    %dma_wait3A_2011 = arith.constant 384 : i32
    %dma_wait3A_2012 = tpu.memref_slice %arg8[%dma_wait3A_2011] : memref<512xi32, #tpu.memory_space<vmem>> -> memref<128xi32, #tpu.memory_space<vmem>>
    %dma_wait3A_2013 = arith.constant 0 : i32
    %dma_wait3A_2014 = tpu.memref_slice %arg5[%dma_wait3A_2010, %dma_wait3A_2013] : memref<16x1000001xf32, #tpu.memory_space<hbm>> -> memref<1x1000001xf32, #tpu.memory_space<hbm>>
    %dma_wait3A_2015 = tpu.memref_squeeze %dma_wait3A_2014 : memref<1x1000001xf32, #tpu.memory_space<hbm>> -> memref<1000001xf32, #tpu.memory_space<hbm>>
    %dma_wait3A_2016 = arith.constant 0 : i32
    %dma_wait3A_2017 = tpu.memref_slice %dma_wait3A_2015[%dma_wait3A_2016] : memref<1000001xf32, #tpu.memory_space<hbm>> -> memref<1000001xf32, #tpu.memory_space<hbm>>
    tpu.wait_indirect_dma semaphore(%arg42 : memref<!tpu.dma_semaphore, #tpu.memory_space<semaphore_mem>>) src(%dma_wait3A_2017 : memref<1000001xf32, #tpu.memory_space<hbm>>) dst(%arg37 : memref<128xf32, #tpu.memory_space<vmem>>)
    %dma_wait3A_2018 = arith.constant 13 : i32
    %dma_wait3A_2019 = arith.constant 384 : i32
    %dma_wait3A_2020 = tpu.memref_slice %arg7[%dma_wait3A_2019] : memref<512xi32, #tpu.memory_space<vmem>> -> memref<128xi32, #tpu.memory_space<vmem>>
    %dma_wait3A_2021 = arith.constant 0 : i32
    %dma_wait3A_2022 = tpu.memref_slice %arg4[%dma_wait3A_2018, %dma_wait3A_2021] : memref<16x1000001xf32, #tpu.memory_space<hbm>> -> memref<1x1000001xf32, #tpu.memory_space<hbm>>
    %dma_wait3A_2023 = tpu.memref_squeeze %dma_wait3A_2022 : memref<1x1000001xf32, #tpu.memory_space<hbm>> -> memref<1000001xf32, #tpu.memory_space<hbm>>
    %dma_wait3A_2024 = arith.constant 0 : i32
    %dma_wait3A_2025 = tpu.memref_slice %dma_wait3A_2023[%dma_wait3A_2024] : memref<1000001xf32, #tpu.memory_space<hbm>> -> memref<1000001xf32, #tpu.memory_space<hbm>>
    tpu.wait_indirect_dma semaphore(%arg42 : memref<!tpu.dma_semaphore, #tpu.memory_space<semaphore_mem>>) src(%dma_wait3A_2025 : memref<1000001xf32, #tpu.memory_space<hbm>>) dst(%arg22 : memref<128xf32, #tpu.memory_space<vmem>>)
    %dma_wait3A_2026 = arith.constant 13 : i32
    %dma_wait3A_2027 = arith.constant 384 : i32
    %dma_wait3A_2028 = tpu.memref_slice %arg8[%dma_wait3A_2027] : memref<512xi32, #tpu.memory_space<vmem>> -> memref<128xi32, #tpu.memory_space<vmem>>
    %dma_wait3A_2029 = arith.constant 0 : i32
    %dma_wait3A_2030 = tpu.memref_slice %arg5[%dma_wait3A_2026, %dma_wait3A_2029] : memref<16x1000001xf32, #tpu.memory_space<hbm>> -> memref<1x1000001xf32, #tpu.memory_space<hbm>>
    %dma_wait3A_2031 = tpu.memref_squeeze %dma_wait3A_2030 : memref<1x1000001xf32, #tpu.memory_space<hbm>> -> memref<1000001xf32, #tpu.memory_space<hbm>>
    %dma_wait3A_2032 = arith.constant 0 : i32
    %dma_wait3A_2033 = tpu.memref_slice %dma_wait3A_2031[%dma_wait3A_2032] : memref<1000001xf32, #tpu.memory_space<hbm>> -> memref<1000001xf32, #tpu.memory_space<hbm>>
    tpu.wait_indirect_dma semaphore(%arg42 : memref<!tpu.dma_semaphore, #tpu.memory_space<semaphore_mem>>) src(%dma_wait3A_2033 : memref<1000001xf32, #tpu.memory_space<hbm>>) dst(%arg38 : memref<128xf32, #tpu.memory_space<vmem>>)
    %dma_wait3A_2034 = arith.constant 14 : i32
    %dma_wait3A_2035 = arith.constant 384 : i32
    %dma_wait3A_2036 = tpu.memref_slice %arg7[%dma_wait3A_2035] : memref<512xi32, #tpu.memory_space<vmem>> -> memref<128xi32, #tpu.memory_space<vmem>>
    %dma_wait3A_2037 = arith.constant 0 : i32
    %dma_wait3A_2038 = tpu.memref_slice %arg4[%dma_wait3A_2034, %dma_wait3A_2037] : memref<16x1000001xf32, #tpu.memory_space<hbm>> -> memref<1x1000001xf32, #tpu.memory_space<hbm>>
    %dma_wait3A_2039 = tpu.memref_squeeze %dma_wait3A_2038 : memref<1x1000001xf32, #tpu.memory_space<hbm>> -> memref<1000001xf32, #tpu.memory_space<hbm>>
    %dma_wait3A_2040 = arith.constant 0 : i32
    %dma_wait3A_2041 = tpu.memref_slice %dma_wait3A_2039[%dma_wait3A_2040] : memref<1000001xf32, #tpu.memory_space<hbm>> -> memref<1000001xf32, #tpu.memory_space<hbm>>
    tpu.wait_indirect_dma semaphore(%arg42 : memref<!tpu.dma_semaphore, #tpu.memory_space<semaphore_mem>>) src(%dma_wait3A_2041 : memref<1000001xf32, #tpu.memory_space<hbm>>) dst(%arg23 : memref<128xf32, #tpu.memory_space<vmem>>)
    %dma_wait3A_2042 = arith.constant 14 : i32
    %dma_wait3A_2043 = arith.constant 384 : i32
    %dma_wait3A_2044 = tpu.memref_slice %arg8[%dma_wait3A_2043] : memref<512xi32, #tpu.memory_space<vmem>> -> memref<128xi32, #tpu.memory_space<vmem>>
    %dma_wait3A_2045 = arith.constant 0 : i32
    %dma_wait3A_2046 = tpu.memref_slice %arg5[%dma_wait3A_2042, %dma_wait3A_2045] : memref<16x1000001xf32, #tpu.memory_space<hbm>> -> memref<1x1000001xf32, #tpu.memory_space<hbm>>
    %dma_wait3A_2047 = tpu.memref_squeeze %dma_wait3A_2046 : memref<1x1000001xf32, #tpu.memory_space<hbm>> -> memref<1000001xf32, #tpu.memory_space<hbm>>
    %dma_wait3A_2048 = arith.constant 0 : i32
    %dma_wait3A_2049 = tpu.memref_slice %dma_wait3A_2047[%dma_wait3A_2048] : memref<1000001xf32, #tpu.memory_space<hbm>> -> memref<1000001xf32, #tpu.memory_space<hbm>>
    tpu.wait_indirect_dma semaphore(%arg42 : memref<!tpu.dma_semaphore, #tpu.memory_space<semaphore_mem>>) src(%dma_wait3A_2049 : memref<1000001xf32, #tpu.memory_space<hbm>>) dst(%arg39 : memref<128xf32, #tpu.memory_space<vmem>>)
    %dma_wait3A_2050 = arith.constant 15 : i32
    %dma_wait3A_2051 = arith.constant 384 : i32
    %dma_wait3A_2052 = tpu.memref_slice %arg7[%dma_wait3A_2051] : memref<512xi32, #tpu.memory_space<vmem>> -> memref<128xi32, #tpu.memory_space<vmem>>
    %dma_wait3A_2053 = arith.constant 0 : i32
    %dma_wait3A_2054 = tpu.memref_slice %arg4[%dma_wait3A_2050, %dma_wait3A_2053] : memref<16x1000001xf32, #tpu.memory_space<hbm>> -> memref<1x1000001xf32, #tpu.memory_space<hbm>>
    %dma_wait3A_2055 = tpu.memref_squeeze %dma_wait3A_2054 : memref<1x1000001xf32, #tpu.memory_space<hbm>> -> memref<1000001xf32, #tpu.memory_space<hbm>>
    %dma_wait3A_2056 = arith.constant 0 : i32
    %dma_wait3A_2057 = tpu.memref_slice %dma_wait3A_2055[%dma_wait3A_2056] : memref<1000001xf32, #tpu.memory_space<hbm>> -> memref<1000001xf32, #tpu.memory_space<hbm>>
    tpu.wait_indirect_dma semaphore(%arg42 : memref<!tpu.dma_semaphore, #tpu.memory_space<semaphore_mem>>) src(%dma_wait3A_2057 : memref<1000001xf32, #tpu.memory_space<hbm>>) dst(%arg24 : memref<128xf32, #tpu.memory_space<vmem>>)
    %dma_wait3A_2058 = arith.constant 15 : i32
    %dma_wait3A_2059 = arith.constant 384 : i32
    %dma_wait3A_2060 = tpu.memref_slice %arg8[%dma_wait3A_2059] : memref<512xi32, #tpu.memory_space<vmem>> -> memref<128xi32, #tpu.memory_space<vmem>>
    %dma_wait3A_2061 = arith.constant 0 : i32
    %dma_wait3A_2062 = tpu.memref_slice %arg5[%dma_wait3A_2058, %dma_wait3A_2061] : memref<16x1000001xf32, #tpu.memory_space<hbm>> -> memref<1x1000001xf32, #tpu.memory_space<hbm>>
    %dma_wait3A_2063 = tpu.memref_squeeze %dma_wait3A_2062 : memref<1x1000001xf32, #tpu.memory_space<hbm>> -> memref<1000001xf32, #tpu.memory_space<hbm>>
    %dma_wait3A_2064 = arith.constant 0 : i32
    %dma_wait3A_2065 = tpu.memref_slice %dma_wait3A_2063[%dma_wait3A_2064] : memref<1000001xf32, #tpu.memory_space<hbm>> -> memref<1000001xf32, #tpu.memory_space<hbm>>
    tpu.wait_indirect_dma semaphore(%arg42 : memref<!tpu.dma_semaphore, #tpu.memory_space<semaphore_mem>>) src(%dma_wait3A_2065 : memref<1000001xf32, #tpu.memory_space<hbm>>) dst(%arg40 : memref<128xf32, #tpu.memory_space<vmem>>)
    %scan3A_2066 = arith.constant 0 : i32
    %scan3A_2067 = arith.constant 0 : i32
    %scan3A_2068 = arith.constant 8 : i32
    %scan3A_2069 = arith.addi %scan3A_2067, %scan3A_2068 : i32
    %scan3A_2070 = arith.constant 1 : i32
    scf.for %scan3A_2072 = %scan3A_2067 to %scan3A_2069 step %scan3A_2070  : i32 {
      %broadcast_in_dim3A = arith.constant 0.000000e+00 : f32
      %broadcast_in_dim3A_2073 = vector.broadcast %broadcast_in_dim3A : f32 to vector<16xf32>
      %mul3A_2074 = arith.constant 16 : i32
      %mul3A_2075 = arith.muli %scan3A_2072, %mul3A_2074 : i32
      %get3A = arith.index_cast %mul3A_2075 : i32 to index
      %get3A_2076 = tpu.vector_load %arg9[%get3A] {strides = array<i32>} : memref<128xf32, #tpu.memory_space<vmem>>, vector<16xf32>,
      %mul3A_2077 = arith.constant 16 : i32
      %mul3A_2078 = arith.muli %scan3A_2072, %mul3A_2077 : i32
      %get3A_2079 = arith.index_cast %mul3A_2078 : i32 to index
      %get3A_2080 = tpu.vector_load %arg25[%get3A_2079] {strides = array<i32>} : memref<128xf32, #tpu.memory_space<vmem>>, vector<16xf32>,
      %mul3A_2081 = arith.mulf %get3A_2076, %get3A_2080 : vector<16xf32>
      %add3A_2082 = arith.addf %broadcast_in_dim3A_2073, %mul3A_2081 : vector<16xf32>
      %mul3A_2083 = arith.constant 16 : i32
      %mul3A_2084 = arith.muli %scan3A_2072, %mul3A_2083 : i32
      %get3A_2085 = arith.index_cast %mul3A_2084 : i32 to index
      %get3A_2086 = tpu.vector_load %arg10[%get3A_2085] {strides = array<i32>} : memref<128xf32, #tpu.memory_space<vmem>>, vector<16xf32>,
      %mul3A_2087 = arith.constant 16 : i32
      %mul3A_2088 = arith.muli %scan3A_2072, %mul3A_2087 : i32
      %get3A_2089 = arith.index_cast %mul3A_2088 : i32 to index
      %get3A_2090 = tpu.vector_load %arg26[%get3A_2089] {strides = array<i32>} : memref<128xf32, #tpu.memory_space<vmem>>, vector<16xf32>,
      %mul3A_2091 = arith.mulf %get3A_2086, %get3A_2090 : vector<16xf32>
      %add3A_2092 = arith.addf %add3A_2082, %mul3A_2091 : vector<16xf32>
      %mul3A_2093 = arith.constant 16 : i32
      %mul3A_2094 = arith.muli %scan3A_2072, %mul3A_2093 : i32
      %get3A_2095 = arith.index_cast %mul3A_2094 : i32 to index
      %get3A_2096 = tpu.vector_load %arg11[%get3A_2095] {strides = array<i32>} : memref<128xf32, #tpu.memory_space<vmem>>, vector<16xf32>,
      %mul3A_2097 = arith.constant 16 : i32
      %mul3A_2098 = arith.muli %scan3A_2072, %mul3A_2097 : i32
      %get3A_2099 = arith.index_cast %mul3A_2098 : i32 to index
      %get3A_2100 = tpu.vector_load %arg27[%get3A_2099] {strides = array<i32>} : memref<128xf32, #tpu.memory_space<vmem>>, vector<16xf32>,
      %mul3A_2101 = arith.mulf %get3A_2096, %get3A_2100 : vector<16xf32>
      %add3A_2102 = arith.addf %add3A_2092, %mul3A_2101 : vector<16xf32>
      %mul3A_2103 = arith.constant 16 : i32
      %mul3A_2104 = arith.muli %scan3A_2072, %mul3A_2103 : i32
      %get3A_2105 = arith.index_cast %mul3A_2104 : i32 to index
      %get3A_2106 = tpu.vector_load %arg12[%get3A_2105] {strides = array<i32>} : memref<128xf32, #tpu.memory_space<vmem>>, vector<16xf32>,
      %mul3A_2107 = arith.constant 16 : i32
      %mul3A_2108 = arith.muli %scan3A_2072, %mul3A_2107 : i32
      %get3A_2109 = arith.index_cast %mul3A_2108 : i32 to index
      %get3A_2110 = tpu.vector_load %arg28[%get3A_2109] {strides = array<i32>} : memref<128xf32, #tpu.memory_space<vmem>>, vector<16xf32>,
      %mul3A_2111 = arith.mulf %get3A_2106, %get3A_2110 : vector<16xf32>
      %add3A_2112 = arith.addf %add3A_2102, %mul3A_2111 : vector<16xf32>
      %mul3A_2113 = arith.constant 16 : i32
      %mul3A_2114 = arith.muli %scan3A_2072, %mul3A_2113 : i32
      %get3A_2115 = arith.index_cast %mul3A_2114 : i32 to index
      %get3A_2116 = tpu.vector_load %arg13[%get3A_2115] {strides = array<i32>} : memref<128xf32, #tpu.memory_space<vmem>>, vector<16xf32>,
      %mul3A_2117 = arith.constant 16 : i32
      %mul3A_2118 = arith.muli %scan3A_2072, %mul3A_2117 : i32
      %get3A_2119 = arith.index_cast %mul3A_2118 : i32 to index
      %get3A_2120 = tpu.vector_load %arg29[%get3A_2119] {strides = array<i32>} : memref<128xf32, #tpu.memory_space<vmem>>, vector<16xf32>,
      %mul3A_2121 = arith.mulf %get3A_2116, %get3A_2120 : vector<16xf32>
      %add3A_2122 = arith.addf %add3A_2112, %mul3A_2121 : vector<16xf32>
      %mul3A_2123 = arith.constant 16 : i32
      %mul3A_2124 = arith.muli %scan3A_2072, %mul3A_2123 : i32
      %get3A_2125 = arith.index_cast %mul3A_2124 : i32 to index
      %get3A_2126 = tpu.vector_load %arg14[%get3A_2125] {strides = array<i32>} : memref<128xf32, #tpu.memory_space<vmem>>, vector<16xf32>,
      %mul3A_2127 = arith.constant 16 : i32
      %mul3A_2128 = arith.muli %scan3A_2072, %mul3A_2127 : i32
      %get3A_2129 = arith.index_cast %mul3A_2128 : i32 to index
      %get3A_2130 = tpu.vector_load %arg30[%get3A_2129] {strides = array<i32>} : memref<128xf32, #tpu.memory_space<vmem>>, vector<16xf32>,
      %mul3A_2131 = arith.mulf %get3A_2126, %get3A_2130 : vector<16xf32>
      %add3A_2132 = arith.addf %add3A_2122, %mul3A_2131 : vector<16xf32>
      %mul3A_2133 = arith.constant 16 : i32
      %mul3A_2134 = arith.muli %scan3A_2072, %mul3A_2133 : i32
      %get3A_2135 = arith.index_cast %mul3A_2134 : i32 to index
      %get3A_2136 = tpu.vector_load %arg15[%get3A_2135] {strides = array<i32>} : memref<128xf32, #tpu.memory_space<vmem>>, vector<16xf32>,
      %mul3A_2137 = arith.constant 16 : i32
      %mul3A_2138 = arith.muli %scan3A_2072, %mul3A_2137 : i32
      %get3A_2139 = arith.index_cast %mul3A_2138 : i32 to index
      %get3A_2140 = tpu.vector_load %arg31[%get3A_2139] {strides = array<i32>} : memref<128xf32, #tpu.memory_space<vmem>>, vector<16xf32>,
      %mul3A_2141 = arith.mulf %get3A_2136, %get3A_2140 : vector<16xf32>
      %add3A_2142 = arith.addf %add3A_2132, %mul3A_2141 : vector<16xf32>
      %mul3A_2143 = arith.constant 16 : i32
      %mul3A_2144 = arith.muli %scan3A_2072, %mul3A_2143 : i32
      %get3A_2145 = arith.index_cast %mul3A_2144 : i32 to index
      %get3A_2146 = tpu.vector_load %arg16[%get3A_2145] {strides = array<i32>} : memref<128xf32, #tpu.memory_space<vmem>>, vector<16xf32>,
      %mul3A_2147 = arith.constant 16 : i32
      %mul3A_2148 = arith.muli %scan3A_2072, %mul3A_2147 : i32
      %get3A_2149 = arith.index_cast %mul3A_2148 : i32 to index
      %get3A_2150 = tpu.vector_load %arg32[%get3A_2149] {strides = array<i32>} : memref<128xf32, #tpu.memory_space<vmem>>, vector<16xf32>,
      %mul3A_2151 = arith.mulf %get3A_2146, %get3A_2150 : vector<16xf32>
      %add3A_2152 = arith.addf %add3A_2142, %mul3A_2151 : vector<16xf32>
      %mul3A_2153 = arith.constant 16 : i32
      %mul3A_2154 = arith.muli %scan3A_2072, %mul3A_2153 : i32
      %get3A_2155 = arith.index_cast %mul3A_2154 : i32 to index
      %get3A_2156 = tpu.vector_load %arg17[%get3A_2155] {strides = array<i32>} : memref<128xf32, #tpu.memory_space<vmem>>, vector<16xf32>,
      %mul3A_2157 = arith.constant 16 : i32
      %mul3A_2158 = arith.muli %scan3A_2072, %mul3A_2157 : i32
      %get3A_2159 = arith.index_cast %mul3A_2158 : i32 to index
      %get3A_2160 = tpu.vector_load %arg33[%get3A_2159] {strides = array<i32>} : memref<128xf32, #tpu.memory_space<vmem>>, vector<16xf32>,
      %mul3A_2161 = arith.mulf %get3A_2156, %get3A_2160 : vector<16xf32>
      %add3A_2162 = arith.addf %add3A_2152, %mul3A_2161 : vector<16xf32>
      %mul3A_2163 = arith.constant 16 : i32
      %mul3A_2164 = arith.muli %scan3A_2072, %mul3A_2163 : i32
      %get3A_2165 = arith.index_cast %mul3A_2164 : i32 to index
      %get3A_2166 = tpu.vector_load %arg18[%get3A_2165] {strides = array<i32>} : memref<128xf32, #tpu.memory_space<vmem>>, vector<16xf32>,
      %mul3A_2167 = arith.constant 16 : i32
      %mul3A_2168 = arith.muli %scan3A_2072, %mul3A_2167 : i32
      %get3A_2169 = arith.index_cast %mul3A_2168 : i32 to index
      %get3A_2170 = tpu.vector_load %arg34[%get3A_2169] {strides = array<i32>} : memref<128xf32, #tpu.memory_space<vmem>>, vector<16xf32>,
      %mul3A_2171 = arith.mulf %get3A_2166, %get3A_2170 : vector<16xf32>
      %add3A_2172 = arith.addf %add3A_2162, %mul3A_2171 : vector<16xf32>
      %mul3A_2173 = arith.constant 16 : i32
      %mul3A_2174 = arith.muli %scan3A_2072, %mul3A_2173 : i32
      %get3A_2175 = arith.index_cast %mul3A_2174 : i32 to index
      %get3A_2176 = tpu.vector_load %arg19[%get3A_2175] {strides = array<i32>} : memref<128xf32, #tpu.memory_space<vmem>>, vector<16xf32>,
      %mul3A_2177 = arith.constant 16 : i32
      %mul3A_2178 = arith.muli %scan3A_2072, %mul3A_2177 : i32
      %get3A_2179 = arith.index_cast %mul3A_2178 : i32 to index
      %get3A_2180 = tpu.vector_load %arg35[%get3A_2179] {strides = array<i32>} : memref<128xf32, #tpu.memory_space<vmem>>, vector<16xf32>,
      %mul3A_2181 = arith.mulf %get3A_2176, %get3A_2180 : vector<16xf32>
      %add3A_2182 = arith.addf %add3A_2172, %mul3A_2181 : vector<16xf32>
      %mul3A_2183 = arith.constant 16 : i32
      %mul3A_2184 = arith.muli %scan3A_2072, %mul3A_2183 : i32
      %get3A_2185 = arith.index_cast %mul3A_2184 : i32 to index
      %get3A_2186 = tpu.vector_load %arg20[%get3A_2185] {strides = array<i32>} : memref<128xf32, #tpu.memory_space<vmem>>, vector<16xf32>,
      %mul3A_2187 = arith.constant 16 : i32
      %mul3A_2188 = arith.muli %scan3A_2072, %mul3A_2187 : i32
      %get3A_2189 = arith.index_cast %mul3A_2188 : i32 to index
      %get3A_2190 = tpu.vector_load %arg36[%get3A_2189] {strides = array<i32>} : memref<128xf32, #tpu.memory_space<vmem>>, vector<16xf32>,
      %mul3A_2191 = arith.mulf %get3A_2186, %get3A_2190 : vector<16xf32>
      %add3A_2192 = arith.addf %add3A_2182, %mul3A_2191 : vector<16xf32>
      %mul3A_2193 = arith.constant 16 : i32
      %mul3A_2194 = arith.muli %scan3A_2072, %mul3A_2193 : i32
      %get3A_2195 = arith.index_cast %mul3A_2194 : i32 to index
      %get3A_2196 = tpu.vector_load %arg21[%get3A_2195] {strides = array<i32>} : memref<128xf32, #tpu.memory_space<vmem>>, vector<16xf32>,
      %mul3A_2197 = arith.constant 16 : i32
      %mul3A_2198 = arith.muli %scan3A_2072, %mul3A_2197 : i32
      %get3A_2199 = arith.index_cast %mul3A_2198 : i32 to index
      %get3A_2200 = tpu.vector_load %arg37[%get3A_2199] {strides = array<i32>} : memref<128xf32, #tpu.memory_space<vmem>>, vector<16xf32>,
      %mul3A_2201 = arith.mulf %get3A_2196, %get3A_2200 : vector<16xf32>
      %add3A_2202 = arith.addf %add3A_2192, %mul3A_2201 : vector<16xf32>
      %mul3A_2203 = arith.constant 16 : i32
      %mul3A_2204 = arith.muli %scan3A_2072, %mul3A_2203 : i32
      %get3A_2205 = arith.index_cast %mul3A_2204 : i32 to index
      %get3A_2206 = tpu.vector_load %arg22[%get3A_2205] {strides = array<i32>} : memref<128xf32, #tpu.memory_space<vmem>>, vector<16xf32>,
      %mul3A_2207 = arith.constant 16 : i32
      %mul3A_2208 = arith.muli %scan3A_2072, %mul3A_2207 : i32
      %get3A_2209 = arith.index_cast %mul3A_2208 : i32 to index
      %get3A_2210 = tpu.vector_load %arg38[%get3A_2209] {strides = array<i32>} : memref<128xf32, #tpu.memory_space<vmem>>, vector<16xf32>,
      %mul3A_2211 = arith.mulf %get3A_2206, %get3A_2210 : vector<16xf32>
      %add3A_2212 = arith.addf %add3A_2202, %mul3A_2211 : vector<16xf32>
      %mul3A_2213 = arith.constant 16 : i32
      %mul3A_2214 = arith.muli %scan3A_2072, %mul3A_2213 : i32
      %get3A_2215 = arith.index_cast %mul3A_2214 : i32 to index
      %get3A_2216 = tpu.vector_load %arg23[%get3A_2215] {strides = array<i32>} : memref<128xf32, #tpu.memory_space<vmem>>, vector<16xf32>,
      %mul3A_2217 = arith.constant 16 : i32
      %mul3A_2218 = arith.muli %scan3A_2072, %mul3A_2217 : i32
      %get3A_2219 = arith.index_cast %mul3A_2218 : i32 to index
      %get3A_2220 = tpu.vector_load %arg39[%get3A_2219] {strides = array<i32>} : memref<128xf32, #tpu.memory_space<vmem>>, vector<16xf32>,
      %mul3A_2221 = arith.mulf %get3A_2216, %get3A_2220 : vector<16xf32>
      %add3A_2222 = arith.addf %add3A_2212, %mul3A_2221 : vector<16xf32>
      %mul3A_2223 = arith.constant 16 : i32
      %mul3A_2224 = arith.muli %scan3A_2072, %mul3A_2223 : i32
      %get3A_2225 = arith.index_cast %mul3A_2224 : i32 to index
      %get3A_2226 = tpu.vector_load %arg24[%get3A_2225] {strides = array<i32>} : memref<128xf32, #tpu.memory_space<vmem>>, vector<16xf32>,
      %mul3A_2227 = arith.constant 16 : i32
      %mul3A_2228 = arith.muli %scan3A_2072, %mul3A_2227 : i32
      %get3A_2229 = arith.index_cast %mul3A_2228 : i32 to index
      %get3A_2230 = tpu.vector_load %arg40[%get3A_2229] {strides = array<i32>} : memref<128xf32, #tpu.memory_space<vmem>>, vector<16xf32>,
      %mul3A_2231 = arith.mulf %get3A_2226, %get3A_2230 : vector<16xf32>
      %add3A_2232 = arith.addf %add3A_2222, %mul3A_2231 : vector<16xf32>
      %neg3A = arith.constant 0.000000e+00 : f32
      %neg3A_2233 = vector.broadcast %neg3A : f32 to vector<16xf32>
      %neg3A_2234 = arith.subf %neg3A_2233, %add3A_2232 : vector<16xf32>
      %exp3A = math.exp %neg3A_2234 : vector<16xf32>
      %add3A_2235 = arith.constant 1.000000e+00 : f32
      %add3A_2236 = vector.broadcast %add3A_2235 : f32 to vector<16xf32>
      %add3A_2237 = arith.addf %add3A_2236, %exp3A : vector<16xf32>
      %div3A = arith.constant 1.000000e+00 : f32
      %div3A_2238 = vector.broadcast %div3A : f32 to vector<16xf32>
      %div3A_2239 = arith.divf %div3A_2238, %add3A_2237 : vector<16xf32>
      %mul3A_2240 = arith.constant 16 : i32
      %mul3A_2241 = arith.muli %scan3A_2072, %mul3A_2240 : i32
      %add3A_2242 = arith.constant 384 : i32
      %add3A_2243 = arith.addi %add3A_2242, %mul3A_2241 : i32
      %swap3A = arith.index_cast %add3A_2243 : i32 to index
      %swap3A_2244 = tpu.vector_load %arg41[%swap3A] {strides = array<i32>} : memref<512xf32, #tpu.memory_space<vmem>>, vector<16xf32>,
      tpu.vector_store %arg41[%swap3A], %div3A_2239 {strides = array<i32>} : memref<512xf32, #tpu.memory_space<vmem>>, vector<16xf32>,
    }
    %scan3A_2071 = arith.constant 8 : i32
    "tpu.region"() ({
      %run_scoped3A = tpu.sem_alloc : memref<!tpu.dma_semaphore, #tpu.memory_space<semaphore_mem>>
      %dma_start3A_2072 = tpu.memref_slice %arg6[%mul3A_2] : memref<16384xf32, #tpu.memory_space<hbm>> -> memref<512xf32, #tpu.memory_space<hbm>>
      %dma_start3A_2073 = tpu.memref_slice %arg6[%mul3A_2] : memref<16384xf32, #tpu.memory_space<hbm>> -> memref<512xf32, #tpu.memory_space<hbm>>
      tpu.enqueue_dma source(%arg41 : memref<512xf32, #tpu.memory_space<vmem>>) target(%dma_start3A_2073 : memref<512xf32, #tpu.memory_space<hbm>>) target_semaphore(%run_scoped3A : memref<!tpu.dma_semaphore, #tpu.memory_space<semaphore_mem>>)
      %dma_wait3A_2074 = tpu.memref_slice %arg6[%mul3A_2] : memref<16384xf32, #tpu.memory_space<hbm>> -> memref<512xf32, #tpu.memory_space<hbm>>
      %dma_wait3A_2075 = tpu.memref_slice %arg6[%mul3A_2] : memref<16384xf32, #tpu.memory_space<hbm>> -> memref<512xf32, #tpu.memory_space<hbm>>
      tpu.wait_dma2 semaphore(%run_scoped3A : memref<!tpu.dma_semaphore, #tpu.memory_space<semaphore_mem>>) src(%arg41 : memref<512xf32, #tpu.memory_space<vmem>>) dst(%dma_wait3A_2075 : memref<512xf32, #tpu.memory_space<hbm>>)
      tpu.yield
    }) : () -> ()
    return
  }
}

</mosaic_0001>

<sc_bundles>
// kernel: _mf.3.cloned.1.call-start
scs
__scs_entry_jumppad:
0x0: {  	(pc) =	sbr.rel $0x88, $3  }
0x1: {  	(tag) =	ssettag $0x0;
	lr =	simm.s32 $0x1  }
0x2: {  	[smem:$0x3F9D] =	sst lr;
	_ =	strace $0xD0000000  }
0x3: {  	_ = 	snop  }
0x4: {  	_ = 	snop  }
0x5: {  	_ = 	snop  }
0x6: {  	_ = 	snop  }
0x7: {  	_ = 	snop  }
__scs_overlays_trampoline_lowered:
0x8: {  	[smem:$0x3FAC] =	sst s0  }
0x9: {  	[smem:$0x3FAD] =	sst s1  }
0xa: {  	[smem:$0x3FAE] =	sst s2  }
0xb: {  	[smem:$0x3FAF] =	sst s3  }
0xc: {  	[smem:$0x3FB0] =	sst s4  }
0xd: {  	[smem:$0x3FB1] =	sst s5  }
0xe: {  	[smem:$0x3FB2] =	sst s6  }
0xf: {  	[smem:$0x3FB3] =	sst s7  }
0x10: {  	[smem:$0x3FB4] =	sst s8  }
0x11: {  	[smem:$0x3FB5] =	sst s9;
	s0 =	simm.s32 @!p0 $0x0  }
0x12: {  	s1 =	sld [smem:$0x3F9B];
	s0 =	simm.s32 @p0 $0x1  }
0x13: {  	[smem:$0x3FB6] =	sst s0;
	s0 =	simm.s32 @!p1 $0x0  }
0x14: {  	s2 =	sld [smem:$0x3F9A];
	s0 =	simm.s32 @p1 $0x1  }
0x15: {  	[smem:$0x3FB7] =	sst s0;
	s0 =	simm.s32 @!p2 $0x0  }
0x16: {  	s3 =	sld [smem:$0x3FDB];
	s0 =	simm.s32 @p2 $0x1  }
0x17: {  	s4 =	simm.s32 $0x1BF5;
	[smem:$0x3FB9] =	sst s0  }
0x18: {  	s0 =	sld [smem:$0x3F9C];
	_ =	swait.ge [sflag:s4], $0x0  }
0x19: {  	s7 =	sld [smem:$0x3F9D]  }
0x1a: {  	s8 =	sadd.s32 $0xFFFFE003, lr  }
0x1b: {  	s9 =	sadd.s32 $0xFFFFFEF7, lr;
	s5 =	simm.s32 $0xFFFFFFFF;
	p2 =	slt.u32 s8, $0xFFFFF086  }
0x1c: {  	p1 =	slt.u32 s9, $0xF7A;
	s5 =	simm.s32 @!p2 $0x0  }
0x1d: {  	s5 =	simm.s32 @p1 $0x1;
	p0 =	seq.s32 s7, s2  }
0x1e: {  	s7 =	smul.u32 @!p0 $0xF7A, s2;
	p2 =	seq.s32 @!p0 s5, $0x0  }
0x1f: {  	s9 =	smul.u32 $0xF7A, s1;
	s8 =	simm.s32 @!p0 $0x1BF5;
	p2 =	por !p2, p0  }
0x20: {  	[sflag:s8] =	ssyncset.s32 @!p0 $0xFFFFF086;
	s6 =	sadd.s32 @!p0 s3, s7;
	s7 =	simm.s32 @!p0 $0x108  }
0x21: {  	s3 =	sadd.s32 s3, s9;
	s6 =	sadd.s32 @!p0 $0x88, s6;
	s7 =	simm.s32 @p2 $0x1082  }
0x22: {  	[simem:s7], [sflag:s8] =	dma.local @!p0 [hbm:s6], $0xF7A  }
0x23: {  	s9 =	sor.u32 $0xD0000000, s2;
	s6 =	simm.s32 $0x108;
	_ =	swait.ge @!p0 [sflag:s8], $0x0  }
0x24: {  	s3 =	sadd.s32 $0x88, s3;
	s6 =	simm.s32 @!p1 $0x1082;
	[sflag:s4] =	ssyncset.s32 $0xFFFFF086  }
0x25: {  	[simem:s6], [sflag:s4] =	dma.local [hbm:s3], $0xF7A  }
0x26: {  	[smem:$0x3F9D] =	sst s1;
	(tag) =	ssettag s2;
	_ =	strace s9  }
0x27: {  	s1 =	sld [smem:$0x3FAD]  }
0x28: {  	s2 =	sld [smem:$0x3FAE]  }
0x29: {  	s4 =	sld [smem:$0x3FB0]  }
0x2a: {  	p0 =	seq.s32 s5, $0x0;
	s5 =	sld [smem:$0x3FB1]  }
0x2b: {  	s6 =	sld [smem:$0x3FB2]  }
0x2c: {  	s7 =	sld [smem:$0x3FB3]  }
0x2d: {  	s3 =	simm.s32 $0x108;
	s8 =	sld [smem:$0x3FB4]  }
0x2e: {  	s3 =	simm.s32 @!p0 $0x1082;
	s9 =	sld [smem:$0x3FB5]  }
0x2f: {  	lr =	sadd.s32 s0, s3;
	s0 =	sld [smem:$0x3FAC]  }
0x30: {  	s3 =	sld [smem:$0x3FAF]  }
0x31: {  	[smem:$0x3FB8] =	sst s10  }
0x32: {  	s10 =	sld [smem:$0x3FB6];
	_ =	sdelay $0x3  }
0x33: {  	p0 =	seq.s32 s10, $0x1;
	s10 =	sld [smem:$0x3FB8];
	_ =	sdelay $0x3  }
0x34: {  	[smem:$0x3FB8] =	sst s10  }
0x35: {  	s10 =	sld [smem:$0x3FB7];
	_ =	sdelay $0x3  }
0x36: {  	p1 =	seq.s32 s10, $0x1;
	s10 =	sld [smem:$0x3FB8];
	_ =	sdelay $0x3  }
0x37: {  	[smem:$0x3FB8] =	sst s10  }
0x38: {  	s10 =	sld [smem:$0x3FB9]  }
0x39: {  	_ = 	snop;
	(pc) =	sbr.ind lr, $3  }
0x3a: {  	_ = 	snop  }
0x3b: {  	_ = 	snop  }
0x3c: {  	p2 =	seq.s32 s10, $0x1;
	s10 =	sld [smem:$0x3FB8]  }
0x3d: {  	_ =	shalt  }
0x3e: {  	_ =	shalt  }
0x3f: {  	_ =	shalt  }
0x40: {  	_ =	shalt  }
0x41: {  	_ =	shalt  }
0x42: {  	_ =	shalt  }
0x43: {  	_ =	shalt  }
0x44: {  	_ =	shalt  }
0x45: {  	_ =	shalt  }
0x46: {  	_ =	shalt  }
0x47: {  	_ =	shalt  }
0x48: {  	_ =	shalt  }
0x49: {  	_ =	shalt  }
0x4a: {  	_ =	shalt  }
0x4b: {  	_ =	shalt  }
0x4c: {  	_ =	shalt  }
0x4d: {  	_ =	shalt  }
0x4e: {  	_ =	shalt  }
0x4f: {  	_ =	shalt  }
0x50: {  	_ =	shalt  }
0x51: {  	_ =	shalt  }
0x52: {  	_ =	shalt  }
0x53: {  	_ =	shalt  }
0x54: {  	_ =	shalt  }
0x55: {  	_ =	shalt  }
0x56: {  	_ =	shalt  }
0x57: {  	_ =	shalt  }
0x58: {  	_ =	shalt  }
0x59: {  	_ =	shalt  }
0x5a: {  	_ =	shalt  }
0x5b: {  	_ =	shalt  }
0x5c: {  	_ =	shalt  }
0x5d: {  	_ =	shalt  }
0x5e: {  	_ =	shalt  }
0x5f: {  	_ =	shalt  }
0x60: {  	_ =	shalt  }
0x61: {  	_ =	shalt  }
0x62: {  	_ =	shalt  }
0x63: {  	_ =	shalt  }
0x64: {  	_ =	shalt  }
0x65: {  	_ =	shalt  }
0x66: {  	_ =	shalt  }
0x67: {  	_ =	shalt  }
0x68: {  	_ =	shalt  }
0x69: {  	_ =	shalt  }
0x6a: {  	_ =	shalt  }
0x6b: {  	_ =	shalt  }
0x6c: {  	_ =	shalt  }
0x6d: {  	_ =	shalt  }
0x6e: {  	_ =	shalt  }
0x6f: {  	_ =	shalt  }
0x70: {  	_ =	shalt  }
0x71: {  	_ =	shalt  }
0x72: {  	_ =	shalt  }
0x73: {  	_ =	shalt  }
0x74: {  	_ =	shalt  }
0x75: {  	_ =	shalt  }
0x76: {  	_ =	shalt  }
0x77: {  	_ =	shalt  }
0x78: {  	_ =	shalt  }
0x79: {  	_ =	shalt  }
0x7a: {  	_ =	shalt  }
0x7b: {  	_ =	shalt  }
0x7c: {  	_ =	shalt  }
0x7d: {  	_ =	shalt  }
0x7e: {  	_ =	shalt  }
0x7f: {  	_ =	shalt  }
0x80: {  	_ =	shalt  }
0x81: {  	_ =	shalt  }
0x82: {  	_ =	shalt  }
0x83: {  	_ =	shalt  }
0x84: {  	_ =	shalt  }
0x85: {  	_ =	shalt  }
0x86: {  	_ =	shalt  }
0x87: {  	_ =	shalt  }
.Lfunc_end0:
.L_simem_size_0:
called_computation_lowered:
.L_overlay_start_0:
0x88: {  	s2 =	sld [smem:$0x3FD9]  }
0x89: {  	s3 =	sld [smem:$0x3FFE];
	_ =	sdelay $0x1  }
0x8a: {  	s1 =	srdreg.scid  }
0x8b: {  	s0 =	sand.u32 $0x1, s1  }
0x8c: {  	s17 =	sshll.u32 s0, $0xA;
	s2 =	sadd.s32 s3, s2  }
0x8d: {  	s2 =	sadd.s32 s2, s17  }
0x8e: {  	[smem:$0x3FC4] =	sst s2  }
0x8f: {  	_ = 	snop  }
0x90: {  	s2 =	sld [smem:$0x3FC9]  }
0x91: {  	s18 =	sld [smem:$0x3FC8]  }
0x92: {  	s4 =	sld [smem:$0x3FD0];
	(tm) =	ssettm $0x1  }
0x93: {  	s5 =	sld [smem:$0x3FFB];
	_ =	sdelay $0x3  }
0x94: {  	_ =	strace s5  }
0x95: {  	s5 =	sld [smem:$0x3FFC];
	_ =	sdelay $0x3  }
0x96: {  	_ =	strace s5  }
0x97: {  	s5 =	sld [smem:$0x3FFD];
	_ =	sdelay $0x3  }
0x98: {  	_ =	strace s5  }
0x99: {  	_ =	strace $0x8FFFFFFF  }
0x9a: {  	s19 =	sld [smem:$0x3FDB];
	_ =	sdelay $0x1  }
0x9b: {  	s6 =	simm.s32 $_scs_section_size  }
0x9c: {  	s7 =	simm.s32 $_size__tile_overlayer_lowered;
	s8 =	simm.s32 $_tile_overlayer_lowered  }
0x9d: {  	s22 =	simm.s32 $0x1BFF;
	s21 =	sshll.u32 s8, $0x1;
	s5 =	sadd.s32 s6, s19  }
0x9e: {  	s9 =	simm.s32 $0x0;
	s20 =	sshll.u32 s7, $0x1;
	s7 =	sadd.s32 s21, s5  }
0x9f: {  	[timem:s9], [sflag:s22] =	dma.local [hbm:s7], s20  }
0xa0: {  	_ =	swait.ge [sflag:s22], s20  }
0xa1: {  	s6 =	ssub.s32 $0x0, s20;
	[sflag:s22] =	ssyncset.done $0x0  }
0xa2: {  	[sflag:s22] =	ssyncadd.s32 s6;
	_ =	sdelay $0x1  }
0xa3: {  	s23 =	simm.s32 $0x1B8B  }
0xa4: {  	_ =	swait.ge [sflag:s23], $0x1  }
0xa5: {  	[sflag:s23] =	ssyncset.done $0x0  }
0xa6: {  	s25 =	simm.s32 $0x1B8E;
	s24 =	sld [smem:$0x3FFE];
	[sflag:s23] =	ssyncadd.s32 $0xFFFFFFFF  }
0xa7: {  	s26 =	simm.s32 $execute0_lowered;
	[smem:$0x3FD2] =	sst s25  }
0xa8: {  	s7 =	sshll.u32 s26, $0x1;
	_ =	strace $0x80000046;
	[dreg:$0x1] =	wrdreg $0xFFFFFFFF  }
0xa9: {  	s28 =	simm.s32 $_size_execute0_lowered;
	s5 =	sadd.s32 s5, s7;
	[dreg:$0x0] =	wrdreg $0x0  }
0xaa: {  	s7 =	sshll.u32 s28, $0x1;
	[dreg:$0x2] =	wrdreg s5  }
0xab: {  	[dreg:$0x3] =	wrdreg s7  }
0xac: {  	[dreg:$0x4] =	wrdreg $0xC0  }
0xad: {  	_ =	task [dreg:s9], $0x5FFFF  }
0xae: {  	[dreg:$0x1] =	wrdreg $0xFFFFFFFF  }
0xaf: {  	[dreg:$0x0] =	wrdreg $0x60  }
0xb0: {  	[dreg:$0x2] =	wrdreg s2  }
0xb1: {  	[dreg:$0x3] =	wrdreg s18  }
0xb2: {  	[dreg:$0x4] =	wrdreg s24  }
0xb3: {  	[dreg:$0x5] =	wrdreg s4  }
0xb4: {  	[dreg:$0x6] =	wrdreg $0x9  }
0xb5: {  	_ =	task.clear_ibuf [dreg:s9], $0x7FFFF;
	_ =	strace $0x90000046  }
0xb6: {  	s29 =	simm.s32 $0x9;
	_ =	strace $0x80000048  }
0xb7: {  	_ =	swait.ge [sflag:s29], $0x1  }
0xb8: {  	[sflag:s29] =	ssyncadd.s32 $0xFFFFFFFF  }
0xb9: {  	_ =	strace $0x90000048  }
0xba: {  	_ =	sfence  }
0xbb: {  	s30 =	sld [smem:$0x0];
	_ =	sdelay $0x2  }
0xbc: {  	s31 =	sshll.u32 s1, $0xD;
	s1 =	sshrl.u32 s1, $0x2  }
0xbd: {  	s3 =	sand.u32 $0x4000, s31;
	s1 =	sadd.s32 s1, s30  }
0xbe: {  	s0 =	sor.u32 s3, s0;
	s1 =	sshll.u32 s1, $0x11  }
0xbf: {  	s0 =	sor.u32 s1, s0  }
0xc0: {  	s0 =	sadd.s32 $0x8F2B, s0  }
0xc1: {  	[sflag:s0] =	ssyncadd.remote.s32 $0x1  }
0xc2: {  	_ =	sfence.sel $0xFFFF  }
0xc3: {  	[dreg:$0x0] =	wrdreg $0xFFFFFFFF;
	(pc) =	sbr.abs _section_cstart, $3  }
0xc4: {  	[dreg:$0x1] =	wrdreg $0xFFFFFFFF  }
0xc5: {  	_ =	task.clear_ibuf [dreg:s9], $0x2FFFF;
	_ =	strace $0x9FFFFFFF  }
0xc6: {  	(tm) =	ssettm $0x7FFFFFFF  }
0xc7: {  	_ =	shalt  }
tec
execute0_lowered:
.L_overlay_start_1:
0x0: {  	(tag) =	ssettag $0x1  }
0x1: {  	s0 =	rddreg [dreg:$0x0]  }
0x2: {  	s1 =	rddreg [dreg:$0x1]  }
0x3: {  	s7 =	rddreg [dreg:$0x2]  }
0x4: {  	s3 =	rddreg [dreg:$0x3];
	s2 =	simm.s32 $0x0;
	s4 =	srdreg.scid  }
0x5: {  	s8 =	stileid.u32;
	[smem:$0x7FF] =	sst s2  }
0x6: {  	s4 =	sand.u32 $0x1, s4;
	s6 =	sadd.s32 $0x1E8600, s7;
	s19 =	sadd.s32 $0x206E49, s7  }
0x7: {  	s20 =	sadd.s32 $0x225692, s7;
	_ =	strace $0x80000047;
	[dreg:$0x5] =	wrdreg s6  }
0x8: {  	s21 =	sadd.s32 $0x1E849, s7;
	s22 =	sadd.s32 $0x3D092, s7;
	[dreg:$0x6] =	wrdreg s19  }
0x9: {  	s23 =	sadd.s32 $0x243EDB, s7;
	s24 =	sadd.s32 $0x5B8DB, s7;
	[dreg:$0x7] =	wrdreg s20  }
0xa: {  	s25 =	sadd.s32 $0x262724, s7;
	s26 =	sadd.s32 $0x7A124, s7;
	[dreg:$0x8] =	wrdreg s21  }
0xb: {  	s9 =	sadd.s32 $0x280F6D, s7;
	s10 =	sadd.s32 $0x29F7B6, s7;
	[dreg:$0x9] =	wrdreg s22  }
0xc: {  	s11 =	sadd.s32 $0x9896D, s7;
	s12 =	sadd.s32 $0xB71B6, s7;
	[dreg:$0xa] =	wrdreg s23  }
0xd: {  	s13 =	sadd.s32 $0x2BDFFF, s7;
	s14 =	sadd.s32 $0xD59FF, s7;
	[dreg:$0xb] =	wrdreg s24  }
0xe: {  	s15 =	sshll.u32 s8, $0x7;
	s28 =	sadd.s32 $0x14FB23, s7;
	[dreg:$0xc] =	wrdreg s25  }
0xf: {  	s30 =	sadd.s32 $0x35696C, s7;
	s31 =	sadd.s32 $0x16E36C, s7;
	[dreg:$0xd] =	wrdreg s26  }
0x10: {  	s29 =	sadd.s32 $0x1AB3FE, s7;
	s8 =	simm.s32 $0x1;
	[dreg:$0xe] =	wrdreg s9  }
0x11: {  	s5 =	ssub.s32 $0x2, s4;
	s4 =	sshll.u32 s4, $0x6;
	[dreg:$0xf] =	wrdreg s10  }
0x12: {  	[dreg:$0x10] =	wrdreg s11;
	s19 =	sadd.s32 $0x2DC848, s7;
	s20 =	sadd.s32 $0xF4248, s7  }
0x13: {  	[dreg:$0x11] =	wrdreg s12;
	s21 =	sadd.s32 $0x2FB091, s7;
	s22 =	sadd.s32 $0x112A91, s7  }
0x14: {  	[dreg:$0x12] =	wrdreg s13;
	s23 =	sadd.s32 $0x3198DA, s7;
	s24 =	sadd.s32 $0x1312DA, s7  }
0x15: {  	[dreg:$0x13] =	wrdreg s14;
	s26 =	sadd.s32 $0x338123, s7;
	s25 =	sadd.s32 $0x18CBB5, s7  }
0x16: {  	s6 =	simm.s32 $0x200;
	s9 =	simm.s32 $0x280;
	s10 =	simm.s32 $0x100  }
0x17: {  	s11 =	simm.s32 $0x300;
	s12 =	simm.s32 $0x180;
	s13 =	simm.s32 $0x380  }
0x18: {  	s14 =	simm.s32 $0x0;
	s18 =	sshrl.u32 s5, $0x1;
	s4 =	sor.u32 s4, s15  }
0x19: {  	s5 =	ssub.s32 s5, s18;
	s0 =	sadd.s32 s0, s4;
	s16 =	sadd.s32 s1, s4  }
0x1a: {  	s17 =	sadd.s32 s3, s4;
	s3 =	sadd.s32 $0x3751B5, s7;
	[dreg:$0x14] =	wrdreg s0  }
0x1b: {  	s1 =	sadd.s32 $0x3B2247, s7;
	s4 =	sadd.s32 $0x1C9C47, s7;
	[dreg:$0x15] =	wrdreg s16  }
0x1c: {  	[dreg:$0x16] =	wrdreg s17;
	s18 =	smax.u32 s5, $0x1;
	s0 =	sadd.s32 $0x3939FE, s7  }
0x1d: {  	s5 =	simm.s32 $0x2;
	s7 =	simm.s32 $0x80;
	[dreg:$0x17] =	wrdreg s18  }
.LBB2_1:
0x1e: {  	s15 =	rddreg [dreg:$0x14]  }
0x1f: {  	[tilespmem:s2], [sflag:$0x2] =	stream.linear.gather [hbm4b:s15+s2], $0x200, $0x38;
	[tilespmem:$0x1600] =	vst v63  }
0x20: {  	_ =	swait.ge [sflag:s5], $0x200  }
0x21: {  	[sflag:s5] =	ssyncset.done $0x0  }
0x22: {  	s17 =	rddreg [dreg:$0x15];
	[sflag:s5] =	ssyncadd.s32 $0xFFFFFE00  }
0x23: {  	[tilespmem:s6], [sflag:$0x2] =	stream.linear.gather [hbm4b:s17+s2], $0x200, $0x38;
	[tilespmem:$0x1600] =	vst v63  }
0x24: {  	_ =	swait.ge [sflag:s5], $0x200  }
0x25: {  	[sflag:s5] =	ssyncset.done $0x0  }
0x26: {  	s16 =	simm.s32 $0x400;
	s18 =	rddreg [dreg:$0x5];
	[sflag:s5] =	ssyncadd.s32 $0xFFFFFE00  }
0x27: {  	[tilespmem:s16], [sflag:$0x1] =	stream.indirect.gather [hbm4b:s18+s7], $0x1, s2, s7, $0xb8;
	[tilespmem:$0x1600] =	vst v63  }
0x28: {  	s17 =	rddreg [dreg:$0x2];
	s18 =	simm.s32 $0xC00  }
0x29: {  	[tilespmem:s18], [sflag:$0x1] =	stream.indirect.gather [hbm4b:s17+s7], $0x1, s6, s7, $0xb8;
	[tilespmem:$0x1600] =	vst v63  }
0x2a: {  	s17 =	rddreg [dreg:$0x6];
	s18 =	simm.s32 $0x480  }
0x2b: {  	[tilespmem:s18], [sflag:$0x1] =	stream.indirect.gather [hbm4b:s17+s7], $0x1, s2, s7, $0xb8;
	[tilespmem:$0x1600] =	vst v63  }
0x2c: {  	s17 =	rddreg [dreg:$0x8];
	s18 =	simm.s32 $0xC80  }
0x2d: {  	[tilespmem:s18], [sflag:$0x1] =	stream.indirect.gather [hbm4b:s17+s7], $0x1, s6, s7, $0xb8;
	[tilespmem:$0x1600] =	vst v63  }
0x2e: {  	s17 =	rddreg [dreg:$0x7];
	s18 =	simm.s32 $0x500  }
0x2f: {  	[tilespmem:s18], [sflag:$0x1] =	stream.indirect.gather [hbm4b:s17+s7], $0x1, s2, s7, $0xb8;
	[tilespmem:$0x1600] =	vst v63  }
0x30: {  	s17 =	rddreg [dreg:$0x9];
	s18 =	simm.s32 $0xD00  }
0x31: {  	[tilespmem:s18], [sflag:$0x1] =	stream.indirect.gather [hbm4b:s17+s7], $0x1, s6, s7, $0xb8;
	[tilespmem:$0x1600] =	vst v63  }
0x32: {  	s17 =	rddreg [dreg:$0xa];
	s18 =	simm.s32 $0x580  }
0x33: {  	[tilespmem:s18], [sflag:$0x1] =	stream.indirect.gather [hbm4b:s17+s7], $0x1, s2, s7, $0xb8;
	[tilespmem:$0x1600] =	vst v63  }
0x34: {  	s17 =	rddreg [dreg:$0xb];
	s18 =	simm.s32 $0xD80  }
0x35: {  	[tilespmem:s18], [sflag:$0x1] =	stream.indirect.gather [hbm4b:s17+s7], $0x1, s6, s7, $0xb8;
	[tilespmem:$0x1600] =	vst v63  }
0x36: {  	s17 =	rddreg [dreg:$0xc];
	s18 =	simm.s32 $0x600  }
0x37: {  	[tilespmem:s18], [sflag:$0x1] =	stream.indirect.gather [hbm4b:s17+s7], $0x1, s2, s7, $0xb8;
	[tilespmem:$0x1600] =	vst v63  }
0x38: {  	s17 =	rddreg [dreg:$0xd];
	s18 =	simm.s32 $0xE00  }
0x39: {  	[tilespmem:s18], [sflag:$0x1] =	stream.indirect.gather [hbm4b:s17+s7], $0x1, s6, s7, $0xb8;
	[tilespmem:$0x1600] =	vst v63  }
0x3a: {  	s17 =	rddreg [dreg:$0xe];
	s18 =	simm.s32 $0x680  }
0x3b: {  	[tilespmem:s18], [sflag:$0x1] =	stream.indirect.gather [hbm4b:s17+s7], $0x1, s2, s7, $0xb8;
	[tilespmem:$0x1600] =	vst v63  }
0x3c: {  	s17 =	rddreg [dreg:$0x10];
	s18 =	simm.s32 $0xE80  }
0x3d: {  	[tilespmem:s18], [sflag:$0x1] =	stream.indirect.gather [hbm4b:s17+s7], $0x1, s6, s7, $0xb8;
	[tilespmem:$0x1600] =	vst v63  }
0x3e: {  	s17 =	rddreg [dreg:$0xf];
	s18 =	simm.s32 $0x700  }
0x3f: {  	[tilespmem:s18], [sflag:$0x1] =	stream.indirect.gather [hbm4b:s17+s7], $0x1, s2, s7, $0xb8;
	[tilespmem:$0x1600] =	vst v63  }
0x40: {  	s17 =	rddreg [dreg:$0x11];
	s18 =	simm.s32 $0xF00  }
0x41: {  	[tilespmem:s18], [sflag:$0x1] =	stream.indirect.gather [hbm4b:s17+s7], $0x1, s6, s7, $0xb8;
	[tilespmem:$0x1600] =	vst v63  }
0x42: {  	s17 =	rddreg [dreg:$0x12];
	s18 =	simm.s32 $0x780  }
0x43: {  	[tilespmem:s18], [sflag:$0x1] =	stream.indirect.gather [hbm4b:s17+s7], $0x1, s2, s7, $0xb8;
	[tilespmem:$0x1600] =	vst v63  }
0x44: {  	s16 =	rddreg [dreg:$0x13];
	s17 =	simm.s32 $0xF80  }
0x45: {  	[tilespmem:s17], [sflag:$0x1] =	stream.indirect.gather [hbm4b:s16+s7], $0x1, s6, s7, $0xb8;
	[tilespmem:$0x1600] =	vst v63  }
0x46: {  	s18 =	simm.s32 $0x800  }
0x47: {  	[tilespmem:s18], [sflag:$0x1] =	stream.indirect.gather [hbm4b:s19+s7], $0x1, s2, s7, $0xb8;
	[tilespmem:$0x1600] =	vst v63  }
0x48: {  	s16 =	simm.s32 $0x1000  }
0x49: {  	[tilespmem:s16], [sflag:$0x1] =	stream.indirect.gather [hbm4b:s20+s7], $0x1, s6, s7, $0xb8;
	[tilespmem:$0x1600] =	vst v63  }
0x4a: {  	s17 =	simm.s32 $0x880  }
0x4b: {  	[tilespmem:s17], [sflag:$0x1] =	stream.indirect.gather [hbm4b:s21+s7], $0x1, s2, s7, $0xb8;
	[tilespmem:$0x1600] =	vst v63  }
0x4c: {  	s18 =	simm.s32 $0x1080  }
0x4d: {  	[tilespmem:s18], [sflag:$0x1] =	stream.indirect.gather [hbm4b:s22+s7], $0x1, s6, s7, $0xb8;
	[tilespmem:$0x1600] =	vst v63  }
0x4e: {  	s16 =	simm.s32 $0x900  }
0x4f: {  	[tilespmem:s16], [sflag:$0x1] =	stream.indirect.gather [hbm4b:s23+s7], $0x1, s2, s7, $0xb8;
	[tilespmem:$0x1600] =	vst v63  }
0x50: {  	s17 =	simm.s32 $0x1100  }
0x51: {  	[tilespmem:s17], [sflag:$0x1] =	stream.indirect.gather [hbm4b:s24+s7], $0x1, s6, s7, $0xb8;
	[tilespmem:$0x1600] =	vst v63  }
0x52: {  	s18 =	simm.s32 $0x980  }
0x53: {  	[tilespmem:s18], [sflag:$0x1] =	stream.indirect.gather [hbm4b:s26+s7], $0x1, s2, s7, $0xb8;
	[tilespmem:$0x1600] =	vst v63  }
0x54: {  	s16 =	simm.s32 $0x1180  }
0x55: {  	[tilespmem:s16], [sflag:$0x1] =	stream.indirect.gather [hbm4b:s28+s7], $0x1, s6, s7, $0xb8;
	[tilespmem:$0x1600] =	vst v63  }
0x56: {  	s17 =	simm.s32 $0xA00  }
0x57: {  	[tilespmem:s17], [sflag:$0x1] =	stream.indirect.gather [hbm4b:s30+s7], $0x1, s2, s7, $0xb8;
	[tilespmem:$0x1600] =	vst v63  }
0x58: {  	s18 =	simm.s32 $0x1200  }
0x59: {  	[tilespmem:s18], [sflag:$0x1] =	stream.indirect.gather [hbm4b:s31+s7], $0x1, s6, s7, $0xb8;
	[tilespmem:$0x1600] =	vst v63  }
0x5a: {  	s16 =	simm.s32 $0xA80  }
0x5b: {  	[tilespmem:s16], [sflag:$0x1] =	stream.indirect.gather [hbm4b:s3+s7], $0x1, s2, s7, $0xb8;
	[tilespmem:$0x1600] =	vst v63  }
0x5c: {  	s17 =	simm.s32 $0x1280  }
0x5d: {  	[tilespmem:s17], [sflag:$0x1] =	stream.indirect.gather [hbm4b:s25+s7], $0x1, s6, s7, $0xb8;
	[tilespmem:$0x1600] =	vst v63  }
0x5e: {  	s18 =	simm.s32 $0xB00  }
0x5f: {  	[tilespmem:s18], [sflag:$0x1] =	stream.indirect.gather [hbm4b:s0+s7], $0x1, s2, s7, $0xb8;
	[tilespmem:$0x1600] =	vst v63  }
0x60: {  	s16 =	simm.s32 $0x1300  }
0x61: {  	[tilespmem:s16], [sflag:$0x1] =	stream.indirect.gather [hbm4b:s29+s7], $0x1, s6, s7, $0xb8;
	[tilespmem:$0x1600] =	vst v63  }
0x62: {  	s17 =	simm.s32 $0xB80  }
0x63: {  	[tilespmem:s17], [sflag:$0x1] =	stream.indirect.gather [hbm4b:s1+s7], $0x1, s2, s7, $0xb8;
	[tilespmem:$0x1600] =	vst v63  }
0x64: {  	s18 =	simm.s32 $0x1380  }
0x65: {  	[tilespmem:s18], [sflag:$0x1] =	stream.indirect.gather [hbm4b:s4+s7], $0x1, s6, s7, $0xb8;
	[tilespmem:$0x1600] =	vst v63  }
0x66: {  	_ =	swait.ge [sflag:s8], $0x80  }
0x67: {  	[sflag:s8] =	ssyncset.done $0x0  }
0x68: {  	[sflag:s8] =	ssyncadd.s32 $0xFFFFFF80  }
0x69: {  	_ =	swait.ge [sflag:s8], $0x80  }
0x6a: {  	[sflag:s8] =	ssyncset.done $0x0  }
0x6b: {  	[sflag:s8] =	ssyncadd.s32 $0xFFFFFF80  }
0x6c: {  	_ =	swait.ge [sflag:s8], $0x80  }
0x6d: {  	[sflag:s8] =	ssyncset.done $0x0  }
0x6e: {  	[sflag:s8] =	ssyncadd.s32 $0xFFFFFF80  }
0x6f: {  	_ =	swait.ge [sflag:s8], $0x80  }
0x70: {  	[sflag:s8] =	ssyncset.done $0x0  }
0x71: {  	[sflag:s8] =	ssyncadd.s32 $0xFFFFFF80  }
0x72: {  	_ =	swait.ge [sflag:s8], $0x80  }
0x73: {  	[sflag:s8] =	ssyncset.done $0x0  }
0x74: {  	[sflag:s8] =	ssyncadd.s32 $0xFFFFFF80  }
0x75: {  	_ =	swait.ge [sflag:s8], $0x80  }
0x76: {  	[sflag:s8] =	ssyncset.done $0x0  }
0x77: {  	[sflag:s8] =	ssyncadd.s32 $0xFFFFFF80  }
0x78: {  	_ =	swait.ge [sflag:s8], $0x80  }
0x79: {  	[sflag:s8] =	ssyncset.done $0x0  }
0x7a: {  	[sflag:s8] =	ssyncadd.s32 $0xFFFFFF80  }
0x7b: {  	_ =	swait.ge [sflag:s8], $0x80  }
0x7c: {  	[sflag:s8] =	ssyncset.done $0x0  }
0x7d: {  	[sflag:s8] =	ssyncadd.s32 $0xFFFFFF80  }
0x7e: {  	_ =	swait.ge [sflag:s8], $0x80  }
0x7f: {  	[sflag:s8] =	ssyncset.done $0x0  }
0x80: {  	[sflag:s8] =	ssyncadd.s32 $0xFFFFFF80  }
0x81: {  	_ =	swait.ge [sflag:s8], $0x80  }
0x82: {  	[sflag:s8] =	ssyncset.done $0x0  }
0x83: {  	[sflag:s8] =	ssyncadd.s32 $0xFFFFFF80  }
0x84: {  	_ =	swait.ge [sflag:s8], $0x80  }
0x85: {  	[sflag:s8] =	ssyncset.done $0x0  }
0x86: {  	[sflag:s8] =	ssyncadd.s32 $0xFFFFFF80  }
0x87: {  	_ =	swait.ge [sflag:s8], $0x80  }
0x88: {  	[sflag:s8] =	ssyncset.done $0x0  }
0x89: {  	[sflag:s8] =	ssyncadd.s32 $0xFFFFFF80  }
0x8a: {  	_ =	swait.ge [sflag:s8], $0x80  }
0x8b: {  	[sflag:s8] =	ssyncset.done $0x0  }
0x8c: {  	[sflag:s8] =	ssyncadd.s32 $0xFFFFFF80  }
0x8d: {  	_ =	swait.ge [sflag:s8], $0x80  }
0x8e: {  	[sflag:s8] =	ssyncset.done $0x0  }
0x8f: {  	[sflag:s8] =	ssyncadd.s32 $0xFFFFFF80  }
0x90: {  	_ =	swait.ge [sflag:s8], $0x80  }
0x91: {  	[sflag:s8] =	ssyncset.done $0x0  }
0x92: {  	[sflag:s8] =	ssyncadd.s32 $0xFFFFFF80  }
0x93: {  	_ =	swait.ge [sflag:s8], $0x80  }
0x94: {  	[sflag:s8] =	ssyncset.done $0x0  }
0x95: {  	[sflag:s8] =	ssyncadd.s32 $0xFFFFFF80  }
0x96: {  	_ =	swait.ge [sflag:s8], $0x80  }
0x97: {  	[sflag:s8] =	ssyncset.done $0x0  }
0x98: {  	[sflag:s8] =	ssyncadd.s32 $0xFFFFFF80  }
0x99: {  	_ =	swait.ge [sflag:s8], $0x80  }
0x9a: {  	[sflag:s8] =	ssyncset.done $0x0  }
0x9b: {  	[sflag:s8] =	ssyncadd.s32 $0xFFFFFF80  }
0x9c: {  	_ =	swait.ge [sflag:s8], $0x80  }
0x9d: {  	[sflag:s8] =	ssyncset.done $0x0  }
0x9e: {  	[sflag:s8] =	ssyncadd.s32 $0xFFFFFF80  }
0x9f: {  	_ =	swait.ge [sflag:s8], $0x80  }
0xa0: {  	[sflag:s8] =	ssyncset.done $0x0  }
0xa1: {  	[sflag:s8] =	ssyncadd.s32 $0xFFFFFF80  }
0xa2: {  	_ =	swait.ge [sflag:s8], $0x80  }
0xa3: {  	[sflag:s8] =	ssyncset.done $0x0  }
0xa4: {  	[sflag:s8] =	ssyncadd.s32 $0xFFFFFF80  }
0xa5: {  	_ =	swait.ge [sflag:s8], $0x80  }
0xa6: {  	[sflag:s8] =	ssyncset.done $0x0  }
0xa7: {  	[sflag:s8] =	ssyncadd.s32 $0xFFFFFF80  }
0xa8: {  	_ =	swait.ge [sflag:s8], $0x80  }
0xa9: {  	[sflag:s8] =	ssyncset.done $0x0  }
0xaa: {  	[sflag:s8] =	ssyncadd.s32 $0xFFFFFF80  }
0xab: {  	_ =	swait.ge [sflag:s8], $0x80  }
0xac: {  	[sflag:s8] =	ssyncset.done $0x0  }
0xad: {  	[sflag:s8] =	ssyncadd.s32 $0xFFFFFF80  }
0xae: {  	_ =	swait.ge [sflag:s8], $0x80  }
0xaf: {  	[sflag:s8] =	ssyncset.done $0x0  }
0xb0: {  	[sflag:s8] =	ssyncadd.s32 $0xFFFFFF80  }
0xb1: {  	_ =	swait.ge [sflag:s8], $0x80  }
0xb2: {  	[sflag:s8] =	ssyncset.done $0x0  }
0xb3: {  	[sflag:s8] =	ssyncadd.s32 $0xFFFFFF80  }
0xb4: {  	_ =	swait.ge [sflag:s8], $0x80  }
0xb5: {  	[sflag:s8] =	ssyncset.done $0x0  }
0xb6: {  	[sflag:s8] =	ssyncadd.s32 $0xFFFFFF80  }
0xb7: {  	_ =	swait.ge [sflag:s8], $0x80  }
0xb8: {  	[sflag:s8] =	ssyncset.done $0x0  }
0xb9: {  	[sflag:s8] =	ssyncadd.s32 $0xFFFFFF80  }
0xba: {  	_ =	swait.ge [sflag:s8], $0x80  }
0xbb: {  	[sflag:s8] =	ssyncset.done $0x0  }
0xbc: {  	[sflag:s8] =	ssyncadd.s32 $0xFFFFFF80  }
0xbd: {  	_ =	swait.ge [sflag:s8], $0x80  }
0xbe: {  	[sflag:s8] =	ssyncset.done $0x0  }
0xbf: {  	[sflag:s8] =	ssyncadd.s32 $0xFFFFFF80  }
0xc0: {  	_ =	swait.ge [sflag:s8], $0x80  }
0xc1: {  	[sflag:s8] =	ssyncset.done $0x0  }
0xc2: {  	[sflag:s8] =	ssyncadd.s32 $0xFFFFFF80  }
0xc3: {  	_ =	swait.ge [sflag:s8], $0x80  }
0xc4: {  	[sflag:s8] =	ssyncset.done $0x0  }
0xc5: {  	s16 =	simm.s32 $0x0;
	[sflag:s8] =	ssyncadd.s32 $0xFFFFFF80  }
0xc6: {  	v0 =	vld [tilespmem:s16+$0x400]  }
0xc7: {  	v1 =	vld [tilespmem:s16+$0xC00]  }
0xc8: {  	v2 =	vld [tilespmem:s16+$0x480]  }
0xc9: {  	v3 =	vld [tilespmem:s16+$0xC80]  }
0xca: {  	v4 =	vld [tilespmem:s16+$0x500]  }
0xcb: {  	v5 =	vld [tilespmem:s16+$0xD00]  }
0xcc: {  	v6 =	vld [tilespmem:s16+$0x580]  }
0xcd: {  	v7 =	vld [tilespmem:s16+$0xD80]  }
0xce: {  	v8 =	vld [tilespmem:s16+$0x600]  }
0xcf: {  	v9 =	vld [tilespmem:s16+$0xE00]  }
0xd0: {  	v10 =	vld [tilespmem:s16+$0x680]  }
0xd1: {  	v11 =	vld [tilespmem:s16+$0xE80];
	v0 =	vmul.f32 v1, v0  }
0xd2: {  	v12 =	vld [tilespmem:s16+$0x700]  }
0xd3: {  	v13 =	vld [tilespmem:s16+$0x780];
	v2 =	vmul.f32 v3, v2;
	v0 =	vadd.f32 $0.0e+00, v0  }
0xd4: {  	v14 =	vld [tilespmem:s16+$0x800]  }
0xd5: {  	v54 =	vld [tilespmem:s16+$0x980];
	v0 =	vadd.f32 v2, v0;
	v2 =	vmul.f32 v5, v4  }
0xd6: {  	v55 =	vld [tilespmem:s16+$0x1180]  }
0xd7: {  	v56 =	vld [tilespmem:s16+$0xA00];
	v0 =	vadd.f32 v2, v0;
	v2 =	vmul.f32 v7, v6  }
0xd8: {  	v1 =	vld [tilespmem:s16+$0xF00]  }
0xd9: {  	v57 =	vld [tilespmem:s16+$0xA80];
	v0 =	vadd.f32 v2, v0;
	v2 =	vmul.f32 v9, v8  }
0xda: {  	v3 =	vld [tilespmem:s16+$0xF80]  }
0xdb: {  	v58 =	vld [tilespmem:s16+$0xB00];
	v0 =	vadd.f32 v2, v0;
	v2 =	vmul.f32 v11, v10  }
0xdc: {  	v4 =	vld [tilespmem:s16+$0x1000]  }
0xdd: {  	v5 =	vld [tilespmem:s16+$0x880];
	v1 =	vmul.f32 v1, v12;
	v0 =	vadd.f32 v2, v0  }
0xde: {  	v6 =	vld [tilespmem:s16+$0x1080]  }
0xdf: {  	v7 =	vld [tilespmem:s16+$0x900];
	v0 =	vadd.f32 v1, v0;
	v1 =	vmul.f32 v3, v13  }
0xe0: {  	v8 =	vld [tilespmem:s16+$0x1100]  }
0xe1: {  	s15 =	simm.s32 $0x10;
	v59 =	vld [tilespmem:s16+$0xB80];
	v0 =	vadd.f32 v1, v0;
	v1 =	vmul.f32 v4, v14  }
0xe2: {  	v60 =	vld [tilespmem:s15+$0xC80]  }
0xe3: {  	v61 =	vld [tilespmem:s15+$0x500];
	v0 =	vadd.f32 v1, v0;
	v1 =	vmul.f32 v6, v5  }
0xe4: {  	v2 =	vld [tilespmem:s16+$0x1200]  }
0xe5: {  	v3 =	vld [tilespmem:s16+$0x1280];
	v0 =	vadd.f32 v1, v0;
	v1 =	vmul.f32 v8, v7  }
0xe6: {  	v6 =	vld [tilespmem:s15+$0x400]  }
0xe7: {  	v7 =	vld [tilespmem:s15+$0xC00];
	v0 =	vadd.f32 v1, v0;
	v1 =	vmul.f32 v55, v54  }
0xe8: {  	v4 =	vld [tilespmem:s16+$0x1300]  }
0xe9: {  	v8 =	vld [tilespmem:s15+$0x480];
	v0 =	vadd.f32 v1, v0;
	v1 =	vmul.f32 v2, v56  }
0xea: {  	v5 =	vld [tilespmem:s16+$0x1380]  }
0xeb: {  	v2 =	vld [tilespmem:s15+$0xD00];
	v0 =	vadd.f32 v1, v0;
	v1 =	vmul.f32 v3, v57  }
0xec: {  	v6 =	vmul.f32 v7, v6;
	v7 =	vld [tilespmem:s15+$0x580]  }
0xed: {  	v3 =	vld [tilespmem:s15+$0xD80];
	v0 =	vadd.f32 v1, v0;
	v1 =	vmul.f32 v4, v58  }
0xee: {  	v62 =	vld [tilespmem:s15+$0x600];
	v8 =	vmul.f32 v60, v8;
	v6 =	vadd.f32 $0.0e+00, v6  }
0xef: {  	v5 =	vmul.f32 v5, v59;
	v4 =	vld [tilespmem:s15+$0xE00];
	v0 =	vadd.f32 v1, v0  }
0xf0: {  	v6 =	vadd.f32 v8, v6;
	v2 =	vmul.f32 v2, v61;
	v8 =	vld [tilespmem:s15+$0x680]  }
0xf1: {  	v1 =	vld [tilespmem:s15+$0xE80];
	v0 =	vadd.f32 v5, v0  }
0xf2: {  	v2 =	vadd.f32 v2, v6;
	v3 =	vmul.f32 v3, v7;
	v6 =	vld [tilespmem:s15+$0x700]  }
0xf3: {  	v7 =	vld [tilespmem:s15+$0xF00];
	v0 =	vsub.f32 $0.0e+00, v0  }
0xf4: {  	v5 =	vld [tilespmem:s15+$0xF80];
	v2 =	vadd.f32 v3, v2;
	v3 =	vmul.f32 v4, v62  }
0xf5: {  	v4 =	vld [tilespmem:s15+$0x780];
	v0 =	vmul.f32 $1.442695020e+00, v0  }
0xf6: {  	v2 =	vadd.f32 v3, v2;
	v1 =	vmul.f32 v1, v8;
	v3 =	vld [tilespmem:s15+$0x800]  }
0xf7: {  	v8 =	vld [tilespmem:s15+$0x1000];
	(erf) = vpow2.f32 v0  }
0xf8: {  	v1 =	vadd.f32 v1, v2;
	v2 =	vmul.f32 v7, v6;
	v6 =	vld [tilespmem:s15+$0x880]  }
0xf9: {  	v7 =	vld [tilespmem:s15+$0x1080]  }
0xfa: {  	v0 =	vadd.f32 v2, v1;
	v1 =	vmul.f32 v5, v4;
	v2 =	vld [tilespmem:s15+$0x900]  }
0xfb: {  	v4 =	vld [tilespmem:s15+$0x1100]  }
0xfc: {  	v0 =	vadd.f32 v1, v0;
	v1 =	vmul.f32 v8, v3;
	_ =	sdelay $0x1  }
0xfd: {  	v0 =	vadd.f32 v1, v0;
	v1 =	vmul.f32 v7, v6;
	_ =	sdelay $0x1  }
0xfe: {  	v0 =	vadd.f32 v1, v0;
	v1 =	vmul.f32 v4, v2;
	v4 =	vpop (erf)  }
0xff: {  	v5 =	vld [tilespmem:s15+$0x1180];
	v4 =	vadd.f32 $1.000000000e+00, v4  }
0x100: {  	v3 =	vld [tilespmem:s15+$0x980]  }
0x101: {  	v6 =	vld [tilespmem:s15+$0xA00];
	(erf) = vrcp.f32 v4  }
0x102: {  	v7 =	vld [tilespmem:s15+$0x1200]  }
0x103: {  	v63 =	vld [tilespmem:s15+$0x1280]  }
0x104: {  	v8 =	vld [tilespmem:s15+$0xA80]  }
0x105: {  	v2 =	vmul.f32 v5, v3;
	v3 =	vld [tilespmem:s15+$0x1300];
	v0 =	vadd.f32 v1, v0  }
0x106: {  	v1 =	vld [tilespmem:s15+$0xB00]  }
0x107: {  	v7 =	vmul.f32 v7, v6;
	v5 =	vadd.f32 v2, v0;
	v0 =	vld [tilespmem:s15+$0xB80]  }
0x108: {  	s18 =	simm.s32 $0x20;
	v2 =	vld [tilespmem:s15+$0x1380]  }
0x109: {  	s17 =	simm.s32 $0xC0;
	v6 =	vld [tilespmem:s18+$0x400];
	v4 =	vadd.f32 v7, v5;
	v5 =	vmul.f32 v63, v8  }
.LBB2_2:
0x10a: {  	p0 =	sne.s32 s17, $0x1C0;
	v7 =	vld [tilespmem:s18+$0xC00];
	v8 =	vpop (erf)  }
0x10b: {  	v9 =	vld [tilespmem:s18+$0x480];
	v4 =	vadd.f32 v5, v4;
	v1 =	vmul.f32 v3, v1;
	[tilespmem:s16+$0x1400] =	vst v8;
	s16 =	smov.u32 s15;
	s15 =	smov.u32 s18  }
0x10c: {  	v3 =	vld [tilespmem:s15+$0xC80]  }
0x10d: {  	v5 =	vld [tilespmem:s15+$0x500];
	v1 =	vadd.f32 v1, v4;
	v0 =	vmul.f32 v2, v0  }
0x10e: {  	v2 =	vld [tilespmem:s15+$0xD00]  }
0x10f: {  	v4 =	vmul.f32 v7, v6;
	v6 =	vld [tilespmem:s15+$0x580];
	v0 =	vadd.f32 v0, v1  }
0x110: {  	v1 =	vld [tilespmem:s15+$0xD80]  }
0x111: {  	v4 =	vadd.f32 $0.0e+00, v4;
	v3 =	vmul.f32 v3, v9;
	v7 =	vld [tilespmem:s15+$0x600];
	v0 =	vsub.f32 $0.0e+00, v0  }
0x112: {  	v8 =	vld [tilespmem:s15+$0xE00]  }
0x113: {  	v3 =	vadd.f32 v3, v4;
	v2 =	vmul.f32 v2, v5;
	v4 =	vld [tilespmem:s15+$0x680];
	v0 =	vmul.f32 $1.442695020e+00, v0  }
0x114: {  	v5 =	vld [tilespmem:s15+$0xE80]  }
0x115: {  	v2 =	vadd.f32 v2, v3;
	v1 =	vmul.f32 v1, v6;
	v3 =	vld [tilespmem:s15+$0x700];
	(erf) = vpow2.f32 v0  }
0x116: {  	v0 =	vld [tilespmem:s15+$0xF00]  }
0x117: {  	v1 =	vadd.f32 v1, v2;
	v2 =	vmul.f32 v8, v7;
	v6 =	vld [tilespmem:s15+$0x780]  }
0x118: {  	v7 =	vld [tilespmem:s15+$0xF80]  }
0x119: {  	v1 =	vadd.f32 v2, v1;
	v2 =	vmul.f32 v5, v4;
	v4 =	vld [tilespmem:s15+$0x800]  }
0x11a: {  	v5 =	vld [tilespmem:s15+$0x1000]  }
0x11b: {  	v1 =	vadd.f32 v2, v1;
	v0 =	vmul.f32 v0, v3;
	v2 =	vld [tilespmem:s15+$0x880]  }
0x11c: {  	v3 =	vld [tilespmem:s15+$0x1080]  }
0x11d: {  	v0 =	vadd.f32 v0, v1;
	v1 =	vmul.f32 v7, v6;
	v6 =	vld [tilespmem:s15+$0x900]  }
0x11e: {  	v7 =	vld [tilespmem:s15+$0x1100];
	v8 =	vpop (erf)  }
0x11f: {  	v0 =	vadd.f32 v1, v0;
	v1 =	vmul.f32 v5, v4;
	v4 =	vld [tilespmem:s15+$0x980];
	v5 =	vadd.f32 $1.000000000e+00, v8  }
0x120: {  	v8 =	vld [tilespmem:s15+$0x1180]  }
0x121: {  	v0 =	vadd.f32 v1, v0;
	v1 =	vmul.f32 v3, v2;
	v2 =	vld [tilespmem:s15+$0xA00];
	(erf) = vrcp.f32 v5  }
0x122: {  	v5 =	vld [tilespmem:s15+$0x1200]  }
0x123: {  	v0 =	vadd.f32 v1, v0;
	v1 =	vmul.f32 v7, v6;
	v7 =	vld [tilespmem:s15+$0xA80]  }
0x124: {  	v9 =	vld [tilespmem:s15+$0x1280]  }
.Ltmp0:
0x125: {  	v0 =	vadd.f32 v1, v0;
	v4 =	vmul.f32 v8, v4;
	v1 =	vld [tilespmem:s15+$0xB00];
	(pc) =	sbr.rel @p0 .LBB2_2-.Ltmp0, $4  }
0x126: {  	v3 =	vld [tilespmem:s15+$0x1300]  }
0x127: {  	v4 =	vadd.f32 v4, v0;
	v5 =	vmul.f32 v5, v2;
	v0 =	vld [tilespmem:s15+$0xB80]  }
0x128: {  	s18 =	sshra.s32 s17, $0x2;
	v2 =	vld [tilespmem:s15+$0x1380]  }
0x129: {  	s17 =	sadd.s32 $0x40, s17;
	v6 =	vld [tilespmem:s18+$0x400];
	v4 =	vadd.f32 v5, v4;
	v5 =	vmul.f32 v9, v7  }
0x12a: {  	v7 =	vld [tilespmem:s18+$0xC00];
	v8 =	vpop (erf)  }
0x12b: {  	v9 =	vld [tilespmem:s18+$0x480];
	[tilespmem:s16+$0x1400] =	vst v8  }
0x12c: {  	v8 =	vld [tilespmem:s18+$0xC80]  }
0x12d: {  	v10 =	vld [tilespmem:s18+$0x500]  }
0x12e: {  	v11 =	vld [tilespmem:s18+$0xD00]  }
0x12f: {  	v12 =	vld [tilespmem:s18+$0xD80];
	v6 =	vmul.f32 v7, v6  }
0x130: {  	v7 =	vld [tilespmem:s18+$0x580]  }
0x131: {  	v39 =	vld [tilespmem:s18+$0x600];
	v6 =	vadd.f32 $0.0e+00, v6;
	v8 =	vmul.f32 v8, v9  }
0x132: {  	v13 =	vld [tilespmem:s18+$0xE00]  }
0x133: {  	v40 =	vld [tilespmem:s18+$0x680];
	v6 =	vadd.f32 v8, v6;
	v8 =	vmul.f32 v11, v10  }
0x134: {  	v41 =	vld [tilespmem:s18+$0xE80]  }
0x135: {  	v42 =	vld [tilespmem:s18+$0xF00];
	v7 =	vmul.f32 v12, v7;
	v6 =	vadd.f32 v8, v6  }
0x136: {  	v8 =	vld [tilespmem:s18+$0x700]  }
0x137: {  	v43 =	vld [tilespmem:s18+$0x780];
	v6 =	vadd.f32 v7, v6;
	v7 =	vmul.f32 v13, v39  }
0x138: {  	v44 =	vld [tilespmem:s18+$0xF80]  }
0x139: {  	v45 =	vld [tilespmem:s18+$0x800];
	v6 =	vadd.f32 v7, v6;
	v7 =	vmul.f32 v41, v40  }
0x13a: {  	v46 =	vld [tilespmem:s18+$0x1000]  }
0x13b: {  	v47 =	vld [tilespmem:s18+$0x1080];
	v6 =	vadd.f32 v7, v6;
	v7 =	vmul.f32 v42, v8  }
0x13c: {  	v4 =	vadd.f32 v5, v4;
	v1 =	vmul.f32 v3, v1;
	v8 =	vld [tilespmem:s18+$0x880]  }
0x13d: {  	v48 =	vld [tilespmem:s18+$0x900];
	v6 =	vadd.f32 v7, v6;
	v7 =	vmul.f32 v44, v43  }
0x13e: {  	v3 =	vld [tilespmem:s18+$0x1100];
	v1 =	vadd.f32 v1, v4  }
0x13f: {  	v0 =	vmul.f32 v2, v0;
	v2 =	vld [tilespmem:s18+$0x1180];
	v5 =	vadd.f32 v7, v6;
	v6 =	vmul.f32 v46, v45  }
0x140: {  	v7 =	vld [tilespmem:s18+$0x980]  }
0x141: {  	v0 =	vadd.f32 v0, v1;
	v1 =	vld [tilespmem:s18+$0x1200];
	v4 =	vadd.f32 v6, v5;
	v5 =	vmul.f32 v47, v8  }
0x142: {  	v6 =	vld [tilespmem:s18+$0xA00]  }
0x143: {  	v3 =	vmul.f32 v3, v48;
	v0 =	vsub.f32 $0.0e+00, v0;
	v8 =	vld [tilespmem:s18+$0x1280];
	v4 =	vadd.f32 v5, v4  }
0x144: {  	v5 =	vld [tilespmem:s18+$0xA80]  }
0x145: {  	v0 =	vmul.f32 $1.442695020e+00, v0;
	v2 =	vmul.f32 v2, v7;
	v7 =	vld [tilespmem:s18+$0x1300];
	v3 =	vadd.f32 v3, v4  }
0x146: {  	v4 =	vld [tilespmem:s18+$0xB00]  }
0x147: {  	(erf) = vpow2.f32 v0;
	v0 =	vld [tilespmem:s18+$0x1380];
	v1 =	vmul.f32 v1, v6;
	v2 =	vadd.f32 v2, v3  }
0x148: {  	v3 =	vld [tilespmem:s18+$0xB80]  }
0x149: {  	v1 =	vadd.f32 v1, v2;
	v2 =	vmul.f32 v8, v5;
	_ =	sdelay $0x1  }
0x14a: {  	v1 =	vadd.f32 v2, v1;
	v2 =	vmul.f32 v7, v4;
	_ =	sdelay $0x1  }
0x14b: {  	v0 =	vmul.f32 v0, v3;
	v1 =	vadd.f32 v2, v1;
	_ =	sdelay $0x1  }
0x14c: {  	v0 =	vadd.f32 v0, v1;
	_ =	sdelay $0x1  }
0x14d: {  	v1 =	vpop (erf);
	v0 =	vsub.f32 $0.0e+00, v0  }
0x14e: {  	v1 =	vadd.f32 $1.000000000e+00, v1  }
0x14f: {  	v0 =	vmul.f32 $1.442695020e+00, v0  }
0x150: {  	(erf) = vrcp.f32 v1  }
0x151: {  	(erf) = vpow2.f32 v0;
	_ =	sdelay $0x7  }
0x152: {  	v0 =	vpop (erf)  }
0x153: {  	v1 =	vpop (erf)  }
0x154: {  	v1 =	vadd.f32 $1.000000000e+00, v1;
	_ =	sdelay $0x1  }
0x155: {  	(erf) = vrcp.f32 v1;
	_ =	sdelay $0x8  }
0x156: {  	[tilespmem:s15+$0x1400] =	vst v0;
	v0 =	vpop (erf)  }
0x157: {  	s17 =	rddreg [dreg:$0x5];
	[tilespmem:s18+$0x1400] =	vst v0;
	s18 =	simm.s32 $0x400  }
0x158: {  	[tilespmem:s18], [sflag:$0x1] =	stream.indirect.gather [hbm4b:s17+s7], $0x1, s7, s7, $0xb8;
	[tilespmem:$0x1600] =	vst v63  }
0x159: {  	s17 =	rddreg [dreg:$0x2];
	s18 =	simm.s32 $0xC00  }
0x15a: {  	[tilespmem:s18], [sflag:$0x1] =	stream.indirect.gather [hbm4b:s17+s7], $0x1, s9, s7, $0xb8;
	[tilespmem:$0x1600] =	vst v63  }
0x15b: {  	s17 =	rddreg [dreg:$0x6];
	s18 =	simm.s32 $0x480  }
0x15c: {  	[tilespmem:s18], [sflag:$0x1] =	stream.indirect.gather [hbm4b:s17+s7], $0x1, s7, s7, $0xb8;
	[tilespmem:$0x1600] =	vst v63  }
0x15d: {  	s17 =	rddreg [dreg:$0x8];
	s18 =	simm.s32 $0xC80  }
0x15e: {  	[tilespmem:s18], [sflag:$0x1] =	stream.indirect.gather [hbm4b:s17+s7], $0x1, s9, s7, $0xb8;
	[tilespmem:$0x1600] =	vst v63  }
0x15f: {  	s17 =	rddreg [dreg:$0x7];
	s18 =	simm.s32 $0x500  }
0x160: {  	[tilespmem:s18], [sflag:$0x1] =	stream.indirect.gather [hbm4b:s17+s7], $0x1, s7, s7, $0xb8;
	[tilespmem:$0x1600] =	vst v63  }
0x161: {  	s17 =	rddreg [dreg:$0x9];
	s18 =	simm.s32 $0xD00  }
0x162: {  	[tilespmem:s18], [sflag:$0x1] =	stream.indirect.gather [hbm4b:s17+s7], $0x1, s9, s7, $0xb8;
	[tilespmem:$0x1600] =	vst v63  }
0x163: {  	s17 =	rddreg [dreg:$0xa];
	s18 =	simm.s32 $0x580  }
0x164: {  	[tilespmem:s18], [sflag:$0x1] =	stream.indirect.gather [hbm4b:s17+s7], $0x1, s7, s7, $0xb8;
	[tilespmem:$0x1600] =	vst v63  }
0x165: {  	s17 =	rddreg [dreg:$0xb];
	s18 =	simm.s32 $0xD80  }
0x166: {  	[tilespmem:s18], [sflag:$0x1] =	stream.indirect.gather [hbm4b:s17+s7], $0x1, s9, s7, $0xb8;
	[tilespmem:$0x1600] =	vst v63  }
0x167: {  	s17 =	rddreg [dreg:$0xc];
	s18 =	simm.s32 $0x600  }
0x168: {  	[tilespmem:s18], [sflag:$0x1] =	stream.indirect.gather [hbm4b:s17+s7], $0x1, s7, s7, $0xb8;
	[tilespmem:$0x1600] =	vst v63  }
0x169: {  	s17 =	rddreg [dreg:$0xd];
	s18 =	simm.s32 $0xE00  }
0x16a: {  	[tilespmem:s18], [sflag:$0x1] =	stream.indirect.gather [hbm4b:s17+s7], $0x1, s9, s7, $0xb8;
	[tilespmem:$0x1600] =	vst v63  }
0x16b: {  	s17 =	rddreg [dreg:$0xe];
	s18 =	simm.s32 $0x680  }
0x16c: {  	[tilespmem:s18], [sflag:$0x1] =	stream.indirect.gather [hbm4b:s17+s7], $0x1, s7, s7, $0xb8;
	[tilespmem:$0x1600] =	vst v63  }
0x16d: {  	s17 =	rddreg [dreg:$0x10];
	s18 =	simm.s32 $0xE80  }
0x16e: {  	[tilespmem:s18], [sflag:$0x1] =	stream.indirect.gather [hbm4b:s17+s7], $0x1, s9, s7, $0xb8;
	[tilespmem:$0x1600] =	vst v63  }
0x16f: {  	s17 =	rddreg [dreg:$0xf];
	s18 =	simm.s32 $0x700  }
0x170: {  	[tilespmem:s18], [sflag:$0x1] =	stream.indirect.gather [hbm4b:s17+s7], $0x1, s7, s7, $0xb8;
	[tilespmem:$0x1600] =	vst v63  }
0x171: {  	s17 =	rddreg [dreg:$0x11];
	s18 =	simm.s32 $0xF00  }
0x172: {  	[tilespmem:s18], [sflag:$0x1] =	stream.indirect.gather [hbm4b:s17+s7], $0x1, s9, s7, $0xb8;
	[tilespmem:$0x1600] =	vst v63  }
0x173: {  	s17 =	rddreg [dreg:$0x12];
	s18 =	simm.s32 $0x780  }
0x174: {  	[tilespmem:s18], [sflag:$0x1] =	stream.indirect.gather [hbm4b:s17+s7], $0x1, s7, s7, $0xb8;
	[tilespmem:$0x1600] =	vst v63  }
0x175: {  	s16 =	rddreg [dreg:$0x13];
	s17 =	simm.s32 $0xF80  }
0x176: {  	[tilespmem:s17], [sflag:$0x1] =	stream.indirect.gather [hbm4b:s16+s7], $0x1, s9, s7, $0xb8;
	[tilespmem:$0x1600] =	vst v63  }
0x177: {  	s18 =	simm.s32 $0x800  }
0x178: {  	[tilespmem:s18], [sflag:$0x1] =	stream.indirect.gather [hbm4b:s19+s7], $0x1, s7, s7, $0xb8;
	[tilespmem:$0x1600] =	vst v63  }
0x179: {  	s16 =	simm.s32 $0x1000  }
0x17a: {  	[tilespmem:s16], [sflag:$0x1] =	stream.indirect.gather [hbm4b:s20+s7], $0x1, s9, s7, $0xb8;
	[tilespmem:$0x1600] =	vst v63  }
0x17b: {  	s17 =	simm.s32 $0x880  }
0x17c: {  	[tilespmem:s17], [sflag:$0x1] =	stream.indirect.gather [hbm4b:s21+s7], $0x1, s7, s7, $0xb8;
	[tilespmem:$0x1600] =	vst v63  }
0x17d: {  	s18 =	simm.s32 $0x1080  }
0x17e: {  	[tilespmem:s18], [sflag:$0x1] =	stream.indirect.gather [hbm4b:s22+s7], $0x1, s9, s7, $0xb8;
	[tilespmem:$0x1600] =	vst v63  }
0x17f: {  	s16 =	simm.s32 $0x900  }
0x180: {  	[tilespmem:s16], [sflag:$0x1] =	stream.indirect.gather [hbm4b:s23+s7], $0x1, s7, s7, $0xb8;
	[tilespmem:$0x1600] =	vst v63  }
0x181: {  	s17 =	simm.s32 $0x1100  }
0x182: {  	[tilespmem:s17], [sflag:$0x1] =	stream.indirect.gather [hbm4b:s24+s7], $0x1, s9, s7, $0xb8;
	[tilespmem:$0x1600] =	vst v63  }
0x183: {  	s18 =	simm.s32 $0x980  }
0x184: {  	[tilespmem:s18], [sflag:$0x1] =	stream.indirect.gather [hbm4b:s26+s7], $0x1, s7, s7, $0xb8;
	[tilespmem:$0x1600] =	vst v63  }
0x185: {  	s16 =	simm.s32 $0x1180  }
0x186: {  	[tilespmem:s16], [sflag:$0x1] =	stream.indirect.gather [hbm4b:s28+s7], $0x1, s9, s7, $0xb8;
	[tilespmem:$0x1600] =	vst v63  }
0x187: {  	s17 =	simm.s32 $0xA00  }
0x188: {  	[tilespmem:s17], [sflag:$0x1] =	stream.indirect.gather [hbm4b:s30+s7], $0x1, s7, s7, $0xb8;
	[tilespmem:$0x1600] =	vst v63  }
0x189: {  	s18 =	simm.s32 $0x1200  }
0x18a: {  	[tilespmem:s18], [sflag:$0x1] =	stream.indirect.gather [hbm4b:s31+s7], $0x1, s9, s7, $0xb8;
	[tilespmem:$0x1600] =	vst v63  }
0x18b: {  	s16 =	simm.s32 $0xA80  }
0x18c: {  	[tilespmem:s16], [sflag:$0x1] =	stream.indirect.gather [hbm4b:s3+s7], $0x1, s7, s7, $0xb8;
	[tilespmem:$0x1600] =	vst v63  }
0x18d: {  	s17 =	simm.s32 $0x1280  }
0x18e: {  	[tilespmem:s17], [sflag:$0x1] =	stream.indirect.gather [hbm4b:s25+s7], $0x1, s9, s7, $0xb8;
	[tilespmem:$0x1600] =	vst v63  }
0x18f: {  	s18 =	simm.s32 $0xB00  }
0x190: {  	[tilespmem:s18], [sflag:$0x1] =	stream.indirect.gather [hbm4b:s0+s7], $0x1, s7, s7, $0xb8;
	[tilespmem:$0x1600] =	vst v63  }
0x191: {  	s16 =	simm.s32 $0x1300  }
0x192: {  	[tilespmem:s16], [sflag:$0x1] =	stream.indirect.gather [hbm4b:s29+s7], $0x1, s9, s7, $0xb8;
	[tilespmem:$0x1600] =	vst v63  }
0x193: {  	s17 =	simm.s32 $0xB80  }
0x194: {  	[tilespmem:s17], [sflag:$0x1] =	stream.indirect.gather [hbm4b:s1+s7], $0x1, s7, s7, $0xb8;
	[tilespmem:$0x1600] =	vst v63  }
0x195: {  	s18 =	simm.s32 $0x1380  }
0x196: {  	[tilespmem:s18], [sflag:$0x1] =	stream.indirect.gather [hbm4b:s4+s7], $0x1, s9, s7, $0xb8;
	[tilespmem:$0x1600] =	vst v63  }
0x197: {  	_ =	swait.ge [sflag:s8], $0x80  }
0x198: {  	[sflag:s8] =	ssyncset.done $0x0  }
0x199: {  	[sflag:s8] =	ssyncadd.s32 $0xFFFFFF80  }
0x19a: {  	_ =	swait.ge [sflag:s8], $0x80  }
0x19b: {  	[sflag:s8] =	ssyncset.done $0x0  }
0x19c: {  	[sflag:s8] =	ssyncadd.s32 $0xFFFFFF80  }
0x19d: {  	_ =	swait.ge [sflag:s8], $0x80  }
0x19e: {  	[sflag:s8] =	ssyncset.done $0x0  }
0x19f: {  	[sflag:s8] =	ssyncadd.s32 $0xFFFFFF80  }
0x1a0: {  	_ =	swait.ge [sflag:s8], $0x80  }
0x1a1: {  	[sflag:s8] =	ssyncset.done $0x0  }
0x1a2: {  	[sflag:s8] =	ssyncadd.s32 $0xFFFFFF80  }
0x1a3: {  	_ =	swait.ge [sflag:s8], $0x80  }
0x1a4: {  	[sflag:s8] =	ssyncset.done $0x0  }
0x1a5: {  	[sflag:s8] =	ssyncadd.s32 $0xFFFFFF80  }
0x1a6: {  	_ =	swait.ge [sflag:s8], $0x80  }
0x1a7: {  	[sflag:s8] =	ssyncset.done $0x0  }
0x1a8: {  	[sflag:s8] =	ssyncadd.s32 $0xFFFFFF80  }
0x1a9: {  	_ =	swait.ge [sflag:s8], $0x80  }
0x1aa: {  	[sflag:s8] =	ssyncset.done $0x0  }
0x1ab: {  	[sflag:s8] =	ssyncadd.s32 $0xFFFFFF80  }
0x1ac: {  	_ =	swait.ge [sflag:s8], $0x80  }
0x1ad: {  	[sflag:s8] =	ssyncset.done $0x0  }
0x1ae: {  	[sflag:s8] =	ssyncadd.s32 $0xFFFFFF80  }
0x1af: {  	_ =	swait.ge [sflag:s8], $0x80  }
0x1b0: {  	[sflag:s8] =	ssyncset.done $0x0  }
0x1b1: {  	[sflag:s8] =	ssyncadd.s32 $0xFFFFFF80  }
0x1b2: {  	_ =	swait.ge [sflag:s8], $0x80  }
0x1b3: {  	[sflag:s8] =	ssyncset.done $0x0  }
0x1b4: {  	[sflag:s8] =	ssyncadd.s32 $0xFFFFFF80  }
0x1b5: {  	_ =	swait.ge [sflag:s8], $0x80  }
0x1b6: {  	[sflag:s8] =	ssyncset.done $0x0  }
0x1b7: {  	[sflag:s8] =	ssyncadd.s32 $0xFFFFFF80  }
0x1b8: {  	_ =	swait.ge [sflag:s8], $0x80  }
0x1b9: {  	[sflag:s8] =	ssyncset.done $0x0  }
0x1ba: {  	[sflag:s8] =	ssyncadd.s32 $0xFFFFFF80  }
0x1bb: {  	_ =	swait.ge [sflag:s8], $0x80  }
0x1bc: {  	[sflag:s8] =	ssyncset.done $0x0  }
0x1bd: {  	[sflag:s8] =	ssyncadd.s32 $0xFFFFFF80  }
0x1be: {  	_ =	swait.ge [sflag:s8], $0x80  }
0x1bf: {  	[sflag:s8] =	ssyncset.done $0x0  }
0x1c0: {  	[sflag:s8] =	ssyncadd.s32 $0xFFFFFF80  }
0x1c1: {  	_ =	swait.ge [sflag:s8], $0x80  }
0x1c2: {  	[sflag:s8] =	ssyncset.done $0x0  }
0x1c3: {  	[sflag:s8] =	ssyncadd.s32 $0xFFFFFF80  }
0x1c4: {  	_ =	swait.ge [sflag:s8], $0x80  }
0x1c5: {  	[sflag:s8] =	ssyncset.done $0x0  }
0x1c6: {  	[sflag:s8] =	ssyncadd.s32 $0xFFFFFF80  }
0x1c7: {  	_ =	swait.ge [sflag:s8], $0x80  }
0x1c8: {  	[sflag:s8] =	ssyncset.done $0x0  }
0x1c9: {  	[sflag:s8] =	ssyncadd.s32 $0xFFFFFF80  }
0x1ca: {  	_ =	swait.ge [sflag:s8], $0x80  }
0x1cb: {  	[sflag:s8] =	ssyncset.done $0x0  }
0x1cc: {  	[sflag:s8] =	ssyncadd.s32 $0xFFFFFF80  }
0x1cd: {  	_ =	swait.ge [sflag:s8], $0x80  }
0x1ce: {  	[sflag:s8] =	ssyncset.done $0x0  }
0x1cf: {  	[sflag:s8] =	ssyncadd.s32 $0xFFFFFF80  }
0x1d0: {  	_ =	swait.ge [sflag:s8], $0x80  }
0x1d1: {  	[sflag:s8] =	ssyncset.done $0x0  }
0x1d2: {  	[sflag:s8] =	ssyncadd.s32 $0xFFFFFF80  }
0x1d3: {  	_ =	swait.ge [sflag:s8], $0x80  }
0x1d4: {  	[sflag:s8] =	ssyncset.done $0x0  }
0x1d5: {  	[sflag:s8] =	ssyncadd.s32 $0xFFFFFF80  }
0x1d6: {  	_ =	swait.ge [sflag:s8], $0x80  }
0x1d7: {  	[sflag:s8] =	ssyncset.done $0x0  }
0x1d8: {  	[sflag:s8] =	ssyncadd.s32 $0xFFFFFF80  }
0x1d9: {  	_ =	swait.ge [sflag:s8], $0x80  }
0x1da: {  	[sflag:s8] =	ssyncset.done $0x0  }
0x1db: {  	[sflag:s8] =	ssyncadd.s32 $0xFFFFFF80  }
0x1dc: {  	_ =	swait.ge [sflag:s8], $0x80  }
0x1dd: {  	[sflag:s8] =	ssyncset.done $0x0  }
0x1de: {  	[sflag:s8] =	ssyncadd.s32 $0xFFFFFF80  }
0x1df: {  	_ =	swait.ge [sflag:s8], $0x80  }
0x1e0: {  	[sflag:s8] =	ssyncset.done $0x0  }
0x1e1: {  	[sflag:s8] =	ssyncadd.s32 $0xFFFFFF80  }
0x1e2: {  	_ =	swait.ge [sflag:s8], $0x80  }
0x1e3: {  	[sflag:s8] =	ssyncset.done $0x0  }
0x1e4: {  	[sflag:s8] =	ssyncadd.s32 $0xFFFFFF80  }
0x1e5: {  	_ =	swait.ge [sflag:s8], $0x80  }
0x1e6: {  	[sflag:s8] =	ssyncset.done $0x0  }
0x1e7: {  	[sflag:s8] =	ssyncadd.s32 $0xFFFFFF80  }
0x1e8: {  	_ =	swait.ge [sflag:s8], $0x80  }
0x1e9: {  	[sflag:s8] =	ssyncset.done $0x0  }
0x1ea: {  	[sflag:s8] =	ssyncadd.s32 $0xFFFFFF80  }
0x1eb: {  	_ =	swait.ge [sflag:s8], $0x80  }
0x1ec: {  	[sflag:s8] =	ssyncset.done $0x0  }
0x1ed: {  	[sflag:s8] =	ssyncadd.s32 $0xFFFFFF80  }
0x1ee: {  	_ =	swait.ge [sflag:s8], $0x80  }
0x1ef: {  	[sflag:s8] =	ssyncset.done $0x0  }
0x1f0: {  	[sflag:s8] =	ssyncadd.s32 $0xFFFFFF80  }
0x1f1: {  	_ =	swait.ge [sflag:s8], $0x80  }
0x1f2: {  	[sflag:s8] =	ssyncset.done $0x0  }
0x1f3: {  	[sflag:s8] =	ssyncadd.s32 $0xFFFFFF80  }
0x1f4: {  	_ =	swait.ge [sflag:s8], $0x80  }
0x1f5: {  	[sflag:s8] =	ssyncset.done $0x0  }
0x1f6: {  	s16 =	simm.s32 $0x80;
	[sflag:s8] =	ssyncadd.s32 $0xFFFFFF80  }
0x1f7: {  	v0 =	vld [tilespmem:s16+$0x380]  }
0x1f8: {  	v1 =	vld [tilespmem:s16+$0xB80]  }
0x1f9: {  	v2 =	vld [tilespmem:s16+$0x400]  }
0x1fa: {  	v3 =	vld [tilespmem:s16+$0xC00]  }
0x1fb: {  	v4 =	vld [tilespmem:s16+$0x480]  }
0x1fc: {  	v5 =	vld [tilespmem:s16+$0xC80]  }
0x1fd: {  	v6 =	vld [tilespmem:s16+$0x500]  }
0x1fe: {  	v7 =	vld [tilespmem:s16+$0xD00]  }
0x1ff: {  	v8 =	vld [tilespmem:s16+$0x580]  }
0x200: {  	v49 =	vld [tilespmem:s16+$0xD80]  }
0x201: {  	v50 =	vld [tilespmem:s16+$0x600]  }
0x202: {  	v51 =	vld [tilespmem:s16+$0xE00];
	v0 =	vmul.f32 v1, v0  }
0x203: {  	v52 =	vld [tilespmem:s16+$0x680]  }
0x204: {  	v53 =	vld [tilespmem:s16+$0x700];
	v2 =	vmul.f32 v3, v2;
	v0 =	vadd.f32 $0.0e+00, v0  }
0x205: {  	v14 =	vld [tilespmem:s16+$0x780]  }
0x206: {  	v54 =	vld [tilespmem:s16+$0x900];
	v0 =	vadd.f32 v2, v0;
	v2 =	vmul.f32 v5, v4  }
0x207: {  	v55 =	vld [tilespmem:s16+$0x1100]  }
0x208: {  	v56 =	vld [tilespmem:s16+$0x980];
	v0 =	vadd.f32 v2, v0;
	v2 =	vmul.f32 v7, v6  }
0x209: {  	v1 =	vld [tilespmem:s16+$0xE80]  }
0x20a: {  	v57 =	vld [tilespmem:s16+$0xA00];
	v0 =	vadd.f32 v2, v0;
	v2 =	vmul.f32 v49, v8  }
0x20b: {  	v3 =	vld [tilespmem:s16+$0xF00]  }
0x20c: {  	v58 =	vld [tilespmem:s16+$0xA80];
	v0 =	vadd.f32 v2, v0;
	v2 =	vmul.f32 v51, v50  }
0x20d: {  	v4 =	vld [tilespmem:s16+$0xF80]  }
0x20e: {  	v5 =	vld [tilespmem:s16+$0x800];
	v1 =	vmul.f32 v1, v52;
	v0 =	vadd.f32 v2, v0  }
0x20f: {  	v6 =	vld [tilespmem:s16+$0x1000]  }
0x210: {  	v7 =	vld [tilespmem:s16+$0x880];
	v0 =	vadd.f32 v1, v0;
	v1 =	vmul.f32 v3, v53  }
0x211: {  	v8 =	vld [tilespmem:s16+$0x1080]  }
0x212: {  	s15 =	simm.s32 $0x90;
	v59 =	vld [tilespmem:s16+$0xB00];
	v0 =	vadd.f32 v1, v0;
	v1 =	vmul.f32 v4, v14  }
0x213: {  	v60 =	vld [tilespmem:s15+$0xC00]  }
0x214: {  	v61 =	vld [tilespmem:s15+$0x480];
	v0 =	vadd.f32 v1, v0;
	v1 =	vmul.f32 v6, v5  }
0x215: {  	v2 =	vld [tilespmem:s16+$0x1180]  }
0x216: {  	v3 =	vld [tilespmem:s16+$0x1200];
	v0 =	vadd.f32 v1, v0;
	v1 =	vmul.f32 v8, v7  }
0x217: {  	v6 =	vld [tilespmem:s15+$0x380]  }
0x218: {  	v7 =	vld [tilespmem:s15+$0xB80];
	v0 =	vadd.f32 v1, v0;
	v1 =	vmul.f32 v55, v54  }
0x219: {  	v4 =	vld [tilespmem:s16+$0x1280]  }
0x21a: {  	v8 =	vld [tilespmem:s15+$0x400];
	v0 =	vadd.f32 v1, v0;
	v1 =	vmul.f32 v2, v56  }
0x21b: {  	v5 =	vld [tilespmem:s16+$0x1300]  }
0x21c: {  	v2 =	vld [tilespmem:s15+$0xC80];
	v0 =	vadd.f32 v1, v0;
	v1 =	vmul.f32 v3, v57  }
0x21d: {  	v6 =	vmul.f32 v7, v6;
	v7 =	vld [tilespmem:s15+$0x500]  }
0x21e: {  	v3 =	vld [tilespmem:s15+$0xD00];
	v0 =	vadd.f32 v1, v0;
	v1 =	vmul.f32 v4, v58  }
0x21f: {  	v62 =	vld [tilespmem:s15+$0x580];
	v8 =	vmul.f32 v60, v8;
	v6 =	vadd.f32 $0.0e+00, v6  }
0x220: {  	v5 =	vmul.f32 v5, v59;
	v4 =	vld [tilespmem:s15+$0xD80];
	v0 =	vadd.f32 v1, v0  }
0x221: {  	v6 =	vadd.f32 v8, v6;
	v2 =	vmul.f32 v2, v61;
	v8 =	vld [tilespmem:s15+$0x600]  }
0x222: {  	v1 =	vld [tilespmem:s15+$0xE00];
	v0 =	vadd.f32 v5, v0  }
0x223: {  	v2 =	vadd.f32 v2, v6;
	v3 =	vmul.f32 v3, v7;
	v6 =	vld [tilespmem:s15+$0x680]  }
0x224: {  	v7 =	vld [tilespmem:s15+$0xE80];
	v0 =	vsub.f32 $0.0e+00, v0  }
0x225: {  	v5 =	vld [tilespmem:s15+$0xF00];
	v2 =	vadd.f32 v3, v2;
	v3 =	vmul.f32 v4, v62  }
0x226: {  	v4 =	vld [tilespmem:s15+$0x700];
	v0 =	vmul.f32 $1.442695020e+00, v0  }
0x227: {  	v2 =	vadd.f32 v3, v2;
	v1 =	vmul.f32 v1, v8;
	v3 =	vld [tilespmem:s15+$0x780]  }
0x228: {  	v8 =	vld [tilespmem:s15+$0xF80];
	(erf) = vpow2.f32 v0  }
0x229: {  	v1 =	vadd.f32 v1, v2;
	v2 =	vmul.f32 v7, v6;
	v6 =	vld [tilespmem:s15+$0x800]  }
0x22a: {  	v7 =	vld [tilespmem:s15+$0x1000]  }
0x22b: {  	v0 =	vadd.f32 v2, v1;
	v1 =	vmul.f32 v5, v4;
	v2 =	vld [tilespmem:s15+$0x880]  }
0x22c: {  	v4 =	vld [tilespmem:s15+$0x1080]  }
0x22d: {  	v0 =	vadd.f32 v1, v0;
	v1 =	vmul.f32 v8, v3;
	_ =	sdelay $0x1  }
0x22e: {  	v0 =	vadd.f32 v1, v0;
	v1 =	vmul.f32 v7, v6;
	_ =	sdelay $0x1  }
0x22f: {  	v0 =	vadd.f32 v1, v0;
	v1 =	vmul.f32 v4, v2;
	v4 =	vpop (erf)  }
0x230: {  	v5 =	vld [tilespmem:s15+$0x1100];
	v4 =	vadd.f32 $1.000000000e+00, v4  }
0x231: {  	v3 =	vld [tilespmem:s15+$0x900]  }
0x232: {  	v6 =	vld [tilespmem:s15+$0x980];
	(erf) = vrcp.f32 v4  }
0x233: {  	v7 =	vld [tilespmem:s15+$0x1180]  }
0x234: {  	v63 =	vld [tilespmem:s15+$0x1200]  }
0x235: {  	v8 =	vld [tilespmem:s15+$0xA00]  }
0x236: {  	v2 =	vmul.f32 v5, v3;
	v3 =	vld [tilespmem:s15+$0x1280];
	v0 =	vadd.f32 v1, v0  }
0x237: {  	v1 =	vld [tilespmem:s15+$0xA80]  }
0x238: {  	v7 =	vmul.f32 v7, v6;
	v5 =	vadd.f32 v2, v0;
	v0 =	vld [tilespmem:s15+$0xB00]  }
0x239: {  	s18 =	simm.s32 $0xA0;
	v2 =	vld [tilespmem:s15+$0x1300]  }
0x23a: {  	s17 =	simm.s32 $0x2C0;
	v6 =	vld [tilespmem:s18+$0x380];
	v4 =	vadd.f32 v7, v5;
	v5 =	vmul.f32 v63, v8  }
.LBB2_4:
0x23b: {  	p0 =	sne.s32 s17, $0x3C0;
	v7 =	vld [tilespmem:s18+$0xB80];
	v8 =	vpop (erf)  }
0x23c: {  	v9 =	vld [tilespmem:s18+$0x400];
	v4 =	vadd.f32 v5, v4;
	v1 =	vmul.f32 v3, v1;
	[tilespmem:s16+$0x1400] =	vst v8;
	s16 =	smov.u32 s15;
	s15 =	smov.u32 s18  }
0x23d: {  	v3 =	vld [tilespmem:s15+$0xC00]  }
0x23e: {  	v5 =	vld [tilespmem:s15+$0x480];
	v1 =	vadd.f32 v1, v4;
	v0 =	vmul.f32 v2, v0  }
0x23f: {  	v2 =	vld [tilespmem:s15+$0xC80]  }
0x240: {  	v4 =	vmul.f32 v7, v6;
	v6 =	vld [tilespmem:s15+$0x500];
	v0 =	vadd.f32 v0, v1  }
0x241: {  	v1 =	vld [tilespmem:s15+$0xD00]  }
0x242: {  	v4 =	vadd.f32 $0.0e+00, v4;
	v3 =	vmul.f32 v3, v9;
	v7 =	vld [tilespmem:s15+$0x580];
	v0 =	vsub.f32 $0.0e+00, v0  }
0x243: {  	v8 =	vld [tilespmem:s15+$0xD80]  }
0x244: {  	v3 =	vadd.f32 v3, v4;
	v2 =	vmul.f32 v2, v5;
	v4 =	vld [tilespmem:s15+$0x600];
	v0 =	vmul.f32 $1.442695020e+00, v0  }
0x245: {  	v5 =	vld [tilespmem:s15+$0xE00]  }
0x246: {  	v2 =	vadd.f32 v2, v3;
	v1 =	vmul.f32 v1, v6;
	v3 =	vld [tilespmem:s15+$0x680];
	(erf) = vpow2.f32 v0  }
0x247: {  	v0 =	vld [tilespmem:s15+$0xE80]  }
0x248: {  	v1 =	vadd.f32 v1, v2;
	v2 =	vmul.f32 v8, v7;
	v6 =	vld [tilespmem:s15+$0x700]  }
0x249: {  	v7 =	vld [tilespmem:s15+$0xF00]  }
0x24a: {  	v1 =	vadd.f32 v2, v1;
	v2 =	vmul.f32 v5, v4;
	v4 =	vld [tilespmem:s15+$0x780]  }
0x24b: {  	v5 =	vld [tilespmem:s15+$0xF80]  }
0x24c: {  	v1 =	vadd.f32 v2, v1;
	v0 =	vmul.f32 v0, v3;
	v2 =	vld [tilespmem:s15+$0x800]  }
0x24d: {  	v3 =	vld [tilespmem:s15+$0x1000]  }
0x24e: {  	v0 =	vadd.f32 v0, v1;
	v1 =	vmul.f32 v7, v6;
	v6 =	vld [tilespmem:s15+$0x880]  }
0x24f: {  	v7 =	vld [tilespmem:s15+$0x1080];
	v8 =	vpop (erf)  }
0x250: {  	v0 =	vadd.f32 v1, v0;
	v1 =	vmul.f32 v5, v4;
	v4 =	vld [tilespmem:s15+$0x900];
	v5 =	vadd.f32 $1.000000000e+00, v8  }
0x251: {  	v8 =	vld [tilespmem:s15+$0x1100]  }
0x252: {  	v0 =	vadd.f32 v1, v0;
	v1 =	vmul.f32 v3, v2;
	v2 =	vld [tilespmem:s15+$0x980];
	(erf) = vrcp.f32 v5  }
0x253: {  	v5 =	vld [tilespmem:s15+$0x1180]  }
0x254: {  	v0 =	vadd.f32 v1, v0;
	v1 =	vmul.f32 v7, v6;
	v7 =	vld [tilespmem:s15+$0xA00]  }
0x255: {  	v9 =	vld [tilespmem:s15+$0x1200]  }
.Ltmp1:
0x256: {  	v0 =	vadd.f32 v1, v0;
	v4 =	vmul.f32 v8, v4;
	v1 =	vld [tilespmem:s15+$0xA80];
	(pc) =	sbr.rel @p0 .LBB2_4-.Ltmp1, $4  }
0x257: {  	v3 =	vld [tilespmem:s15+$0x1280]  }
0x258: {  	v4 =	vadd.f32 v4, v0;
	v5 =	vmul.f32 v5, v2;
	v0 =	vld [tilespmem:s15+$0xB00]  }
0x259: {  	s18 =	sshra.s32 s17, $0x2;
	v2 =	vld [tilespmem:s15+$0x1300]  }
0x25a: {  	s17 =	sadd.s32 $0x40, s17;
	v6 =	vld [tilespmem:s18+$0x380];
	v4 =	vadd.f32 v5, v4;
	v5 =	vmul.f32 v9, v7  }
0x25b: {  	v7 =	vld [tilespmem:s18+$0xB80];
	v8 =	vpop (erf)  }
0x25c: {  	v9 =	vld [tilespmem:s18+$0x400];
	[tilespmem:s16+$0x1400] =	vst v8  }
0x25d: {  	v8 =	vld [tilespmem:s18+$0xC00]  }
0x25e: {  	v10 =	vld [tilespmem:s18+$0x480]  }
0x25f: {  	v11 =	vld [tilespmem:s18+$0xC80]  }
0x260: {  	v12 =	vld [tilespmem:s18+$0xD00];
	v6 =	vmul.f32 v7, v6  }
0x261: {  	v7 =	vld [tilespmem:s18+$0x500]  }
0x262: {  	v39 =	vld [tilespmem:s18+$0x580];
	v6 =	vadd.f32 $0.0e+00, v6;
	v8 =	vmul.f32 v8, v9  }
0x263: {  	v13 =	vld [tilespmem:s18+$0xD80]  }
0x264: {  	v40 =	vld [tilespmem:s18+$0x600];
	v6 =	vadd.f32 v8, v6;
	v8 =	vmul.f32 v11, v10  }
0x265: {  	v41 =	vld [tilespmem:s18+$0xE00]  }
0x266: {  	v42 =	vld [tilespmem:s18+$0xE80];
	v7 =	vmul.f32 v12, v7;
	v6 =	vadd.f32 v8, v6  }
0x267: {  	v8 =	vld [tilespmem:s18+$0x680]  }
0x268: {  	v43 =	vld [tilespmem:s18+$0x700];
	v6 =	vadd.f32 v7, v6;
	v7 =	vmul.f32 v13, v39  }
0x269: {  	v44 =	vld [tilespmem:s18+$0xF00]  }
0x26a: {  	v45 =	vld [tilespmem:s18+$0x780];
	v6 =	vadd.f32 v7, v6;
	v7 =	vmul.f32 v41, v40  }
0x26b: {  	v46 =	vld [tilespmem:s18+$0xF80]  }
0x26c: {  	v47 =	vld [tilespmem:s18+$0x1000];
	v6 =	vadd.f32 v7, v6;
	v7 =	vmul.f32 v42, v8  }
0x26d: {  	v4 =	vadd.f32 v5, v4;
	v1 =	vmul.f32 v3, v1;
	v8 =	vld [tilespmem:s18+$0x800]  }
0x26e: {  	v48 =	vld [tilespmem:s18+$0x880];
	v6 =	vadd.f32 v7, v6;
	v7 =	vmul.f32 v44, v43  }
0x26f: {  	v3 =	vld [tilespmem:s18+$0x1080];
	v1 =	vadd.f32 v1, v4  }
0x270: {  	v0 =	vmul.f32 v2, v0;
	v2 =	vld [tilespmem:s18+$0x1100];
	v5 =	vadd.f32 v7, v6;
	v6 =	vmul.f32 v46, v45  }
0x271: {  	v7 =	vld [tilespmem:s18+$0x900]  }
0x272: {  	v0 =	vadd.f32 v0, v1;
	v1 =	vld [tilespmem:s18+$0x1180];
	v4 =	vadd.f32 v6, v5;
	v5 =	vmul.f32 v47, v8  }
0x273: {  	v6 =	vld [tilespmem:s18+$0x980]  }
0x274: {  	v3 =	vmul.f32 v3, v48;
	v0 =	vsub.f32 $0.0e+00, v0;
	v8 =	vld [tilespmem:s18+$0x1200];
	v4 =	vadd.f32 v5, v4  }
0x275: {  	v5 =	vld [tilespmem:s18+$0xA00]  }
0x276: {  	v0 =	vmul.f32 $1.442695020e+00, v0;
	v2 =	vmul.f32 v2, v7;
	v7 =	vld [tilespmem:s18+$0x1280];
	v3 =	vadd.f32 v3, v4  }
0x277: {  	v4 =	vld [tilespmem:s18+$0xA80]  }
0x278: {  	(erf) = vpow2.f32 v0;
	v0 =	vld [tilespmem:s18+$0x1300];
	v1 =	vmul.f32 v1, v6;
	v2 =	vadd.f32 v2, v3  }
0x279: {  	v3 =	vld [tilespmem:s18+$0xB00]  }
0x27a: {  	v1 =	vadd.f32 v1, v2;
	v2 =	vmul.f32 v8, v5;
	_ =	sdelay $0x1  }
0x27b: {  	v1 =	vadd.f32 v2, v1;
	v2 =	vmul.f32 v7, v4;
	_ =	sdelay $0x1  }
0x27c: {  	v0 =	vmul.f32 v0, v3;
	v1 =	vadd.f32 v2, v1;
	_ =	sdelay $0x1  }
0x27d: {  	v0 =	vadd.f32 v0, v1;
	_ =	sdelay $0x1  }
0x27e: {  	v1 =	vpop (erf);
	v0 =	vsub.f32 $0.0e+00, v0  }
0x27f: {  	v1 =	vadd.f32 $1.000000000e+00, v1  }
0x280: {  	v0 =	vmul.f32 $1.442695020e+00, v0  }
0x281: {  	(erf) = vrcp.f32 v1  }
0x282: {  	(erf) = vpow2.f32 v0;
	_ =	sdelay $0x7  }
0x283: {  	v0 =	vpop (erf)  }
0x284: {  	v1 =	vpop (erf)  }
0x285: {  	v1 =	vadd.f32 $1.000000000e+00, v1;
	_ =	sdelay $0x1  }
0x286: {  	(erf) = vrcp.f32 v1;
	_ =	sdelay $0x8  }
0x287: {  	[tilespmem:s15+$0x1400] =	vst v0;
	v0 =	vpop (erf)  }
0x288: {  	s17 =	simm.s32 $0x400;
	[tilespmem:s18+$0x1400] =	vst v0;
	s18 =	rddreg [dreg:$0x5]  }
0x289: {  	[tilespmem:s17], [sflag:$0x1] =	stream.indirect.gather [hbm4b:s18+s7], $0x1, s10, s7, $0xb8;
	[tilespmem:$0x1600] =	vst v63  }
0x28a: {  	s17 =	rddreg [dreg:$0x2];
	s18 =	simm.s32 $0xC00  }
0x28b: {  	[tilespmem:s18], [sflag:$0x1] =	stream.indirect.gather [hbm4b:s17+s7], $0x1, s11, s7, $0xb8;
	[tilespmem:$0x1600] =	vst v63  }
0x28c: {  	s17 =	rddreg [dreg:$0x6];
	s18 =	simm.s32 $0x480  }
0x28d: {  	[tilespmem:s18], [sflag:$0x1] =	stream.indirect.gather [hbm4b:s17+s7], $0x1, s10, s7, $0xb8;
	[tilespmem:$0x1600] =	vst v63  }
0x28e: {  	s17 =	rddreg [dreg:$0x8];
	s18 =	simm.s32 $0xC80  }
0x28f: {  	[tilespmem:s18], [sflag:$0x1] =	stream.indirect.gather [hbm4b:s17+s7], $0x1, s11, s7, $0xb8;
	[tilespmem:$0x1600] =	vst v63  }
0x290: {  	s17 =	rddreg [dreg:$0x7];
	s18 =	simm.s32 $0x500  }
0x291: {  	[tilespmem:s18], [sflag:$0x1] =	stream.indirect.gather [hbm4b:s17+s7], $0x1, s10, s7, $0xb8;
	[tilespmem:$0x1600] =	vst v63  }
0x292: {  	s17 =	rddreg [dreg:$0x9];
	s18 =	simm.s32 $0xD00  }
0x293: {  	[tilespmem:s18], [sflag:$0x1] =	stream.indirect.gather [hbm4b:s17+s7], $0x1, s11, s7, $0xb8;
	[tilespmem:$0x1600] =	vst v63  }
0x294: {  	s17 =	rddreg [dreg:$0xa];
	s18 =	simm.s32 $0x580  }
0x295: {  	[tilespmem:s18], [sflag:$0x1] =	stream.indirect.gather [hbm4b:s17+s7], $0x1, s10, s7, $0xb8;
	[tilespmem:$0x1600] =	vst v63  }
0x296: {  	s17 =	rddreg [dreg:$0xb];
	s18 =	simm.s32 $0xD80  }
0x297: {  	[tilespmem:s18], [sflag:$0x1] =	stream.indirect.gather [hbm4b:s17+s7], $0x1, s11, s7, $0xb8;
	[tilespmem:$0x1600] =	vst v63  }
0x298: {  	s17 =	rddreg [dreg:$0xc];
	s18 =	simm.s32 $0x600  }
0x299: {  	[tilespmem:s18], [sflag:$0x1] =	stream.indirect.gather [hbm4b:s17+s7], $0x1, s10, s7, $0xb8;
	[tilespmem:$0x1600] =	vst v63  }
0x29a: {  	s17 =	rddreg [dreg:$0xd];
	s18 =	simm.s32 $0xE00  }
0x29b: {  	[tilespmem:s18], [sflag:$0x1] =	stream.indirect.gather [hbm4b:s17+s7], $0x1, s11, s7, $0xb8;
	[tilespmem:$0x1600] =	vst v63  }
0x29c: {  	s17 =	rddreg [dreg:$0xe];
	s18 =	simm.s32 $0x680  }
0x29d: {  	[tilespmem:s18], [sflag:$0x1] =	stream.indirect.gather [hbm4b:s17+s7], $0x1, s10, s7, $0xb8;
	[tilespmem:$0x1600] =	vst v63  }
0x29e: {  	s17 =	rddreg [dreg:$0x10];
	s18 =	simm.s32 $0xE80  }
0x29f: {  	[tilespmem:s18], [sflag:$0x1] =	stream.indirect.gather [hbm4b:s17+s7], $0x1, s11, s7, $0xb8;
	[tilespmem:$0x1600] =	vst v63  }
0x2a0: {  	s17 =	rddreg [dreg:$0xf];
	s18 =	simm.s32 $0x700  }
0x2a1: {  	[tilespmem:s18], [sflag:$0x1] =	stream.indirect.gather [hbm4b:s17+s7], $0x1, s10, s7, $0xb8;
	[tilespmem:$0x1600] =	vst v63  }
0x2a2: {  	s17 =	rddreg [dreg:$0x11];
	s18 =	simm.s32 $0xF00  }
0x2a3: {  	[tilespmem:s18], [sflag:$0x1] =	stream.indirect.gather [hbm4b:s17+s7], $0x1, s11, s7, $0xb8;
	[tilespmem:$0x1600] =	vst v63  }
0x2a4: {  	s17 =	rddreg [dreg:$0x12];
	s18 =	simm.s32 $0x780  }
0x2a5: {  	[tilespmem:s18], [sflag:$0x1] =	stream.indirect.gather [hbm4b:s17+s7], $0x1, s10, s7, $0xb8;
	[tilespmem:$0x1600] =	vst v63  }
0x2a6: {  	s16 =	rddreg [dreg:$0x13];
	s17 =	simm.s32 $0xF80  }
0x2a7: {  	[tilespmem:s17], [sflag:$0x1] =	stream.indirect.gather [hbm4b:s16+s7], $0x1, s11, s7, $0xb8;
	[tilespmem:$0x1600] =	vst v63  }
0x2a8: {  	s18 =	simm.s32 $0x800  }
0x2a9: {  	[tilespmem:s18], [sflag:$0x1] =	stream.indirect.gather [hbm4b:s19+s7], $0x1, s10, s7, $0xb8;
	[tilespmem:$0x1600] =	vst v63  }
0x2aa: {  	s16 =	simm.s32 $0x1000  }
0x2ab: {  	[tilespmem:s16], [sflag:$0x1] =	stream.indirect.gather [hbm4b:s20+s7], $0x1, s11, s7, $0xb8;
	[tilespmem:$0x1600] =	vst v63  }
0x2ac: {  	s17 =	simm.s32 $0x880  }
0x2ad: {  	[tilespmem:s17], [sflag:$0x1] =	stream.indirect.gather [hbm4b:s21+s7], $0x1, s10, s7, $0xb8;
	[tilespmem:$0x1600] =	vst v63  }
0x2ae: {  	s18 =	simm.s32 $0x1080  }
0x2af: {  	[tilespmem:s18], [sflag:$0x1] =	stream.indirect.gather [hbm4b:s22+s7], $0x1, s11, s7, $0xb8;
	[tilespmem:$0x1600] =	vst v63  }
0x2b0: {  	s16 =	simm.s32 $0x900  }
0x2b1: {  	[tilespmem:s16], [sflag:$0x1] =	stream.indirect.gather [hbm4b:s23+s7], $0x1, s10, s7, $0xb8;
	[tilespmem:$0x1600] =	vst v63  }
0x2b2: {  	s17 =	simm.s32 $0x1100  }
0x2b3: {  	[tilespmem:s17], [sflag:$0x1] =	stream.indirect.gather [hbm4b:s24+s7], $0x1, s11, s7, $0xb8;
	[tilespmem:$0x1600] =	vst v63  }
0x2b4: {  	s18 =	simm.s32 $0x980  }
0x2b5: {  	[tilespmem:s18], [sflag:$0x1] =	stream.indirect.gather [hbm4b:s26+s7], $0x1, s10, s7, $0xb8;
	[tilespmem:$0x1600] =	vst v63  }
0x2b6: {  	s16 =	simm.s32 $0x1180  }
0x2b7: {  	[tilespmem:s16], [sflag:$0x1] =	stream.indirect.gather [hbm4b:s28+s7], $0x1, s11, s7, $0xb8;
	[tilespmem:$0x1600] =	vst v63  }
0x2b8: {  	s17 =	simm.s32 $0xA00  }
0x2b9: {  	[tilespmem:s17], [sflag:$0x1] =	stream.indirect.gather [hbm4b:s30+s7], $0x1, s10, s7, $0xb8;
	[tilespmem:$0x1600] =	vst v63  }
0x2ba: {  	s18 =	simm.s32 $0x1200  }
0x2bb: {  	[tilespmem:s18], [sflag:$0x1] =	stream.indirect.gather [hbm4b:s31+s7], $0x1, s11, s7, $0xb8;
	[tilespmem:$0x1600] =	vst v63  }
0x2bc: {  	s16 =	simm.s32 $0xA80  }
0x2bd: {  	[tilespmem:s16], [sflag:$0x1] =	stream.indirect.gather [hbm4b:s3+s7], $0x1, s10, s7, $0xb8;
	[tilespmem:$0x1600] =	vst v63  }
0x2be: {  	s17 =	simm.s32 $0x1280  }
0x2bf: {  	[tilespmem:s17], [sflag:$0x1] =	stream.indirect.gather [hbm4b:s25+s7], $0x1, s11, s7, $0xb8;
	[tilespmem:$0x1600] =	vst v63  }
0x2c0: {  	s18 =	simm.s32 $0xB00  }
0x2c1: {  	[tilespmem:s18], [sflag:$0x1] =	stream.indirect.gather [hbm4b:s0+s7], $0x1, s10, s7, $0xb8;
	[tilespmem:$0x1600] =	vst v63  }
0x2c2: {  	s16 =	simm.s32 $0x1300  }
0x2c3: {  	[tilespmem:s16], [sflag:$0x1] =	stream.indirect.gather [hbm4b:s29+s7], $0x1, s11, s7, $0xb8;
	[tilespmem:$0x1600] =	vst v63  }
0x2c4: {  	s17 =	simm.s32 $0xB80  }
0x2c5: {  	[tilespmem:s17], [sflag:$0x1] =	stream.indirect.gather [hbm4b:s1+s7], $0x1, s10, s7, $0xb8;
	[tilespmem:$0x1600] =	vst v63  }
0x2c6: {  	s18 =	simm.s32 $0x1380  }
0x2c7: {  	[tilespmem:s18], [sflag:$0x1] =	stream.indirect.gather [hbm4b:s4+s7], $0x1, s11, s7, $0xb8;
	[tilespmem:$0x1600] =	vst v63  }
0x2c8: {  	_ =	swait.ge [sflag:s8], $0x80  }
0x2c9: {  	[sflag:s8] =	ssyncset.done $0x0  }
0x2ca: {  	[sflag:s8] =	ssyncadd.s32 $0xFFFFFF80  }
0x2cb: {  	_ =	swait.ge [sflag:s8], $0x80  }
0x2cc: {  	[sflag:s8] =	ssyncset.done $0x0  }
0x2cd: {  	[sflag:s8] =	ssyncadd.s32 $0xFFFFFF80  }
0x2ce: {  	_ =	swait.ge [sflag:s8], $0x80  }
0x2cf: {  	[sflag:s8] =	ssyncset.done $0x0  }
0x2d0: {  	[sflag:s8] =	ssyncadd.s32 $0xFFFFFF80  }
0x2d1: {  	_ =	swait.ge [sflag:s8], $0x80  }
0x2d2: {  	[sflag:s8] =	ssyncset.done $0x0  }
0x2d3: {  	[sflag:s8] =	ssyncadd.s32 $0xFFFFFF80  }
0x2d4: {  	_ =	swait.ge [sflag:s8], $0x80  }
0x2d5: {  	[sflag:s8] =	ssyncset.done $0x0  }
0x2d6: {  	[sflag:s8] =	ssyncadd.s32 $0xFFFFFF80  }
0x2d7: {  	_ =	swait.ge [sflag:s8], $0x80  }
0x2d8: {  	[sflag:s8] =	ssyncset.done $0x0  }
0x2d9: {  	[sflag:s8] =	ssyncadd.s32 $0xFFFFFF80  }
0x2da: {  	_ =	swait.ge [sflag:s8], $0x80  }
0x2db: {  	[sflag:s8] =	ssyncset.done $0x0  }
0x2dc: {  	[sflag:s8] =	ssyncadd.s32 $0xFFFFFF80  }
0x2dd: {  	_ =	swait.ge [sflag:s8], $0x80  }
0x2de: {  	[sflag:s8] =	ssyncset.done $0x0  }
0x2df: {  	[sflag:s8] =	ssyncadd.s32 $0xFFFFFF80  }
0x2e0: {  	_ =	swait.ge [sflag:s8], $0x80  }
0x2e1: {  	[sflag:s8] =	ssyncset.done $0x0  }
0x2e2: {  	[sflag:s8] =	ssyncadd.s32 $0xFFFFFF80  }
0x2e3: {  	_ =	swait.ge [sflag:s8], $0x80  }
0x2e4: {  	[sflag:s8] =	ssyncset.done $0x0  }
0x2e5: {  	[sflag:s8] =	ssyncadd.s32 $0xFFFFFF80  }
0x2e6: {  	_ =	swait.ge [sflag:s8], $0x80  }
0x2e7: {  	[sflag:s8] =	ssyncset.done $0x0  }
0x2e8: {  	[sflag:s8] =	ssyncadd.s32 $0xFFFFFF80  }
0x2e9: {  	_ =	swait.ge [sflag:s8], $0x80  }
0x2ea: {  	[sflag:s8] =	ssyncset.done $0x0  }
0x2eb: {  	[sflag:s8] =	ssyncadd.s32 $0xFFFFFF80  }
0x2ec: {  	_ =	swait.ge [sflag:s8], $0x80  }
0x2ed: {  	[sflag:s8] =	ssyncset.done $0x0  }
0x2ee: {  	[sflag:s8] =	ssyncadd.s32 $0xFFFFFF80  }
0x2ef: {  	_ =	swait.ge [sflag:s8], $0x80  }
0x2f0: {  	[sflag:s8] =	ssyncset.done $0x0  }
0x2f1: {  	[sflag:s8] =	ssyncadd.s32 $0xFFFFFF80  }
0x2f2: {  	_ =	swait.ge [sflag:s8], $0x80  }
0x2f3: {  	[sflag:s8] =	ssyncset.done $0x0  }
0x2f4: {  	[sflag:s8] =	ssyncadd.s32 $0xFFFFFF80  }
0x2f5: {  	_ =	swait.ge [sflag:s8], $0x80  }
0x2f6: {  	[sflag:s8] =	ssyncset.done $0x0  }
0x2f7: {  	[sflag:s8] =	ssyncadd.s32 $0xFFFFFF80  }
0x2f8: {  	_ =	swait.ge [sflag:s8], $0x80  }
0x2f9: {  	[sflag:s8] =	ssyncset.done $0x0  }
0x2fa: {  	[sflag:s8] =	ssyncadd.s32 $0xFFFFFF80  }
0x2fb: {  	_ =	swait.ge [sflag:s8], $0x80  }
0x2fc: {  	[sflag:s8] =	ssyncset.done $0x0  }
0x2fd: {  	[sflag:s8] =	ssyncadd.s32 $0xFFFFFF80  }
0x2fe: {  	_ =	swait.ge [sflag:s8], $0x80  }
0x2ff: {  	[sflag:s8] =	ssyncset.done $0x0  }
0x300: {  	[sflag:s8] =	ssyncadd.s32 $0xFFFFFF80  }
0x301: {  	_ =	swait.ge [sflag:s8], $0x80  }
0x302: {  	[sflag:s8] =	ssyncset.done $0x0  }
0x303: {  	[sflag:s8] =	ssyncadd.s32 $0xFFFFFF80  }
0x304: {  	_ =	swait.ge [sflag:s8], $0x80  }
0x305: {  	[sflag:s8] =	ssyncset.done $0x0  }
0x306: {  	[sflag:s8] =	ssyncadd.s32 $0xFFFFFF80  }
0x307: {  	_ =	swait.ge [sflag:s8], $0x80  }
0x308: {  	[sflag:s8] =	ssyncset.done $0x0  }
0x309: {  	[sflag:s8] =	ssyncadd.s32 $0xFFFFFF80  }
0x30a: {  	_ =	swait.ge [sflag:s8], $0x80  }
0x30b: {  	[sflag:s8] =	ssyncset.done $0x0  }
0x30c: {  	[sflag:s8] =	ssyncadd.s32 $0xFFFFFF80  }
0x30d: {  	_ =	swait.ge [sflag:s8], $0x80  }
0x30e: {  	[sflag:s8] =	ssyncset.done $0x0  }
0x30f: {  	[sflag:s8] =	ssyncadd.s32 $0xFFFFFF80  }
0x310: {  	_ =	swait.ge [sflag:s8], $0x80  }
0x311: {  	[sflag:s8] =	ssyncset.done $0x0  }
0x312: {  	[sflag:s8] =	ssyncadd.s32 $0xFFFFFF80  }
0x313: {  	_ =	swait.ge [sflag:s8], $0x80  }
0x314: {  	[sflag:s8] =	ssyncset.done $0x0  }
0x315: {  	[sflag:s8] =	ssyncadd.s32 $0xFFFFFF80  }
0x316: {  	_ =	swait.ge [sflag:s8], $0x80  }
0x317: {  	[sflag:s8] =	ssyncset.done $0x0  }
0x318: {  	[sflag:s8] =	ssyncadd.s32 $0xFFFFFF80  }
0x319: {  	_ =	swait.ge [sflag:s8], $0x80  }
0x31a: {  	[sflag:s8] =	ssyncset.done $0x0  }
0x31b: {  	[sflag:s8] =	ssyncadd.s32 $0xFFFFFF80  }
0x31c: {  	_ =	swait.ge [sflag:s8], $0x80  }
0x31d: {  	[sflag:s8] =	ssyncset.done $0x0  }
0x31e: {  	[sflag:s8] =	ssyncadd.s32 $0xFFFFFF80  }
0x31f: {  	_ =	swait.ge [sflag:s8], $0x80  }
0x320: {  	[sflag:s8] =	ssyncset.done $0x0  }
0x321: {  	[sflag:s8] =	ssyncadd.s32 $0xFFFFFF80  }
0x322: {  	_ =	swait.ge [sflag:s8], $0x80  }
0x323: {  	[sflag:s8] =	ssyncset.done $0x0  }
0x324: {  	[sflag:s8] =	ssyncadd.s32 $0xFFFFFF80  }
0x325: {  	_ =	swait.ge [sflag:s8], $0x80  }
0x326: {  	[sflag:s8] =	ssyncset.done $0x0  }
0x327: {  	s16 =	simm.s32 $0x100;
	[sflag:s8] =	ssyncadd.s32 $0xFFFFFF80  }
0x328: {  	v0 =	vld [tilespmem:s16+$0x300]  }
0x329: {  	v1 =	vld [tilespmem:s16+$0xB00]  }
0x32a: {  	v2 =	vld [tilespmem:s16+$0x380]  }
0x32b: {  	v3 =	vld [tilespmem:s16+$0xB80]  }
0x32c: {  	v4 =	vld [tilespmem:s16+$0x400]  }
0x32d: {  	v5 =	vld [tilespmem:s16+$0xC00]  }
0x32e: {  	v6 =	vld [tilespmem:s16+$0x480]  }
0x32f: {  	v7 =	vld [tilespmem:s16+$0xC80]  }
0x330: {  	v8 =	vld [tilespmem:s16+$0x500]  }
0x331: {  	v49 =	vld [tilespmem:s16+$0xD00]  }
0x332: {  	v50 =	vld [tilespmem:s16+$0x580]  }
0x333: {  	v51 =	vld [tilespmem:s16+$0xD80];
	v0 =	vmul.f32 v1, v0  }
0x334: {  	v52 =	vld [tilespmem:s16+$0x600]  }
0x335: {  	v53 =	vld [tilespmem:s16+$0x680];
	v2 =	vmul.f32 v3, v2;
	v0 =	vadd.f32 $0.0e+00, v0  }
0x336: {  	v14 =	vld [tilespmem:s16+$0x700]  }
0x337: {  	v54 =	vld [tilespmem:s16+$0x880];
	v0 =	vadd.f32 v2, v0;
	v2 =	vmul.f32 v5, v4  }
0x338: {  	v55 =	vld [tilespmem:s16+$0x1080]  }
0x339: {  	v56 =	vld [tilespmem:s16+$0x900];
	v0 =	vadd.f32 v2, v0;
	v2 =	vmul.f32 v7, v6  }
0x33a: {  	v1 =	vld [tilespmem:s16+$0xE00]  }
0x33b: {  	v57 =	vld [tilespmem:s16+$0x980];
	v0 =	vadd.f32 v2, v0;
	v2 =	vmul.f32 v49, v8  }
0x33c: {  	v3 =	vld [tilespmem:s16+$0xE80]  }
0x33d: {  	v58 =	vld [tilespmem:s16+$0xA00];
	v0 =	vadd.f32 v2, v0;
	v2 =	vmul.f32 v51, v50  }
0x33e: {  	v4 =	vld [tilespmem:s16+$0xF00]  }
0x33f: {  	v5 =	vld [tilespmem:s16+$0x780];
	v1 =	vmul.f32 v1, v52;
	v0 =	vadd.f32 v2, v0  }
0x340: {  	v6 =	vld [tilespmem:s16+$0xF80]  }
0x341: {  	v7 =	vld [tilespmem:s16+$0x800];
	v0 =	vadd.f32 v1, v0;
	v1 =	vmul.f32 v3, v53  }
0x342: {  	v8 =	vld [tilespmem:s16+$0x1000]  }
0x343: {  	s15 =	simm.s32 $0x110;
	v59 =	vld [tilespmem:s16+$0xA80];
	v0 =	vadd.f32 v1, v0;
	v1 =	vmul.f32 v4, v14  }
0x344: {  	v60 =	vld [tilespmem:s15+$0xB80]  }
0x345: {  	v61 =	vld [tilespmem:s15+$0x400];
	v0 =	vadd.f32 v1, v0;
	v1 =	vmul.f32 v6, v5  }
0x346: {  	v2 =	vld [tilespmem:s16+$0x1100]  }
0x347: {  	v3 =	vld [tilespmem:s16+$0x1180];
	v0 =	vadd.f32 v1, v0;
	v1 =	vmul.f32 v8, v7  }
0x348: {  	v6 =	vld [tilespmem:s15+$0x300]  }
0x349: {  	v7 =	vld [tilespmem:s15+$0xB00];
	v0 =	vadd.f32 v1, v0;
	v1 =	vmul.f32 v55, v54  }
0x34a: {  	v4 =	vld [tilespmem:s16+$0x1200]  }
0x34b: {  	v8 =	vld [tilespmem:s15+$0x380];
	v0 =	vadd.f32 v1, v0;
	v1 =	vmul.f32 v2, v56  }
0x34c: {  	v5 =	vld [tilespmem:s16+$0x1280]  }
0x34d: {  	v2 =	vld [tilespmem:s15+$0xC00];
	v0 =	vadd.f32 v1, v0;
	v1 =	vmul.f32 v3, v57  }
0x34e: {  	v6 =	vmul.f32 v7, v6;
	v7 =	vld [tilespmem:s15+$0x480]  }
0x34f: {  	v3 =	vld [tilespmem:s15+$0xC80];
	v0 =	vadd.f32 v1, v0;
	v1 =	vmul.f32 v4, v58  }
0x350: {  	v62 =	vld [tilespmem:s15+$0x500];
	v8 =	vmul.f32 v60, v8;
	v6 =	vadd.f32 $0.0e+00, v6  }
0x351: {  	v5 =	vmul.f32 v5, v59;
	v4 =	vld [tilespmem:s15+$0xD00];
	v0 =	vadd.f32 v1, v0  }
0x352: {  	v6 =	vadd.f32 v8, v6;
	v2 =	vmul.f32 v2, v61;
	v8 =	vld [tilespmem:s15+$0x580]  }
0x353: {  	v1 =	vld [tilespmem:s15+$0xD80];
	v0 =	vadd.f32 v5, v0  }
0x354: {  	v2 =	vadd.f32 v2, v6;
	v3 =	vmul.f32 v3, v7;
	v6 =	vld [tilespmem:s15+$0x600]  }
0x355: {  	v7 =	vld [tilespmem:s15+$0xE00];
	v0 =	vsub.f32 $0.0e+00, v0  }
0x356: {  	v5 =	vld [tilespmem:s15+$0xE80];
	v2 =	vadd.f32 v3, v2;
	v3 =	vmul.f32 v4, v62  }
0x357: {  	v4 =	vld [tilespmem:s15+$0x680];
	v0 =	vmul.f32 $1.442695020e+00, v0  }
0x358: {  	v2 =	vadd.f32 v3, v2;
	v1 =	vmul.f32 v1, v8;
	v3 =	vld [tilespmem:s15+$0x700]  }
0x359: {  	v8 =	vld [tilespmem:s15+$0xF00];
	(erf) = vpow2.f32 v0  }
0x35a: {  	v1 =	vadd.f32 v1, v2;
	v2 =	vmul.f32 v7, v6;
	v6 =	vld [tilespmem:s15+$0x780]  }
0x35b: {  	v7 =	vld [tilespmem:s15+$0xF80]  }
0x35c: {  	v0 =	vadd.f32 v2, v1;
	v1 =	vmul.f32 v5, v4;
	v2 =	vld [tilespmem:s15+$0x800]  }
0x35d: {  	v4 =	vld [tilespmem:s15+$0x1000]  }
0x35e: {  	v0 =	vadd.f32 v1, v0;
	v1 =	vmul.f32 v8, v3;
	_ =	sdelay $0x1  }
0x35f: {  	v0 =	vadd.f32 v1, v0;
	v1 =	vmul.f32 v7, v6;
	_ =	sdelay $0x1  }
0x360: {  	v0 =	vadd.f32 v1, v0;
	v1 =	vmul.f32 v4, v2;
	v4 =	vpop (erf)  }
0x361: {  	v5 =	vld [tilespmem:s15+$0x1080];
	v4 =	vadd.f32 $1.000000000e+00, v4  }
0x362: {  	v3 =	vld [tilespmem:s15+$0x880]  }
0x363: {  	v6 =	vld [tilespmem:s15+$0x900];
	(erf) = vrcp.f32 v4  }
0x364: {  	v7 =	vld [tilespmem:s15+$0x1100]  }
0x365: {  	v63 =	vld [tilespmem:s15+$0x1180]  }
0x366: {  	v8 =	vld [tilespmem:s15+$0x980]  }
0x367: {  	v2 =	vmul.f32 v5, v3;
	v3 =	vld [tilespmem:s15+$0x1200];
	v0 =	vadd.f32 v1, v0  }
0x368: {  	v1 =	vld [tilespmem:s15+$0xA00]  }
0x369: {  	v7 =	vmul.f32 v7, v6;
	v5 =	vadd.f32 v2, v0;
	v0 =	vld [tilespmem:s15+$0xA80]  }
0x36a: {  	s18 =	simm.s32 $0x120;
	v2 =	vld [tilespmem:s15+$0x1280]  }
0x36b: {  	s17 =	simm.s32 $0x4C0;
	v6 =	vld [tilespmem:s18+$0x300];
	v4 =	vadd.f32 v7, v5;
	v5 =	vmul.f32 v63, v8  }
.LBB2_6:
0x36c: {  	p0 =	sne.s32 s17, $0x5C0;
	v7 =	vld [tilespmem:s18+$0xB00];
	v8 =	vpop (erf)  }
0x36d: {  	v9 =	vld [tilespmem:s18+$0x380];
	v4 =	vadd.f32 v5, v4;
	v1 =	vmul.f32 v3, v1;
	[tilespmem:s16+$0x1400] =	vst v8;
	s16 =	smov.u32 s15;
	s15 =	smov.u32 s18  }
0x36e: {  	v3 =	vld [tilespmem:s15+$0xB80]  }
0x36f: {  	v5 =	vld [tilespmem:s15+$0x400];
	v1 =	vadd.f32 v1, v4;
	v0 =	vmul.f32 v2, v0  }
0x370: {  	v2 =	vld [tilespmem:s15+$0xC00]  }
0x371: {  	v4 =	vmul.f32 v7, v6;
	v6 =	vld [tilespmem:s15+$0x480];
	v0 =	vadd.f32 v0, v1  }
0x372: {  	v1 =	vld [tilespmem:s15+$0xC80]  }
0x373: {  	v4 =	vadd.f32 $0.0e+00, v4;
	v3 =	vmul.f32 v3, v9;
	v7 =	vld [tilespmem:s15+$0x500];
	v0 =	vsub.f32 $0.0e+00, v0  }
0x374: {  	v8 =	vld [tilespmem:s15+$0xD00]  }
0x375: {  	v3 =	vadd.f32 v3, v4;
	v2 =	vmul.f32 v2, v5;
	v4 =	vld [tilespmem:s15+$0x580];
	v0 =	vmul.f32 $1.442695020e+00, v0  }
0x376: {  	v5 =	vld [tilespmem:s15+$0xD80]  }
0x377: {  	v2 =	vadd.f32 v2, v3;
	v1 =	vmul.f32 v1, v6;
	v3 =	vld [tilespmem:s15+$0x600];
	(erf) = vpow2.f32 v0  }
0x378: {  	v0 =	vld [tilespmem:s15+$0xE00]  }
0x379: {  	v1 =	vadd.f32 v1, v2;
	v2 =	vmul.f32 v8, v7;
	v6 =	vld [tilespmem:s15+$0x680]  }
0x37a: {  	v7 =	vld [tilespmem:s15+$0xE80]  }
0x37b: {  	v1 =	vadd.f32 v2, v1;
	v2 =	vmul.f32 v5, v4;
	v4 =	vld [tilespmem:s15+$0x700]  }
0x37c: {  	v5 =	vld [tilespmem:s15+$0xF00]  }
0x37d: {  	v1 =	vadd.f32 v2, v1;
	v0 =	vmul.f32 v0, v3;
	v2 =	vld [tilespmem:s15+$0x780]  }
0x37e: {  	v3 =	vld [tilespmem:s15+$0xF80]  }
0x37f: {  	v0 =	vadd.f32 v0, v1;
	v1 =	vmul.f32 v7, v6;
	v6 =	vld [tilespmem:s15+$0x800]  }
0x380: {  	v7 =	vld [tilespmem:s15+$0x1000];
	v8 =	vpop (erf)  }
0x381: {  	v0 =	vadd.f32 v1, v0;
	v1 =	vmul.f32 v5, v4;
	v4 =	vld [tilespmem:s15+$0x880];
	v5 =	vadd.f32 $1.000000000e+00, v8  }
0x382: {  	v8 =	vld [tilespmem:s15+$0x1080]  }
0x383: {  	v0 =	vadd.f32 v1, v0;
	v1 =	vmul.f32 v3, v2;
	v2 =	vld [tilespmem:s15+$0x900];
	(erf) = vrcp.f32 v5  }
0x384: {  	v5 =	vld [tilespmem:s15+$0x1100]  }
0x385: {  	v0 =	vadd.f32 v1, v0;
	v1 =	vmul.f32 v7, v6;
	v7 =	vld [tilespmem:s15+$0x980]  }
0x386: {  	v9 =	vld [tilespmem:s15+$0x1180]  }
.Ltmp2:
0x387: {  	v0 =	vadd.f32 v1, v0;
	v4 =	vmul.f32 v8, v4;
	v1 =	vld [tilespmem:s15+$0xA00];
	(pc) =	sbr.rel @p0 .LBB2_6-.Ltmp2, $4  }
0x388: {  	v3 =	vld [tilespmem:s15+$0x1200]  }
0x389: {  	v4 =	vadd.f32 v4, v0;
	v5 =	vmul.f32 v5, v2;
	v0 =	vld [tilespmem:s15+$0xA80]  }
0x38a: {  	s18 =	sshra.s32 s17, $0x2;
	v2 =	vld [tilespmem:s15+$0x1280]  }
0x38b: {  	s17 =	sadd.s32 $0x40, s17;
	v6 =	vld [tilespmem:s18+$0x300];
	v4 =	vadd.f32 v5, v4;
	v5 =	vmul.f32 v9, v7  }
0x38c: {  	v7 =	vld [tilespmem:s18+$0xB00];
	v8 =	vpop (erf)  }
0x38d: {  	v9 =	vld [tilespmem:s18+$0x380];
	[tilespmem:s16+$0x1400] =	vst v8  }
0x38e: {  	v8 =	vld [tilespmem:s18+$0xB80]  }
0x38f: {  	v10 =	vld [tilespmem:s18+$0x400]  }
0x390: {  	v11 =	vld [tilespmem:s18+$0xC00]  }
0x391: {  	v12 =	vld [tilespmem:s18+$0xC80];
	v6 =	vmul.f32 v7, v6  }
0x392: {  	v7 =	vld [tilespmem:s18+$0x480]  }
0x393: {  	v39 =	vld [tilespmem:s18+$0x500];
	v6 =	vadd.f32 $0.0e+00, v6;
	v8 =	vmul.f32 v8, v9  }
0x394: {  	v13 =	vld [tilespmem:s18+$0xD00]  }
0x395: {  	v40 =	vld [tilespmem:s18+$0x580];
	v6 =	vadd.f32 v8, v6;
	v8 =	vmul.f32 v11, v10  }
0x396: {  	v41 =	vld [tilespmem:s18+$0xD80]  }
0x397: {  	v42 =	vld [tilespmem:s18+$0xE00];
	v7 =	vmul.f32 v12, v7;
	v6 =	vadd.f32 v8, v6  }
0x398: {  	v8 =	vld [tilespmem:s18+$0x600]  }
0x399: {  	v43 =	vld [tilespmem:s18+$0x680];
	v6 =	vadd.f32 v7, v6;
	v7 =	vmul.f32 v13, v39  }
0x39a: {  	v44 =	vld [tilespmem:s18+$0xE80]  }
0x39b: {  	v45 =	vld [tilespmem:s18+$0x700];
	v6 =	vadd.f32 v7, v6;
	v7 =	vmul.f32 v41, v40  }
0x39c: {  	v46 =	vld [tilespmem:s18+$0xF00]  }
0x39d: {  	v47 =	vld [tilespmem:s18+$0xF80];
	v6 =	vadd.f32 v7, v6;
	v7 =	vmul.f32 v42, v8  }
0x39e: {  	v4 =	vadd.f32 v5, v4;
	v1 =	vmul.f32 v3, v1;
	v8 =	vld [tilespmem:s18+$0x780]  }
0x39f: {  	v48 =	vld [tilespmem:s18+$0x800];
	v6 =	vadd.f32 v7, v6;
	v7 =	vmul.f32 v44, v43  }
0x3a0: {  	v3 =	vld [tilespmem:s18+$0x1000];
	v1 =	vadd.f32 v1, v4  }
0x3a1: {  	v0 =	vmul.f32 v2, v0;
	v2 =	vld [tilespmem:s18+$0x1080];
	v5 =	vadd.f32 v7, v6;
	v6 =	vmul.f32 v46, v45  }
0x3a2: {  	v7 =	vld [tilespmem:s18+$0x880]  }
0x3a3: {  	v0 =	vadd.f32 v0, v1;
	v1 =	vld [tilespmem:s18+$0x1100];
	v4 =	vadd.f32 v6, v5;
	v5 =	vmul.f32 v47, v8  }
0x3a4: {  	v6 =	vld [tilespmem:s18+$0x900]  }
0x3a5: {  	v3 =	vmul.f32 v3, v48;
	v0 =	vsub.f32 $0.0e+00, v0;
	v8 =	vld [tilespmem:s18+$0x1180];
	v4 =	vadd.f32 v5, v4  }
0x3a6: {  	v5 =	vld [tilespmem:s18+$0x980]  }
0x3a7: {  	v0 =	vmul.f32 $1.442695020e+00, v0;
	v2 =	vmul.f32 v2, v7;
	v7 =	vld [tilespmem:s18+$0x1200];
	v3 =	vadd.f32 v3, v4  }
0x3a8: {  	v4 =	vld [tilespmem:s18+$0xA00]  }
0x3a9: {  	(erf) = vpow2.f32 v0;
	v0 =	vld [tilespmem:s18+$0x1280];
	v1 =	vmul.f32 v1, v6;
	v2 =	vadd.f32 v2, v3  }
0x3aa: {  	v3 =	vld [tilespmem:s18+$0xA80]  }
0x3ab: {  	v1 =	vadd.f32 v1, v2;
	v2 =	vmul.f32 v8, v5;
	_ =	sdelay $0x1  }
0x3ac: {  	v1 =	vadd.f32 v2, v1;
	v2 =	vmul.f32 v7, v4;
	_ =	sdelay $0x1  }
0x3ad: {  	v0 =	vmul.f32 v0, v3;
	v1 =	vadd.f32 v2, v1;
	_ =	sdelay $0x1  }
0x3ae: {  	v0 =	vadd.f32 v0, v1;
	_ =	sdelay $0x1  }
0x3af: {  	v1 =	vpop (erf);
	v0 =	vsub.f32 $0.0e+00, v0  }
0x3b0: {  	v1 =	vadd.f32 $1.000000000e+00, v1  }
0x3b1: {  	v0 =	vmul.f32 $1.442695020e+00, v0  }
0x3b2: {  	(erf) = vrcp.f32 v1  }
0x3b3: {  	(erf) = vpow2.f32 v0;
	_ =	sdelay $0x7  }
0x3b4: {  	v0 =	vpop (erf)  }
0x3b5: {  	v1 =	vpop (erf)  }
0x3b6: {  	v1 =	vadd.f32 $1.000000000e+00, v1;
	_ =	sdelay $0x1  }
0x3b7: {  	(erf) = vrcp.f32 v1;
	_ =	sdelay $0x8  }
0x3b8: {  	[tilespmem:s15+$0x1400] =	vst v0;
	v0 =	vpop (erf)  }
0x3b9: {  	s17 =	rddreg [dreg:$0x5];
	[tilespmem:s18+$0x1400] =	vst v0;
	s18 =	simm.s32 $0x400  }
0x3ba: {  	[tilespmem:s18], [sflag:$0x1] =	stream.indirect.gather [hbm4b:s17+s7], $0x1, s12, s7, $0xb8;
	[tilespmem:$0x1600] =	vst v63  }
0x3bb: {  	s17 =	rddreg [dreg:$0x2];
	s18 =	simm.s32 $0xC00  }
0x3bc: {  	[tilespmem:s18], [sflag:$0x1] =	stream.indirect.gather [hbm4b:s17+s7], $0x1, s13, s7, $0xb8;
	[tilespmem:$0x1600] =	vst v63  }
0x3bd: {  	s17 =	rddreg [dreg:$0x6];
	s18 =	simm.s32 $0x480  }
0x3be: {  	[tilespmem:s18], [sflag:$0x1] =	stream.indirect.gather [hbm4b:s17+s7], $0x1, s12, s7, $0xb8;
	[tilespmem:$0x1600] =	vst v63  }
0x3bf: {  	s17 =	rddreg [dreg:$0x8];
	s18 =	simm.s32 $0xC80  }
0x3c0: {  	[tilespmem:s18], [sflag:$0x1] =	stream.indirect.gather [hbm4b:s17+s7], $0x1, s13, s7, $0xb8;
	[tilespmem:$0x1600] =	vst v63  }
0x3c1: {  	s17 =	rddreg [dreg:$0x7];
	s18 =	simm.s32 $0x500  }
0x3c2: {  	[tilespmem:s18], [sflag:$0x1] =	stream.indirect.gather [hbm4b:s17+s7], $0x1, s12, s7, $0xb8;
	[tilespmem:$0x1600] =	vst v63  }
0x3c3: {  	s17 =	rddreg [dreg:$0x9];
	s18 =	simm.s32 $0xD00  }
0x3c4: {  	[tilespmem:s18], [sflag:$0x1] =	stream.indirect.gather [hbm4b:s17+s7], $0x1, s13, s7, $0xb8;
	[tilespmem:$0x1600] =	vst v63  }
0x3c5: {  	s17 =	rddreg [dreg:$0xa];
	s18 =	simm.s32 $0x580  }
0x3c6: {  	[tilespmem:s18], [sflag:$0x1] =	stream.indirect.gather [hbm4b:s17+s7], $0x1, s12, s7, $0xb8;
	[tilespmem:$0x1600] =	vst v63  }
0x3c7: {  	s17 =	rddreg [dreg:$0xb];
	s18 =	simm.s32 $0xD80  }
0x3c8: {  	[tilespmem:s18], [sflag:$0x1] =	stream.indirect.gather [hbm4b:s17+s7], $0x1, s13, s7, $0xb8;
	[tilespmem:$0x1600] =	vst v63  }
0x3c9: {  	s17 =	simm.s32 $0x600;
	s18 =	rddreg [dreg:$0xc]  }
0x3ca: {  	[tilespmem:s17], [sflag:$0x1] =	stream.indirect.gather [hbm4b:s18+s7], $0x1, s12, s7, $0xb8;
	[tilespmem:$0x1600] =	vst v63  }
0x3cb: {  	s17 =	rddreg [dreg:$0xd];
	s18 =	simm.s32 $0xE00  }
0x3cc: {  	[tilespmem:s18], [sflag:$0x1] =	stream.indirect.gather [hbm4b:s17+s7], $0x1, s13, s7, $0xb8;
	[tilespmem:$0x1600] =	vst v63  }
0x3cd: {  	s17 =	rddreg [dreg:$0xe];
	s18 =	simm.s32 $0x680  }
0x3ce: {  	[tilespmem:s18], [sflag:$0x1] =	stream.indirect.gather [hbm4b:s17+s7], $0x1, s12, s7, $0xb8;
	[tilespmem:$0x1600] =	vst v63  }
0x3cf: {  	s17 =	rddreg [dreg:$0x10];
	s18 =	simm.s32 $0xE80  }
0x3d0: {  	[tilespmem:s18], [sflag:$0x1] =	stream.indirect.gather [hbm4b:s17+s7], $0x1, s13, s7, $0xb8;
	[tilespmem:$0x1600] =	vst v63  }
0x3d1: {  	s17 =	rddreg [dreg:$0xf];
	s18 =	simm.s32 $0x700  }
0x3d2: {  	[tilespmem:s18], [sflag:$0x1] =	stream.indirect.gather [hbm4b:s17+s7], $0x1, s12, s7, $0xb8;
	[tilespmem:$0x1600] =	vst v63  }
0x3d3: {  	s17 =	rddreg [dreg:$0x11];
	s18 =	simm.s32 $0xF00  }
0x3d4: {  	[tilespmem:s18], [sflag:$0x1] =	stream.indirect.gather [hbm4b:s17+s7], $0x1, s13, s7, $0xb8;
	[tilespmem:$0x1600] =	vst v63  }
0x3d5: {  	s17 =	rddreg [dreg:$0x12];
	s18 =	simm.s32 $0x780  }
0x3d6: {  	[tilespmem:s18], [sflag:$0x1] =	stream.indirect.gather [hbm4b:s17+s7], $0x1, s12, s7, $0xb8;
	[tilespmem:$0x1600] =	vst v63  }
0x3d7: {  	s16 =	rddreg [dreg:$0x13];
	s17 =	simm.s32 $0xF80  }
0x3d8: {  	[tilespmem:s17], [sflag:$0x1] =	stream.indirect.gather [hbm4b:s16+s7], $0x1, s13, s7, $0xb8;
	[tilespmem:$0x1600] =	vst v63  }
0x3d9: {  	s18 =	simm.s32 $0x800  }
0x3da: {  	[tilespmem:s18], [sflag:$0x1] =	stream.indirect.gather [hbm4b:s19+s7], $0x1, s12, s7, $0xb8;
	[tilespmem:$0x1600] =	vst v63  }
0x3db: {  	s16 =	simm.s32 $0x1000  }
0x3dc: {  	[tilespmem:s16], [sflag:$0x1] =	stream.indirect.gather [hbm4b:s20+s7], $0x1, s13, s7, $0xb8;
	[tilespmem:$0x1600] =	vst v63  }
0x3dd: {  	s17 =	simm.s32 $0x880  }
0x3de: {  	[tilespmem:s17], [sflag:$0x1] =	stream.indirect.gather [hbm4b:s21+s7], $0x1, s12, s7, $0xb8;
	[tilespmem:$0x1600] =	vst v63  }
0x3df: {  	s18 =	simm.s32 $0x1080  }
0x3e0: {  	[tilespmem:s18], [sflag:$0x1] =	stream.indirect.gather [hbm4b:s22+s7], $0x1, s13, s7, $0xb8;
	[tilespmem:$0x1600] =	vst v63  }
0x3e1: {  	s16 =	simm.s32 $0x900  }
0x3e2: {  	[tilespmem:s16], [sflag:$0x1] =	stream.indirect.gather [hbm4b:s23+s7], $0x1, s12, s7, $0xb8;
	[tilespmem:$0x1600] =	vst v63  }
0x3e3: {  	s17 =	simm.s32 $0x1100  }
0x3e4: {  	[tilespmem:s17], [sflag:$0x1] =	stream.indirect.gather [hbm4b:s24+s7], $0x1, s13, s7, $0xb8;
	[tilespmem:$0x1600] =	vst v63  }
0x3e5: {  	s18 =	simm.s32 $0x980  }
0x3e6: {  	[tilespmem:s18], [sflag:$0x1] =	stream.indirect.gather [hbm4b:s26+s7], $0x1, s12, s7, $0xb8;
	[tilespmem:$0x1600] =	vst v63  }
0x3e7: {  	s16 =	simm.s32 $0x1180  }
0x3e8: {  	[tilespmem:s16], [sflag:$0x1] =	stream.indirect.gather [hbm4b:s28+s7], $0x1, s13, s7, $0xb8;
	[tilespmem:$0x1600] =	vst v63  }
0x3e9: {  	s17 =	simm.s32 $0xA00  }
0x3ea: {  	[tilespmem:s17], [sflag:$0x1] =	stream.indirect.gather [hbm4b:s30+s7], $0x1, s12, s7, $0xb8;
	[tilespmem:$0x1600] =	vst v63  }
0x3eb: {  	s18 =	simm.s32 $0x1200  }
0x3ec: {  	[tilespmem:s18], [sflag:$0x1] =	stream.indirect.gather [hbm4b:s31+s7], $0x1, s13, s7, $0xb8;
	[tilespmem:$0x1600] =	vst v63  }
0x3ed: {  	s16 =	simm.s32 $0xA80  }
0x3ee: {  	[tilespmem:s16], [sflag:$0x1] =	stream.indirect.gather [hbm4b:s3+s7], $0x1, s12, s7, $0xb8;
	[tilespmem:$0x1600] =	vst v63  }
0x3ef: {  	s17 =	simm.s32 $0x1280  }
0x3f0: {  	[tilespmem:s17], [sflag:$0x1] =	stream.indirect.gather [hbm4b:s25+s7], $0x1, s13, s7, $0xb8;
	[tilespmem:$0x1600] =	vst v63  }
0x3f1: {  	s18 =	simm.s32 $0xB00  }
0x3f2: {  	[tilespmem:s18], [sflag:$0x1] =	stream.indirect.gather [hbm4b:s0+s7], $0x1, s12, s7, $0xb8;
	[tilespmem:$0x1600] =	vst v63  }
0x3f3: {  	s16 =	simm.s32 $0x1300  }
0x3f4: {  	[tilespmem:s16], [sflag:$0x1] =	stream.indirect.gather [hbm4b:s29+s7], $0x1, s13, s7, $0xb8;
	[tilespmem:$0x1600] =	vst v63  }
0x3f5: {  	s17 =	simm.s32 $0xB80  }
0x3f6: {  	[tilespmem:s17], [sflag:$0x1] =	stream.indirect.gather [hbm4b:s1+s7], $0x1, s12, s7, $0xb8;
	[tilespmem:$0x1600] =	vst v63  }
0x3f7: {  	s18 =	simm.s32 $0x1380  }
0x3f8: {  	[tilespmem:s18], [sflag:$0x1] =	stream.indirect.gather [hbm4b:s4+s7], $0x1, s13, s7, $0xb8;
	[tilespmem:$0x1600] =	vst v63  }
0x3f9: {  	_ =	swait.ge [sflag:s8], $0x80  }
0x3fa: {  	[sflag:s8] =	ssyncset.done $0x0  }
0x3fb: {  	[sflag:s8] =	ssyncadd.s32 $0xFFFFFF80  }
0x3fc: {  	_ =	swait.ge [sflag:s8], $0x80  }
0x3fd: {  	[sflag:s8] =	ssyncset.done $0x0  }
0x3fe: {  	[sflag:s8] =	ssyncadd.s32 $0xFFFFFF80  }
0x3ff: {  	_ =	swait.ge [sflag:s8], $0x80  }
0x400: {  	[sflag:s8] =	ssyncset.done $0x0  }
0x401: {  	[sflag:s8] =	ssyncadd.s32 $0xFFFFFF80  }
0x402: {  	_ =	swait.ge [sflag:s8], $0x80  }
0x403: {  	[sflag:s8] =	ssyncset.done $0x0  }
0x404: {  	[sflag:s8] =	ssyncadd.s32 $0xFFFFFF80  }
0x405: {  	_ =	swait.ge [sflag:s8], $0x80  }
0x406: {  	[sflag:s8] =	ssyncset.done $0x0  }
0x407: {  	[sflag:s8] =	ssyncadd.s32 $0xFFFFFF80  }
0x408: {  	_ =	swait.ge [sflag:s8], $0x80  }
0x409: {  	[sflag:s8] =	ssyncset.done $0x0  }
0x40a: {  	[sflag:s8] =	ssyncadd.s32 $0xFFFFFF80  }
0x40b: {  	_ =	swait.ge [sflag:s8], $0x80  }
0x40c: {  	[sflag:s8] =	ssyncset.done $0x0  }
0x40d: {  	[sflag:s8] =	ssyncadd.s32 $0xFFFFFF80  }
0x40e: {  	_ =	swait.ge [sflag:s8], $0x80  }
0x40f: {  	[sflag:s8] =	ssyncset.done $0x0  }
0x410: {  	[sflag:s8] =	ssyncadd.s32 $0xFFFFFF80  }
0x411: {  	_ =	swait.ge [sflag:s8], $0x80  }
0x412: {  	[sflag:s8] =	ssyncset.done $0x0  }
0x413: {  	[sflag:s8] =	ssyncadd.s32 $0xFFFFFF80  }
0x414: {  	_ =	swait.ge [sflag:s8], $0x80  }
0x415: {  	[sflag:s8] =	ssyncset.done $0x0  }
0x416: {  	[sflag:s8] =	ssyncadd.s32 $0xFFFFFF80  }
0x417: {  	_ =	swait.ge [sflag:s8], $0x80  }
0x418: {  	[sflag:s8] =	ssyncset.done $0x0  }
0x419: {  	[sflag:s8] =	ssyncadd.s32 $0xFFFFFF80  }
0x41a: {  	_ =	swait.ge [sflag:s8], $0x80  }
0x41b: {  	[sflag:s8] =	ssyncset.done $0x0  }
0x41c: {  	[sflag:s8] =	ssyncadd.s32 $0xFFFFFF80  }
0x41d: {  	_ =	swait.ge [sflag:s8], $0x80  }
0x41e: {  	[sflag:s8] =	ssyncset.done $0x0  }
0x41f: {  	[sflag:s8] =	ssyncadd.s32 $0xFFFFFF80  }
0x420: {  	_ =	swait.ge [sflag:s8], $0x80  }
0x421: {  	[sflag:s8] =	ssyncset.done $0x0  }
0x422: {  	[sflag:s8] =	ssyncadd.s32 $0xFFFFFF80  }
0x423: {  	_ =	swait.ge [sflag:s8], $0x80  }
0x424: {  	[sflag:s8] =	ssyncset.done $0x0  }
0x425: {  	[sflag:s8] =	ssyncadd.s32 $0xFFFFFF80  }
0x426: {  	_ =	swait.ge [sflag:s8], $0x80  }
0x427: {  	[sflag:s8] =	ssyncset.done $0x0  }
0x428: {  	[sflag:s8] =	ssyncadd.s32 $0xFFFFFF80  }
0x429: {  	_ =	swait.ge [sflag:s8], $0x80  }
0x42a: {  	[sflag:s8] =	ssyncset.done $0x0  }
0x42b: {  	[sflag:s8] =	ssyncadd.s32 $0xFFFFFF80  }
0x42c: {  	_ =	swait.ge [sflag:s8], $0x80  }
0x42d: {  	[sflag:s8] =	ssyncset.done $0x0  }
0x42e: {  	[sflag:s8] =	ssyncadd.s32 $0xFFFFFF80  }
0x42f: {  	_ =	swait.ge [sflag:s8], $0x80  }
0x430: {  	[sflag:s8] =	ssyncset.done $0x0  }
0x431: {  	[sflag:s8] =	ssyncadd.s32 $0xFFFFFF80  }
0x432: {  	_ =	swait.ge [sflag:s8], $0x80  }
0x433: {  	[sflag:s8] =	ssyncset.done $0x0  }
0x434: {  	[sflag:s8] =	ssyncadd.s32 $0xFFFFFF80  }
0x435: {  	_ =	swait.ge [sflag:s8], $0x80  }
0x436: {  	[sflag:s8] =	ssyncset.done $0x0  }
0x437: {  	[sflag:s8] =	ssyncadd.s32 $0xFFFFFF80  }
0x438: {  	_ =	swait.ge [sflag:s8], $0x80  }
0x439: {  	[sflag:s8] =	ssyncset.done $0x0  }
0x43a: {  	[sflag:s8] =	ssyncadd.s32 $0xFFFFFF80  }
0x43b: {  	_ =	swait.ge [sflag:s8], $0x80  }
0x43c: {  	[sflag:s8] =	ssyncset.done $0x0  }
0x43d: {  	[sflag:s8] =	ssyncadd.s32 $0xFFFFFF80  }
0x43e: {  	_ =	swait.ge [sflag:s8], $0x80  }
0x43f: {  	[sflag:s8] =	ssyncset.done $0x0  }
0x440: {  	[sflag:s8] =	ssyncadd.s32 $0xFFFFFF80  }
0x441: {  	_ =	swait.ge [sflag:s8], $0x80  }
0x442: {  	[sflag:s8] =	ssyncset.done $0x0  }
0x443: {  	[sflag:s8] =	ssyncadd.s32 $0xFFFFFF80  }
0x444: {  	_ =	swait.ge [sflag:s8], $0x80  }
0x445: {  	[sflag:s8] =	ssyncset.done $0x0  }
0x446: {  	[sflag:s8] =	ssyncadd.s32 $0xFFFFFF80  }
0x447: {  	_ =	swait.ge [sflag:s8], $0x80  }
0x448: {  	[sflag:s8] =	ssyncset.done $0x0  }
0x449: {  	[sflag:s8] =	ssyncadd.s32 $0xFFFFFF80  }
0x44a: {  	_ =	swait.ge [sflag:s8], $0x80  }
0x44b: {  	[sflag:s8] =	ssyncset.done $0x0  }
0x44c: {  	[sflag:s8] =	ssyncadd.s32 $0xFFFFFF80  }
0x44d: {  	_ =	swait.ge [sflag:s8], $0x80  }
0x44e: {  	[sflag:s8] =	ssyncset.done $0x0  }
0x44f: {  	[sflag:s8] =	ssyncadd.s32 $0xFFFFFF80  }
0x450: {  	_ =	swait.ge [sflag:s8], $0x80  }
0x451: {  	[sflag:s8] =	ssyncset.done $0x0  }
0x452: {  	[sflag:s8] =	ssyncadd.s32 $0xFFFFFF80  }
0x453: {  	_ =	swait.ge [sflag:s8], $0x80  }
0x454: {  	[sflag:s8] =	ssyncset.done $0x0  }
0x455: {  	[sflag:s8] =	ssyncadd.s32 $0xFFFFFF80  }
0x456: {  	_ =	swait.ge [sflag:s8], $0x80  }
0x457: {  	[sflag:s8] =	ssyncset.done $0x0  }
0x458: {  	s16 =	simm.s32 $0x180;
	[sflag:s8] =	ssyncadd.s32 $0xFFFFFF80  }
0x459: {  	v0 =	vld [tilespmem:s16+$0x280]  }
0x45a: {  	v1 =	vld [tilespmem:s16+$0xA80]  }
0x45b: {  	v2 =	vld [tilespmem:s16+$0x300]  }
0x45c: {  	v3 =	vld [tilespmem:s16+$0xB00]  }
0x45d: {  	v4 =	vld [tilespmem:s16+$0x380]  }
0x45e: {  	v5 =	vld [tilespmem:s16+$0xB80]  }
0x45f: {  	v6 =	vld [tilespmem:s16+$0x400]  }
0x460: {  	v7 =	vld [tilespmem:s16+$0xC00]  }
0x461: {  	v8 =	vld [tilespmem:s16+$0x480]  }
0x462: {  	v49 =	vld [tilespmem:s16+$0xC80]  }
0x463: {  	v50 =	vld [tilespmem:s16+$0x500]  }
0x464: {  	v51 =	vld [tilespmem:s16+$0xD00];
	v0 =	vmul.f32 v1, v0  }
0x465: {  	v52 =	vld [tilespmem:s16+$0x580]  }
0x466: {  	v53 =	vld [tilespmem:s16+$0x600];
	v2 =	vmul.f32 v3, v2;
	v0 =	vadd.f32 $0.0e+00, v0  }
0x467: {  	v14 =	vld [tilespmem:s16+$0x680]  }
0x468: {  	v54 =	vld [tilespmem:s16+$0x800];
	v0 =	vadd.f32 v2, v0;
	v2 =	vmul.f32 v5, v4  }
0x469: {  	v55 =	vld [tilespmem:s16+$0x1000]  }
0x46a: {  	v56 =	vld [tilespmem:s16+$0x880];
	v0 =	vadd.f32 v2, v0;
	v2 =	vmul.f32 v7, v6  }
0x46b: {  	v1 =	vld [tilespmem:s16+$0xD80]  }
0x46c: {  	v57 =	vld [tilespmem:s16+$0x900];
	v0 =	vadd.f32 v2, v0;
	v2 =	vmul.f32 v49, v8  }
0x46d: {  	v3 =	vld [tilespmem:s16+$0xE00]  }
0x46e: {  	v58 =	vld [tilespmem:s16+$0x980];
	v0 =	vadd.f32 v2, v0;
	v2 =	vmul.f32 v51, v50  }
0x46f: {  	v4 =	vld [tilespmem:s16+$0xE80]  }
0x470: {  	v5 =	vld [tilespmem:s16+$0x700];
	v1 =	vmul.f32 v1, v52;
	v0 =	vadd.f32 v2, v0  }
0x471: {  	v6 =	vld [tilespmem:s16+$0xF00]  }
0x472: {  	v7 =	vld [tilespmem:s16+$0x780];
	v0 =	vadd.f32 v1, v0;
	v1 =	vmul.f32 v3, v53  }
0x473: {  	v8 =	vld [tilespmem:s16+$0xF80]  }
0x474: {  	s15 =	simm.s32 $0x190;
	v59 =	vld [tilespmem:s16+$0xA00];
	v0 =	vadd.f32 v1, v0;
	v1 =	vmul.f32 v4, v14  }
0x475: {  	v60 =	vld [tilespmem:s15+$0xB00]  }
0x476: {  	v61 =	vld [tilespmem:s15+$0x380];
	v0 =	vadd.f32 v1, v0;
	v1 =	vmul.f32 v6, v5  }
0x477: {  	v2 =	vld [tilespmem:s16+$0x1080]  }
0x478: {  	v3 =	vld [tilespmem:s16+$0x1100];
	v0 =	vadd.f32 v1, v0;
	v1 =	vmul.f32 v8, v7  }
0x479: {  	v6 =	vld [tilespmem:s15+$0x280]  }
0x47a: {  	v7 =	vld [tilespmem:s15+$0xA80];
	v0 =	vadd.f32 v1, v0;
	v1 =	vmul.f32 v55, v54  }
0x47b: {  	v4 =	vld [tilespmem:s16+$0x1180]  }
0x47c: {  	v8 =	vld [tilespmem:s15+$0x300];
	v0 =	vadd.f32 v1, v0;
	v1 =	vmul.f32 v2, v56  }
0x47d: {  	v5 =	vld [tilespmem:s16+$0x1200]  }
0x47e: {  	v2 =	vld [tilespmem:s15+$0xB80];
	v0 =	vadd.f32 v1, v0;
	v1 =	vmul.f32 v3, v57  }
0x47f: {  	v6 =	vmul.f32 v7, v6;
	v7 =	vld [tilespmem:s15+$0x400]  }
0x480: {  	v3 =	vld [tilespmem:s15+$0xC00];
	v0 =	vadd.f32 v1, v0;
	v1 =	vmul.f32 v4, v58  }
0x481: {  	v62 =	vld [tilespmem:s15+$0x480];
	v8 =	vmul.f32 v60, v8;
	v6 =	vadd.f32 $0.0e+00, v6  }
0x482: {  	v5 =	vmul.f32 v5, v59;
	v4 =	vld [tilespmem:s15+$0xC80];
	v0 =	vadd.f32 v1, v0  }
0x483: {  	v6 =	vadd.f32 v8, v6;
	v2 =	vmul.f32 v2, v61;
	v8 =	vld [tilespmem:s15+$0x500]  }
0x484: {  	v1 =	vld [tilespmem:s15+$0xD00];
	v0 =	vadd.f32 v5, v0  }
0x485: {  	v2 =	vadd.f32 v2, v6;
	v3 =	vmul.f32 v3, v7;
	v6 =	vld [tilespmem:s15+$0x580]  }
0x486: {  	v7 =	vld [tilespmem:s15+$0xD80];
	v0 =	vsub.f32 $0.0e+00, v0  }
0x487: {  	v5 =	vld [tilespmem:s15+$0xE00];
	v2 =	vadd.f32 v3, v2;
	v3 =	vmul.f32 v4, v62  }
0x488: {  	v4 =	vld [tilespmem:s15+$0x600];
	v0 =	vmul.f32 $1.442695020e+00, v0  }
0x489: {  	v2 =	vadd.f32 v3, v2;
	v1 =	vmul.f32 v1, v8;
	v3 =	vld [tilespmem:s15+$0x680]  }
0x48a: {  	v8 =	vld [tilespmem:s15+$0xE80];
	(erf) = vpow2.f32 v0  }
0x48b: {  	v1 =	vadd.f32 v1, v2;
	v2 =	vmul.f32 v7, v6;
	v6 =	vld [tilespmem:s15+$0x700]  }
0x48c: {  	v7 =	vld [tilespmem:s15+$0xF00]  }
0x48d: {  	v0 =	vadd.f32 v2, v1;
	v1 =	vmul.f32 v5, v4;
	v2 =	vld [tilespmem:s15+$0x780]  }
0x48e: {  	v4 =	vld [tilespmem:s15+$0xF80]  }
0x48f: {  	v0 =	vadd.f32 v1, v0;
	v1 =	vmul.f32 v8, v3;
	_ =	sdelay $0x1  }
0x490: {  	v0 =	vadd.f32 v1, v0;
	v1 =	vmul.f32 v7, v6;
	_ =	sdelay $0x1  }
0x491: {  	v0 =	vadd.f32 v1, v0;
	v1 =	vmul.f32 v4, v2;
	v4 =	vpop (erf)  }
0x492: {  	v5 =	vld [tilespmem:s15+$0x1000];
	v4 =	vadd.f32 $1.000000000e+00, v4  }
0x493: {  	v3 =	vld [tilespmem:s15+$0x800]  }
0x494: {  	v6 =	vld [tilespmem:s15+$0x880];
	(erf) = vrcp.f32 v4  }
0x495: {  	v7 =	vld [tilespmem:s15+$0x1080]  }
0x496: {  	v63 =	vld [tilespmem:s15+$0x1100]  }
0x497: {  	v8 =	vld [tilespmem:s15+$0x900]  }
0x498: {  	v2 =	vmul.f32 v5, v3;
	v3 =	vld [tilespmem:s15+$0x1180];
	v0 =	vadd.f32 v1, v0  }
0x499: {  	v1 =	vld [tilespmem:s15+$0x980]  }
0x49a: {  	v7 =	vmul.f32 v7, v6;
	v5 =	vadd.f32 v2, v0;
	v0 =	vld [tilespmem:s15+$0xA00]  }
0x49b: {  	s18 =	simm.s32 $0x1A0;
	v2 =	vld [tilespmem:s15+$0x1200]  }
0x49c: {  	s17 =	simm.s32 $0x6C0;
	v6 =	vld [tilespmem:s18+$0x280];
	v4 =	vadd.f32 v7, v5;
	v5 =	vmul.f32 v63, v8  }
.LBB2_8:
0x49d: {  	p0 =	sne.s32 s17, $0x7C0;
	v7 =	vld [tilespmem:s18+$0xA80];
	v8 =	vpop (erf)  }
0x49e: {  	v9 =	vld [tilespmem:s18+$0x300];
	v4 =	vadd.f32 v5, v4;
	v1 =	vmul.f32 v3, v1;
	[tilespmem:s16+$0x1400] =	vst v8;
	s16 =	smov.u32 s15;
	s15 =	smov.u32 s18  }
0x49f: {  	v3 =	vld [tilespmem:s15+$0xB00]  }
0x4a0: {  	v5 =	vld [tilespmem:s15+$0x380];
	v1 =	vadd.f32 v1, v4;
	v0 =	vmul.f32 v2, v0  }
0x4a1: {  	v2 =	vld [tilespmem:s15+$0xB80]  }
0x4a2: {  	v4 =	vmul.f32 v7, v6;
	v6 =	vld [tilespmem:s15+$0x400];
	v0 =	vadd.f32 v0, v1  }
0x4a3: {  	v1 =	vld [tilespmem:s15+$0xC00]  }
0x4a4: {  	v4 =	vadd.f32 $0.0e+00, v4;
	v3 =	vmul.f32 v3, v9;
	v7 =	vld [tilespmem:s15+$0x480];
	v0 =	vsub.f32 $0.0e+00, v0  }
0x4a5: {  	v8 =	vld [tilespmem:s15+$0xC80]  }
0x4a6: {  	v3 =	vadd.f32 v3, v4;
	v2 =	vmul.f32 v2, v5;
	v4 =	vld [tilespmem:s15+$0x500];
	v0 =	vmul.f32 $1.442695020e+00, v0  }
0x4a7: {  	v5 =	vld [tilespmem:s15+$0xD00]  }
0x4a8: {  	v2 =	vadd.f32 v2, v3;
	v1 =	vmul.f32 v1, v6;
	v3 =	vld [tilespmem:s15+$0x580];
	(erf) = vpow2.f32 v0  }
0x4a9: {  	v0 =	vld [tilespmem:s15+$0xD80]  }
0x4aa: {  	v1 =	vadd.f32 v1, v2;
	v2 =	vmul.f32 v8, v7;
	v6 =	vld [tilespmem:s15+$0x600]  }
0x4ab: {  	v7 =	vld [tilespmem:s15+$0xE00]  }
0x4ac: {  	v1 =	vadd.f32 v2, v1;
	v2 =	vmul.f32 v5, v4;
	v4 =	vld [tilespmem:s15+$0x680]  }
0x4ad: {  	v5 =	vld [tilespmem:s15+$0xE80]  }
0x4ae: {  	v1 =	vadd.f32 v2, v1;
	v0 =	vmul.f32 v0, v3;
	v2 =	vld [tilespmem:s15+$0x700]  }
0x4af: {  	v3 =	vld [tilespmem:s15+$0xF00]  }
0x4b0: {  	v0 =	vadd.f32 v0, v1;
	v1 =	vmul.f32 v7, v6;
	v6 =	vld [tilespmem:s15+$0x780]  }
0x4b1: {  	v7 =	vld [tilespmem:s15+$0xF80];
	v8 =	vpop (erf)  }
0x4b2: {  	v0 =	vadd.f32 v1, v0;
	v1 =	vmul.f32 v5, v4;
	v4 =	vld [tilespmem:s15+$0x800];
	v5 =	vadd.f32 $1.000000000e+00, v8  }
0x4b3: {  	v8 =	vld [tilespmem:s15+$0x1000]  }
0x4b4: {  	v0 =	vadd.f32 v1, v0;
	v1 =	vmul.f32 v3, v2;
	v2 =	vld [tilespmem:s15+$0x880];
	(erf) = vrcp.f32 v5  }
0x4b5: {  	v5 =	vld [tilespmem:s15+$0x1080]  }
0x4b6: {  	v0 =	vadd.f32 v1, v0;
	v1 =	vmul.f32 v7, v6;
	v7 =	vld [tilespmem:s15+$0x900]  }
0x4b7: {  	v9 =	vld [tilespmem:s15+$0x1100]  }
.Ltmp3:
0x4b8: {  	v0 =	vadd.f32 v1, v0;
	v4 =	vmul.f32 v8, v4;
	v1 =	vld [tilespmem:s15+$0x980];
	(pc) =	sbr.rel @p0 .LBB2_8-.Ltmp3, $4  }
0x4b9: {  	v3 =	vld [tilespmem:s15+$0x1180]  }
0x4ba: {  	v4 =	vadd.f32 v4, v0;
	v5 =	vmul.f32 v5, v2;
	v0 =	vld [tilespmem:s15+$0xA00]  }
0x4bb: {  	s18 =	sshra.s32 s17, $0x2;
	v2 =	vld [tilespmem:s15+$0x1200]  }
0x4bc: {  	s17 =	sadd.s32 $0x40, s17;
	v6 =	vld [tilespmem:s18+$0x280];
	v4 =	vadd.f32 v5, v4;
	v5 =	vmul.f32 v9, v7  }
0x4bd: {  	v7 =	vld [tilespmem:s18+$0xA80];
	v8 =	vpop (erf)  }
0x4be: {  	v9 =	vld [tilespmem:s18+$0x300];
	[tilespmem:s16+$0x1400] =	vst v8  }
0x4bf: {  	v8 =	vld [tilespmem:s18+$0xB00]  }
0x4c0: {  	v10 =	vld [tilespmem:s18+$0x380]  }
0x4c1: {  	v11 =	vld [tilespmem:s18+$0xB80]  }
0x4c2: {  	v25 =	vld [tilespmem:s18+$0x400];
	v6 =	vmul.f32 v7, v6  }
0x4c3: {  	v12 =	vld [tilespmem:s18+$0xC00]  }
0x4c4: {  	v26 =	vld [tilespmem:s18+$0x480];
	v6 =	vadd.f32 $0.0e+00, v6;
	v8 =	vmul.f32 v8, v9  }
0x4c5: {  	v13 =	vld [tilespmem:s18+$0xC80]  }
0x4c6: {  	v28 =	vld [tilespmem:s18+$0x500];
	v27 =	vmul.f32 v11, v10;
	v6 =	vadd.f32 v8, v6  }
0x4c7: {  	v29 =	vld [tilespmem:s18+$0xD00]  }
0x4c8: {  	v30 =	vld [tilespmem:s18+$0x580];
	v7 =	vmul.f32 v12, v25;
	v6 =	vadd.f32 v27, v6  }
0x4c9: {  	v31 =	vld [tilespmem:s18+$0xD80]  }
0x4ca: {  	v33 =	vld [tilespmem:s18+$0x600];
	v32 =	vmul.f32 v13, v26;
	v6 =	vadd.f32 v7, v6  }
0x4cb: {  	v34 =	vld [tilespmem:s18+$0xE00]  }
0x4cc: {  	v36 =	vld [tilespmem:s18+$0x680];
	v35 =	vmul.f32 v29, v28;
	v6 =	vadd.f32 v32, v6  }
0x4cd: {  	v37 =	vld [tilespmem:s18+$0xE80]  }
0x4ce: {  	v39 =	vld [tilespmem:s18+$0x700];
	v38 =	vmul.f32 v31, v30;
	v6 =	vadd.f32 v35, v6  }
0x4cf: {  	v40 =	vld [tilespmem:s18+$0xF00]  }
0x4d0: {  	v42 =	vld [tilespmem:s18+$0x780];
	v41 =	vmul.f32 v34, v33;
	v6 =	vadd.f32 v38, v6  }
0x4d1: {  	v4 =	vadd.f32 v5, v4;
	v1 =	vmul.f32 v3, v1;
	v43 =	vld [tilespmem:s18+$0xF80]  }
0x4d2: {  	v46 =	vld [tilespmem:s18+$0x800];
	v45 =	vmul.f32 v37, v36;
	v44 =	vadd.f32 v41, v6  }
0x4d3: {  	v47 =	vld [tilespmem:s18+$0x1000];
	v1 =	vadd.f32 v1, v4;
	v0 =	vmul.f32 v2, v0  }
0x4d4: {  	v50 =	vld [tilespmem:s18+$0x880];
	v49 =	vmul.f32 v40, v39;
	v48 =	vadd.f32 v45, v44  }
0x4d5: {  	v51 =	vld [tilespmem:s18+$0x1080];
	v0 =	vadd.f32 v0, v1  }
0x4d6: {  	v52 =	vld [tilespmem:s18+$0x900];
	v3 =	vmul.f32 v43, v42;
	v4 =	vadd.f32 v49, v48  }
0x4d7: {  	v53 =	vld [tilespmem:s18+$0x1100];
	v0 =	vsub.f32 $0.0e+00, v0  }
0x4d8: {  	v54 =	vld [tilespmem:s18+$0x980];
	v2 =	vmul.f32 v47, v46;
	v3 =	vadd.f32 v3, v4  }
0x4d9: {  	v55 =	vld [tilespmem:s18+$0x1180];
	v0 =	vmul.f32 $1.442695020e+00, v0  }
0x4da: {  	v56 =	vld [tilespmem:s18+$0xA00];
	v1 =	vmul.f32 v51, v50;
	v2 =	vadd.f32 v2, v3  }
0x4db: {  	v57 =	vld [tilespmem:s18+$0x1200];
	(erf) = vpow2.f32 v0  }
0x4dc: {  	v58 =	vmul.f32 v53, v52;
	v1 =	vadd.f32 v1, v2;
	_ =	sdelay $0x1  }
0x4dd: {  	v59 =	vmul.f32 v55, v54;
	v1 =	vadd.f32 v58, v1;
	_ =	sdelay $0x1  }
0x4de: {  	v0 =	vmul.f32 v57, v56;
	v1 =	vadd.f32 v59, v1;
	_ =	sdelay $0x1  }
0x4df: {  	v0 =	vadd.f32 v0, v1;
	_ =	sdelay $0x1  }
0x4e0: {  	v60 =	vpop (erf);
	v0 =	vsub.f32 $0.0e+00, v0  }
0x4e1: {  	v1 =	vadd.f32 $1.000000000e+00, v60  }
0x4e2: {  	v0 =	vmul.f32 $1.442695020e+00, v0  }
0x4e3: {  	(erf) = vrcp.f32 v1  }
0x4e4: {  	(erf) = vpow2.f32 v0;
	_ =	sdelay $0x7  }
0x4e5: {  	v61 =	vpop (erf)  }
0x4e6: {  	v62 =	vpop (erf)  }
0x4e7: {  	v1 =	vadd.f32 $1.000000000e+00, v62;
	_ =	sdelay $0x1  }
0x4e8: {  	(erf) = vrcp.f32 v1;
	_ =	sdelay $0x8  }
0x4e9: {  	[tilespmem:s15+$0x1400] =	vst v61;
	v63 =	vpop (erf)  }
0x4ea: {  	s17 =	simm.s32 $0x1400;
	s16 =	rddreg [dreg:$0x16];
	[tilespmem:s18+$0x1400] =	vst v63  }
0x4eb: {  	[hbm4b:s16+s2] =	stream.linear.scatter [tilespmem:s17], [sflag:$0x2], $0x200, $0x38;
	[tilespmem:$0x1600] =	vst v63  }
0x4ec: {  	_ =	swait.ge [sflag:s5], $0x200  }
0x4ed: {  	s14 =	sadd.s32 $0x1, s14;
	s18 =	rddreg [dreg:$0x17]  }
0x4ee: {  	p0 =	sne.s32 s14, s18  }
.Ltmp4:
0x4ef: {  	_ = 	snop;
	(pc) =	sbr.rel @p0 .LBB2_1-.Ltmp4, $3  }
0x4f0: {  	_ =	sdelay $0x1  }
0x4f1: {  	[sflag:s5] =	ssyncset.done $0x0  }
0x4f2: {  	[sflag:s5] =	ssyncadd.s32 $0xFFFFFE00  }
0x4f3: {  	_ =	sfence.sel $0x180000  }
0x4f4: {  	[bflag:$0x0] =	sbarrier.arrive $0xFFFF  }
0x4f5: {  	_ =	strace $0x90000047  }
0x4f6: {  	s0 =	stileid.u32;
	[bflag:$0x2] =	sbarrier.arrive $0xFFFF  }
0x4f7: {  	p0 =	sne.s32 s0, $0x0;
	s0 =	rddreg [dreg:$0x4]  }
0x4f8: {  	s0 =	sadd.s32 @!p0 $0x100000, s0  }
0x4f9: {  	[sflag:s0] =	ssyncadd.tile.s32 @!p0 $0x1;
	_ =	shalt  }
.Lfunc_end2:
_tile_overlayer_lowered:
.L_overlay_start_2:
0x4fa: {  	(tag) =	ssettag $0x2  }
0x4fb: {  	s0 =	rddreg [dreg:$0x0];
	s2 =	stileid.u32  }
0x4fc: {  	s1 =	rddreg [dreg:$0x1];
	p0 =	sne.s32 s2, $0x0  }
0x4fd: {  	s3 =	rddreg [dreg:$0x2];
	[bflag:$0x3] =	sbarrier.arrive $0xFFFF;
	s2 =	simm.s32 @!p0 $0x1C02  }
0x4fe: {  	[timem:s3], [sflag:s2] =	dma.local @!p0 [hbm:s0], s1  }
0x4ff: {  	s0 =	simm.s32 @!p0 $0x2  }
0x500: {  	_ =	swait.ge @!p0 [sflag:s0], s1  }
0x501: {  	s1 =	ssub.s32 @!p0 $0x0, s1;
	[sflag:s0] =	ssyncset.done @!p0 $0x0  }
0x502: {  	[sflag:s0] =	ssyncadd.s32 @!p0 s1  }
0x503: {  	[bflag:$0x3] =	sbarrier.arrive $0xFFFF  }
0x504: {  	_ =	shalt  }

</sc_bundles>
